<compile_context>
chip_gen: v7x
topology: tpu7x:2x2x1
jax: 0.10.2.dev20260603
libtpu: 0.0.44.dev20260713+nightly
codegen_flags: <defaults>
</compile_context>

<pallas_src>
import functools

import jax
import jax.numpy as jnp
import numpy as np
from jax import lax
from jax.experimental import pallas as pl
from jax.experimental.pallas import tpu as pltpu
from jax.experimental.pallas import tpu_sc as plsc

N = 10000
E = 160000
D = 256
H = 128
OUT = 40
NL = 3

NPAD = 10112
KB = 128
NB = 80
EPAD = 16 * NB * KB
ROWS_PER_TILE_OUT = NPAD // 16
ZCHUNK = 8
IDXC = 8
EROWS = EPAD // KB
CW = 16

_BN_SCALE = float(1.0 / np.sqrt(np.float32(1.0) + np.float32(1e-5)))



def _make_sc_agg():
  mesh = plsc.VectorSubcoreMesh(core_axis_name="c", subcore_axis_name="s")
  out_type = (
      jax.ShapeDtypeStruct((NPAD, H), jnp.float32),
      jax.ShapeDtypeStruct((NPAD, H), jnp.float32),
  )
  scratch = [
      pltpu.VMEM((IDXC, KB), jnp.int32),
      pltpu.VMEM((IDXC, KB), jnp.int32),
      pltpu.VMEM((KB, H), jnp.float32),
      pltpu.VMEM((KB, H), jnp.float32),
      pltpu.VMEM_SHARED((NPAD, H), jnp.float32),
      pltpu.SemaphoreType.DMA,
      pltpu.SemaphoreType.DMA,
  ]

  def body(hA_hbm, hB_hbm, src_hbm, dst_hbm, zA_out, zB_out,
           srcbuf, dstbuf, rows0, rows1, zsh, sem0, sem1):
    c = lax.axis_index("c")
    s = lax.axis_index("s")
    zero16 = jnp.zeros((16,), jnp.float32)
    rows = (rows0, rows1)
    sems = (sem0, sem1)

    def init_body(i, _):
      for k in range(H // 16):
        rows0[i, pl.ds(k * 16, 16)] = zero16
      return 0
    lax.fori_loop(0, KB, init_body, 0)

    def zfill(j, _):
      base = s * (NPAD // 16) + j * ZCHUNK
      pltpu.sync_copy(rows0.at[pl.ds(0, ZCHUNK)], zsh.at[pl.ds(base, ZCHUNK)])
      return 0
    lax.fori_loop(0, (NPAD // 16) // ZCHUNK, zfill, 0)

    plsc.subcore_barrier()

    def run(tbl):
      def chunk(ci, _):
        base = s * NB + ci * IDXC
        pltpu.sync_copy(src_hbm.at[pl.ds(base, IDXC)], srcbuf)
        pltpu.sync_copy(dst_hbm.at[pl.ds(base, IDXC)], dstbuf)

        pltpu.make_async_copy(tbl.at[srcbuf.at[0]], rows[0], sems[0]).start()
        for j in range(IDXC):
          b = j % 2
          if j + 1 < IDXC:
            pltpu.make_async_copy(tbl.at[srcbuf.at[j + 1]], rows[1 - b],
                                  sems[1 - b]).start()
          pltpu.make_async_copy(tbl.at[srcbuf.at[j]], rows[b],
                                sems[b]).wait()
          pltpu.sync_copy(rows[b], zsh.at[dstbuf.at[j]], add=True)
        return 0
      lax.fori_loop(0, NB // IDXC, chunk, 0)

    @pl.when(c == 0)
    def _():
      run(hA_hbm)

    @pl.when(c == 1)
    def _():
      run(hB_hbm)

    plsc.subcore_barrier()

    obase = s * ROWS_PER_TILE_OUT

    @pl.when(c == 0)
    def _():
      pltpu.sync_copy(zsh.at[pl.ds(obase, ROWS_PER_TILE_OUT)],
                      zA_out.at[pl.ds(obase, ROWS_PER_TILE_OUT)])

    @pl.when(c == 1)
    def _():
      pltpu.sync_copy(zsh.at[pl.ds(obase, ROWS_PER_TILE_OUT)],
                      zB_out.at[pl.ds(obase, ROWS_PER_TILE_OUT)])

  return pl.kernel(body, out_type=out_type, mesh=mesh,
                   scratch_types=scratch)


NBC = NB // 2


def _make_sc_cnt():
  mesh = plsc.VectorSubcoreMesh(core_axis_name="c", subcore_axis_name="s")
  out_type = (
      jax.ShapeDtypeStruct((NPAD, H), jnp.float32),
      jax.ShapeDtypeStruct((NPAD, H), jnp.float32),
  )
  scratch = [
      pltpu.VMEM((IDXC, KB), jnp.int32),
      pltpu.VMEM((KB, H), jnp.float32),
      pltpu.VMEM((ZCHUNK, H), jnp.float32),
      pltpu.VMEM_SHARED((NPAD, H), jnp.float32),
  ]

  def body(dst_hbm, cntA_out, cntB_out, dstbuf, ones, zrow, csh):
    c = lax.axis_index("c")
    s = lax.axis_index("s")
    zero16 = jnp.zeros((16,), jnp.float32)
    one16 = jnp.ones((16,), jnp.float32)

    def init_body(i, _):
      for k in range(H // 16):
        ones[i, pl.ds(k * 16, 16)] = one16
      @pl.when(i < ZCHUNK)
      def _():
        for k in range(H // 16):
          zrow[i, pl.ds(k * 16, 16)] = zero16
      return 0
    lax.fori_loop(0, KB, init_body, 0)

    def zfill(j, _):
      base = s * (NPAD // 16) + j * ZCHUNK
      pltpu.sync_copy(zrow, csh.at[pl.ds(base, ZCHUNK)])
      return 0
    lax.fori_loop(0, (NPAD // 16) // ZCHUNK, zfill, 0)

    plsc.subcore_barrier()

    def chunk(ci, _):
      base = (c * 16 + s) * NBC + ci * IDXC
      pltpu.sync_copy(dst_hbm.at[pl.ds(base, IDXC)], dstbuf)

      def step(j, _):
        pltpu.sync_copy(ones, csh.at[dstbuf.at[j]], add=True)
        return 0
      lax.fori_loop(0, IDXC, step, 0)
      return 0
    lax.fori_loop(0, NBC // IDXC, chunk, 0)

    plsc.subcore_barrier()

    obase = s * ROWS_PER_TILE_OUT

    @pl.when(c == 0)
    def _():
      pltpu.sync_copy(csh.at[pl.ds(obase, ROWS_PER_TILE_OUT)],
                      cntA_out.at[pl.ds(obase, ROWS_PER_TILE_OUT)])

    @pl.when(c == 1)
    def _():
      pltpu.sync_copy(csh.at[pl.ds(obase, ROWS_PER_TILE_OUT)],
                      cntB_out.at[pl.ds(obase, ROWS_PER_TILE_OUT)])

  return pl.kernel(body, out_type=out_type, mesh=mesh,
                   scratch_types=scratch)


_SC_CACHE = {}


def _sc_agg(*args):
  if "agg" not in _SC_CACHE:
    _SC_CACHE["agg"] = _make_sc_agg()
  return _SC_CACHE["agg"](*args)


def _sc_cnt(*args):
  if "cnt" not in _SC_CACHE:
    _SC_CACHE["cnt"] = _make_sc_cnt()
  return _SC_CACHE["cnt"](*args)



BM = 1000


def _affine_body(x_ref, w_ref, b_ref, hA_ref, hB_ref):
  h = jax.nn.relu(
      jnp.dot(x_ref[...], w_ref[...], preferred_element_type=jnp.float32)
      + b_ref[...])
  hA_ref[...] = h[:, :H]
  hB_ref[...] = h[:, H:]


def _affine(x, w, b):
  return pl.pallas_call(
      _affine_body,
      grid=(N // BM,),
      in_specs=[
          pl.BlockSpec((BM, D), lambda i: (i, 0)),
          pl.BlockSpec((D, D), lambda i: (0, 0)),
          pl.BlockSpec((1, D), lambda i: (0, 0)),
      ],
      out_specs=[pl.BlockSpec((BM, H), lambda i: (i, 0))] * 2,
      out_shape=[jax.ShapeDtypeStruct((N, H), jnp.float32)] * 2,
  )(x, w, b)


def _sage_core(hA, hB, zA, zB, inv, wlA, wlB, wrA, wrB, bsum):
  out = (jnp.dot(hA, wlA, preferred_element_type=jnp.float32)
         + jnp.dot(hB, wlB, preferred_element_type=jnp.float32)
         + jnp.dot(zA * inv, wrA, preferred_element_type=jnp.float32)
         + jnp.dot(zB * inv, wrB, preferred_element_type=jnp.float32)
         + bsum)
  nrm = jnp.sqrt(jnp.sum(out * out, axis=1, keepdims=True))
  return out / jnp.maximum(nrm, 1e-12)


def _layer_body(has_prev, *refs):
  if has_prev:
    (hA_ref, hB_ref, zA_ref, zB_ref, cA_ref, cB_ref, prev_ref,
     wlA_ref, wlB_ref, wrA_ref, wrB_ref, bsum_ref, g_ref, b_ref,
     res_ref, hnA_ref, hnB_ref) = refs
  else:
    (hA_ref, hB_ref, zA_ref, zB_ref, cA_ref, cB_ref,
     wlA_ref, wlB_ref, wrA_ref, wrB_ref, bsum_ref, g_ref, b_ref,
     res_ref, hnA_ref, hnB_ref) = refs
  cnt = cA_ref[...][:, 0:1] + cB_ref[...][:, 0:1]
  inv = 1.0 / jnp.maximum(cnt, 1.0)
  res = _sage_core(hA_ref[...], hB_ref[...], zA_ref[...], zB_ref[...], inv,
                   wlA_ref[...], wlB_ref[...], wrA_ref[...], wrB_ref[...],
                   bsum_ref[...])
  if has_prev:
    res = res + prev_ref[...]
  res_ref[...] = res
  hn = jax.nn.relu(res * g_ref[...] + b_ref[...])
  hnA_ref[...] = hn[:, :H]
  hnB_ref[...] = hn[:, H:]


def _layer(hA, hB, zA, zB, cA, cB, prev, wlA, wlB, wrA, wrB, bsum, g, b):
  has_prev = prev is not None
  bspec_h = pl.BlockSpec((BM, H), lambda i: (i, 0))
  bspec_d = pl.BlockSpec((BM, D), lambda i: (i, 0))
  bspec_w = pl.BlockSpec((H, D), lambda i: (0, 0))
  bspec_v = pl.BlockSpec((1, D), lambda i: (0, 0))
  in_specs = [bspec_h] * 6
  args = [hA, hB, zA, zB, cA, cB]
  if has_prev:
    in_specs.append(bspec_d)
    args.append(prev)
  in_specs += [bspec_w] * 4 + [bspec_v] * 3
  args += [wlA, wlB, wrA, wrB, bsum, g, b]
  return pl.pallas_call(
      functools.partial(_layer_body, has_prev),
      grid=(N // BM,),
      in_specs=in_specs,
      out_specs=[bspec_d, bspec_h, bspec_h],
      out_shape=[jax.ShapeDtypeStruct((N, D), jnp.float32),
                 jax.ShapeDtypeStruct((N, H), jnp.float32),
                 jax.ShapeDtypeStruct((N, H), jnp.float32)],
  )(*args)


def _final_body(hA_ref, hB_ref, zA_ref, zB_ref, cA_ref, cB_ref, prev_ref,
                wlA_ref, wlB_ref, wrA_ref, wrB_ref, bsum_ref, g_ref, b_ref,
                wpm_ref, bpm_ref, gpm_ref, bbpm_ref, wout_ref, bout_ref,
                out_ref):
  cnt = cA_ref[...][:, 0:1] + cB_ref[...][:, 0:1]
  inv = 1.0 / jnp.maximum(cnt, 1.0)
  res = _sage_core(hA_ref[...], hB_ref[...], zA_ref[...], zB_ref[...], inv,
                   wlA_ref[...], wlB_ref[...], wrA_ref[...], wrB_ref[...],
                   bsum_ref[...])
  res = res + prev_ref[...]
  h = jax.nn.relu(res * g_ref[...] + b_ref[...])
  xin = h + res
  t = jax.nn.relu(
      jnp.dot(xin, wpm_ref[...], preferred_element_type=jnp.float32)
      + bpm_ref[...])
  h2 = t * gpm_ref[...] + bbpm_ref[...] + xin
  logits = (jnp.dot(h2, wout_ref[...], preferred_element_type=jnp.float32)
            + bout_ref[...])
  m = jnp.max(logits, axis=1, keepdims=True)
  lse = jnp.log(jnp.sum(jnp.exp(logits - m), axis=1, keepdims=True)) + m
  out_ref[...] = (logits - lse)[:, :OUT]


def _final(hA, hB, zA, zB, cA, cB, prev, wlA, wlB, wrA, wrB, bsum, g, b,
           wpm, bpm, gpm, bbpm, wout, bout):
  bspec_h = pl.BlockSpec((BM, H), lambda i: (i, 0))
  bspec_d = pl.BlockSpec((BM, D), lambda i: (i, 0))
  bspec_w = pl.BlockSpec((H, D), lambda i: (0, 0))
  bspec_v = pl.BlockSpec((1, D), lambda i: (0, 0))
  return pl.pallas_call(
      _final_body,
      grid=(N // BM,),
      in_specs=([bspec_h] * 6 + [bspec_d]
                + [bspec_w] * 4 + [bspec_v] * 3
                + [pl.BlockSpec((D, D), lambda i: (0, 0)), bspec_v, bspec_v,
                   bspec_v,
                   pl.BlockSpec((D, H), lambda i: (0, 0)),
                   pl.BlockSpec((1, H), lambda i: (0, 0))]),
      out_specs=pl.BlockSpec((BM, OUT), lambda i: (i, 0)),
      out_shape=jax.ShapeDtypeStruct((N, OUT), jnp.float32),
  )(hA, hB, zA, zB, cA, cB, prev, wlA, wlB, wrA, wrB, bsum, g, b,
    wpm, bpm, gpm, bbpm, wout, bout)



def kernel(x, edge_index, W_aff, b_aff, Wl, bl, Wr, br, gammas, betas,
           W_pm1, b_pm1, gamma_pm, beta_pm, W_out, b_out):
  src = edge_index[0]
  dst = edge_index[1]
  npad = EROWS * KB - E
  src2d = jnp.concatenate(
      [src, jnp.zeros((npad,), jnp.int32)]).reshape(EROWS, KB)
  dst2d = jnp.concatenate(
      [dst, jnp.full((npad,), N, jnp.int32)]).reshape(EROWS, KB)

  row = lambda v: v.reshape(1, -1)
  g_sc = gammas * _BN_SCALE
  gpm_sc = gamma_pm * _BN_SCALE
  wout_pad = jnp.concatenate([W_out, jnp.zeros((D, H - OUT), jnp.float32)],
                             axis=1)
  bout_pad = jnp.concatenate([b_out, jnp.full((H - OUT,), -1e9, jnp.float32)])

  hA, hB = _affine(x, W_aff, row(b_aff))

  cA, cB = _sc_cnt(dst2d)
  prev = None
  for i in range(NL):
    zA, zB = _sc_agg(hA, hB, src2d, dst2d)
    wlA, wlB = Wl[i, :H, :], Wl[i, H:, :]
    wrA, wrB = Wr[i, :H, :], Wr[i, H:, :]
    bsum = row(bl[i] + br[i])
    if i < NL - 1:
      prev_new, hA, hB = _layer(hA, hB, zA, zB, cA, cB, prev,
                                wlA, wlB, wrA, wrB, bsum,
                                row(g_sc[i]), row(betas[i]))
      prev = prev_new
    else:
      out = _final(hA, hB, zA, zB, cA, cB, prev, wlA, wlB, wrA, wrB, bsum,
                   row(g_sc[i]), row(betas[i]),
                   W_pm1, row(b_pm1), row(gpm_sc), row(beta_pm),
                   wout_pad, row(bout_pad))
  return out

# --- scband reference (transcript-rebuilt; emitter-appended) ---
"""Pipeline reference for scband-res-net-post-mp-51350628991243 (READ-ONLY COPY).

The authoritative reference and input builder live on the scoring server;
editing this copy changes nothing except your own understanding.
"""

import jax, jax.numpy as jnp
import numpy as np

N = 10000
E = 160000
D = 256
OUT = 40
L = 3


def setup_inputs(seed: int = 0) -> dict:
    key = jax.random.key(seed)
    ks = jax.random.split(key, 16)
    s = 1.0 / np.sqrt(D)
    inp = {}
    inp['x'] = jax.random.normal(ks[0], (N, D), dtype=jnp.float32)
    inp['edge_index'] = jax.random.randint(ks[1], (2, E), 0, N, dtype=jnp.int32)
    inp['W_aff'] = jax.random.uniform(ks[2], (D, D), jnp.float32, -s, s)
    inp['b_aff'] = jax.random.uniform(ks[3], (D,), jnp.float32, -s, s)
    inp['Wl'] = jax.random.uniform(ks[4], (L, D, D), jnp.float32, -s, s)
    inp['bl'] = jax.random.uniform(ks[5], (L, D), jnp.float32, -s, s)
    inp['Wr'] = jax.random.uniform(ks[6], (L, D, D), jnp.float32, -s, s)
    inp['br'] = jax.random.uniform(ks[7], (L, D), jnp.float32, -s, s)
    inp['gammas'] = jnp.ones((L, D), dtype=jnp.float32)
    inp['betas'] = jnp.zeros((L, D), dtype=jnp.float32)
    inp['W_pm1'] = jax.random.uniform(ks[8], (D, D), jnp.float32, -s, s)
    inp['b_pm1'] = jax.random.uniform(ks[9], (D,), jnp.float32, -s, s)
    inp['gamma_pm'] = jnp.ones((D,), dtype=jnp.float32)
    inp['beta_pm'] = jnp.zeros((D,), dtype=jnp.float32)
    inp['W_out'] = jax.random.uniform(ks[10], (D, OUT), jnp.float32, -s, s)
    inp['b_out'] = jax.random.uniform(ks[11], (OUT,), jnp.float32, -s, s)
    return inp


def _bn_eval(x, g, b):
    # BatchNorm1d in eval mode with running_mean=0, running_var=1, eps=1e-5
    return x / jnp.sqrt(1.0 + 1e-5) * g + b


def _graphsage(x, src, dst, Wl_i, bl_i, Wr_i, br_i):
    # message: x_j = x[src]; aggregate: scatter-mean onto dst
    msgs = jnp.take(x, src, axis=0)
    z = jax.ops.segment_sum(msgs, dst, num_segments=N)
    cnt = jax.ops.segment_sum(jnp.ones((src.shape[0],), x.dtype), dst, num_segments=N)
    z = z / jnp.maximum(cnt, 1.0)[:, None]
    out = x @ Wl_i + bl_i + z @ Wr_i + br_i
    # F.normalize: row-wise L2 with eps=1e-12
    nrm = jnp.linalg.norm(out, axis=1, keepdims=True)
    return out / jnp.maximum(nrm, 1e-12)


def reference(x, edge_index, W_aff, b_aff, Wl, bl, Wr, br, gammas, betas,
              W_pm1, b_pm1, gamma_pm, beta_pm, W_out, b_out):
    src = edge_index[0]
    dst = edge_index[1]
    h = jax.nn.relu(x @ W_aff + b_aff)
    res = _graphsage(h, src, dst, Wl[0], bl[0], Wr[0], br[0])
    for i in range(1, L):
        h = jax.nn.relu(_bn_eval(res, gammas[i - 1], betas[i - 1]))
        # dropout is identity in eval mode
        res = _graphsage(h, src, dst, Wl[i], bl[i], Wr[i], br[i]) + res
    h = jax.nn.relu(_bn_eval(res, gammas[L - 1], betas[L - 1]))
    xin = h + res
    # post_mp: ResNetBlock(Linear -> ReLU -> BN) + x, then Dropout(eval), then Linear
    y = _bn_eval(jax.nn.relu(xin @ W_pm1 + b_pm1), gamma_pm, beta_pm)
    h2 = y + xin
    logits = h2 @ W_out + b_out
    return jax.nn.log_softmax(logits, axis=1)

if __name__ == "__main__":
    import jax
    _d = setup_inputs()
    print(jax.jit(kernel)(*tuple(_d.values())))

</pallas_src>

<mosaic_0001>
#map = affine_map<(d0, d1) -> (0, 0)>
module attributes {stable_mosaic.version = 14 : i64} {
  func.func @body(%arg0: i32, %arg1: i32, %arg2: memref<10000x128xf32, #tpu.memory_space<hbm>>, %arg3: memref<10000x128xf32, #tpu.memory_space<hbm>>, %arg4: memref<1280x128xi32, #tpu.memory_space<hbm>>, %arg5: memref<1280x128xi32, #tpu.memory_space<hbm>>, %arg6: memref<10112x128xf32, #tpu.memory_space<hbm>>, %arg7: memref<10112x128xf32, #tpu.memory_space<hbm>>, %arg8: memref<8x128xi32, #tpu.memory_space<vmem>>, %arg9: memref<8x128xi32, #tpu.memory_space<vmem>>, %arg10: memref<128x128xf32, #tpu.memory_space<vmem>>, %arg11: memref<128x128xf32, #tpu.memory_space<vmem>>, %arg12: memref<10112x128xf32, #tpu.memory_space<vmem_shared>>, %arg13: memref<!tpu.dma_semaphore, #tpu.memory_space<semaphore_mem>>, %arg14: memref<!tpu.dma_semaphore, #tpu.memory_space<semaphore_mem>>) attributes {dimension_semantics = [#tpu.dimension_semantics<core_parallel>, #tpu.dimension_semantics<subcore_parallel>], iteration_bounds = array<i64: 2, 16>, scalar_prefetch = 0 : i64, scratch_operands = 7 : i64, tpu.core_type = #tpu.core_type<sc_vector_subcore>, window_params = [{transform_indices = #map}, {transform_indices = #map}, {transform_indices = #map}, {transform_indices = #map}, {transform_indices = #map}, {transform_indices = #map}]} {
    %broadcast_in_dim3A = arith.constant 0.000000e+00 : f32
    %broadcast_in_dim3A_0 = vector.broadcast %broadcast_in_dim3A : f32 to vector<16xf32>
    %scan3A = arith.constant 0 : i32
    %scan3A_1 = arith.constant 0 : i32
    %scan3A_2 = arith.constant 128 : i32
    %scan3A_3 = arith.addi %scan3A_1, %scan3A_2 : i32
    %scan3A_4 = arith.constant 1 : i32
    %scan3A_5 = scf.for %scan3A_33 = %scan3A_1 to %scan3A_3 step %scan3A_4 iter_args(%scan3A_34 = %scan3A) -> (i32)  : i32 {
      %swap3A = arith.index_cast %scan3A_33 : i32 to index
      %swap3A_35 = arith.constant 0 : index
      %swap3A_36 = tpu.vector_load %arg10[%swap3A, %swap3A_35] {strides = array<i32>} : memref<128x128xf32, #tpu.memory_space<vmem>>, vector<1x16xf32>,
      %swap3A_37 = vector.shape_cast %swap3A_36 : vector<1x16xf32> to vector<16xf32>
      %swap3A_38 = vector.shape_cast %broadcast_in_dim3A_0 : vector<16xf32> to vector<1x16xf32>
      tpu.vector_store %arg10[%swap3A, %swap3A_35], %swap3A_38 {strides = array<i32>} : memref<128x128xf32, #tpu.memory_space<vmem>>, vector<1x16xf32>,
      %swap3A_39 = arith.index_cast %scan3A_33 : i32 to index
      %swap3A_40 = arith.constant 16 : index
      %swap3A_41 = tpu.vector_load %arg10[%swap3A_39, %swap3A_40] {strides = array<i32>} : memref<128x128xf32, #tpu.memory_space<vmem>>, vector<1x16xf32>,
      %swap3A_42 = vector.shape_cast %swap3A_41 : vector<1x16xf32> to vector<16xf32>
      %swap3A_43 = vector.shape_cast %broadcast_in_dim3A_0 : vector<16xf32> to vector<1x16xf32>
      tpu.vector_store %arg10[%swap3A_39, %swap3A_40], %swap3A_43 {strides = array<i32>} : memref<128x128xf32, #tpu.memory_space<vmem>>, vector<1x16xf32>,
      %swap3A_44 = arith.index_cast %scan3A_33 : i32 to index
      %swap3A_45 = arith.constant 32 : index
      %swap3A_46 = tpu.vector_load %arg10[%swap3A_44, %swap3A_45] {strides = array<i32>} : memref<128x128xf32, #tpu.memory_space<vmem>>, vector<1x16xf32>,
      %swap3A_47 = vector.shape_cast %swap3A_46 : vector<1x16xf32> to vector<16xf32>
      %swap3A_48 = vector.shape_cast %broadcast_in_dim3A_0 : vector<16xf32> to vector<1x16xf32>
      tpu.vector_store %arg10[%swap3A_44, %swap3A_45], %swap3A_48 {strides = array<i32>} : memref<128x128xf32, #tpu.memory_space<vmem>>, vector<1x16xf32>,
      %swap3A_49 = arith.index_cast %scan3A_33 : i32 to index
      %swap3A_50 = arith.constant 48 : index
      %swap3A_51 = tpu.vector_load %arg10[%swap3A_49, %swap3A_50] {strides = array<i32>} : memref<128x128xf32, #tpu.memory_space<vmem>>, vector<1x16xf32>,
      %swap3A_52 = vector.shape_cast %swap3A_51 : vector<1x16xf32> to vector<16xf32>
      %swap3A_53 = vector.shape_cast %broadcast_in_dim3A_0 : vector<16xf32> to vector<1x16xf32>
      tpu.vector_store %arg10[%swap3A_49, %swap3A_50], %swap3A_53 {strides = array<i32>} : memref<128x128xf32, #tpu.memory_space<vmem>>, vector<1x16xf32>,
      %swap3A_54 = arith.index_cast %scan3A_33 : i32 to index
      %swap3A_55 = arith.constant 64 : index
      %swap3A_56 = tpu.vector_load %arg10[%swap3A_54, %swap3A_55] {strides = array<i32>} : memref<128x128xf32, #tpu.memory_space<vmem>>, vector<1x16xf32>,
      %swap3A_57 = vector.shape_cast %swap3A_56 : vector<1x16xf32> to vector<16xf32>
      %swap3A_58 = vector.shape_cast %broadcast_in_dim3A_0 : vector<16xf32> to vector<1x16xf32>
      tpu.vector_store %arg10[%swap3A_54, %swap3A_55], %swap3A_58 {strides = array<i32>} : memref<128x128xf32, #tpu.memory_space<vmem>>, vector<1x16xf32>,
      %swap3A_59 = arith.index_cast %scan3A_33 : i32 to index
      %swap3A_60 = arith.constant 80 : index
      %swap3A_61 = tpu.vector_load %arg10[%swap3A_59, %swap3A_60] {strides = array<i32>} : memref<128x128xf32, #tpu.memory_space<vmem>>, vector<1x16xf32>,
      %swap3A_62 = vector.shape_cast %swap3A_61 : vector<1x16xf32> to vector<16xf32>
      %swap3A_63 = vector.shape_cast %broadcast_in_dim3A_0 : vector<16xf32> to vector<1x16xf32>
      tpu.vector_store %arg10[%swap3A_59, %swap3A_60], %swap3A_63 {strides = array<i32>} : memref<128x128xf32, #tpu.memory_space<vmem>>, vector<1x16xf32>,
      %swap3A_64 = arith.index_cast %scan3A_33 : i32 to index
      %swap3A_65 = arith.constant 96 : index
      %swap3A_66 = tpu.vector_load %arg10[%swap3A_64, %swap3A_65] {strides = array<i32>} : memref<128x128xf32, #tpu.memory_space<vmem>>, vector<1x16xf32>,
      %swap3A_67 = vector.shape_cast %swap3A_66 : vector<1x16xf32> to vector<16xf32>
      %swap3A_68 = vector.shape_cast %broadcast_in_dim3A_0 : vector<16xf32> to vector<1x16xf32>
      tpu.vector_store %arg10[%swap3A_64, %swap3A_65], %swap3A_68 {strides = array<i32>} : memref<128x128xf32, #tpu.memory_space<vmem>>, vector<1x16xf32>,
      %swap3A_69 = arith.index_cast %scan3A_33 : i32 to index
      %swap3A_70 = arith.constant 112 : index
      %swap3A_71 = tpu.vector_load %arg10[%swap3A_69, %swap3A_70] {strides = array<i32>} : memref<128x128xf32, #tpu.memory_space<vmem>>, vector<1x16xf32>,
      %swap3A_72 = vector.shape_cast %swap3A_71 : vector<1x16xf32> to vector<16xf32>
      %swap3A_73 = vector.shape_cast %broadcast_in_dim3A_0 : vector<16xf32> to vector<1x16xf32>
      tpu.vector_store %arg10[%swap3A_69, %swap3A_70], %swap3A_73 {strides = array<i32>} : memref<128x128xf32, #tpu.memory_space<vmem>>, vector<1x16xf32>,
      %scan3A_74 = arith.constant 0 : i32
      scf.yield %scan3A_74 : i32
    }
    %scan3A_6 = arith.constant 128 : i32
    %scan3A_7 = arith.constant 0 : i32
    %scan3A_8 = arith.constant 0 : i32
    %scan3A_9 = arith.constant 79 : i32
    %scan3A_10 = arith.addi %scan3A_8, %scan3A_9 : i32
    %scan3A_11 = arith.constant 1 : i32
    %scan3A_12 = scf.for %scan3A_33 = %scan3A_8 to %scan3A_10 step %scan3A_11 iter_args(%scan3A_34 = %scan3A_7) -> (i32)  : i32 {
      %mul3A_35 = arith.constant 632 : i32
      %mul3A_36 = arith.muli %arg1, %mul3A_35 : i32
      %mul3A_37 = arith.constant 8 : i32
      %mul3A_38 = arith.muli %scan3A_33, %mul3A_37 : i32
      %add3A = arith.addi %mul3A_36, %mul3A_38 : i32
      "tpu.region"() ({
        %run_scoped3A = tpu.sem_alloc : memref<!tpu.dma_semaphore, #tpu.memory_space<semaphore_mem>>
        %dma_start3A = arith.constant 0 : i32
        %dma_start3A_40 = arith.constant 0 : i32
        %dma_start3A_41 = tpu.memref_slice %arg10[%dma_start3A, %dma_start3A_40] : memref<128x128xf32, #tpu.memory_space<vmem>> -> memref<8x128xf32, #tpu.memory_space<vmem>>
        %dma_start3A_42 = arith.constant 0 : i32
        %dma_start3A_43 = tpu.memref_slice %arg12[%add3A, %dma_start3A_42] : memref<10112x128xf32, #tpu.memory_space<vmem_shared>> -> memref<8x128xf32, #tpu.memory_space<vmem_shared>>
        %dma_start3A_44 = arith.constant 0 : i32
        %dma_start3A_45 = tpu.memref_slice %arg12[%add3A, %dma_start3A_44] : memref<10112x128xf32, #tpu.memory_space<vmem_shared>> -> memref<8x128xf32, #tpu.memory_space<vmem_shared>>
        %dma_start3A_46 = arith.constant 0 : i32
        %dma_start3A_47 = arith.constant 0 : i32
        %dma_start3A_48 = tpu.memref_slice %arg10[%dma_start3A_46, %dma_start3A_47] : memref<128x128xf32, #tpu.memory_space<vmem>> -> memref<8x128xf32, #tpu.memory_space<vmem>>
        tpu.enqueue_dma source(%dma_start3A_48 : memref<8x128xf32, #tpu.memory_space<vmem>>) target(%dma_start3A_45 : memref<8x128xf32, #tpu.memory_space<vmem_shared>>) target_semaphore(%run_scoped3A : memref<!tpu.dma_semaphore, #tpu.memory_space<semaphore_mem>>)
        %dma_wait3A = arith.constant 0 : i32
        %dma_wait3A_49 = arith.constant 0 : i32
        %dma_wait3A_50 = tpu.memref_slice %arg10[%dma_wait3A, %dma_wait3A_49] : memref<128x128xf32, #tpu.memory_space<vmem>> -> memref<8x128xf32, #tpu.memory_space<vmem>>
        %dma_wait3A_51 = arith.constant 0 : i32
        %dma_wait3A_52 = tpu.memref_slice %arg12[%add3A, %dma_wait3A_51] : memref<10112x128xf32, #tpu.memory_space<vmem_shared>> -> memref<8x128xf32, #tpu.memory_space<vmem_shared>>
        %dma_wait3A_53 = arith.constant 0 : i32
        %dma_wait3A_54 = tpu.memref_slice %arg12[%add3A, %dma_wait3A_53] : memref<10112x128xf32, #tpu.memory_space<vmem_shared>> -> memref<8x128xf32, #tpu.memory_space<vmem_shared>>
        %dma_wait3A_55 = arith.constant 0 : i32
        %dma_wait3A_56 = arith.constant 0 : i32
        %dma_wait3A_57 = tpu.memref_slice %arg10[%dma_wait3A_55, %dma_wait3A_56] : memref<128x128xf32, #tpu.memory_space<vmem>> -> memref<8x128xf32, #tpu.memory_space<vmem>>
        tpu.wait_dma2 semaphore(%run_scoped3A : memref<!tpu.dma_semaphore, #tpu.memory_space<semaphore_mem>>) src(%dma_wait3A_57 : memref<8x128xf32, #tpu.memory_space<vmem>>) dst(%dma_wait3A_54 : memref<8x128xf32, #tpu.memory_space<vmem_shared>>)
        tpu.yield
      }) : () -> ()
      %scan3A_39 = arith.constant 0 : i32
      scf.yield %scan3A_39 : i32
    }
    %scan3A_13 = arith.constant 79 : i32
    %barrier3A = arith.constant 0 : index
    tpu.barrier barrier_id(%barrier3A)
    %eq3A = arith.constant 0 : i32
    %eq3A_14 = arith.cmpi eq, %arg0, %eq3A : i32
    %convert_element_type3A = arith.extui %eq3A_14 : i1 to i32
    %cond3A = arith.constant 0 : i32
    %cond3A_15 = arith.cmpi ne, %convert_element_type3A, %cond3A : i32
    scf.if %cond3A_15 {
      %scan3A_33 = arith.constant 0 : i32
      %scan3A_34 = arith.constant 0 : i32
      %scan3A_35 = arith.constant 10 : i32
      %scan3A_36 = arith.addi %scan3A_34, %scan3A_35 : i32
      %scan3A_37 = arith.constant 1 : i32
      %scan3A_38 = scf.for %scan3A_40 = %scan3A_34 to %scan3A_36 step %scan3A_37 iter_args(%scan3A_41 = %scan3A_33) -> (i32)  : i32 {
        %mul3A_42 = arith.constant 80 : i32
        %mul3A_43 = arith.muli %arg1, %mul3A_42 : i32
        %mul3A_44 = arith.constant 8 : i32
        %mul3A_45 = arith.muli %scan3A_40, %mul3A_44 : i32
        %add3A = arith.addi %mul3A_43, %mul3A_45 : i32
        "tpu.region"() ({
          %run_scoped3A_164 = tpu.sem_alloc : memref<!tpu.dma_semaphore, #tpu.memory_space<semaphore_mem>>
          %dma_start3A_165 = arith.constant 0 : i32
          %dma_start3A_166 = tpu.memref_slice %arg4[%add3A, %dma_start3A_165] : memref<1280x128xi32, #tpu.memory_space<hbm>> -> memref<8x128xi32, #tpu.memory_space<hbm>>
          %dma_start3A_167 = arith.constant 0 : i32
          %dma_start3A_168 = tpu.memref_slice %arg4[%add3A, %dma_start3A_167] : memref<1280x128xi32, #tpu.memory_space<hbm>> -> memref<8x128xi32, #tpu.memory_space<hbm>>
          tpu.enqueue_dma source(%dma_start3A_168 : memref<8x128xi32, #tpu.memory_space<hbm>>) target(%arg8 : memref<8x128xi32, #tpu.memory_space<vmem>>) target_semaphore(%run_scoped3A_164 : memref<!tpu.dma_semaphore, #tpu.memory_space<semaphore_mem>>)
          %dma_wait3A_169 = arith.constant 0 : i32
          %dma_wait3A_170 = tpu.memref_slice %arg4[%add3A, %dma_wait3A_169] : memref<1280x128xi32, #tpu.memory_space<hbm>> -> memref<8x128xi32, #tpu.memory_space<hbm>>
          %dma_wait3A_171 = arith.constant 0 : i32
          %dma_wait3A_172 = tpu.memref_slice %arg4[%add3A, %dma_wait3A_171] : memref<1280x128xi32, #tpu.memory_space<hbm>> -> memref<8x128xi32, #tpu.memory_space<hbm>>
          tpu.wait_dma2 semaphore(%run_scoped3A_164 : memref<!tpu.dma_semaphore, #tpu.memory_space<semaphore_mem>>) src(%dma_wait3A_172 : memref<8x128xi32, #tpu.memory_space<hbm>>) dst(%arg8 : memref<8x128xi32, #tpu.memory_space<vmem>>)
          tpu.yield
        }) : () -> ()
        "tpu.region"() ({
          %run_scoped3A_164 = tpu.sem_alloc : memref<!tpu.dma_semaphore, #tpu.memory_space<semaphore_mem>>
          %dma_start3A_165 = arith.constant 0 : i32
          %dma_start3A_166 = tpu.memref_slice %arg5[%add3A, %dma_start3A_165] : memref<1280x128xi32, #tpu.memory_space<hbm>> -> memref<8x128xi32, #tpu.memory_space<hbm>>
          %dma_start3A_167 = arith.constant 0 : i32
          %dma_start3A_168 = tpu.memref_slice %arg5[%add3A, %dma_start3A_167] : memref<1280x128xi32, #tpu.memory_space<hbm>> -> memref<8x128xi32, #tpu.memory_space<hbm>>
          tpu.enqueue_dma source(%dma_start3A_168 : memref<8x128xi32, #tpu.memory_space<hbm>>) target(%arg9 : memref<8x128xi32, #tpu.memory_space<vmem>>) target_semaphore(%run_scoped3A_164 : memref<!tpu.dma_semaphore, #tpu.memory_space<semaphore_mem>>)
          %dma_wait3A_169 = arith.constant 0 : i32
          %dma_wait3A_170 = tpu.memref_slice %arg5[%add3A, %dma_wait3A_169] : memref<1280x128xi32, #tpu.memory_space<hbm>> -> memref<8x128xi32, #tpu.memory_space<hbm>>
          %dma_wait3A_171 = arith.constant 0 : i32
          %dma_wait3A_172 = tpu.memref_slice %arg5[%add3A, %dma_wait3A_171] : memref<1280x128xi32, #tpu.memory_space<hbm>> -> memref<8x128xi32, #tpu.memory_space<hbm>>
          tpu.wait_dma2 semaphore(%run_scoped3A_164 : memref<!tpu.dma_semaphore, #tpu.memory_space<semaphore_mem>>) src(%dma_wait3A_172 : memref<8x128xi32, #tpu.memory_space<hbm>>) dst(%arg9 : memref<8x128xi32, #tpu.memory_space<vmem>>)
          tpu.yield
        }) : () -> ()
        %dma_start3A = arith.constant 0 : i32
        %dma_start3A_46 = arith.constant 0 : i32
        %dma_start3A_47 = tpu.memref_slice %arg8[%dma_start3A, %dma_start3A_46] : memref<8x128xi32, #tpu.memory_space<vmem>> -> memref<1x128xi32, #tpu.memory_space<vmem>>
        %dma_start3A_48 = tpu.memref_squeeze %dma_start3A_47 : memref<1x128xi32, #tpu.memory_space<vmem>> -> memref<128xi32, #tpu.memory_space<vmem>>
        %dma_start3A_49 = arith.constant 0 : i32
        %dma_start3A_50 = arith.constant 0 : i32
        %dma_start3A_51 = tpu.memref_slice %arg2[%dma_start3A_49, %dma_start3A_50] : memref<10000x128xf32, #tpu.memory_space<hbm>> -> memref<10000x128xf32, #tpu.memory_space<hbm>>
        tpu.enqueue_indirect_dma source(%dma_start3A_51 : memref<10000x128xf32, #tpu.memory_space<hbm>>) target(%arg10 : memref<128x128xf32, #tpu.memory_space<vmem>>) offsets(%dma_start3A_48 : memref<128xi32, #tpu.memory_space<vmem>>) semaphore(%arg13 : memref<!tpu.dma_semaphore, #tpu.memory_space<semaphore_mem>>)
        %dma_start3A_52 = arith.constant 1 : i32
        %dma_start3A_53 = arith.constant 0 : i32
        %dma_start3A_54 = tpu.memref_slice %arg8[%dma_start3A_52, %dma_start3A_53] : memref<8x128xi32, #tpu.memory_space<vmem>> -> memref<1x128xi32, #tpu.memory_space<vmem>>
        %dma_start3A_55 = tpu.memref_squeeze %dma_start3A_54 : memref<1x128xi32, #tpu.memory_space<vmem>> -> memref<128xi32, #tpu.memory_space<vmem>>
        %dma_start3A_56 = arith.constant 0 : i32
        %dma_start3A_57 = arith.constant 0 : i32
        %dma_start3A_58 = tpu.memref_slice %arg2[%dma_start3A_56, %dma_start3A_57] : memref<10000x128xf32, #tpu.memory_space<hbm>> -> memref<10000x128xf32, #tpu.memory_space<hbm>>
        tpu.enqueue_indirect_dma source(%dma_start3A_58 : memref<10000x128xf32, #tpu.memory_space<hbm>>) target(%arg11 : memref<128x128xf32, #tpu.memory_space<vmem>>) offsets(%dma_start3A_55 : memref<128xi32, #tpu.memory_space<vmem>>) semaphore(%arg14 : memref<!tpu.dma_semaphore, #tpu.memory_space<semaphore_mem>>)
        %dma_wait3A = arith.constant 0 : i32
        %dma_wait3A_59 = arith.constant 0 : i32
        %dma_wait3A_60 = tpu.memref_slice %arg8[%dma_wait3A, %dma_wait3A_59] : memref<8x128xi32, #tpu.memory_space<vmem>> -> memref<1x128xi32, #tpu.memory_space<vmem>>
        %dma_wait3A_61 = tpu.memref_squeeze %dma_wait3A_60 : memref<1x128xi32, #tpu.memory_space<vmem>> -> memref<128xi32, #tpu.memory_space<vmem>>
        %dma_wait3A_62 = arith.constant 0 : i32
        %dma_wait3A_63 = arith.constant 0 : i32
        %dma_wait3A_64 = tpu.memref_slice %arg2[%dma_wait3A_62, %dma_wait3A_63] : memref<10000x128xf32, #tpu.memory_space<hbm>> -> memref<10000x128xf32, #tpu.memory_space<hbm>>
        tpu.wait_indirect_dma semaphore(%arg13 : memref<!tpu.dma_semaphore, #tpu.memory_space<semaphore_mem>>) src(%dma_wait3A_64 : memref<10000x128xf32, #tpu.memory_space<hbm>>) dst(%arg10 : memref<128x128xf32, #tpu.memory_space<vmem>>)
        %run_scoped3A = arith.constant 0 : i32
        "tpu.region"() ({
          %run_scoped3A_164 = tpu.sem_alloc : memref<!tpu.dma_semaphore, #tpu.memory_space<semaphore_mem>>
          %dma_start3A_165 = arith.constant 0 : i32
          %dma_start3A_166 = tpu.memref_slice %arg9[%run_scoped3A, %dma_start3A_165] : memref<8x128xi32, #tpu.memory_space<vmem>> -> memref<1x128xi32, #tpu.memory_space<vmem>>
          %dma_start3A_167 = tpu.memref_squeeze %dma_start3A_166 : memref<1x128xi32, #tpu.memory_space<vmem>> -> memref<128xi32, #tpu.memory_space<vmem>>
          %dma_start3A_168 = arith.constant 0 : i32
          %dma_start3A_169 = arith.constant 0 : i32
          %dma_start3A_170 = tpu.memref_slice %arg12[%dma_start3A_168, %dma_start3A_169] : memref<10112x128xf32, #tpu.memory_space<vmem_shared>> -> memref<10112x128xf32, #tpu.memory_space<vmem_shared>>
          tpu.enqueue_indirect_dma source(%arg10 : memref<128x128xf32, #tpu.memory_space<vmem>>) target(%dma_start3A_170 : memref<10112x128xf32, #tpu.memory_space<vmem_shared>>) offsets(%dma_start3A_167 : memref<128xi32, #tpu.memory_space<vmem>>) semaphore(%run_scoped3A_164 : memref<!tpu.dma_semaphore, #tpu.memory_space<semaphore_mem>>) {add = true}
          %dma_wait3A_171 = arith.constant 0 : i32
          %dma_wait3A_172 = tpu.memref_slice %arg9[%run_scoped3A, %dma_wait3A_171] : memref<8x128xi32, #tpu.memory_space<vmem>> -> memref<1x128xi32, #tpu.memory_space<vmem>>
          %dma_wait3A_173 = tpu.memref_squeeze %dma_wait3A_172 : memref<1x128xi32, #tpu.memory_space<vmem>> -> memref<128xi32, #tpu.memory_space<vmem>>
          %dma_wait3A_174 = arith.constant 0 : i32
          %dma_wait3A_175 = arith.constant 0 : i32
          %dma_wait3A_176 = tpu.memref_slice %arg12[%dma_wait3A_174, %dma_wait3A_175] : memref<10112x128xf32, #tpu.memory_space<vmem_shared>> -> memref<10112x128xf32, #tpu.memory_space<vmem_shared>>
          tpu.wait_indirect_dma semaphore(%run_scoped3A_164 : memref<!tpu.dma_semaphore, #tpu.memory_space<semaphore_mem>>) src(%arg10 : memref<128x128xf32, #tpu.memory_space<vmem>>) dst(%dma_wait3A_176 : memref<10112x128xf32, #tpu.memory_space<vmem_shared>>)
          tpu.yield
        }) : () -> ()
        %dma_start3A_65 = arith.constant 2 : i32
        %dma_start3A_66 = arith.constant 0 : i32
        %dma_start3A_67 = tpu.memref_slice %arg8[%dma_start3A_65, %dma_start3A_66] : memref<8x128xi32, #tpu.memory_space<vmem>> -> memref<1x128xi32, #tpu.memory_space<vmem>>
        %dma_start3A_68 = tpu.memref_squeeze %dma_start3A_67 : memref<1x128xi32, #tpu.memory_space<vmem>> -> memref<128xi32, #tpu.memory_space<vmem>>
        %dma_start3A_69 = arith.constant 0 : i32
        %dma_start3A_70 = arith.constant 0 : i32
        %dma_start3A_71 = tpu.memref_slice %arg2[%dma_start3A_69, %dma_start3A_70] : memref<10000x128xf32, #tpu.memory_space<hbm>> -> memref<10000x128xf32, #tpu.memory_space<hbm>>
        tpu.enqueue_indirect_dma source(%dma_start3A_71 : memref<10000x128xf32, #tpu.memory_space<hbm>>) target(%arg10 : memref<128x128xf32, #tpu.memory_space<vmem>>) offsets(%dma_start3A_68 : memref<128xi32, #tpu.memory_space<vmem>>) semaphore(%arg13 : memref<!tpu.dma_semaphore, #tpu.memory_space<semaphore_mem>>)
        %dma_wait3A_72 = arith.constant 1 : i32
        %dma_wait3A_73 = arith.constant 0 : i32
        %dma_wait3A_74 = tpu.memref_slice %arg8[%dma_wait3A_72, %dma_wait3A_73] : memref<8x128xi32, #tpu.memory_space<vmem>> -> memref<1x128xi32, #tpu.memory_space<vmem>>
        %dma_wait3A_75 = tpu.memref_squeeze %dma_wait3A_74 : memref<1x128xi32, #tpu.memory_space<vmem>> -> memref<128xi32, #tpu.memory_space<vmem>>
        %dma_wait3A_76 = arith.constant 0 : i32
        %dma_wait3A_77 = arith.constant 0 : i32
        %dma_wait3A_78 = tpu.memref_slice %arg2[%dma_wait3A_76, %dma_wait3A_77] : memref<10000x128xf32, #tpu.memory_space<hbm>> -> memref<10000x128xf32, #tpu.memory_space<hbm>>
        tpu.wait_indirect_dma semaphore(%arg14 : memref<!tpu.dma_semaphore, #tpu.memory_space<semaphore_mem>>) src(%dma_wait3A_78 : memref<10000x128xf32, #tpu.memory_space<hbm>>) dst(%arg11 : memref<128x128xf32, #tpu.memory_space<vmem>>)
        %run_scoped3A_79 = arith.constant 1 : i32
        "tpu.region"() ({
          %run_scoped3A_164 = tpu.sem_alloc : memref<!tpu.dma_semaphore, #tpu.memory_space<semaphore_mem>>
          %dma_start3A_165 = arith.constant 0 : i32
          %dma_start3A_166 = tpu.memref_slice %arg9[%run_scoped3A_79, %dma_start3A_165] : memref<8x128xi32, #tpu.memory_space<vmem>> -> memref<1x128xi32, #tpu.memory_space<vmem>>
          %dma_start3A_167 = tpu.memref_squeeze %dma_start3A_166 : memref<1x128xi32, #tpu.memory_space<vmem>> -> memref<128xi32, #tpu.memory_space<vmem>>
          %dma_start3A_168 = arith.constant 0 : i32
          %dma_start3A_169 = arith.constant 0 : i32
          %dma_start3A_170 = tpu.memref_slice %arg12[%dma_start3A_168, %dma_start3A_169] : memref<10112x128xf32, #tpu.memory_space<vmem_shared>> -> memref<10112x128xf32, #tpu.memory_space<vmem_shared>>
          tpu.enqueue_indirect_dma source(%arg11 : memref<128x128xf32, #tpu.memory_space<vmem>>) target(%dma_start3A_170 : memref<10112x128xf32, #tpu.memory_space<vmem_shared>>) offsets(%dma_start3A_167 : memref<128xi32, #tpu.memory_space<vmem>>) semaphore(%run_scoped3A_164 : memref<!tpu.dma_semaphore, #tpu.memory_space<semaphore_mem>>) {add = true}
          %dma_wait3A_171 = arith.constant 0 : i32
          %dma_wait3A_172 = tpu.memref_slice %arg9[%run_scoped3A_79, %dma_wait3A_171] : memref<8x128xi32, #tpu.memory_space<vmem>> -> memref<1x128xi32, #tpu.memory_space<vmem>>
          %dma_wait3A_173 = tpu.memref_squeeze %dma_wait3A_172 : memref<1x128xi32, #tpu.memory_space<vmem>> -> memref<128xi32, #tpu.memory_space<vmem>>
          %dma_wait3A_174 = arith.constant 0 : i32
          %dma_wait3A_175 = arith.constant 0 : i32
          %dma_wait3A_176 = tpu.memref_slice %arg12[%dma_wait3A_174, %dma_wait3A_175] : memref<10112x128xf32, #tpu.memory_space<vmem_shared>> -> memref<10112x128xf32, #tpu.memory_space<vmem_shared>>
          tpu.wait_indirect_dma semaphore(%run_scoped3A_164 : memref<!tpu.dma_semaphore, #tpu.memory_space<semaphore_mem>>) src(%arg11 : memref<128x128xf32, #tpu.memory_space<vmem>>) dst(%dma_wait3A_176 : memref<10112x128xf32, #tpu.memory_space<vmem_shared>>)
          tpu.yield
        }) : () -> ()
        %dma_start3A_80 = arith.constant 3 : i32
        %dma_start3A_81 = arith.constant 0 : i32
        %dma_start3A_82 = tpu.memref_slice %arg8[%dma_start3A_80, %dma_start3A_81] : memref<8x128xi32, #tpu.memory_space<vmem>> -> memref<1x128xi32, #tpu.memory_space<vmem>>
        %dma_start3A_83 = tpu.memref_squeeze %dma_start3A_82 : memref<1x128xi32, #tpu.memory_space<vmem>> -> memref<128xi32, #tpu.memory_space<vmem>>
        %dma_start3A_84 = arith.constant 0 : i32
        %dma_start3A_85 = arith.constant 0 : i32
        %dma_start3A_86 = tpu.memref_slice %arg2[%dma_start3A_84, %dma_start3A_85] : memref<10000x128xf32, #tpu.memory_space<hbm>> -> memref<10000x128xf32, #tpu.memory_space<hbm>>
        tpu.enqueue_indirect_dma source(%dma_start3A_86 : memref<10000x128xf32, #tpu.memory_space<hbm>>) target(%arg11 : memref<128x128xf32, #tpu.memory_space<vmem>>) offsets(%dma_start3A_83 : memref<128xi32, #tpu.memory_space<vmem>>) semaphore(%arg14 : memref<!tpu.dma_semaphore, #tpu.memory_space<semaphore_mem>>)
        %dma_wait3A_87 = arith.constant 2 : i32
        %dma_wait3A_88 = arith.constant 0 : i32
        %dma_wait3A_89 = tpu.memref_slice %arg8[%dma_wait3A_87, %dma_wait3A_88] : memref<8x128xi32, #tpu.memory_space<vmem>> -> memref<1x128xi32, #tpu.memory_space<vmem>>
        %dma_wait3A_90 = tpu.memref_squeeze %dma_wait3A_89 : memref<1x128xi32, #tpu.memory_space<vmem>> -> memref<128xi32, #tpu.memory_space<vmem>>
        %dma_wait3A_91 = arith.constant 0 : i32
        %dma_wait3A_92 = arith.constant 0 : i32
        %dma_wait3A_93 = tpu.memref_slice %arg2[%dma_wait3A_91, %dma_wait3A_92] : memref<10000x128xf32, #tpu.memory_space<hbm>> -> memref<10000x128xf32, #tpu.memory_space<hbm>>
        tpu.wait_indirect_dma semaphore(%arg13 : memref<!tpu.dma_semaphore, #tpu.memory_space<semaphore_mem>>) src(%dma_wait3A_93 : memref<10000x128xf32, #tpu.memory_space<hbm>>) dst(%arg10 : memref<128x128xf32, #tpu.memory_space<vmem>>)
        %run_scoped3A_94 = arith.constant 2 : i32
        "tpu.region"() ({
          %run_scoped3A_164 = tpu.sem_alloc : memref<!tpu.dma_semaphore, #tpu.memory_space<semaphore_mem>>
          %dma_start3A_165 = arith.constant 0 : i32
          %dma_start3A_166 = tpu.memref_slice %arg9[%run_scoped3A_94, %dma_start3A_165] : memref<8x128xi32, #tpu.memory_space<vmem>> -> memref<1x128xi32, #tpu.memory_space<vmem>>
          %dma_start3A_167 = tpu.memref_squeeze %dma_start3A_166 : memref<1x128xi32, #tpu.memory_space<vmem>> -> memref<128xi32, #tpu.memory_space<vmem>>
          %dma_start3A_168 = arith.constant 0 : i32
          %dma_start3A_169 = arith.constant 0 : i32
          %dma_start3A_170 = tpu.memref_slice %arg12[%dma_start3A_168, %dma_start3A_169] : memref<10112x128xf32, #tpu.memory_space<vmem_shared>> -> memref<10112x128xf32, #tpu.memory_space<vmem_shared>>
          tpu.enqueue_indirect_dma source(%arg10 : memref<128x128xf32, #tpu.memory_space<vmem>>) target(%dma_start3A_170 : memref<10112x128xf32, #tpu.memory_space<vmem_shared>>) offsets(%dma_start3A_167 : memref<128xi32, #tpu.memory_space<vmem>>) semaphore(%run_scoped3A_164 : memref<!tpu.dma_semaphore, #tpu.memory_space<semaphore_mem>>) {add = true}
          %dma_wait3A_171 = arith.constant 0 : i32
          %dma_wait3A_172 = tpu.memref_slice %arg9[%run_scoped3A_94, %dma_wait3A_171] : memref<8x128xi32, #tpu.memory_space<vmem>> -> memref<1x128xi32, #tpu.memory_space<vmem>>
          %dma_wait3A_173 = tpu.memref_squeeze %dma_wait3A_172 : memref<1x128xi32, #tpu.memory_space<vmem>> -> memref<128xi32, #tpu.memory_space<vmem>>
          %dma_wait3A_174 = arith.constant 0 : i32
          %dma_wait3A_175 = arith.constant 0 : i32
          %dma_wait3A_176 = tpu.memref_slice %arg12[%dma_wait3A_174, %dma_wait3A_175] : memref<10112x128xf32, #tpu.memory_space<vmem_shared>> -> memref<10112x128xf32, #tpu.memory_space<vmem_shared>>
          tpu.wait_indirect_dma semaphore(%run_scoped3A_164 : memref<!tpu.dma_semaphore, #tpu.memory_space<semaphore_mem>>) src(%arg10 : memref<128x128xf32, #tpu.memory_space<vmem>>) dst(%dma_wait3A_176 : memref<10112x128xf32, #tpu.memory_space<vmem_shared>>)
          tpu.yield
        }) : () -> ()
        %dma_start3A_95 = arith.constant 4 : i32
        %dma_start3A_96 = arith.constant 0 : i32
        %dma_start3A_97 = tpu.memref_slice %arg8[%dma_start3A_95, %dma_start3A_96] : memref<8x128xi32, #tpu.memory_space<vmem>> -> memref<1x128xi32, #tpu.memory_space<vmem>>
        %dma_start3A_98 = tpu.memref_squeeze %dma_start3A_97 : memref<1x128xi32, #tpu.memory_space<vmem>> -> memref<128xi32, #tpu.memory_space<vmem>>
        %dma_start3A_99 = arith.constant 0 : i32
        %dma_start3A_100 = arith.constant 0 : i32
        %dma_start3A_101 = tpu.memref_slice %arg2[%dma_start3A_99, %dma_start3A_100] : memref<10000x128xf32, #tpu.memory_space<hbm>> -> memref<10000x128xf32, #tpu.memory_space<hbm>>
        tpu.enqueue_indirect_dma source(%dma_start3A_101 : memref<10000x128xf32, #tpu.memory_space<hbm>>) target(%arg10 : memref<128x128xf32, #tpu.memory_space<vmem>>) offsets(%dma_start3A_98 : memref<128xi32, #tpu.memory_space<vmem>>) semaphore(%arg13 : memref<!tpu.dma_semaphore, #tpu.memory_space<semaphore_mem>>)
        %dma_wait3A_102 = arith.constant 3 : i32
        %dma_wait3A_103 = arith.constant 0 : i32
        %dma_wait3A_104 = tpu.memref_slice %arg8[%dma_wait3A_102, %dma_wait3A_103] : memref<8x128xi32, #tpu.memory_space<vmem>> -> memref<1x128xi32, #tpu.memory_space<vmem>>
        %dma_wait3A_105 = tpu.memref_squeeze %dma_wait3A_104 : memref<1x128xi32, #tpu.memory_space<vmem>> -> memref<128xi32, #tpu.memory_space<vmem>>
        %dma_wait3A_106 = arith.constant 0 : i32
        %dma_wait3A_107 = arith.constant 0 : i32
        %dma_wait3A_108 = tpu.memref_slice %arg2[%dma_wait3A_106, %dma_wait3A_107] : memref<10000x128xf32, #tpu.memory_space<hbm>> -> memref<10000x128xf32, #tpu.memory_space<hbm>>
        tpu.wait_indirect_dma semaphore(%arg14 : memref<!tpu.dma_semaphore, #tpu.memory_space<semaphore_mem>>) src(%dma_wait3A_108 : memref<10000x128xf32, #tpu.memory_space<hbm>>) dst(%arg11 : memref<128x128xf32, #tpu.memory_space<vmem>>)
        %run_scoped3A_109 = arith.constant 3 : i32
        "tpu.region"() ({
          %run_scoped3A_164 = tpu.sem_alloc : memref<!tpu.dma_semaphore, #tpu.memory_space<semaphore_mem>>
          %dma_start3A_165 = arith.constant 0 : i32
          %dma_start3A_166 = tpu.memref_slice %arg9[%run_scoped3A_109, %dma_start3A_165] : memref<8x128xi32, #tpu.memory_space<vmem>> -> memref<1x128xi32, #tpu.memory_space<vmem>>
          %dma_start3A_167 = tpu.memref_squeeze %dma_start3A_166 : memref<1x128xi32, #tpu.memory_space<vmem>> -> memref<128xi32, #tpu.memory_space<vmem>>
          %dma_start3A_168 = arith.constant 0 : i32
          %dma_start3A_169 = arith.constant 0 : i32
          %dma_start3A_170 = tpu.memref_slice %arg12[%dma_start3A_168, %dma_start3A_169] : memref<10112x128xf32, #tpu.memory_space<vmem_shared>> -> memref<10112x128xf32, #tpu.memory_space<vmem_shared>>
          tpu.enqueue_indirect_dma source(%arg11 : memref<128x128xf32, #tpu.memory_space<vmem>>) target(%dma_start3A_170 : memref<10112x128xf32, #tpu.memory_space<vmem_shared>>) offsets(%dma_start3A_167 : memref<128xi32, #tpu.memory_space<vmem>>) semaphore(%run_scoped3A_164 : memref<!tpu.dma_semaphore, #tpu.memory_space<semaphore_mem>>) {add = true}
          %dma_wait3A_171 = arith.constant 0 : i32
          %dma_wait3A_172 = tpu.memref_slice %arg9[%run_scoped3A_109, %dma_wait3A_171] : memref<8x128xi32, #tpu.memory_space<vmem>> -> memref<1x128xi32, #tpu.memory_space<vmem>>
          %dma_wait3A_173 = tpu.memref_squeeze %dma_wait3A_172 : memref<1x128xi32, #tpu.memory_space<vmem>> -> memref<128xi32, #tpu.memory_space<vmem>>
          %dma_wait3A_174 = arith.constant 0 : i32
          %dma_wait3A_175 = arith.constant 0 : i32
          %dma_wait3A_176 = tpu.memref_slice %arg12[%dma_wait3A_174, %dma_wait3A_175] : memref<10112x128xf32, #tpu.memory_space<vmem_shared>> -> memref<10112x128xf32, #tpu.memory_space<vmem_shared>>
          tpu.wait_indirect_dma semaphore(%run_scoped3A_164 : memref<!tpu.dma_semaphore, #tpu.memory_space<semaphore_mem>>) src(%arg11 : memref<128x128xf32, #tpu.memory_space<vmem>>) dst(%dma_wait3A_176 : memref<10112x128xf32, #tpu.memory_space<vmem_shared>>)
          tpu.yield
        }) : () -> ()
        %dma_start3A_110 = arith.constant 5 : i32
        %dma_start3A_111 = arith.constant 0 : i32
        %dma_start3A_112 = tpu.memref_slice %arg8[%dma_start3A_110, %dma_start3A_111] : memref<8x128xi32, #tpu.memory_space<vmem>> -> memref<1x128xi32, #tpu.memory_space<vmem>>
        %dma_start3A_113 = tpu.memref_squeeze %dma_start3A_112 : memref<1x128xi32, #tpu.memory_space<vmem>> -> memref<128xi32, #tpu.memory_space<vmem>>
        %dma_start3A_114 = arith.constant 0 : i32
        %dma_start3A_115 = arith.constant 0 : i32
        %dma_start3A_116 = tpu.memref_slice %arg2[%dma_start3A_114, %dma_start3A_115] : memref<10000x128xf32, #tpu.memory_space<hbm>> -> memref<10000x128xf32, #tpu.memory_space<hbm>>
        tpu.enqueue_indirect_dma source(%dma_start3A_116 : memref<10000x128xf32, #tpu.memory_space<hbm>>) target(%arg11 : memref<128x128xf32, #tpu.memory_space<vmem>>) offsets(%dma_start3A_113 : memref<128xi32, #tpu.memory_space<vmem>>) semaphore(%arg14 : memref<!tpu.dma_semaphore, #tpu.memory_space<semaphore_mem>>)
        %dma_wait3A_117 = arith.constant 4 : i32
        %dma_wait3A_118 = arith.constant 0 : i32
        %dma_wait3A_119 = tpu.memref_slice %arg8[%dma_wait3A_117, %dma_wait3A_118] : memref<8x128xi32, #tpu.memory_space<vmem>> -> memref<1x128xi32, #tpu.memory_space<vmem>>
        %dma_wait3A_120 = tpu.memref_squeeze %dma_wait3A_119 : memref<1x128xi32, #tpu.memory_space<vmem>> -> memref<128xi32, #tpu.memory_space<vmem>>
        %dma_wait3A_121 = arith.constant 0 : i32
        %dma_wait3A_122 = arith.constant 0 : i32
        %dma_wait3A_123 = tpu.memref_slice %arg2[%dma_wait3A_121, %dma_wait3A_122] : memref<10000x128xf32, #tpu.memory_space<hbm>> -> memref<10000x128xf32, #tpu.memory_space<hbm>>
        tpu.wait_indirect_dma semaphore(%arg13 : memref<!tpu.dma_semaphore, #tpu.memory_space<semaphore_mem>>) src(%dma_wait3A_123 : memref<10000x128xf32, #tpu.memory_space<hbm>>) dst(%arg10 : memref<128x128xf32, #tpu.memory_space<vmem>>)
        %run_scoped3A_124 = arith.constant 4 : i32
        "tpu.region"() ({
          %run_scoped3A_164 = tpu.sem_alloc : memref<!tpu.dma_semaphore, #tpu.memory_space<semaphore_mem>>
          %dma_start3A_165 = arith.constant 0 : i32
          %dma_start3A_166 = tpu.memref_slice %arg9[%run_scoped3A_124, %dma_start3A_165] : memref<8x128xi32, #tpu.memory_space<vmem>> -> memref<1x128xi32, #tpu.memory_space<vmem>>
          %dma_start3A_167 = tpu.memref_squeeze %dma_start3A_166 : memref<1x128xi32, #tpu.memory_space<vmem>> -> memref<128xi32, #tpu.memory_space<vmem>>
          %dma_start3A_168 = arith.constant 0 : i32
          %dma_start3A_169 = arith.constant 0 : i32
          %dma_start3A_170 = tpu.memref_slice %arg12[%dma_start3A_168, %dma_start3A_169] : memref<10112x128xf32, #tpu.memory_space<vmem_shared>> -> memref<10112x128xf32, #tpu.memory_space<vmem_shared>>
          tpu.enqueue_indirect_dma source(%arg10 : memref<128x128xf32, #tpu.memory_space<vmem>>) target(%dma_start3A_170 : memref<10112x128xf32, #tpu.memory_space<vmem_shared>>) offsets(%dma_start3A_167 : memref<128xi32, #tpu.memory_space<vmem>>) semaphore(%run_scoped3A_164 : memref<!tpu.dma_semaphore, #tpu.memory_space<semaphore_mem>>) {add = true}
          %dma_wait3A_171 = arith.constant 0 : i32
          %dma_wait3A_172 = tpu.memref_slice %arg9[%run_scoped3A_124, %dma_wait3A_171] : memref<8x128xi32, #tpu.memory_space<vmem>> -> memref<1x128xi32, #tpu.memory_space<vmem>>
          %dma_wait3A_173 = tpu.memref_squeeze %dma_wait3A_172 : memref<1x128xi32, #tpu.memory_space<vmem>> -> memref<128xi32, #tpu.memory_space<vmem>>
          %dma_wait3A_174 = arith.constant 0 : i32
          %dma_wait3A_175 = arith.constant 0 : i32
          %dma_wait3A_176 = tpu.memref_slice %arg12[%dma_wait3A_174, %dma_wait3A_175] : memref<10112x128xf32, #tpu.memory_space<vmem_shared>> -> memref<10112x128xf32, #tpu.memory_space<vmem_shared>>
          tpu.wait_indirect_dma semaphore(%run_scoped3A_164 : memref<!tpu.dma_semaphore, #tpu.memory_space<semaphore_mem>>) src(%arg10 : memref<128x128xf32, #tpu.memory_space<vmem>>) dst(%dma_wait3A_176 : memref<10112x128xf32, #tpu.memory_space<vmem_shared>>)
          tpu.yield
        }) : () -> ()
        %dma_start3A_125 = arith.constant 6 : i32
        %dma_start3A_126 = arith.constant 0 : i32
        %dma_start3A_127 = tpu.memref_slice %arg8[%dma_start3A_125, %dma_start3A_126] : memref<8x128xi32, #tpu.memory_space<vmem>> -> memref<1x128xi32, #tpu.memory_space<vmem>>
        %dma_start3A_128 = tpu.memref_squeeze %dma_start3A_127 : memref<1x128xi32, #tpu.memory_space<vmem>> -> memref<128xi32, #tpu.memory_space<vmem>>
        %dma_start3A_129 = arith.constant 0 : i32
        %dma_start3A_130 = arith.constant 0 : i32
        %dma_start3A_131 = tpu.memref_slice %arg2[%dma_start3A_129, %dma_start3A_130] : memref<10000x128xf32, #tpu.memory_space<hbm>> -> memref<10000x128xf32, #tpu.memory_space<hbm>>
        tpu.enqueue_indirect_dma source(%dma_start3A_131 : memref<10000x128xf32, #tpu.memory_space<hbm>>) target(%arg10 : memref<128x128xf32, #tpu.memory_space<vmem>>) offsets(%dma_start3A_128 : memref<128xi32, #tpu.memory_space<vmem>>) semaphore(%arg13 : memref<!tpu.dma_semaphore, #tpu.memory_space<semaphore_mem>>)
        %dma_wait3A_132 = arith.constant 5 : i32
        %dma_wait3A_133 = arith.constant 0 : i32
        %dma_wait3A_134 = tpu.memref_slice %arg8[%dma_wait3A_132, %dma_wait3A_133] : memref<8x128xi32, #tpu.memory_space<vmem>> -> memref<1x128xi32, #tpu.memory_space<vmem>>
        %dma_wait3A_135 = tpu.memref_squeeze %dma_wait3A_134 : memref<1x128xi32, #tpu.memory_space<vmem>> -> memref<128xi32, #tpu.memory_space<vmem>>
        %dma_wait3A_136 = arith.constant 0 : i32
        %dma_wait3A_137 = arith.constant 0 : i32
        %dma_wait3A_138 = tpu.memref_slice %arg2[%dma_wait3A_136, %dma_wait3A_137] : memref<10000x128xf32, #tpu.memory_space<hbm>> -> memref<10000x128xf32, #tpu.memory_space<hbm>>
        tpu.wait_indirect_dma semaphore(%arg14 : memref<!tpu.dma_semaphore, #tpu.memory_space<semaphore_mem>>) src(%dma_wait3A_138 : memref<10000x128xf32, #tpu.memory_space<hbm>>) dst(%arg11 : memref<128x128xf32, #tpu.memory_space<vmem>>)
        %run_scoped3A_139 = arith.constant 5 : i32
        "tpu.region"() ({
          %run_scoped3A_164 = tpu.sem_alloc : memref<!tpu.dma_semaphore, #tpu.memory_space<semaphore_mem>>
          %dma_start3A_165 = arith.constant 0 : i32
          %dma_start3A_166 = tpu.memref_slice %arg9[%run_scoped3A_139, %dma_start3A_165] : memref<8x128xi32, #tpu.memory_space<vmem>> -> memref<1x128xi32, #tpu.memory_space<vmem>>
          %dma_start3A_167 = tpu.memref_squeeze %dma_start3A_166 : memref<1x128xi32, #tpu.memory_space<vmem>> -> memref<128xi32, #tpu.memory_space<vmem>>
          %dma_start3A_168 = arith.constant 0 : i32
          %dma_start3A_169 = arith.constant 0 : i32
          %dma_start3A_170 = tpu.memref_slice %arg12[%dma_start3A_168, %dma_start3A_169] : memref<10112x128xf32, #tpu.memory_space<vmem_shared>> -> memref<10112x128xf32, #tpu.memory_space<vmem_shared>>
          tpu.enqueue_indirect_dma source(%arg11 : memref<128x128xf32, #tpu.memory_space<vmem>>) target(%dma_start3A_170 : memref<10112x128xf32, #tpu.memory_space<vmem_shared>>) offsets(%dma_start3A_167 : memref<128xi32, #tpu.memory_space<vmem>>) semaphore(%run_scoped3A_164 : memref<!tpu.dma_semaphore, #tpu.memory_space<semaphore_mem>>) {add = true}
          %dma_wait3A_171 = arith.constant 0 : i32
          %dma_wait3A_172 = tpu.memref_slice %arg9[%run_scoped3A_139, %dma_wait3A_171] : memref<8x128xi32, #tpu.memory_space<vmem>> -> memref<1x128xi32, #tpu.memory_space<vmem>>
          %dma_wait3A_173 = tpu.memref_squeeze %dma_wait3A_172 : memref<1x128xi32, #tpu.memory_space<vmem>> -> memref<128xi32, #tpu.memory_space<vmem>>
          %dma_wait3A_174 = arith.constant 0 : i32
          %dma_wait3A_175 = arith.constant 0 : i32
          %dma_wait3A_176 = tpu.memref_slice %arg12[%dma_wait3A_174, %dma_wait3A_175] : memref<10112x128xf32, #tpu.memory_space<vmem_shared>> -> memref<10112x128xf32, #tpu.memory_space<vmem_shared>>
          tpu.wait_indirect_dma semaphore(%run_scoped3A_164 : memref<!tpu.dma_semaphore, #tpu.memory_space<semaphore_mem>>) src(%arg11 : memref<128x128xf32, #tpu.memory_space<vmem>>) dst(%dma_wait3A_176 : memref<10112x128xf32, #tpu.memory_space<vmem_shared>>)
          tpu.yield
        }) : () -> ()
        %dma_start3A_140 = arith.constant 7 : i32
        %dma_start3A_141 = arith.constant 0 : i32
        %dma_start3A_142 = tpu.memref_slice %arg8[%dma_start3A_140, %dma_start3A_141] : memref<8x128xi32, #tpu.memory_space<vmem>> -> memref<1x128xi32, #tpu.memory_space<vmem>>
        %dma_start3A_143 = tpu.memref_squeeze %dma_start3A_142 : memref<1x128xi32, #tpu.memory_space<vmem>> -> memref<128xi32, #tpu.memory_space<vmem>>
        %dma_start3A_144 = arith.constant 0 : i32
        %dma_start3A_145 = arith.constant 0 : i32
        %dma_start3A_146 = tpu.memref_slice %arg2[%dma_start3A_144, %dma_start3A_145] : memref<10000x128xf32, #tpu.memory_space<hbm>> -> memref<10000x128xf32, #tpu.memory_space<hbm>>
        tpu.enqueue_indirect_dma source(%dma_start3A_146 : memref<10000x128xf32, #tpu.memory_space<hbm>>) target(%arg11 : memref<128x128xf32, #tpu.memory_space<vmem>>) offsets(%dma_start3A_143 : memref<128xi32, #tpu.memory_space<vmem>>) semaphore(%arg14 : memref<!tpu.dma_semaphore, #tpu.memory_space<semaphore_mem>>)
        %dma_wait3A_147 = arith.constant 6 : i32
        %dma_wait3A_148 = arith.constant 0 : i32
        %dma_wait3A_149 = tpu.memref_slice %arg8[%dma_wait3A_147, %dma_wait3A_148] : memref<8x128xi32, #tpu.memory_space<vmem>> -> memref<1x128xi32, #tpu.memory_space<vmem>>
        %dma_wait3A_150 = tpu.memref_squeeze %dma_wait3A_149 : memref<1x128xi32, #tpu.memory_space<vmem>> -> memref<128xi32, #tpu.memory_space<vmem>>
        %dma_wait3A_151 = arith.constant 0 : i32
        %dma_wait3A_152 = arith.constant 0 : i32
        %dma_wait3A_153 = tpu.memref_slice %arg2[%dma_wait3A_151, %dma_wait3A_152] : memref<10000x128xf32, #tpu.memory_space<hbm>> -> memref<10000x128xf32, #tpu.memory_space<hbm>>
        tpu.wait_indirect_dma semaphore(%arg13 : memref<!tpu.dma_semaphore, #tpu.memory_space<semaphore_mem>>) src(%dma_wait3A_153 : memref<10000x128xf32, #tpu.memory_space<hbm>>) dst(%arg10 : memref<128x128xf32, #tpu.memory_space<vmem>>)
        %run_scoped3A_154 = arith.constant 6 : i32
        "tpu.region"() ({
          %run_scoped3A_164 = tpu.sem_alloc : memref<!tpu.dma_semaphore, #tpu.memory_space<semaphore_mem>>
          %dma_start3A_165 = arith.constant 0 : i32
          %dma_start3A_166 = tpu.memref_slice %arg9[%run_scoped3A_154, %dma_start3A_165] : memref<8x128xi32, #tpu.memory_space<vmem>> -> memref<1x128xi32, #tpu.memory_space<vmem>>
          %dma_start3A_167 = tpu.memref_squeeze %dma_start3A_166 : memref<1x128xi32, #tpu.memory_space<vmem>> -> memref<128xi32, #tpu.memory_space<vmem>>
          %dma_start3A_168 = arith.constant 0 : i32
          %dma_start3A_169 = arith.constant 0 : i32
          %dma_start3A_170 = tpu.memref_slice %arg12[%dma_start3A_168, %dma_start3A_169] : memref<10112x128xf32, #tpu.memory_space<vmem_shared>> -> memref<10112x128xf32, #tpu.memory_space<vmem_shared>>
          tpu.enqueue_indirect_dma source(%arg10 : memref<128x128xf32, #tpu.memory_space<vmem>>) target(%dma_start3A_170 : memref<10112x128xf32, #tpu.memory_space<vmem_shared>>) offsets(%dma_start3A_167 : memref<128xi32, #tpu.memory_space<vmem>>) semaphore(%run_scoped3A_164 : memref<!tpu.dma_semaphore, #tpu.memory_space<semaphore_mem>>) {add = true}
          %dma_wait3A_171 = arith.constant 0 : i32
          %dma_wait3A_172 = tpu.memref_slice %arg9[%run_scoped3A_154, %dma_wait3A_171] : memref<8x128xi32, #tpu.memory_space<vmem>> -> memref<1x128xi32, #tpu.memory_space<vmem>>
          %dma_wait3A_173 = tpu.memref_squeeze %dma_wait3A_172 : memref<1x128xi32, #tpu.memory_space<vmem>> -> memref<128xi32, #tpu.memory_space<vmem>>
          %dma_wait3A_174 = arith.constant 0 : i32
          %dma_wait3A_175 = arith.constant 0 : i32
          %dma_wait3A_176 = tpu.memref_slice %arg12[%dma_wait3A_174, %dma_wait3A_175] : memref<10112x128xf32, #tpu.memory_space<vmem_shared>> -> memref<10112x128xf32, #tpu.memory_space<vmem_shared>>
          tpu.wait_indirect_dma semaphore(%run_scoped3A_164 : memref<!tpu.dma_semaphore, #tpu.memory_space<semaphore_mem>>) src(%arg10 : memref<128x128xf32, #tpu.memory_space<vmem>>) dst(%dma_wait3A_176 : memref<10112x128xf32, #tpu.memory_space<vmem_shared>>)
          tpu.yield
        }) : () -> ()
        %dma_wait3A_155 = arith.constant 7 : i32
        %dma_wait3A_156 = arith.constant 0 : i32
        %dma_wait3A_157 = tpu.memref_slice %arg8[%dma_wait3A_155, %dma_wait3A_156] : memref<8x128xi32, #tpu.memory_space<vmem>> -> memref<1x128xi32, #tpu.memory_space<vmem>>
        %dma_wait3A_158 = tpu.memref_squeeze %dma_wait3A_157 : memref<1x128xi32, #tpu.memory_space<vmem>> -> memref<128xi32, #tpu.memory_space<vmem>>
        %dma_wait3A_159 = arith.constant 0 : i32
        %dma_wait3A_160 = arith.constant 0 : i32
        %dma_wait3A_161 = tpu.memref_slice %arg2[%dma_wait3A_159, %dma_wait3A_160] : memref<10000x128xf32, #tpu.memory_space<hbm>> -> memref<10000x128xf32, #tpu.memory_space<hbm>>
        tpu.wait_indirect_dma semaphore(%arg14 : memref<!tpu.dma_semaphore, #tpu.memory_space<semaphore_mem>>) src(%dma_wait3A_161 : memref<10000x128xf32, #tpu.memory_space<hbm>>) dst(%arg11 : memref<128x128xf32, #tpu.memory_space<vmem>>)
        %run_scoped3A_162 = arith.constant 7 : i32
        "tpu.region"() ({
          %run_scoped3A_164 = tpu.sem_alloc : memref<!tpu.dma_semaphore, #tpu.memory_space<semaphore_mem>>
          %dma_start3A_165 = arith.constant 0 : i32
          %dma_start3A_166 = tpu.memref_slice %arg9[%run_scoped3A_162, %dma_start3A_165] : memref<8x128xi32, #tpu.memory_space<vmem>> -> memref<1x128xi32, #tpu.memory_space<vmem>>
          %dma_start3A_167 = tpu.memref_squeeze %dma_start3A_166 : memref<1x128xi32, #tpu.memory_space<vmem>> -> memref<128xi32, #tpu.memory_space<vmem>>
          %dma_start3A_168 = arith.constant 0 : i32
          %dma_start3A_169 = arith.constant 0 : i32
          %dma_start3A_170 = tpu.memref_slice %arg12[%dma_start3A_168, %dma_start3A_169] : memref<10112x128xf32, #tpu.memory_space<vmem_shared>> -> memref<10112x128xf32, #tpu.memory_space<vmem_shared>>
          tpu.enqueue_indirect_dma source(%arg11 : memref<128x128xf32, #tpu.memory_space<vmem>>) target(%dma_start3A_170 : memref<10112x128xf32, #tpu.memory_space<vmem_shared>>) offsets(%dma_start3A_167 : memref<128xi32, #tpu.memory_space<vmem>>) semaphore(%run_scoped3A_164 : memref<!tpu.dma_semaphore, #tpu.memory_space<semaphore_mem>>) {add = true}
          %dma_wait3A_171 = arith.constant 0 : i32
          %dma_wait3A_172 = tpu.memref_slice %arg9[%run_scoped3A_162, %dma_wait3A_171] : memref<8x128xi32, #tpu.memory_space<vmem>> -> memref<1x128xi32, #tpu.memory_space<vmem>>
          %dma_wait3A_173 = tpu.memref_squeeze %dma_wait3A_172 : memref<1x128xi32, #tpu.memory_space<vmem>> -> memref<128xi32, #tpu.memory_space<vmem>>
          %dma_wait3A_174 = arith.constant 0 : i32
          %dma_wait3A_175 = arith.constant 0 : i32
          %dma_wait3A_176 = tpu.memref_slice %arg12[%dma_wait3A_174, %dma_wait3A_175] : memref<10112x128xf32, #tpu.memory_space<vmem_shared>> -> memref<10112x128xf32, #tpu.memory_space<vmem_shared>>
          tpu.wait_indirect_dma semaphore(%run_scoped3A_164 : memref<!tpu.dma_semaphore, #tpu.memory_space<semaphore_mem>>) src(%arg11 : memref<128x128xf32, #tpu.memory_space<vmem>>) dst(%dma_wait3A_176 : memref<10112x128xf32, #tpu.memory_space<vmem_shared>>)
          tpu.yield
        }) : () -> ()
        %scan3A_163 = arith.constant 0 : i32
        scf.yield %scan3A_163 : i32
      }
      %scan3A_39 = arith.constant 10 : i32
    } else {
    }
    %eq3A_16 = arith.constant 1 : i32
    %eq3A_17 = arith.cmpi eq, %arg0, %eq3A_16 : i32
    %convert_element_type3A_18 = arith.extui %eq3A_17 : i1 to i32
    %cond3A_19 = arith.constant 0 : i32
    %cond3A_20 = arith.cmpi ne, %convert_element_type3A_18, %cond3A_19 : i32
    scf.if %cond3A_20 {
      %scan3A_33 = arith.constant 0 : i32
      %scan3A_34 = arith.constant 0 : i32
      %scan3A_35 = arith.constant 10 : i32
      %scan3A_36 = arith.addi %scan3A_34, %scan3A_35 : i32
      %scan3A_37 = arith.constant 1 : i32
      %scan3A_38 = scf.for %scan3A_40 = %scan3A_34 to %scan3A_36 step %scan3A_37 iter_args(%scan3A_41 = %scan3A_33) -> (i32)  : i32 {
        %mul3A_42 = arith.constant 80 : i32
        %mul3A_43 = arith.muli %arg1, %mul3A_42 : i32
        %mul3A_44 = arith.constant 8 : i32
        %mul3A_45 = arith.muli %scan3A_40, %mul3A_44 : i32
        %add3A = arith.addi %mul3A_43, %mul3A_45 : i32
        "tpu.region"() ({
          %run_scoped3A_164 = tpu.sem_alloc : memref<!tpu.dma_semaphore, #tpu.memory_space<semaphore_mem>>
          %dma_start3A_165 = arith.constant 0 : i32
          %dma_start3A_166 = tpu.memref_slice %arg4[%add3A, %dma_start3A_165] : memref<1280x128xi32, #tpu.memory_space<hbm>> -> memref<8x128xi32, #tpu.memory_space<hbm>>
          %dma_start3A_167 = arith.constant 0 : i32
          %dma_start3A_168 = tpu.memref_slice %arg4[%add3A, %dma_start3A_167] : memref<1280x128xi32, #tpu.memory_space<hbm>> -> memref<8x128xi32, #tpu.memory_space<hbm>>
          tpu.enqueue_dma source(%dma_start3A_168 : memref<8x128xi32, #tpu.memory_space<hbm>>) target(%arg8 : memref<8x128xi32, #tpu.memory_space<vmem>>) target_semaphore(%run_scoped3A_164 : memref<!tpu.dma_semaphore, #tpu.memory_space<semaphore_mem>>)
          %dma_wait3A_169 = arith.constant 0 : i32
          %dma_wait3A_170 = tpu.memref_slice %arg4[%add3A, %dma_wait3A_169] : memref<1280x128xi32, #tpu.memory_space<hbm>> -> memref<8x128xi32, #tpu.memory_space<hbm>>
          %dma_wait3A_171 = arith.constant 0 : i32
          %dma_wait3A_172 = tpu.memref_slice %arg4[%add3A, %dma_wait3A_171] : memref<1280x128xi32, #tpu.memory_space<hbm>> -> memref<8x128xi32, #tpu.memory_space<hbm>>
          tpu.wait_dma2 semaphore(%run_scoped3A_164 : memref<!tpu.dma_semaphore, #tpu.memory_space<semaphore_mem>>) src(%dma_wait3A_172 : memref<8x128xi32, #tpu.memory_space<hbm>>) dst(%arg8 : memref<8x128xi32, #tpu.memory_space<vmem>>)
          tpu.yield
        }) : () -> ()
        "tpu.region"() ({
          %run_scoped3A_164 = tpu.sem_alloc : memref<!tpu.dma_semaphore, #tpu.memory_space<semaphore_mem>>
          %dma_start3A_165 = arith.constant 0 : i32
          %dma_start3A_166 = tpu.memref_slice %arg5[%add3A, %dma_start3A_165] : memref<1280x128xi32, #tpu.memory_space<hbm>> -> memref<8x128xi32, #tpu.memory_space<hbm>>
          %dma_start3A_167 = arith.constant 0 : i32
          %dma_start3A_168 = tpu.memref_slice %arg5[%add3A, %dma_start3A_167] : memref<1280x128xi32, #tpu.memory_space<hbm>> -> memref<8x128xi32, #tpu.memory_space<hbm>>
          tpu.enqueue_dma source(%dma_start3A_168 : memref<8x128xi32, #tpu.memory_space<hbm>>) target(%arg9 : memref<8x128xi32, #tpu.memory_space<vmem>>) target_semaphore(%run_scoped3A_164 : memref<!tpu.dma_semaphore, #tpu.memory_space<semaphore_mem>>)
          %dma_wait3A_169 = arith.constant 0 : i32
          %dma_wait3A_170 = tpu.memref_slice %arg5[%add3A, %dma_wait3A_169] : memref<1280x128xi32, #tpu.memory_space<hbm>> -> memref<8x128xi32, #tpu.memory_space<hbm>>
          %dma_wait3A_171 = arith.constant 0 : i32
          %dma_wait3A_172 = tpu.memref_slice %arg5[%add3A, %dma_wait3A_171] : memref<1280x128xi32, #tpu.memory_space<hbm>> -> memref<8x128xi32, #tpu.memory_space<hbm>>
          tpu.wait_dma2 semaphore(%run_scoped3A_164 : memref<!tpu.dma_semaphore, #tpu.memory_space<semaphore_mem>>) src(%dma_wait3A_172 : memref<8x128xi32, #tpu.memory_space<hbm>>) dst(%arg9 : memref<8x128xi32, #tpu.memory_space<vmem>>)
          tpu.yield
        }) : () -> ()
        %dma_start3A = arith.constant 0 : i32
        %dma_start3A_46 = arith.constant 0 : i32
        %dma_start3A_47 = tpu.memref_slice %arg8[%dma_start3A, %dma_start3A_46] : memref<8x128xi32, #tpu.memory_space<vmem>> -> memref<1x128xi32, #tpu.memory_space<vmem>>
        %dma_start3A_48 = tpu.memref_squeeze %dma_start3A_47 : memref<1x128xi32, #tpu.memory_space<vmem>> -> memref<128xi32, #tpu.memory_space<vmem>>
        %dma_start3A_49 = arith.constant 0 : i32
        %dma_start3A_50 = arith.constant 0 : i32
        %dma_start3A_51 = tpu.memref_slice %arg3[%dma_start3A_49, %dma_start3A_50] : memref<10000x128xf32, #tpu.memory_space<hbm>> -> memref<10000x128xf32, #tpu.memory_space<hbm>>
        tpu.enqueue_indirect_dma source(%dma_start3A_51 : memref<10000x128xf32, #tpu.memory_space<hbm>>) target(%arg10 : memref<128x128xf32, #tpu.memory_space<vmem>>) offsets(%dma_start3A_48 : memref<128xi32, #tpu.memory_space<vmem>>) semaphore(%arg13 : memref<!tpu.dma_semaphore, #tpu.memory_space<semaphore_mem>>)
        %dma_start3A_52 = arith.constant 1 : i32
        %dma_start3A_53 = arith.constant 0 : i32
        %dma_start3A_54 = tpu.memref_slice %arg8[%dma_start3A_52, %dma_start3A_53] : memref<8x128xi32, #tpu.memory_space<vmem>> -> memref<1x128xi32, #tpu.memory_space<vmem>>
        %dma_start3A_55 = tpu.memref_squeeze %dma_start3A_54 : memref<1x128xi32, #tpu.memory_space<vmem>> -> memref<128xi32, #tpu.memory_space<vmem>>
        %dma_start3A_56 = arith.constant 0 : i32
        %dma_start3A_57 = arith.constant 0 : i32
        %dma_start3A_58 = tpu.memref_slice %arg3[%dma_start3A_56, %dma_start3A_57] : memref<10000x128xf32, #tpu.memory_space<hbm>> -> memref<10000x128xf32, #tpu.memory_space<hbm>>
        tpu.enqueue_indirect_dma source(%dma_start3A_58 : memref<10000x128xf32, #tpu.memory_space<hbm>>) target(%arg11 : memref<128x128xf32, #tpu.memory_space<vmem>>) offsets(%dma_start3A_55 : memref<128xi32, #tpu.memory_space<vmem>>) semaphore(%arg14 : memref<!tpu.dma_semaphore, #tpu.memory_space<semaphore_mem>>)
        %dma_wait3A = arith.constant 0 : i32
        %dma_wait3A_59 = arith.constant 0 : i32
        %dma_wait3A_60 = tpu.memref_slice %arg8[%dma_wait3A, %dma_wait3A_59] : memref<8x128xi32, #tpu.memory_space<vmem>> -> memref<1x128xi32, #tpu.memory_space<vmem>>
        %dma_wait3A_61 = tpu.memref_squeeze %dma_wait3A_60 : memref<1x128xi32, #tpu.memory_space<vmem>> -> memref<128xi32, #tpu.memory_space<vmem>>
        %dma_wait3A_62 = arith.constant 0 : i32
        %dma_wait3A_63 = arith.constant 0 : i32
        %dma_wait3A_64 = tpu.memref_slice %arg3[%dma_wait3A_62, %dma_wait3A_63] : memref<10000x128xf32, #tpu.memory_space<hbm>> -> memref<10000x128xf32, #tpu.memory_space<hbm>>
        tpu.wait_indirect_dma semaphore(%arg13 : memref<!tpu.dma_semaphore, #tpu.memory_space<semaphore_mem>>) src(%dma_wait3A_64 : memref<10000x128xf32, #tpu.memory_space<hbm>>) dst(%arg10 : memref<128x128xf32, #tpu.memory_space<vmem>>)
        %run_scoped3A = arith.constant 0 : i32
        "tpu.region"() ({
          %run_scoped3A_164 = tpu.sem_alloc : memref<!tpu.dma_semaphore, #tpu.memory_space<semaphore_mem>>
          %dma_start3A_165 = arith.constant 0 : i32
          %dma_start3A_166 = tpu.memref_slice %arg9[%run_scoped3A, %dma_start3A_165] : memref<8x128xi32, #tpu.memory_space<vmem>> -> memref<1x128xi32, #tpu.memory_space<vmem>>
          %dma_start3A_167 = tpu.memref_squeeze %dma_start3A_166 : memref<1x128xi32, #tpu.memory_space<vmem>> -> memref<128xi32, #tpu.memory_space<vmem>>
          %dma_start3A_168 = arith.constant 0 : i32
          %dma_start3A_169 = arith.constant 0 : i32
          %dma_start3A_170 = tpu.memref_slice %arg12[%dma_start3A_168, %dma_start3A_169] : memref<10112x128xf32, #tpu.memory_space<vmem_shared>> -> memref<10112x128xf32, #tpu.memory_space<vmem_shared>>
          tpu.enqueue_indirect_dma source(%arg10 : memref<128x128xf32, #tpu.memory_space<vmem>>) target(%dma_start3A_170 : memref<10112x128xf32, #tpu.memory_space<vmem_shared>>) offsets(%dma_start3A_167 : memref<128xi32, #tpu.memory_space<vmem>>) semaphore(%run_scoped3A_164 : memref<!tpu.dma_semaphore, #tpu.memory_space<semaphore_mem>>) {add = true}
          %dma_wait3A_171 = arith.constant 0 : i32
          %dma_wait3A_172 = tpu.memref_slice %arg9[%run_scoped3A, %dma_wait3A_171] : memref<8x128xi32, #tpu.memory_space<vmem>> -> memref<1x128xi32, #tpu.memory_space<vmem>>
          %dma_wait3A_173 = tpu.memref_squeeze %dma_wait3A_172 : memref<1x128xi32, #tpu.memory_space<vmem>> -> memref<128xi32, #tpu.memory_space<vmem>>
          %dma_wait3A_174 = arith.constant 0 : i32
          %dma_wait3A_175 = arith.constant 0 : i32
          %dma_wait3A_176 = tpu.memref_slice %arg12[%dma_wait3A_174, %dma_wait3A_175] : memref<10112x128xf32, #tpu.memory_space<vmem_shared>> -> memref<10112x128xf32, #tpu.memory_space<vmem_shared>>
          tpu.wait_indirect_dma semaphore(%run_scoped3A_164 : memref<!tpu.dma_semaphore, #tpu.memory_space<semaphore_mem>>) src(%arg10 : memref<128x128xf32, #tpu.memory_space<vmem>>) dst(%dma_wait3A_176 : memref<10112x128xf32, #tpu.memory_space<vmem_shared>>)
          tpu.yield
        }) : () -> ()
        %dma_start3A_65 = arith.constant 2 : i32
        %dma_start3A_66 = arith.constant 0 : i32
        %dma_start3A_67 = tpu.memref_slice %arg8[%dma_start3A_65, %dma_start3A_66] : memref<8x128xi32, #tpu.memory_space<vmem>> -> memref<1x128xi32, #tpu.memory_space<vmem>>
        %dma_start3A_68 = tpu.memref_squeeze %dma_start3A_67 : memref<1x128xi32, #tpu.memory_space<vmem>> -> memref<128xi32, #tpu.memory_space<vmem>>
        %dma_start3A_69 = arith.constant 0 : i32
        %dma_start3A_70 = arith.constant 0 : i32
        %dma_start3A_71 = tpu.memref_slice %arg3[%dma_start3A_69, %dma_start3A_70] : memref<10000x128xf32, #tpu.memory_space<hbm>> -> memref<10000x128xf32, #tpu.memory_space<hbm>>
        tpu.enqueue_indirect_dma source(%dma_start3A_71 : memref<10000x128xf32, #tpu.memory_space<hbm>>) target(%arg10 : memref<128x128xf32, #tpu.memory_space<vmem>>) offsets(%dma_start3A_68 : memref<128xi32, #tpu.memory_space<vmem>>) semaphore(%arg13 : memref<!tpu.dma_semaphore, #tpu.memory_space<semaphore_mem>>)
        %dma_wait3A_72 = arith.constant 1 : i32
        %dma_wait3A_73 = arith.constant 0 : i32
        %dma_wait3A_74 = tpu.memref_slice %arg8[%dma_wait3A_72, %dma_wait3A_73] : memref<8x128xi32, #tpu.memory_space<vmem>> -> memref<1x128xi32, #tpu.memory_space<vmem>>
        %dma_wait3A_75 = tpu.memref_squeeze %dma_wait3A_74 : memref<1x128xi32, #tpu.memory_space<vmem>> -> memref<128xi32, #tpu.memory_space<vmem>>
        %dma_wait3A_76 = arith.constant 0 : i32
        %dma_wait3A_77 = arith.constant 0 : i32
        %dma_wait3A_78 = tpu.memref_slice %arg3[%dma_wait3A_76, %dma_wait3A_77] : memref<10000x128xf32, #tpu.memory_space<hbm>> -> memref<10000x128xf32, #tpu.memory_space<hbm>>
        tpu.wait_indirect_dma semaphore(%arg14 : memref<!tpu.dma_semaphore, #tpu.memory_space<semaphore_mem>>) src(%dma_wait3A_78 : memref<10000x128xf32, #tpu.memory_space<hbm>>) dst(%arg11 : memref<128x128xf32, #tpu.memory_space<vmem>>)
        %run_scoped3A_79 = arith.constant 1 : i32
        "tpu.region"() ({
          %run_scoped3A_164 = tpu.sem_alloc : memref<!tpu.dma_semaphore, #tpu.memory_space<semaphore_mem>>
          %dma_start3A_165 = arith.constant 0 : i32
          %dma_start3A_166 = tpu.memref_slice %arg9[%run_scoped3A_79, %dma_start3A_165] : memref<8x128xi32, #tpu.memory_space<vmem>> -> memref<1x128xi32, #tpu.memory_space<vmem>>
          %dma_start3A_167 = tpu.memref_squeeze %dma_start3A_166 : memref<1x128xi32, #tpu.memory_space<vmem>> -> memref<128xi32, #tpu.memory_space<vmem>>
          %dma_start3A_168 = arith.constant 0 : i32
          %dma_start3A_169 = arith.constant 0 : i32
          %dma_start3A_170 = tpu.memref_slice %arg12[%dma_start3A_168, %dma_start3A_169] : memref<10112x128xf32, #tpu.memory_space<vmem_shared>> -> memref<10112x128xf32, #tpu.memory_space<vmem_shared>>
          tpu.enqueue_indirect_dma source(%arg11 : memref<128x128xf32, #tpu.memory_space<vmem>>) target(%dma_start3A_170 : memref<10112x128xf32, #tpu.memory_space<vmem_shared>>) offsets(%dma_start3A_167 : memref<128xi32, #tpu.memory_space<vmem>>) semaphore(%run_scoped3A_164 : memref<!tpu.dma_semaphore, #tpu.memory_space<semaphore_mem>>) {add = true}
          %dma_wait3A_171 = arith.constant 0 : i32
          %dma_wait3A_172 = tpu.memref_slice %arg9[%run_scoped3A_79, %dma_wait3A_171] : memref<8x128xi32, #tpu.memory_space<vmem>> -> memref<1x128xi32, #tpu.memory_space<vmem>>
          %dma_wait3A_173 = tpu.memref_squeeze %dma_wait3A_172 : memref<1x128xi32, #tpu.memory_space<vmem>> -> memref<128xi32, #tpu.memory_space<vmem>>
          %dma_wait3A_174 = arith.constant 0 : i32
          %dma_wait3A_175 = arith.constant 0 : i32
          %dma_wait3A_176 = tpu.memref_slice %arg12[%dma_wait3A_174, %dma_wait3A_175] : memref<10112x128xf32, #tpu.memory_space<vmem_shared>> -> memref<10112x128xf32, #tpu.memory_space<vmem_shared>>
          tpu.wait_indirect_dma semaphore(%run_scoped3A_164 : memref<!tpu.dma_semaphore, #tpu.memory_space<semaphore_mem>>) src(%arg11 : memref<128x128xf32, #tpu.memory_space<vmem>>) dst(%dma_wait3A_176 : memref<10112x128xf32, #tpu.memory_space<vmem_shared>>)
          tpu.yield
        }) : () -> ()
        %dma_start3A_80 = arith.constant 3 : i32
        %dma_start3A_81 = arith.constant 0 : i32
        %dma_start3A_82 = tpu.memref_slice %arg8[%dma_start3A_80, %dma_start3A_81] : memref<8x128xi32, #tpu.memory_space<vmem>> -> memref<1x128xi32, #tpu.memory_space<vmem>>
        %dma_start3A_83 = tpu.memref_squeeze %dma_start3A_82 : memref<1x128xi32, #tpu.memory_space<vmem>> -> memref<128xi32, #tpu.memory_space<vmem>>
        %dma_start3A_84 = arith.constant 0 : i32
        %dma_start3A_85 = arith.constant 0 : i32
        %dma_start3A_86 = tpu.memref_slice %arg3[%dma_start3A_84, %dma_start3A_85] : memref<10000x128xf32, #tpu.memory_space<hbm>> -> memref<10000x128xf32, #tpu.memory_space<hbm>>
        tpu.enqueue_indirect_dma source(%dma_start3A_86 : memref<10000x128xf32, #tpu.memory_space<hbm>>) target(%arg11 : memref<128x128xf32, #tpu.memory_space<vmem>>) offsets(%dma_start3A_83 : memref<128xi32, #tpu.memory_space<vmem>>) semaphore(%arg14 : memref<!tpu.dma_semaphore, #tpu.memory_space<semaphore_mem>>)
        %dma_wait3A_87 = arith.constant 2 : i32
        %dma_wait3A_88 = arith.constant 0 : i32
        %dma_wait3A_89 = tpu.memref_slice %arg8[%dma_wait3A_87, %dma_wait3A_88] : memref<8x128xi32, #tpu.memory_space<vmem>> -> memref<1x128xi32, #tpu.memory_space<vmem>>
        %dma_wait3A_90 = tpu.memref_squeeze %dma_wait3A_89 : memref<1x128xi32, #tpu.memory_space<vmem>> -> memref<128xi32, #tpu.memory_space<vmem>>
        %dma_wait3A_91 = arith.constant 0 : i32
        %dma_wait3A_92 = arith.constant 0 : i32
        %dma_wait3A_93 = tpu.memref_slice %arg3[%dma_wait3A_91, %dma_wait3A_92] : memref<10000x128xf32, #tpu.memory_space<hbm>> -> memref<10000x128xf32, #tpu.memory_space<hbm>>
        tpu.wait_indirect_dma semaphore(%arg13 : memref<!tpu.dma_semaphore, #tpu.memory_space<semaphore_mem>>) src(%dma_wait3A_93 : memref<10000x128xf32, #tpu.memory_space<hbm>>) dst(%arg10 : memref<128x128xf32, #tpu.memory_space<vmem>>)
        %run_scoped3A_94 = arith.constant 2 : i32
        "tpu.region"() ({
          %run_scoped3A_164 = tpu.sem_alloc : memref<!tpu.dma_semaphore, #tpu.memory_space<semaphore_mem>>
          %dma_start3A_165 = arith.constant 0 : i32
          %dma_start3A_166 = tpu.memref_slice %arg9[%run_scoped3A_94, %dma_start3A_165] : memref<8x128xi32, #tpu.memory_space<vmem>> -> memref<1x128xi32, #tpu.memory_space<vmem>>
          %dma_start3A_167 = tpu.memref_squeeze %dma_start3A_166 : memref<1x128xi32, #tpu.memory_space<vmem>> -> memref<128xi32, #tpu.memory_space<vmem>>
          %dma_start3A_168 = arith.constant 0 : i32
          %dma_start3A_169 = arith.constant 0 : i32
          %dma_start3A_170 = tpu.memref_slice %arg12[%dma_start3A_168, %dma_start3A_169] : memref<10112x128xf32, #tpu.memory_space<vmem_shared>> -> memref<10112x128xf32, #tpu.memory_space<vmem_shared>>
          tpu.enqueue_indirect_dma source(%arg10 : memref<128x128xf32, #tpu.memory_space<vmem>>) target(%dma_start3A_170 : memref<10112x128xf32, #tpu.memory_space<vmem_shared>>) offsets(%dma_start3A_167 : memref<128xi32, #tpu.memory_space<vmem>>) semaphore(%run_scoped3A_164 : memref<!tpu.dma_semaphore, #tpu.memory_space<semaphore_mem>>) {add = true}
          %dma_wait3A_171 = arith.constant 0 : i32
          %dma_wait3A_172 = tpu.memref_slice %arg9[%run_scoped3A_94, %dma_wait3A_171] : memref<8x128xi32, #tpu.memory_space<vmem>> -> memref<1x128xi32, #tpu.memory_space<vmem>>
          %dma_wait3A_173 = tpu.memref_squeeze %dma_wait3A_172 : memref<1x128xi32, #tpu.memory_space<vmem>> -> memref<128xi32, #tpu.memory_space<vmem>>
          %dma_wait3A_174 = arith.constant 0 : i32
          %dma_wait3A_175 = arith.constant 0 : i32
          %dma_wait3A_176 = tpu.memref_slice %arg12[%dma_wait3A_174, %dma_wait3A_175] : memref<10112x128xf32, #tpu.memory_space<vmem_shared>> -> memref<10112x128xf32, #tpu.memory_space<vmem_shared>>
          tpu.wait_indirect_dma semaphore(%run_scoped3A_164 : memref<!tpu.dma_semaphore, #tpu.memory_space<semaphore_mem>>) src(%arg10 : memref<128x128xf32, #tpu.memory_space<vmem>>) dst(%dma_wait3A_176 : memref<10112x128xf32, #tpu.memory_space<vmem_shared>>)
          tpu.yield
        }) : () -> ()
        %dma_start3A_95 = arith.constant 4 : i32
        %dma_start3A_96 = arith.constant 0 : i32
        %dma_start3A_97 = tpu.memref_slice %arg8[%dma_start3A_95, %dma_start3A_96] : memref<8x128xi32, #tpu.memory_space<vmem>> -> memref<1x128xi32, #tpu.memory_space<vmem>>
        %dma_start3A_98 = tpu.memref_squeeze %dma_start3A_97 : memref<1x128xi32, #tpu.memory_space<vmem>> -> memref<128xi32, #tpu.memory_space<vmem>>
        %dma_start3A_99 = arith.constant 0 : i32
        %dma_start3A_100 = arith.constant 0 : i32
        %dma_start3A_101 = tpu.memref_slice %arg3[%dma_start3A_99, %dma_start3A_100] : memref<10000x128xf32, #tpu.memory_space<hbm>> -> memref<10000x128xf32, #tpu.memory_space<hbm>>
        tpu.enqueue_indirect_dma source(%dma_start3A_101 : memref<10000x128xf32, #tpu.memory_space<hbm>>) target(%arg10 : memref<128x128xf32, #tpu.memory_space<vmem>>) offsets(%dma_start3A_98 : memref<128xi32, #tpu.memory_space<vmem>>) semaphore(%arg13 : memref<!tpu.dma_semaphore, #tpu.memory_space<semaphore_mem>>)
        %dma_wait3A_102 = arith.constant 3 : i32
        %dma_wait3A_103 = arith.constant 0 : i32
        %dma_wait3A_104 = tpu.memref_slice %arg8[%dma_wait3A_102, %dma_wait3A_103] : memref<8x128xi32, #tpu.memory_space<vmem>> -> memref<1x128xi32, #tpu.memory_space<vmem>>
        %dma_wait3A_105 = tpu.memref_squeeze %dma_wait3A_104 : memref<1x128xi32, #tpu.memory_space<vmem>> -> memref<128xi32, #tpu.memory_space<vmem>>
        %dma_wait3A_106 = arith.constant 0 : i32
        %dma_wait3A_107 = arith.constant 0 : i32
        %dma_wait3A_108 = tpu.memref_slice %arg3[%dma_wait3A_106, %dma_wait3A_107] : memref<10000x128xf32, #tpu.memory_space<hbm>> -> memref<10000x128xf32, #tpu.memory_space<hbm>>
        tpu.wait_indirect_dma semaphore(%arg14 : memref<!tpu.dma_semaphore, #tpu.memory_space<semaphore_mem>>) src(%dma_wait3A_108 : memref<10000x128xf32, #tpu.memory_space<hbm>>) dst(%arg11 : memref<128x128xf32, #tpu.memory_space<vmem>>)
        %run_scoped3A_109 = arith.constant 3 : i32
        "tpu.region"() ({
          %run_scoped3A_164 = tpu.sem_alloc : memref<!tpu.dma_semaphore, #tpu.memory_space<semaphore_mem>>
          %dma_start3A_165 = arith.constant 0 : i32
          %dma_start3A_166 = tpu.memref_slice %arg9[%run_scoped3A_109, %dma_start3A_165] : memref<8x128xi32, #tpu.memory_space<vmem>> -> memref<1x128xi32, #tpu.memory_space<vmem>>
          %dma_start3A_167 = tpu.memref_squeeze %dma_start3A_166 : memref<1x128xi32, #tpu.memory_space<vmem>> -> memref<128xi32, #tpu.memory_space<vmem>>
          %dma_start3A_168 = arith.constant 0 : i32
          %dma_start3A_169 = arith.constant 0 : i32
          %dma_start3A_170 = tpu.memref_slice %arg12[%dma_start3A_168, %dma_start3A_169] : memref<10112x128xf32, #tpu.memory_space<vmem_shared>> -> memref<10112x128xf32, #tpu.memory_space<vmem_shared>>
          tpu.enqueue_indirect_dma source(%arg11 : memref<128x128xf32, #tpu.memory_space<vmem>>) target(%dma_start3A_170 : memref<10112x128xf32, #tpu.memory_space<vmem_shared>>) offsets(%dma_start3A_167 : memref<128xi32, #tpu.memory_space<vmem>>) semaphore(%run_scoped3A_164 : memref<!tpu.dma_semaphore, #tpu.memory_space<semaphore_mem>>) {add = true}
          %dma_wait3A_171 = arith.constant 0 : i32
          %dma_wait3A_172 = tpu.memref_slice %arg9[%run_scoped3A_109, %dma_wait3A_171] : memref<8x128xi32, #tpu.memory_space<vmem>> -> memref<1x128xi32, #tpu.memory_space<vmem>>
          %dma_wait3A_173 = tpu.memref_squeeze %dma_wait3A_172 : memref<1x128xi32, #tpu.memory_space<vmem>> -> memref<128xi32, #tpu.memory_space<vmem>>
          %dma_wait3A_174 = arith.constant 0 : i32
          %dma_wait3A_175 = arith.constant 0 : i32
          %dma_wait3A_176 = tpu.memref_slice %arg12[%dma_wait3A_174, %dma_wait3A_175] : memref<10112x128xf32, #tpu.memory_space<vmem_shared>> -> memref<10112x128xf32, #tpu.memory_space<vmem_shared>>
          tpu.wait_indirect_dma semaphore(%run_scoped3A_164 : memref<!tpu.dma_semaphore, #tpu.memory_space<semaphore_mem>>) src(%arg11 : memref<128x128xf32, #tpu.memory_space<vmem>>) dst(%dma_wait3A_176 : memref<10112x128xf32, #tpu.memory_space<vmem_shared>>)
          tpu.yield
        }) : () -> ()
        %dma_start3A_110 = arith.constant 5 : i32
        %dma_start3A_111 = arith.constant 0 : i32
        %dma_start3A_112 = tpu.memref_slice %arg8[%dma_start3A_110, %dma_start3A_111] : memref<8x128xi32, #tpu.memory_space<vmem>> -> memref<1x128xi32, #tpu.memory_space<vmem>>
        %dma_start3A_113 = tpu.memref_squeeze %dma_start3A_112 : memref<1x128xi32, #tpu.memory_space<vmem>> -> memref<128xi32, #tpu.memory_space<vmem>>
        %dma_start3A_114 = arith.constant 0 : i32
        %dma_start3A_115 = arith.constant 0 : i32
        %dma_start3A_116 = tpu.memref_slice %arg3[%dma_start3A_114, %dma_start3A_115] : memref<10000x128xf32, #tpu.memory_space<hbm>> -> memref<10000x128xf32, #tpu.memory_space<hbm>>
        tpu.enqueue_indirect_dma source(%dma_start3A_116 : memref<10000x128xf32, #tpu.memory_space<hbm>>) target(%arg11 : memref<128x128xf32, #tpu.memory_space<vmem>>) offsets(%dma_start3A_113 : memref<128xi32, #tpu.memory_space<vmem>>) semaphore(%arg14 : memref<!tpu.dma_semaphore, #tpu.memory_space<semaphore_mem>>)
        %dma_wait3A_117 = arith.constant 4 : i32
        %dma_wait3A_118 = arith.constant 0 : i32
        %dma_wait3A_119 = tpu.memref_slice %arg8[%dma_wait3A_117, %dma_wait3A_118] : memref<8x128xi32, #tpu.memory_space<vmem>> -> memref<1x128xi32, #tpu.memory_space<vmem>>
        %dma_wait3A_120 = tpu.memref_squeeze %dma_wait3A_119 : memref<1x128xi32, #tpu.memory_space<vmem>> -> memref<128xi32, #tpu.memory_space<vmem>>
        %dma_wait3A_121 = arith.constant 0 : i32
        %dma_wait3A_122 = arith.constant 0 : i32
        %dma_wait3A_123 = tpu.memref_slice %arg3[%dma_wait3A_121, %dma_wait3A_122] : memref<10000x128xf32, #tpu.memory_space<hbm>> -> memref<10000x128xf32, #tpu.memory_space<hbm>>
        tpu.wait_indirect_dma semaphore(%arg13 : memref<!tpu.dma_semaphore, #tpu.memory_space<semaphore_mem>>) src(%dma_wait3A_123 : memref<10000x128xf32, #tpu.memory_space<hbm>>) dst(%arg10 : memref<128x128xf32, #tpu.memory_space<vmem>>)
        %run_scoped3A_124 = arith.constant 4 : i32
        "tpu.region"() ({
          %run_scoped3A_164 = tpu.sem_alloc : memref<!tpu.dma_semaphore, #tpu.memory_space<semaphore_mem>>
          %dma_start3A_165 = arith.constant 0 : i32
          %dma_start3A_166 = tpu.memref_slice %arg9[%run_scoped3A_124, %dma_start3A_165] : memref<8x128xi32, #tpu.memory_space<vmem>> -> memref<1x128xi32, #tpu.memory_space<vmem>>
          %dma_start3A_167 = tpu.memref_squeeze %dma_start3A_166 : memref<1x128xi32, #tpu.memory_space<vmem>> -> memref<128xi32, #tpu.memory_space<vmem>>
          %dma_start3A_168 = arith.constant 0 : i32
          %dma_start3A_169 = arith.constant 0 : i32
          %dma_start3A_170 = tpu.memref_slice %arg12[%dma_start3A_168, %dma_start3A_169] : memref<10112x128xf32, #tpu.memory_space<vmem_shared>> -> memref<10112x128xf32, #tpu.memory_space<vmem_shared>>
          tpu.enqueue_indirect_dma source(%arg10 : memref<128x128xf32, #tpu.memory_space<vmem>>) target(%dma_start3A_170 : memref<10112x128xf32, #tpu.memory_space<vmem_shared>>) offsets(%dma_start3A_167 : memref<128xi32, #tpu.memory_space<vmem>>) semaphore(%run_scoped3A_164 : memref<!tpu.dma_semaphore, #tpu.memory_space<semaphore_mem>>) {add = true}
          %dma_wait3A_171 = arith.constant 0 : i32
          %dma_wait3A_172 = tpu.memref_slice %arg9[%run_scoped3A_124, %dma_wait3A_171] : memref<8x128xi32, #tpu.memory_space<vmem>> -> memref<1x128xi32, #tpu.memory_space<vmem>>
          %dma_wait3A_173 = tpu.memref_squeeze %dma_wait3A_172 : memref<1x128xi32, #tpu.memory_space<vmem>> -> memref<128xi32, #tpu.memory_space<vmem>>
          %dma_wait3A_174 = arith.constant 0 : i32
          %dma_wait3A_175 = arith.constant 0 : i32
          %dma_wait3A_176 = tpu.memref_slice %arg12[%dma_wait3A_174, %dma_wait3A_175] : memref<10112x128xf32, #tpu.memory_space<vmem_shared>> -> memref<10112x128xf32, #tpu.memory_space<vmem_shared>>
          tpu.wait_indirect_dma semaphore(%run_scoped3A_164 : memref<!tpu.dma_semaphore, #tpu.memory_space<semaphore_mem>>) src(%arg10 : memref<128x128xf32, #tpu.memory_space<vmem>>) dst(%dma_wait3A_176 : memref<10112x128xf32, #tpu.memory_space<vmem_shared>>)
          tpu.yield
        }) : () -> ()
        %dma_start3A_125 = arith.constant 6 : i32
        %dma_start3A_126 = arith.constant 0 : i32
        %dma_start3A_127 = tpu.memref_slice %arg8[%dma_start3A_125, %dma_start3A_126] : memref<8x128xi32, #tpu.memory_space<vmem>> -> memref<1x128xi32, #tpu.memory_space<vmem>>
        %dma_start3A_128 = tpu.memref_squeeze %dma_start3A_127 : memref<1x128xi32, #tpu.memory_space<vmem>> -> memref<128xi32, #tpu.memory_space<vmem>>
        %dma_start3A_129 = arith.constant 0 : i32
        %dma_start3A_130 = arith.constant 0 : i32
        %dma_start3A_131 = tpu.memref_slice %arg3[%dma_start3A_129, %dma_start3A_130] : memref<10000x128xf32, #tpu.memory_space<hbm>> -> memref<10000x128xf32, #tpu.memory_space<hbm>>
        tpu.enqueue_indirect_dma source(%dma_start3A_131 : memref<10000x128xf32, #tpu.memory_space<hbm>>) target(%arg10 : memref<128x128xf32, #tpu.memory_space<vmem>>) offsets(%dma_start3A_128 : memref<128xi32, #tpu.memory_space<vmem>>) semaphore(%arg13 : memref<!tpu.dma_semaphore, #tpu.memory_space<semaphore_mem>>)
        %dma_wait3A_132 = arith.constant 5 : i32
        %dma_wait3A_133 = arith.constant 0 : i32
        %dma_wait3A_134 = tpu.memref_slice %arg8[%dma_wait3A_132, %dma_wait3A_133] : memref<8x128xi32, #tpu.memory_space<vmem>> -> memref<1x128xi32, #tpu.memory_space<vmem>>
        %dma_wait3A_135 = tpu.memref_squeeze %dma_wait3A_134 : memref<1x128xi32, #tpu.memory_space<vmem>> -> memref<128xi32, #tpu.memory_space<vmem>>
        %dma_wait3A_136 = arith.constant 0 : i32
        %dma_wait3A_137 = arith.constant 0 : i32
        %dma_wait3A_138 = tpu.memref_slice %arg3[%dma_wait3A_136, %dma_wait3A_137] : memref<10000x128xf32, #tpu.memory_space<hbm>> -> memref<10000x128xf32, #tpu.memory_space<hbm>>
        tpu.wait_indirect_dma semaphore(%arg14 : memref<!tpu.dma_semaphore, #tpu.memory_space<semaphore_mem>>) src(%dma_wait3A_138 : memref<10000x128xf32, #tpu.memory_space<hbm>>) dst(%arg11 : memref<128x128xf32, #tpu.memory_space<vmem>>)
        %run_scoped3A_139 = arith.constant 5 : i32
        "tpu.region"() ({
          %run_scoped3A_164 = tpu.sem_alloc : memref<!tpu.dma_semaphore, #tpu.memory_space<semaphore_mem>>
          %dma_start3A_165 = arith.constant 0 : i32
          %dma_start3A_166 = tpu.memref_slice %arg9[%run_scoped3A_139, %dma_start3A_165] : memref<8x128xi32, #tpu.memory_space<vmem>> -> memref<1x128xi32, #tpu.memory_space<vmem>>
          %dma_start3A_167 = tpu.memref_squeeze %dma_start3A_166 : memref<1x128xi32, #tpu.memory_space<vmem>> -> memref<128xi32, #tpu.memory_space<vmem>>
          %dma_start3A_168 = arith.constant 0 : i32
          %dma_start3A_169 = arith.constant 0 : i32
          %dma_start3A_170 = tpu.memref_slice %arg12[%dma_start3A_168, %dma_start3A_169] : memref<10112x128xf32, #tpu.memory_space<vmem_shared>> -> memref<10112x128xf32, #tpu.memory_space<vmem_shared>>
          tpu.enqueue_indirect_dma source(%arg11 : memref<128x128xf32, #tpu.memory_space<vmem>>) target(%dma_start3A_170 : memref<10112x128xf32, #tpu.memory_space<vmem_shared>>) offsets(%dma_start3A_167 : memref<128xi32, #tpu.memory_space<vmem>>) semaphore(%run_scoped3A_164 : memref<!tpu.dma_semaphore, #tpu.memory_space<semaphore_mem>>) {add = true}
          %dma_wait3A_171 = arith.constant 0 : i32
          %dma_wait3A_172 = tpu.memref_slice %arg9[%run_scoped3A_139, %dma_wait3A_171] : memref<8x128xi32, #tpu.memory_space<vmem>> -> memref<1x128xi32, #tpu.memory_space<vmem>>
          %dma_wait3A_173 = tpu.memref_squeeze %dma_wait3A_172 : memref<1x128xi32, #tpu.memory_space<vmem>> -> memref<128xi32, #tpu.memory_space<vmem>>
          %dma_wait3A_174 = arith.constant 0 : i32
          %dma_wait3A_175 = arith.constant 0 : i32
          %dma_wait3A_176 = tpu.memref_slice %arg12[%dma_wait3A_174, %dma_wait3A_175] : memref<10112x128xf32, #tpu.memory_space<vmem_shared>> -> memref<10112x128xf32, #tpu.memory_space<vmem_shared>>
          tpu.wait_indirect_dma semaphore(%run_scoped3A_164 : memref<!tpu.dma_semaphore, #tpu.memory_space<semaphore_mem>>) src(%arg11 : memref<128x128xf32, #tpu.memory_space<vmem>>) dst(%dma_wait3A_176 : memref<10112x128xf32, #tpu.memory_space<vmem_shared>>)
          tpu.yield
        }) : () -> ()
        %dma_start3A_140 = arith.constant 7 : i32
        %dma_start3A_141 = arith.constant 0 : i32
        %dma_start3A_142 = tpu.memref_slice %arg8[%dma_start3A_140, %dma_start3A_141] : memref<8x128xi32, #tpu.memory_space<vmem>> -> memref<1x128xi32, #tpu.memory_space<vmem>>
        %dma_start3A_143 = tpu.memref_squeeze %dma_start3A_142 : memref<1x128xi32, #tpu.memory_space<vmem>> -> memref<128xi32, #tpu.memory_space<vmem>>
        %dma_start3A_144 = arith.constant 0 : i32
        %dma_start3A_145 = arith.constant 0 : i32
        %dma_start3A_146 = tpu.memref_slice %arg3[%dma_start3A_144, %dma_start3A_145] : memref<10000x128xf32, #tpu.memory_space<hbm>> -> memref<10000x128xf32, #tpu.memory_space<hbm>>
        tpu.enqueue_indirect_dma source(%dma_start3A_146 : memref<10000x128xf32, #tpu.memory_space<hbm>>) target(%arg11 : memref<128x128xf32, #tpu.memory_space<vmem>>) offsets(%dma_start3A_143 : memref<128xi32, #tpu.memory_space<vmem>>) semaphore(%arg14 : memref<!tpu.dma_semaphore, #tpu.memory_space<semaphore_mem>>)
        %dma_wait3A_147 = arith.constant 6 : i32
        %dma_wait3A_148 = arith.constant 0 : i32
        %dma_wait3A_149 = tpu.memref_slice %arg8[%dma_wait3A_147, %dma_wait3A_148] : memref<8x128xi32, #tpu.memory_space<vmem>> -> memref<1x128xi32, #tpu.memory_space<vmem>>
        %dma_wait3A_150 = tpu.memref_squeeze %dma_wait3A_149 : memref<1x128xi32, #tpu.memory_space<vmem>> -> memref<128xi32, #tpu.memory_space<vmem>>
        %dma_wait3A_151 = arith.constant 0 : i32
        %dma_wait3A_152 = arith.constant 0 : i32
        %dma_wait3A_153 = tpu.memref_slice %arg3[%dma_wait3A_151, %dma_wait3A_152] : memref<10000x128xf32, #tpu.memory_space<hbm>> -> memref<10000x128xf32, #tpu.memory_space<hbm>>
        tpu.wait_indirect_dma semaphore(%arg13 : memref<!tpu.dma_semaphore, #tpu.memory_space<semaphore_mem>>) src(%dma_wait3A_153 : memref<10000x128xf32, #tpu.memory_space<hbm>>) dst(%arg10 : memref<128x128xf32, #tpu.memory_space<vmem>>)
        %run_scoped3A_154 = arith.constant 6 : i32
        "tpu.region"() ({
          %run_scoped3A_164 = tpu.sem_alloc : memref<!tpu.dma_semaphore, #tpu.memory_space<semaphore_mem>>
          %dma_start3A_165 = arith.constant 0 : i32
          %dma_start3A_166 = tpu.memref_slice %arg9[%run_scoped3A_154, %dma_start3A_165] : memref<8x128xi32, #tpu.memory_space<vmem>> -> memref<1x128xi32, #tpu.memory_space<vmem>>
          %dma_start3A_167 = tpu.memref_squeeze %dma_start3A_166 : memref<1x128xi32, #tpu.memory_space<vmem>> -> memref<128xi32, #tpu.memory_space<vmem>>
          %dma_start3A_168 = arith.constant 0 : i32
          %dma_start3A_169 = arith.constant 0 : i32
          %dma_start3A_170 = tpu.memref_slice %arg12[%dma_start3A_168, %dma_start3A_169] : memref<10112x128xf32, #tpu.memory_space<vmem_shared>> -> memref<10112x128xf32, #tpu.memory_space<vmem_shared>>
          tpu.enqueue_indirect_dma source(%arg10 : memref<128x128xf32, #tpu.memory_space<vmem>>) target(%dma_start3A_170 : memref<10112x128xf32, #tpu.memory_space<vmem_shared>>) offsets(%dma_start3A_167 : memref<128xi32, #tpu.memory_space<vmem>>) semaphore(%run_scoped3A_164 : memref<!tpu.dma_semaphore, #tpu.memory_space<semaphore_mem>>) {add = true}
          %dma_wait3A_171 = arith.constant 0 : i32
          %dma_wait3A_172 = tpu.memref_slice %arg9[%run_scoped3A_154, %dma_wait3A_171] : memref<8x128xi32, #tpu.memory_space<vmem>> -> memref<1x128xi32, #tpu.memory_space<vmem>>
          %dma_wait3A_173 = tpu.memref_squeeze %dma_wait3A_172 : memref<1x128xi32, #tpu.memory_space<vmem>> -> memref<128xi32, #tpu.memory_space<vmem>>
          %dma_wait3A_174 = arith.constant 0 : i32
          %dma_wait3A_175 = arith.constant 0 : i32
          %dma_wait3A_176 = tpu.memref_slice %arg12[%dma_wait3A_174, %dma_wait3A_175] : memref<10112x128xf32, #tpu.memory_space<vmem_shared>> -> memref<10112x128xf32, #tpu.memory_space<vmem_shared>>
          tpu.wait_indirect_dma semaphore(%run_scoped3A_164 : memref<!tpu.dma_semaphore, #tpu.memory_space<semaphore_mem>>) src(%arg10 : memref<128x128xf32, #tpu.memory_space<vmem>>) dst(%dma_wait3A_176 : memref<10112x128xf32, #tpu.memory_space<vmem_shared>>)
          tpu.yield
        }) : () -> ()
        %dma_wait3A_155 = arith.constant 7 : i32
        %dma_wait3A_156 = arith.constant 0 : i32
        %dma_wait3A_157 = tpu.memref_slice %arg8[%dma_wait3A_155, %dma_wait3A_156] : memref<8x128xi32, #tpu.memory_space<vmem>> -> memref<1x128xi32, #tpu.memory_space<vmem>>
        %dma_wait3A_158 = tpu.memref_squeeze %dma_wait3A_157 : memref<1x128xi32, #tpu.memory_space<vmem>> -> memref<128xi32, #tpu.memory_space<vmem>>
        %dma_wait3A_159 = arith.constant 0 : i32
        %dma_wait3A_160 = arith.constant 0 : i32
        %dma_wait3A_161 = tpu.memref_slice %arg3[%dma_wait3A_159, %dma_wait3A_160] : memref<10000x128xf32, #tpu.memory_space<hbm>> -> memref<10000x128xf32, #tpu.memory_space<hbm>>
        tpu.wait_indirect_dma semaphore(%arg14 : memref<!tpu.dma_semaphore, #tpu.memory_space<semaphore_mem>>) src(%dma_wait3A_161 : memref<10000x128xf32, #tpu.memory_space<hbm>>) dst(%arg11 : memref<128x128xf32, #tpu.memory_space<vmem>>)
        %run_scoped3A_162 = arith.constant 7 : i32
        "tpu.region"() ({
          %run_scoped3A_164 = tpu.sem_alloc : memref<!tpu.dma_semaphore, #tpu.memory_space<semaphore_mem>>
          %dma_start3A_165 = arith.constant 0 : i32
          %dma_start3A_166 = tpu.memref_slice %arg9[%run_scoped3A_162, %dma_start3A_165] : memref<8x128xi32, #tpu.memory_space<vmem>> -> memref<1x128xi32, #tpu.memory_space<vmem>>
          %dma_start3A_167 = tpu.memref_squeeze %dma_start3A_166 : memref<1x128xi32, #tpu.memory_space<vmem>> -> memref<128xi32, #tpu.memory_space<vmem>>
          %dma_start3A_168 = arith.constant 0 : i32
          %dma_start3A_169 = arith.constant 0 : i32
          %dma_start3A_170 = tpu.memref_slice %arg12[%dma_start3A_168, %dma_start3A_169] : memref<10112x128xf32, #tpu.memory_space<vmem_shared>> -> memref<10112x128xf32, #tpu.memory_space<vmem_shared>>
          tpu.enqueue_indirect_dma source(%arg11 : memref<128x128xf32, #tpu.memory_space<vmem>>) target(%dma_start3A_170 : memref<10112x128xf32, #tpu.memory_space<vmem_shared>>) offsets(%dma_start3A_167 : memref<128xi32, #tpu.memory_space<vmem>>) semaphore(%run_scoped3A_164 : memref<!tpu.dma_semaphore, #tpu.memory_space<semaphore_mem>>) {add = true}
          %dma_wait3A_171 = arith.constant 0 : i32
          %dma_wait3A_172 = tpu.memref_slice %arg9[%run_scoped3A_162, %dma_wait3A_171] : memref<8x128xi32, #tpu.memory_space<vmem>> -> memref<1x128xi32, #tpu.memory_space<vmem>>
          %dma_wait3A_173 = tpu.memref_squeeze %dma_wait3A_172 : memref<1x128xi32, #tpu.memory_space<vmem>> -> memref<128xi32, #tpu.memory_space<vmem>>
          %dma_wait3A_174 = arith.constant 0 : i32
          %dma_wait3A_175 = arith.constant 0 : i32
          %dma_wait3A_176 = tpu.memref_slice %arg12[%dma_wait3A_174, %dma_wait3A_175] : memref<10112x128xf32, #tpu.memory_space<vmem_shared>> -> memref<10112x128xf32, #tpu.memory_space<vmem_shared>>
          tpu.wait_indirect_dma semaphore(%run_scoped3A_164 : memref<!tpu.dma_semaphore, #tpu.memory_space<semaphore_mem>>) src(%arg11 : memref<128x128xf32, #tpu.memory_space<vmem>>) dst(%dma_wait3A_176 : memref<10112x128xf32, #tpu.memory_space<vmem_shared>>)
          tpu.yield
        }) : () -> ()
        %scan3A_163 = arith.constant 0 : i32
        scf.yield %scan3A_163 : i32
      }
      %scan3A_39 = arith.constant 10 : i32
    } else {
    }
    %barrier3A_21 = arith.constant 0 : index
    tpu.barrier barrier_id(%barrier3A_21)
    %mul3A = arith.constant 632 : i32
    %mul3A_22 = arith.muli %arg1, %mul3A : i32
    %eq3A_23 = arith.constant 0 : i32
    %eq3A_24 = arith.cmpi eq, %arg0, %eq3A_23 : i32
    %convert_element_type3A_25 = arith.extui %eq3A_24 : i1 to i32
    %cond3A_26 = arith.constant 0 : i32
    %cond3A_27 = arith.cmpi ne, %convert_element_type3A_25, %cond3A_26 : i32
    scf.if %cond3A_27 {
      "tpu.region"() ({
        %run_scoped3A = tpu.sem_alloc : memref<!tpu.dma_semaphore, #tpu.memory_space<semaphore_mem>>
        %dma_start3A = arith.constant 0 : i32
        %dma_start3A_33 = tpu.memref_slice %arg6[%mul3A_22, %dma_start3A] : memref<10112x128xf32, #tpu.memory_space<hbm>> -> memref<632x128xf32, #tpu.memory_space<hbm>>
        %dma_start3A_34 = arith.constant 0 : i32
        %dma_start3A_35 = tpu.memref_slice %arg12[%mul3A_22, %dma_start3A_34] : memref<10112x128xf32, #tpu.memory_space<vmem_shared>> -> memref<632x128xf32, #tpu.memory_space<vmem_shared>>
        tpu.enqueue_dma source(%dma_start3A_35 : memref<632x128xf32, #tpu.memory_space<vmem_shared>>) target(%dma_start3A_33 : memref<632x128xf32, #tpu.memory_space<hbm>>) target_semaphore(%run_scoped3A : memref<!tpu.dma_semaphore, #tpu.memory_space<semaphore_mem>>)
        %dma_wait3A = arith.constant 0 : i32
        %dma_wait3A_36 = tpu.memref_slice %arg6[%mul3A_22, %dma_wait3A] : memref<10112x128xf32, #tpu.memory_space<hbm>> -> memref<632x128xf32, #tpu.memory_space<hbm>>
        %dma_wait3A_37 = arith.constant 0 : i32
        %dma_wait3A_38 = tpu.memref_slice %arg12[%mul3A_22, %dma_wait3A_37] : memref<10112x128xf32, #tpu.memory_space<vmem_shared>> -> memref<632x128xf32, #tpu.memory_space<vmem_shared>>
        tpu.wait_dma2 semaphore(%run_scoped3A : memref<!tpu.dma_semaphore, #tpu.memory_space<semaphore_mem>>) src(%dma_wait3A_38 : memref<632x128xf32, #tpu.memory_space<vmem_shared>>) dst(%dma_wait3A_36 : memref<632x128xf32, #tpu.memory_space<hbm>>)
        tpu.yield
      }) : () -> ()
    } else {
    }
    %eq3A_28 = arith.constant 1 : i32
    %eq3A_29 = arith.cmpi eq, %arg0, %eq3A_28 : i32
    %convert_element_type3A_30 = arith.extui %eq3A_29 : i1 to i32
    %cond3A_31 = arith.constant 0 : i32
    %cond3A_32 = arith.cmpi ne, %convert_element_type3A_30, %cond3A_31 : i32
    scf.if %cond3A_32 {
      "tpu.region"() ({
        %run_scoped3A = tpu.sem_alloc : memref<!tpu.dma_semaphore, #tpu.memory_space<semaphore_mem>>
        %dma_start3A = arith.constant 0 : i32
        %dma_start3A_33 = tpu.memref_slice %arg7[%mul3A_22, %dma_start3A] : memref<10112x128xf32, #tpu.memory_space<hbm>> -> memref<632x128xf32, #tpu.memory_space<hbm>>
        %dma_start3A_34 = arith.constant 0 : i32
        %dma_start3A_35 = tpu.memref_slice %arg12[%mul3A_22, %dma_start3A_34] : memref<10112x128xf32, #tpu.memory_space<vmem_shared>> -> memref<632x128xf32, #tpu.memory_space<vmem_shared>>
        tpu.enqueue_dma source(%dma_start3A_35 : memref<632x128xf32, #tpu.memory_space<vmem_shared>>) target(%dma_start3A_33 : memref<632x128xf32, #tpu.memory_space<hbm>>) target_semaphore(%run_scoped3A : memref<!tpu.dma_semaphore, #tpu.memory_space<semaphore_mem>>)
        %dma_wait3A = arith.constant 0 : i32
        %dma_wait3A_36 = tpu.memref_slice %arg7[%mul3A_22, %dma_wait3A] : memref<10112x128xf32, #tpu.memory_space<hbm>> -> memref<632x128xf32, #tpu.memory_space<hbm>>
        %dma_wait3A_37 = arith.constant 0 : i32
        %dma_wait3A_38 = tpu.memref_slice %arg12[%mul3A_22, %dma_wait3A_37] : memref<10112x128xf32, #tpu.memory_space<vmem_shared>> -> memref<632x128xf32, #tpu.memory_space<vmem_shared>>
        tpu.wait_dma2 semaphore(%run_scoped3A : memref<!tpu.dma_semaphore, #tpu.memory_space<semaphore_mem>>) src(%dma_wait3A_38 : memref<632x128xf32, #tpu.memory_space<vmem_shared>>) dst(%dma_wait3A_36 : memref<632x128xf32, #tpu.memory_space<hbm>>)
        tpu.yield
      }) : () -> ()
    } else {
    }
    return
  }
}

#map = affine_map<(d0, d1) -> (0, 0)>
module attributes {stable_mosaic.version = 14 : i64} {
  func.func @body(%arg0: i32, %arg1: i32, %arg2: memref<10000x128xf32, #tpu.memory_space<hbm>>, %arg3: memref<10000x128xf32, #tpu.memory_space<hbm>>, %arg4: memref<1280x128xi32, #tpu.memory_space<hbm>>, %arg5: memref<1280x128xi32, #tpu.memory_space<hbm>>, %arg6: memref<10112x128xf32, #tpu.memory_space<hbm>>, %arg7: memref<10112x128xf32, #tpu.memory_space<hbm>>, %arg8: memref<8x128xi32, #tpu.memory_space<vmem>>, %arg9: memref<8x128xi32, #tpu.memory_space<vmem>>, %arg10: memref<128x128xf32, #tpu.memory_space<vmem>>, %arg11: memref<128x128xf32, #tpu.memory_space<vmem>>, %arg12: memref<10112x128xf32, #tpu.memory_space<vmem_shared>>, %arg13: memref<!tpu.dma_semaphore, #tpu.memory_space<semaphore_mem>>, %arg14: memref<!tpu.dma_semaphore, #tpu.memory_space<semaphore_mem>>) attributes {dimension_semantics = [#tpu.dimension_semantics<core_parallel>, #tpu.dimension_semantics<subcore_parallel>], iteration_bounds = array<i64: 2, 16>, scalar_prefetch = 0 : i64, scratch_operands = 7 : i64, tpu.core_type = #tpu.core_type<sc_vector_subcore>, window_params = [{transform_indices = #map}, {transform_indices = #map}, {transform_indices = #map}, {transform_indices = #map}, {transform_indices = #map}, {transform_indices = #map}]} {
    %broadcast_in_dim3A = arith.constant 0.000000e+00 : f32
    %broadcast_in_dim3A_0 = vector.broadcast %broadcast_in_dim3A : f32 to vector<16xf32>
    %scan3A = arith.constant 0 : i32
    %scan3A_1 = arith.constant 0 : i32
    %scan3A_2 = arith.constant 128 : i32
    %scan3A_3 = arith.addi %scan3A_1, %scan3A_2 : i32
    %scan3A_4 = arith.constant 1 : i32
    %scan3A_5 = scf.for %scan3A_33 = %scan3A_1 to %scan3A_3 step %scan3A_4 iter_args(%scan3A_34 = %scan3A) -> (i32)  : i32 {
      %swap3A = arith.index_cast %scan3A_33 : i32 to index
      %swap3A_35 = arith.constant 0 : index
      %swap3A_36 = tpu.vector_load %arg10[%swap3A, %swap3A_35] {strides = array<i32>} : memref<128x128xf32, #tpu.memory_space<vmem>>, vector<1x16xf32>,
      %swap3A_37 = vector.shape_cast %swap3A_36 : vector<1x16xf32> to vector<16xf32>
      %swap3A_38 = vector.shape_cast %broadcast_in_dim3A_0 : vector<16xf32> to vector<1x16xf32>
      tpu.vector_store %arg10[%swap3A, %swap3A_35], %swap3A_38 {strides = array<i32>} : memref<128x128xf32, #tpu.memory_space<vmem>>, vector<1x16xf32>,
      %swap3A_39 = arith.index_cast %scan3A_33 : i32 to index
      %swap3A_40 = arith.constant 16 : index
      %swap3A_41 = tpu.vector_load %arg10[%swap3A_39, %swap3A_40] {strides = array<i32>} : memref<128x128xf32, #tpu.memory_space<vmem>>, vector<1x16xf32>,
      %swap3A_42 = vector.shape_cast %swap3A_41 : vector<1x16xf32> to vector<16xf32>
      %swap3A_43 = vector.shape_cast %broadcast_in_dim3A_0 : vector<16xf32> to vector<1x16xf32>
      tpu.vector_store %arg10[%swap3A_39, %swap3A_40], %swap3A_43 {strides = array<i32>} : memref<128x128xf32, #tpu.memory_space<vmem>>, vector<1x16xf32>,
      %swap3A_44 = arith.index_cast %scan3A_33 : i32 to index
      %swap3A_45 = arith.constant 32 : index
      %swap3A_46 = tpu.vector_load %arg10[%swap3A_44, %swap3A_45] {strides = array<i32>} : memref<128x128xf32, #tpu.memory_space<vmem>>, vector<1x16xf32>,
      %swap3A_47 = vector.shape_cast %swap3A_46 : vector<1x16xf32> to vector<16xf32>
      %swap3A_48 = vector.shape_cast %broadcast_in_dim3A_0 : vector<16xf32> to vector<1x16xf32>
      tpu.vector_store %arg10[%swap3A_44, %swap3A_45], %swap3A_48 {strides = array<i32>} : memref<128x128xf32, #tpu.memory_space<vmem>>, vector<1x16xf32>,
      %swap3A_49 = arith.index_cast %scan3A_33 : i32 to index
      %swap3A_50 = arith.constant 48 : index
      %swap3A_51 = tpu.vector_load %arg10[%swap3A_49, %swap3A_50] {strides = array<i32>} : memref<128x128xf32, #tpu.memory_space<vmem>>, vector<1x16xf32>,
      %swap3A_52 = vector.shape_cast %swap3A_51 : vector<1x16xf32> to vector<16xf32>
      %swap3A_53 = vector.shape_cast %broadcast_in_dim3A_0 : vector<16xf32> to vector<1x16xf32>
      tpu.vector_store %arg10[%swap3A_49, %swap3A_50], %swap3A_53 {strides = array<i32>} : memref<128x128xf32, #tpu.memory_space<vmem>>, vector<1x16xf32>,
      %swap3A_54 = arith.index_cast %scan3A_33 : i32 to index
      %swap3A_55 = arith.constant 64 : index
      %swap3A_56 = tpu.vector_load %arg10[%swap3A_54, %swap3A_55] {strides = array<i32>} : memref<128x128xf32, #tpu.memory_space<vmem>>, vector<1x16xf32>,
      %swap3A_57 = vector.shape_cast %swap3A_56 : vector<1x16xf32> to vector<16xf32>
      %swap3A_58 = vector.shape_cast %broadcast_in_dim3A_0 : vector<16xf32> to vector<1x16xf32>
      tpu.vector_store %arg10[%swap3A_54, %swap3A_55], %swap3A_58 {strides = array<i32>} : memref<128x128xf32, #tpu.memory_space<vmem>>, vector<1x16xf32>,
      %swap3A_59 = arith.index_cast %scan3A_33 : i32 to index
      %swap3A_60 = arith.constant 80 : index
      %swap3A_61 = tpu.vector_load %arg10[%swap3A_59, %swap3A_60] {strides = array<i32>} : memref<128x128xf32, #tpu.memory_space<vmem>>, vector<1x16xf32>,
      %swap3A_62 = vector.shape_cast %swap3A_61 : vector<1x16xf32> to vector<16xf32>
      %swap3A_63 = vector.shape_cast %broadcast_in_dim3A_0 : vector<16xf32> to vector<1x16xf32>
      tpu.vector_store %arg10[%swap3A_59, %swap3A_60], %swap3A_63 {strides = array<i32>} : memref<128x128xf32, #tpu.memory_space<vmem>>, vector<1x16xf32>,
      %swap3A_64 = arith.index_cast %scan3A_33 : i32 to index
      %swap3A_65 = arith.constant 96 : index
      %swap3A_66 = tpu.vector_load %arg10[%swap3A_64, %swap3A_65] {strides = array<i32>} : memref<128x128xf32, #tpu.memory_space<vmem>>, vector<1x16xf32>,
      %swap3A_67 = vector.shape_cast %swap3A_66 : vector<1x16xf32> to vector<16xf32>
      %swap3A_68 = vector.shape_cast %broadcast_in_dim3A_0 : vector<16xf32> to vector<1x16xf32>
      tpu.vector_store %arg10[%swap3A_64, %swap3A_65], %swap3A_68 {strides = array<i32>} : memref<128x128xf32, #tpu.memory_space<vmem>>, vector<1x16xf32>,
      %swap3A_69 = arith.index_cast %scan3A_33 : i32 to index
      %swap3A_70 = arith.constant 112 : index
      %swap3A_71 = tpu.vector_load %arg10[%swap3A_69, %swap3A_70] {strides = array<i32>} : memref<128x128xf32, #tpu.memory_space<vmem>>, vector<1x16xf32>,
      %swap3A_72 = vector.shape_cast %swap3A_71 : vector<1x16xf32> to vector<16xf32>
      %swap3A_73 = vector.shape_cast %broadcast_in_dim3A_0 : vector<16xf32> to vector<1x16xf32>
      tpu.vector_store %arg10[%swap3A_69, %swap3A_70], %swap3A_73 {strides = array<i32>} : memref<128x128xf32, #tpu.memory_space<vmem>>, vector<1x16xf32>,
      %scan3A_74 = arith.constant 0 : i32
      scf.yield %scan3A_74 : i32
    }
    %scan3A_6 = arith.constant 128 : i32
    %scan3A_7 = arith.constant 0 : i32
    %scan3A_8 = arith.constant 0 : i32
    %scan3A_9 = arith.constant 79 : i32
    %scan3A_10 = arith.addi %scan3A_8, %scan3A_9 : i32
    %scan3A_11 = arith.constant 1 : i32
    %scan3A_12 = scf.for %scan3A_33 = %scan3A_8 to %scan3A_10 step %scan3A_11 iter_args(%scan3A_34 = %scan3A_7) -> (i32)  : i32 {
      %mul3A_35 = arith.constant 632 : i32
      %mul3A_36 = arith.muli %arg1, %mul3A_35 : i32
      %mul3A_37 = arith.constant 8 : i32
      %mul3A_38 = arith.muli %scan3A_33, %mul3A_37 : i32
      %add3A = arith.addi %mul3A_36, %mul3A_38 : i32
      "tpu.region"() ({
        %run_scoped3A = tpu.sem_alloc : memref<!tpu.dma_semaphore, #tpu.memory_space<semaphore_mem>>
        %dma_start3A = arith.constant 0 : i32
        %dma_start3A_40 = arith.constant 0 : i32
        %dma_start3A_41 = tpu.memref_slice %arg10[%dma_start3A, %dma_start3A_40] : memref<128x128xf32, #tpu.memory_space<vmem>> -> memref<8x128xf32, #tpu.memory_space<vmem>>
        %dma_start3A_42 = arith.constant 0 : i32
        %dma_start3A_43 = tpu.memref_slice %arg12[%add3A, %dma_start3A_42] : memref<10112x128xf32, #tpu.memory_space<vmem_shared>> -> memref<8x128xf32, #tpu.memory_space<vmem_shared>>
        %dma_start3A_44 = arith.constant 0 : i32
        %dma_start3A_45 = tpu.memref_slice %arg12[%add3A, %dma_start3A_44] : memref<10112x128xf32, #tpu.memory_space<vmem_shared>> -> memref<8x128xf32, #tpu.memory_space<vmem_shared>>
        %dma_start3A_46 = arith.constant 0 : i32
        %dma_start3A_47 = arith.constant 0 : i32
        %dma_start3A_48 = tpu.memref_slice %arg10[%dma_start3A_46, %dma_start3A_47] : memref<128x128xf32, #tpu.memory_space<vmem>> -> memref<8x128xf32, #tpu.memory_space<vmem>>
        tpu.enqueue_dma source(%dma_start3A_48 : memref<8x128xf32, #tpu.memory_space<vmem>>) target(%dma_start3A_45 : memref<8x128xf32, #tpu.memory_space<vmem_shared>>) target_semaphore(%run_scoped3A : memref<!tpu.dma_semaphore, #tpu.memory_space<semaphore_mem>>)
        %dma_wait3A = arith.constant 0 : i32
        %dma_wait3A_49 = arith.constant 0 : i32
        %dma_wait3A_50 = tpu.memref_slice %arg10[%dma_wait3A, %dma_wait3A_49] : memref<128x128xf32, #tpu.memory_space<vmem>> -> memref<8x128xf32, #tpu.memory_space<vmem>>
        %dma_wait3A_51 = arith.constant 0 : i32
        %dma_wait3A_52 = tpu.memref_slice %arg12[%add3A, %dma_wait3A_51] : memref<10112x128xf32, #tpu.memory_space<vmem_shared>> -> memref<8x128xf32, #tpu.memory_space<vmem_shared>>
        %dma_wait3A_53 = arith.constant 0 : i32
        %dma_wait3A_54 = tpu.memref_slice %arg12[%add3A, %dma_wait3A_53] : memref<10112x128xf32, #tpu.memory_space<vmem_shared>> -> memref<8x128xf32, #tpu.memory_space<vmem_shared>>
        %dma_wait3A_55 = arith.constant 0 : i32
        %dma_wait3A_56 = arith.constant 0 : i32
        %dma_wait3A_57 = tpu.memref_slice %arg10[%dma_wait3A_55, %dma_wait3A_56] : memref<128x128xf32, #tpu.memory_space<vmem>> -> memref<8x128xf32, #tpu.memory_space<vmem>>
        tpu.wait_dma2 semaphore(%run_scoped3A : memref<!tpu.dma_semaphore, #tpu.memory_space<semaphore_mem>>) src(%dma_wait3A_57 : memref<8x128xf32, #tpu.memory_space<vmem>>) dst(%dma_wait3A_54 : memref<8x128xf32, #tpu.memory_space<vmem_shared>>)
        tpu.yield
      }) : () -> ()
      %scan3A_39 = arith.constant 0 : i32
      scf.yield %scan3A_39 : i32
    }
    %scan3A_13 = arith.constant 79 : i32
    %barrier3A = arith.constant 0 : index
    tpu.barrier barrier_id(%barrier3A)
    %eq3A = arith.constant 0 : i32
    %eq3A_14 = arith.cmpi eq, %arg0, %eq3A : i32
    %convert_element_type3A = arith.extui %eq3A_14 : i1 to i32
    %cond3A = arith.constant 0 : i32
    %cond3A_15 = arith.cmpi ne, %convert_element_type3A, %cond3A : i32
    scf.if %cond3A_15 {
      %scan3A_33 = arith.constant 0 : i32
      %scan3A_34 = arith.constant 0 : i32
      %scan3A_35 = arith.constant 10 : i32
      %scan3A_36 = arith.addi %scan3A_34, %scan3A_35 : i32
      %scan3A_37 = arith.constant 1 : i32
      %scan3A_38 = scf.for %scan3A_40 = %scan3A_34 to %scan3A_36 step %scan3A_37 iter_args(%scan3A_41 = %scan3A_33) -> (i32)  : i32 {
        %mul3A_42 = arith.constant 80 : i32
        %mul3A_43 = arith.muli %arg1, %mul3A_42 : i32
        %mul3A_44 = arith.constant 8 : i32
        %mul3A_45 = arith.muli %scan3A_40, %mul3A_44 : i32
        %add3A = arith.addi %mul3A_43, %mul3A_45 : i32
        "tpu.region"() ({
          %run_scoped3A_164 = tpu.sem_alloc : memref<!tpu.dma_semaphore, #tpu.memory_space<semaphore_mem>>
          %dma_start3A_165 = arith.constant 0 : i32
          %dma_start3A_166 = tpu.memref_slice %arg4[%add3A, %dma_start3A_165] : memref<1280x128xi32, #tpu.memory_space<hbm>> -> memref<8x128xi32, #tpu.memory_space<hbm>>
          %dma_start3A_167 = arith.constant 0 : i32
          %dma_start3A_168 = tpu.memref_slice %arg4[%add3A, %dma_start3A_167] : memref<1280x128xi32, #tpu.memory_space<hbm>> -> memref<8x128xi32, #tpu.memory_space<hbm>>
          tpu.enqueue_dma source(%dma_start3A_168 : memref<8x128xi32, #tpu.memory_space<hbm>>) target(%arg8 : memref<8x128xi32, #tpu.memory_space<vmem>>) target_semaphore(%run_scoped3A_164 : memref<!tpu.dma_semaphore, #tpu.memory_space<semaphore_mem>>)
          %dma_wait3A_169 = arith.constant 0 : i32
          %dma_wait3A_170 = tpu.memref_slice %arg4[%add3A, %dma_wait3A_169] : memref<1280x128xi32, #tpu.memory_space<hbm>> -> memref<8x128xi32, #tpu.memory_space<hbm>>
          %dma_wait3A_171 = arith.constant 0 : i32
          %dma_wait3A_172 = tpu.memref_slice %arg4[%add3A, %dma_wait3A_171] : memref<1280x128xi32, #tpu.memory_space<hbm>> -> memref<8x128xi32, #tpu.memory_space<hbm>>
          tpu.wait_dma2 semaphore(%run_scoped3A_164 : memref<!tpu.dma_semaphore, #tpu.memory_space<semaphore_mem>>) src(%dma_wait3A_172 : memref<8x128xi32, #tpu.memory_space<hbm>>) dst(%arg8 : memref<8x128xi32, #tpu.memory_space<vmem>>)
          tpu.yield
        }) : () -> ()
        "tpu.region"() ({
          %run_scoped3A_164 = tpu.sem_alloc : memref<!tpu.dma_semaphore, #tpu.memory_space<semaphore_mem>>
          %dma_start3A_165 = arith.constant 0 : i32
          %dma_start3A_166 = tpu.memref_slice %arg5[%add3A, %dma_start3A_165] : memref<1280x128xi32, #tpu.memory_space<hbm>> -> memref<8x128xi32, #tpu.memory_space<hbm>>
          %dma_start3A_167 = arith.constant 0 : i32
          %dma_start3A_168 = tpu.memref_slice %arg5[%add3A, %dma_start3A_167] : memref<1280x128xi32, #tpu.memory_space<hbm>> -> memref<8x128xi32, #tpu.memory_space<hbm>>
          tpu.enqueue_dma source(%dma_start3A_168 : memref<8x128xi32, #tpu.memory_space<hbm>>) target(%arg9 : memref<8x128xi32, #tpu.memory_space<vmem>>) target_semaphore(%run_scoped3A_164 : memref<!tpu.dma_semaphore, #tpu.memory_space<semaphore_mem>>)
          %dma_wait3A_169 = arith.constant 0 : i32
          %dma_wait3A_170 = tpu.memref_slice %arg5[%add3A, %dma_wait3A_169] : memref<1280x128xi32, #tpu.memory_space<hbm>> -> memref<8x128xi32, #tpu.memory_space<hbm>>
          %dma_wait3A_171 = arith.constant 0 : i32
          %dma_wait3A_172 = tpu.memref_slice %arg5[%add3A, %dma_wait3A_171] : memref<1280x128xi32, #tpu.memory_space<hbm>> -> memref<8x128xi32, #tpu.memory_space<hbm>>
          tpu.wait_dma2 semaphore(%run_scoped3A_164 : memref<!tpu.dma_semaphore, #tpu.memory_space<semaphore_mem>>) src(%dma_wait3A_172 : memref<8x128xi32, #tpu.memory_space<hbm>>) dst(%arg9 : memref<8x128xi32, #tpu.memory_space<vmem>>)
          tpu.yield
        }) : () -> ()
        %dma_start3A = arith.constant 0 : i32
        %dma_start3A_46 = arith.constant 0 : i32
        %dma_start3A_47 = tpu.memref_slice %arg8[%dma_start3A, %dma_start3A_46] : memref<8x128xi32, #tpu.memory_space<vmem>> -> memref<1x128xi32, #tpu.memory_space<vmem>>
        %dma_start3A_48 = tpu.memref_squeeze %dma_start3A_47 : memref<1x128xi32, #tpu.memory_space<vmem>> -> memref<128xi32, #tpu.memory_space<vmem>>
        %dma_start3A_49 = arith.constant 0 : i32
        %dma_start3A_50 = arith.constant 0 : i32
        %dma_start3A_51 = tpu.memref_slice %arg2[%dma_start3A_49, %dma_start3A_50] : memref<10000x128xf32, #tpu.memory_space<hbm>> -> memref<10000x128xf32, #tpu.memory_space<hbm>>
        tpu.enqueue_indirect_dma source(%dma_start3A_51 : memref<10000x128xf32, #tpu.memory_space<hbm>>) target(%arg10 : memref<128x128xf32, #tpu.memory_space<vmem>>) offsets(%dma_start3A_48 : memref<128xi32, #tpu.memory_space<vmem>>) semaphore(%arg13 : memref<!tpu.dma_semaphore, #tpu.memory_space<semaphore_mem>>)
        %dma_start3A_52 = arith.constant 1 : i32
        %dma_start3A_53 = arith.constant 0 : i32
        %dma_start3A_54 = tpu.memref_slice %arg8[%dma_start3A_52, %dma_start3A_53] : memref<8x128xi32, #tpu.memory_space<vmem>> -> memref<1x128xi32, #tpu.memory_space<vmem>>
        %dma_start3A_55 = tpu.memref_squeeze %dma_start3A_54 : memref<1x128xi32, #tpu.memory_space<vmem>> -> memref<128xi32, #tpu.memory_space<vmem>>
        %dma_start3A_56 = arith.constant 0 : i32
        %dma_start3A_57 = arith.constant 0 : i32
        %dma_start3A_58 = tpu.memref_slice %arg2[%dma_start3A_56, %dma_start3A_57] : memref<10000x128xf32, #tpu.memory_space<hbm>> -> memref<10000x128xf32, #tpu.memory_space<hbm>>
        tpu.enqueue_indirect_dma source(%dma_start3A_58 : memref<10000x128xf32, #tpu.memory_space<hbm>>) target(%arg11 : memref<128x128xf32, #tpu.memory_space<vmem>>) offsets(%dma_start3A_55 : memref<128xi32, #tpu.memory_space<vmem>>) semaphore(%arg14 : memref<!tpu.dma_semaphore, #tpu.memory_space<semaphore_mem>>)
        %dma_wait3A = arith.constant 0 : i32
        %dma_wait3A_59 = arith.constant 0 : i32
        %dma_wait3A_60 = tpu.memref_slice %arg8[%dma_wait3A, %dma_wait3A_59] : memref<8x128xi32, #tpu.memory_space<vmem>> -> memref<1x128xi32, #tpu.memory_space<vmem>>
        %dma_wait3A_61 = tpu.memref_squeeze %dma_wait3A_60 : memref<1x128xi32, #tpu.memory_space<vmem>> -> memref<128xi32, #tpu.memory_space<vmem>>
        %dma_wait3A_62 = arith.constant 0 : i32
        %dma_wait3A_63 = arith.constant 0 : i32
        %dma_wait3A_64 = tpu.memref_slice %arg2[%dma_wait3A_62, %dma_wait3A_63] : memref<10000x128xf32, #tpu.memory_space<hbm>> -> memref<10000x128xf32, #tpu.memory_space<hbm>>
        tpu.wait_indirect_dma semaphore(%arg13 : memref<!tpu.dma_semaphore, #tpu.memory_space<semaphore_mem>>) src(%dma_wait3A_64 : memref<10000x128xf32, #tpu.memory_space<hbm>>) dst(%arg10 : memref<128x128xf32, #tpu.memory_space<vmem>>)
        %run_scoped3A = arith.constant 0 : i32
        "tpu.region"() ({
          %run_scoped3A_164 = tpu.sem_alloc : memref<!tpu.dma_semaphore, #tpu.memory_space<semaphore_mem>>
          %dma_start3A_165 = arith.constant 0 : i32
          %dma_start3A_166 = tpu.memref_slice %arg9[%run_scoped3A, %dma_start3A_165] : memref<8x128xi32, #tpu.memory_space<vmem>> -> memref<1x128xi32, #tpu.memory_space<vmem>>
          %dma_start3A_167 = tpu.memref_squeeze %dma_start3A_166 : memref<1x128xi32, #tpu.memory_space<vmem>> -> memref<128xi32, #tpu.memory_space<vmem>>
          %dma_start3A_168 = arith.constant 0 : i32
          %dma_start3A_169 = arith.constant 0 : i32
          %dma_start3A_170 = tpu.memref_slice %arg12[%dma_start3A_168, %dma_start3A_169] : memref<10112x128xf32, #tpu.memory_space<vmem_shared>> -> memref<10112x128xf32, #tpu.memory_space<vmem_shared>>
          tpu.enqueue_indirect_dma source(%arg10 : memref<128x128xf32, #tpu.memory_space<vmem>>) target(%dma_start3A_170 : memref<10112x128xf32, #tpu.memory_space<vmem_shared>>) offsets(%dma_start3A_167 : memref<128xi32, #tpu.memory_space<vmem>>) semaphore(%run_scoped3A_164 : memref<!tpu.dma_semaphore, #tpu.memory_space<semaphore_mem>>) {add = true}
          %dma_wait3A_171 = arith.constant 0 : i32
          %dma_wait3A_172 = tpu.memref_slice %arg9[%run_scoped3A, %dma_wait3A_171] : memref<8x128xi32, #tpu.memory_space<vmem>> -> memref<1x128xi32, #tpu.memory_space<vmem>>
          %dma_wait3A_173 = tpu.memref_squeeze %dma_wait3A_172 : memref<1x128xi32, #tpu.memory_space<vmem>> -> memref<128xi32, #tpu.memory_space<vmem>>
          %dma_wait3A_174 = arith.constant 0 : i32
          %dma_wait3A_175 = arith.constant 0 : i32
          %dma_wait3A_176 = tpu.memref_slice %arg12[%dma_wait3A_174, %dma_wait3A_175] : memref<10112x128xf32, #tpu.memory_space<vmem_shared>> -> memref<10112x128xf32, #tpu.memory_space<vmem_shared>>
          tpu.wait_indirect_dma semaphore(%run_scoped3A_164 : memref<!tpu.dma_semaphore, #tpu.memory_space<semaphore_mem>>) src(%arg10 : memref<128x128xf32, #tpu.memory_space<vmem>>) dst(%dma_wait3A_176 : memref<10112x128xf32, #tpu.memory_space<vmem_shared>>)
          tpu.yield
        }) : () -> ()
        %dma_start3A_65 = arith.constant 2 : i32
        %dma_start3A_66 = arith.constant 0 : i32
        %dma_start3A_67 = tpu.memref_slice %arg8[%dma_start3A_65, %dma_start3A_66] : memref<8x128xi32, #tpu.memory_space<vmem>> -> memref<1x128xi32, #tpu.memory_space<vmem>>
        %dma_start3A_68 = tpu.memref_squeeze %dma_start3A_67 : memref<1x128xi32, #tpu.memory_space<vmem>> -> memref<128xi32, #tpu.memory_space<vmem>>
        %dma_start3A_69 = arith.constant 0 : i32
        %dma_start3A_70 = arith.constant 0 : i32
        %dma_start3A_71 = tpu.memref_slice %arg2[%dma_start3A_69, %dma_start3A_70] : memref<10000x128xf32, #tpu.memory_space<hbm>> -> memref<10000x128xf32, #tpu.memory_space<hbm>>
        tpu.enqueue_indirect_dma source(%dma_start3A_71 : memref<10000x128xf32, #tpu.memory_space<hbm>>) target(%arg10 : memref<128x128xf32, #tpu.memory_space<vmem>>) offsets(%dma_start3A_68 : memref<128xi32, #tpu.memory_space<vmem>>) semaphore(%arg13 : memref<!tpu.dma_semaphore, #tpu.memory_space<semaphore_mem>>)
        %dma_wait3A_72 = arith.constant 1 : i32
        %dma_wait3A_73 = arith.constant 0 : i32
        %dma_wait3A_74 = tpu.memref_slice %arg8[%dma_wait3A_72, %dma_wait3A_73] : memref<8x128xi32, #tpu.memory_space<vmem>> -> memref<1x128xi32, #tpu.memory_space<vmem>>
        %dma_wait3A_75 = tpu.memref_squeeze %dma_wait3A_74 : memref<1x128xi32, #tpu.memory_space<vmem>> -> memref<128xi32, #tpu.memory_space<vmem>>
        %dma_wait3A_76 = arith.constant 0 : i32
        %dma_wait3A_77 = arith.constant 0 : i32
        %dma_wait3A_78 = tpu.memref_slice %arg2[%dma_wait3A_76, %dma_wait3A_77] : memref<10000x128xf32, #tpu.memory_space<hbm>> -> memref<10000x128xf32, #tpu.memory_space<hbm>>
        tpu.wait_indirect_dma semaphore(%arg14 : memref<!tpu.dma_semaphore, #tpu.memory_space<semaphore_mem>>) src(%dma_wait3A_78 : memref<10000x128xf32, #tpu.memory_space<hbm>>) dst(%arg11 : memref<128x128xf32, #tpu.memory_space<vmem>>)
        %run_scoped3A_79 = arith.constant 1 : i32
        "tpu.region"() ({
          %run_scoped3A_164 = tpu.sem_alloc : memref<!tpu.dma_semaphore, #tpu.memory_space<semaphore_mem>>
          %dma_start3A_165 = arith.constant 0 : i32
          %dma_start3A_166 = tpu.memref_slice %arg9[%run_scoped3A_79, %dma_start3A_165] : memref<8x128xi32, #tpu.memory_space<vmem>> -> memref<1x128xi32, #tpu.memory_space<vmem>>
          %dma_start3A_167 = tpu.memref_squeeze %dma_start3A_166 : memref<1x128xi32, #tpu.memory_space<vmem>> -> memref<128xi32, #tpu.memory_space<vmem>>
          %dma_start3A_168 = arith.constant 0 : i32
          %dma_start3A_169 = arith.constant 0 : i32
          %dma_start3A_170 = tpu.memref_slice %arg12[%dma_start3A_168, %dma_start3A_169] : memref<10112x128xf32, #tpu.memory_space<vmem_shared>> -> memref<10112x128xf32, #tpu.memory_space<vmem_shared>>
          tpu.enqueue_indirect_dma source(%arg11 : memref<128x128xf32, #tpu.memory_space<vmem>>) target(%dma_start3A_170 : memref<10112x128xf32, #tpu.memory_space<vmem_shared>>) offsets(%dma_start3A_167 : memref<128xi32, #tpu.memory_space<vmem>>) semaphore(%run_scoped3A_164 : memref<!tpu.dma_semaphore, #tpu.memory_space<semaphore_mem>>) {add = true}
          %dma_wait3A_171 = arith.constant 0 : i32
          %dma_wait3A_172 = tpu.memref_slice %arg9[%run_scoped3A_79, %dma_wait3A_171] : memref<8x128xi32, #tpu.memory_space<vmem>> -> memref<1x128xi32, #tpu.memory_space<vmem>>
          %dma_wait3A_173 = tpu.memref_squeeze %dma_wait3A_172 : memref<1x128xi32, #tpu.memory_space<vmem>> -> memref<128xi32, #tpu.memory_space<vmem>>
          %dma_wait3A_174 = arith.constant 0 : i32
          %dma_wait3A_175 = arith.constant 0 : i32
          %dma_wait3A_176 = tpu.memref_slice %arg12[%dma_wait3A_174, %dma_wait3A_175] : memref<10112x128xf32, #tpu.memory_space<vmem_shared>> -> memref<10112x128xf32, #tpu.memory_space<vmem_shared>>
          tpu.wait_indirect_dma semaphore(%run_scoped3A_164 : memref<!tpu.dma_semaphore, #tpu.memory_space<semaphore_mem>>) src(%arg11 : memref<128x128xf32, #tpu.memory_space<vmem>>) dst(%dma_wait3A_176 : memref<10112x128xf32, #tpu.memory_space<vmem_shared>>)
          tpu.yield
        }) : () -> ()
        %dma_start3A_80 = arith.constant 3 : i32
        %dma_start3A_81 = arith.constant 0 : i32
        %dma_start3A_82 = tpu.memref_slice %arg8[%dma_start3A_80, %dma_start3A_81] : memref<8x128xi32, #tpu.memory_space<vmem>> -> memref<1x128xi32, #tpu.memory_space<vmem>>
        %dma_start3A_83 = tpu.memref_squeeze %dma_start3A_82 : memref<1x128xi32, #tpu.memory_space<vmem>> -> memref<128xi32, #tpu.memory_space<vmem>>
        %dma_start3A_84 = arith.constant 0 : i32
        %dma_start3A_85 = arith.constant 0 : i32
        %dma_start3A_86 = tpu.memref_slice %arg2[%dma_start3A_84, %dma_start3A_85] : memref<10000x128xf32, #tpu.memory_space<hbm>> -> memref<10000x128xf32, #tpu.memory_space<hbm>>
        tpu.enqueue_indirect_dma source(%dma_start3A_86 : memref<10000x128xf32, #tpu.memory_space<hbm>>) target(%arg11 : memref<128x128xf32, #tpu.memory_space<vmem>>) offsets(%dma_start3A_83 : memref<128xi32, #tpu.memory_space<vmem>>) semaphore(%arg14 : memref<!tpu.dma_semaphore, #tpu.memory_space<semaphore_mem>>)
        %dma_wait3A_87 = arith.constant 2 : i32
        %dma_wait3A_88 = arith.constant 0 : i32
        %dma_wait3A_89 = tpu.memref_slice %arg8[%dma_wait3A_87, %dma_wait3A_88] : memref<8x128xi32, #tpu.memory_space<vmem>> -> memref<1x128xi32, #tpu.memory_space<vmem>>
        %dma_wait3A_90 = tpu.memref_squeeze %dma_wait3A_89 : memref<1x128xi32, #tpu.memory_space<vmem>> -> memref<128xi32, #tpu.memory_space<vmem>>
        %dma_wait3A_91 = arith.constant 0 : i32
        %dma_wait3A_92 = arith.constant 0 : i32
        %dma_wait3A_93 = tpu.memref_slice %arg2[%dma_wait3A_91, %dma_wait3A_92] : memref<10000x128xf32, #tpu.memory_space<hbm>> -> memref<10000x128xf32, #tpu.memory_space<hbm>>
        tpu.wait_indirect_dma semaphore(%arg13 : memref<!tpu.dma_semaphore, #tpu.memory_space<semaphore_mem>>) src(%dma_wait3A_93 : memref<10000x128xf32, #tpu.memory_space<hbm>>) dst(%arg10 : memref<128x128xf32, #tpu.memory_space<vmem>>)
        %run_scoped3A_94 = arith.constant 2 : i32
        "tpu.region"() ({
          %run_scoped3A_164 = tpu.sem_alloc : memref<!tpu.dma_semaphore, #tpu.memory_space<semaphore_mem>>
          %dma_start3A_165 = arith.constant 0 : i32
          %dma_start3A_166 = tpu.memref_slice %arg9[%run_scoped3A_94, %dma_start3A_165] : memref<8x128xi32, #tpu.memory_space<vmem>> -> memref<1x128xi32, #tpu.memory_space<vmem>>
          %dma_start3A_167 = tpu.memref_squeeze %dma_start3A_166 : memref<1x128xi32, #tpu.memory_space<vmem>> -> memref<128xi32, #tpu.memory_space<vmem>>
          %dma_start3A_168 = arith.constant 0 : i32
          %dma_start3A_169 = arith.constant 0 : i32
          %dma_start3A_170 = tpu.memref_slice %arg12[%dma_start3A_168, %dma_start3A_169] : memref<10112x128xf32, #tpu.memory_space<vmem_shared>> -> memref<10112x128xf32, #tpu.memory_space<vmem_shared>>
          tpu.enqueue_indirect_dma source(%arg10 : memref<128x128xf32, #tpu.memory_space<vmem>>) target(%dma_start3A_170 : memref<10112x128xf32, #tpu.memory_space<vmem_shared>>) offsets(%dma_start3A_167 : memref<128xi32, #tpu.memory_space<vmem>>) semaphore(%run_scoped3A_164 : memref<!tpu.dma_semaphore, #tpu.memory_space<semaphore_mem>>) {add = true}
          %dma_wait3A_171 = arith.constant 0 : i32
          %dma_wait3A_172 = tpu.memref_slice %arg9[%run_scoped3A_94, %dma_wait3A_171] : memref<8x128xi32, #tpu.memory_space<vmem>> -> memref<1x128xi32, #tpu.memory_space<vmem>>
          %dma_wait3A_173 = tpu.memref_squeeze %dma_wait3A_172 : memref<1x128xi32, #tpu.memory_space<vmem>> -> memref<128xi32, #tpu.memory_space<vmem>>
          %dma_wait3A_174 = arith.constant 0 : i32
          %dma_wait3A_175 = arith.constant 0 : i32
          %dma_wait3A_176 = tpu.memref_slice %arg12[%dma_wait3A_174, %dma_wait3A_175] : memref<10112x128xf32, #tpu.memory_space<vmem_shared>> -> memref<10112x128xf32, #tpu.memory_space<vmem_shared>>
          tpu.wait_indirect_dma semaphore(%run_scoped3A_164 : memref<!tpu.dma_semaphore, #tpu.memory_space<semaphore_mem>>) src(%arg10 : memref<128x128xf32, #tpu.memory_space<vmem>>) dst(%dma_wait3A_176 : memref<10112x128xf32, #tpu.memory_space<vmem_shared>>)
          tpu.yield
        }) : () -> ()
        %dma_start3A_95 = arith.constant 4 : i32
        %dma_start3A_96 = arith.constant 0 : i32
        %dma_start3A_97 = tpu.memref_slice %arg8[%dma_start3A_95, %dma_start3A_96] : memref<8x128xi32, #tpu.memory_space<vmem>> -> memref<1x128xi32, #tpu.memory_space<vmem>>
        %dma_start3A_98 = tpu.memref_squeeze %dma_start3A_97 : memref<1x128xi32, #tpu.memory_space<vmem>> -> memref<128xi32, #tpu.memory_space<vmem>>
        %dma_start3A_99 = arith.constant 0 : i32
        %dma_start3A_100 = arith.constant 0 : i32
        %dma_start3A_101 = tpu.memref_slice %arg2[%dma_start3A_99, %dma_start3A_100] : memref<10000x128xf32, #tpu.memory_space<hbm>> -> memref<10000x128xf32, #tpu.memory_space<hbm>>
        tpu.enqueue_indirect_dma source(%dma_start3A_101 : memref<10000x128xf32, #tpu.memory_space<hbm>>) target(%arg10 : memref<128x128xf32, #tpu.memory_space<vmem>>) offsets(%dma_start3A_98 : memref<128xi32, #tpu.memory_space<vmem>>) semaphore(%arg13 : memref<!tpu.dma_semaphore, #tpu.memory_space<semaphore_mem>>)
        %dma_wait3A_102 = arith.constant 3 : i32
        %dma_wait3A_103 = arith.constant 0 : i32
        %dma_wait3A_104 = tpu.memref_slice %arg8[%dma_wait3A_102, %dma_wait3A_103] : memref<8x128xi32, #tpu.memory_space<vmem>> -> memref<1x128xi32, #tpu.memory_space<vmem>>
        %dma_wait3A_105 = tpu.memref_squeeze %dma_wait3A_104 : memref<1x128xi32, #tpu.memory_space<vmem>> -> memref<128xi32, #tpu.memory_space<vmem>>
        %dma_wait3A_106 = arith.constant 0 : i32
        %dma_wait3A_107 = arith.constant 0 : i32
        %dma_wait3A_108 = tpu.memref_slice %arg2[%dma_wait3A_106, %dma_wait3A_107] : memref<10000x128xf32, #tpu.memory_space<hbm>> -> memref<10000x128xf32, #tpu.memory_space<hbm>>
        tpu.wait_indirect_dma semaphore(%arg14 : memref<!tpu.dma_semaphore, #tpu.memory_space<semaphore_mem>>) src(%dma_wait3A_108 : memref<10000x128xf32, #tpu.memory_space<hbm>>) dst(%arg11 : memref<128x128xf32, #tpu.memory_space<vmem>>)
        %run_scoped3A_109 = arith.constant 3 : i32
        "tpu.region"() ({
          %run_scoped3A_164 = tpu.sem_alloc : memref<!tpu.dma_semaphore, #tpu.memory_space<semaphore_mem>>
          %dma_start3A_165 = arith.constant 0 : i32
          %dma_start3A_166 = tpu.memref_slice %arg9[%run_scoped3A_109, %dma_start3A_165] : memref<8x128xi32, #tpu.memory_space<vmem>> -> memref<1x128xi32, #tpu.memory_space<vmem>>
          %dma_start3A_167 = tpu.memref_squeeze %dma_start3A_166 : memref<1x128xi32, #tpu.memory_space<vmem>> -> memref<128xi32, #tpu.memory_space<vmem>>
          %dma_start3A_168 = arith.constant 0 : i32
          %dma_start3A_169 = arith.constant 0 : i32
          %dma_start3A_170 = tpu.memref_slice %arg12[%dma_start3A_168, %dma_start3A_169] : memref<10112x128xf32, #tpu.memory_space<vmem_shared>> -> memref<10112x128xf32, #tpu.memory_space<vmem_shared>>
          tpu.enqueue_indirect_dma source(%arg11 : memref<128x128xf32, #tpu.memory_space<vmem>>) target(%dma_start3A_170 : memref<10112x128xf32, #tpu.memory_space<vmem_shared>>) offsets(%dma_start3A_167 : memref<128xi32, #tpu.memory_space<vmem>>) semaphore(%run_scoped3A_164 : memref<!tpu.dma_semaphore, #tpu.memory_space<semaphore_mem>>) {add = true}
          %dma_wait3A_171 = arith.constant 0 : i32
          %dma_wait3A_172 = tpu.memref_slice %arg9[%run_scoped3A_109, %dma_wait3A_171] : memref<8x128xi32, #tpu.memory_space<vmem>> -> memref<1x128xi32, #tpu.memory_space<vmem>>
          %dma_wait3A_173 = tpu.memref_squeeze %dma_wait3A_172 : memref<1x128xi32, #tpu.memory_space<vmem>> -> memref<128xi32, #tpu.memory_space<vmem>>
          %dma_wait3A_174 = arith.constant 0 : i32
          %dma_wait3A_175 = arith.constant 0 : i32
          %dma_wait3A_176 = tpu.memref_slice %arg12[%dma_wait3A_174, %dma_wait3A_175] : memref<10112x128xf32, #tpu.memory_space<vmem_shared>> -> memref<10112x128xf32, #tpu.memory_space<vmem_shared>>
          tpu.wait_indirect_dma semaphore(%run_scoped3A_164 : memref<!tpu.dma_semaphore, #tpu.memory_space<semaphore_mem>>) src(%arg11 : memref<128x128xf32, #tpu.memory_space<vmem>>) dst(%dma_wait3A_176 : memref<10112x128xf32, #tpu.memory_space<vmem_shared>>)
          tpu.yield
        }) : () -> ()
        %dma_start3A_110 = arith.constant 5 : i32
        %dma_start3A_111 = arith.constant 0 : i32
        %dma_start3A_112 = tpu.memref_slice %arg8[%dma_start3A_110, %dma_start3A_111] : memref<8x128xi32, #tpu.memory_space<vmem>> -> memref<1x128xi32, #tpu.memory_space<vmem>>
        %dma_start3A_113 = tpu.memref_squeeze %dma_start3A_112 : memref<1x128xi32, #tpu.memory_space<vmem>> -> memref<128xi32, #tpu.memory_space<vmem>>
        %dma_start3A_114 = arith.constant 0 : i32
        %dma_start3A_115 = arith.constant 0 : i32
        %dma_start3A_116 = tpu.memref_slice %arg2[%dma_start3A_114, %dma_start3A_115] : memref<10000x128xf32, #tpu.memory_space<hbm>> -> memref<10000x128xf32, #tpu.memory_space<hbm>>
        tpu.enqueue_indirect_dma source(%dma_start3A_116 : memref<10000x128xf32, #tpu.memory_space<hbm>>) target(%arg11 : memref<128x128xf32, #tpu.memory_space<vmem>>) offsets(%dma_start3A_113 : memref<128xi32, #tpu.memory_space<vmem>>) semaphore(%arg14 : memref<!tpu.dma_semaphore, #tpu.memory_space<semaphore_mem>>)
        %dma_wait3A_117 = arith.constant 4 : i32
        %dma_wait3A_118 = arith.constant 0 : i32
        %dma_wait3A_119 = tpu.memref_slice %arg8[%dma_wait3A_117, %dma_wait3A_118] : memref<8x128xi32, #tpu.memory_space<vmem>> -> memref<1x128xi32, #tpu.memory_space<vmem>>
        %dma_wait3A_120 = tpu.memref_squeeze %dma_wait3A_119 : memref<1x128xi32, #tpu.memory_space<vmem>> -> memref<128xi32, #tpu.memory_space<vmem>>
        %dma_wait3A_121 = arith.constant 0 : i32
        %dma_wait3A_122 = arith.constant 0 : i32
        %dma_wait3A_123 = tpu.memref_slice %arg2[%dma_wait3A_121, %dma_wait3A_122] : memref<10000x128xf32, #tpu.memory_space<hbm>> -> memref<10000x128xf32, #tpu.memory_space<hbm>>
        tpu.wait_indirect_dma semaphore(%arg13 : memref<!tpu.dma_semaphore, #tpu.memory_space<semaphore_mem>>) src(%dma_wait3A_123 : memref<10000x128xf32, #tpu.memory_space<hbm>>) dst(%arg10 : memref<128x128xf32, #tpu.memory_space<vmem>>)
        %run_scoped3A_124 = arith.constant 4 : i32
        "tpu.region"() ({
          %run_scoped3A_164 = tpu.sem_alloc : memref<!tpu.dma_semaphore, #tpu.memory_space<semaphore_mem>>
          %dma_start3A_165 = arith.constant 0 : i32
          %dma_start3A_166 = tpu.memref_slice %arg9[%run_scoped3A_124, %dma_start3A_165] : memref<8x128xi32, #tpu.memory_space<vmem>> -> memref<1x128xi32, #tpu.memory_space<vmem>>
          %dma_start3A_167 = tpu.memref_squeeze %dma_start3A_166 : memref<1x128xi32, #tpu.memory_space<vmem>> -> memref<128xi32, #tpu.memory_space<vmem>>
          %dma_start3A_168 = arith.constant 0 : i32
          %dma_start3A_169 = arith.constant 0 : i32
          %dma_start3A_170 = tpu.memref_slice %arg12[%dma_start3A_168, %dma_start3A_169] : memref<10112x128xf32, #tpu.memory_space<vmem_shared>> -> memref<10112x128xf32, #tpu.memory_space<vmem_shared>>
          tpu.enqueue_indirect_dma source(%arg10 : memref<128x128xf32, #tpu.memory_space<vmem>>) target(%dma_start3A_170 : memref<10112x128xf32, #tpu.memory_space<vmem_shared>>) offsets(%dma_start3A_167 : memref<128xi32, #tpu.memory_space<vmem>>) semaphore(%run_scoped3A_164 : memref<!tpu.dma_semaphore, #tpu.memory_space<semaphore_mem>>) {add = true}
          %dma_wait3A_171 = arith.constant 0 : i32
          %dma_wait3A_172 = tpu.memref_slice %arg9[%run_scoped3A_124, %dma_wait3A_171] : memref<8x128xi32, #tpu.memory_space<vmem>> -> memref<1x128xi32, #tpu.memory_space<vmem>>
          %dma_wait3A_173 = tpu.memref_squeeze %dma_wait3A_172 : memref<1x128xi32, #tpu.memory_space<vmem>> -> memref<128xi32, #tpu.memory_space<vmem>>
          %dma_wait3A_174 = arith.constant 0 : i32
          %dma_wait3A_175 = arith.constant 0 : i32
          %dma_wait3A_176 = tpu.memref_slice %arg12[%dma_wait3A_174, %dma_wait3A_175] : memref<10112x128xf32, #tpu.memory_space<vmem_shared>> -> memref<10112x128xf32, #tpu.memory_space<vmem_shared>>
          tpu.wait_indirect_dma semaphore(%run_scoped3A_164 : memref<!tpu.dma_semaphore, #tpu.memory_space<semaphore_mem>>) src(%arg10 : memref<128x128xf32, #tpu.memory_space<vmem>>) dst(%dma_wait3A_176 : memref<10112x128xf32, #tpu.memory_space<vmem_shared>>)
          tpu.yield
        }) : () -> ()
        %dma_start3A_125 = arith.constant 6 : i32
        %dma_start3A_126 = arith.constant 0 : i32
        %dma_start3A_127 = tpu.memref_slice %arg8[%dma_start3A_125, %dma_start3A_126] : memref<8x128xi32, #tpu.memory_space<vmem>> -> memref<1x128xi32, #tpu.memory_space<vmem>>
        %dma_start3A_128 = tpu.memref_squeeze %dma_start3A_127 : memref<1x128xi32, #tpu.memory_space<vmem>> -> memref<128xi32, #tpu.memory_space<vmem>>
        %dma_start3A_129 = arith.constant 0 : i32
        %dma_start3A_130 = arith.constant 0 : i32
        %dma_start3A_131 = tpu.memref_slice %arg2[%dma_start3A_129, %dma_start3A_130] : memref<10000x128xf32, #tpu.memory_space<hbm>> -> memref<10000x128xf32, #tpu.memory_space<hbm>>
        tpu.enqueue_indirect_dma source(%dma_start3A_131 : memref<10000x128xf32, #tpu.memory_space<hbm>>) target(%arg10 : memref<128x128xf32, #tpu.memory_space<vmem>>) offsets(%dma_start3A_128 : memref<128xi32, #tpu.memory_space<vmem>>) semaphore(%arg13 : memref<!tpu.dma_semaphore, #tpu.memory_space<semaphore_mem>>)
        %dma_wait3A_132 = arith.constant 5 : i32
        %dma_wait3A_133 = arith.constant 0 : i32
        %dma_wait3A_134 = tpu.memref_slice %arg8[%dma_wait3A_132, %dma_wait3A_133] : memref<8x128xi32, #tpu.memory_space<vmem>> -> memref<1x128xi32, #tpu.memory_space<vmem>>
        %dma_wait3A_135 = tpu.memref_squeeze %dma_wait3A_134 : memref<1x128xi32, #tpu.memory_space<vmem>> -> memref<128xi32, #tpu.memory_space<vmem>>
        %dma_wait3A_136 = arith.constant 0 : i32
        %dma_wait3A_137 = arith.constant 0 : i32
        %dma_wait3A_138 = tpu.memref_slice %arg2[%dma_wait3A_136, %dma_wait3A_137] : memref<10000x128xf32, #tpu.memory_space<hbm>> -> memref<10000x128xf32, #tpu.memory_space<hbm>>
        tpu.wait_indirect_dma semaphore(%arg14 : memref<!tpu.dma_semaphore, #tpu.memory_space<semaphore_mem>>) src(%dma_wait3A_138 : memref<10000x128xf32, #tpu.memory_space<hbm>>) dst(%arg11 : memref<128x128xf32, #tpu.memory_space<vmem>>)
        %run_scoped3A_139 = arith.constant 5 : i32
        "tpu.region"() ({
          %run_scoped3A_164 = tpu.sem_alloc : memref<!tpu.dma_semaphore, #tpu.memory_space<semaphore_mem>>
          %dma_start3A_165 = arith.constant 0 : i32
          %dma_start3A_166 = tpu.memref_slice %arg9[%run_scoped3A_139, %dma_start3A_165] : memref<8x128xi32, #tpu.memory_space<vmem>> -> memref<1x128xi32, #tpu.memory_space<vmem>>
          %dma_start3A_167 = tpu.memref_squeeze %dma_start3A_166 : memref<1x128xi32, #tpu.memory_space<vmem>> -> memref<128xi32, #tpu.memory_space<vmem>>
          %dma_start3A_168 = arith.constant 0 : i32
          %dma_start3A_169 = arith.constant 0 : i32
          %dma_start3A_170 = tpu.memref_slice %arg12[%dma_start3A_168, %dma_start3A_169] : memref<10112x128xf32, #tpu.memory_space<vmem_shared>> -> memref<10112x128xf32, #tpu.memory_space<vmem_shared>>
          tpu.enqueue_indirect_dma source(%arg11 : memref<128x128xf32, #tpu.memory_space<vmem>>) target(%dma_start3A_170 : memref<10112x128xf32, #tpu.memory_space<vmem_shared>>) offsets(%dma_start3A_167 : memref<128xi32, #tpu.memory_space<vmem>>) semaphore(%run_scoped3A_164 : memref<!tpu.dma_semaphore, #tpu.memory_space<semaphore_mem>>) {add = true}
          %dma_wait3A_171 = arith.constant 0 : i32
          %dma_wait3A_172 = tpu.memref_slice %arg9[%run_scoped3A_139, %dma_wait3A_171] : memref<8x128xi32, #tpu.memory_space<vmem>> -> memref<1x128xi32, #tpu.memory_space<vmem>>
          %dma_wait3A_173 = tpu.memref_squeeze %dma_wait3A_172 : memref<1x128xi32, #tpu.memory_space<vmem>> -> memref<128xi32, #tpu.memory_space<vmem>>
          %dma_wait3A_174 = arith.constant 0 : i32
          %dma_wait3A_175 = arith.constant 0 : i32
          %dma_wait3A_176 = tpu.memref_slice %arg12[%dma_wait3A_174, %dma_wait3A_175] : memref<10112x128xf32, #tpu.memory_space<vmem_shared>> -> memref<10112x128xf32, #tpu.memory_space<vmem_shared>>
          tpu.wait_indirect_dma semaphore(%run_scoped3A_164 : memref<!tpu.dma_semaphore, #tpu.memory_space<semaphore_mem>>) src(%arg11 : memref<128x128xf32, #tpu.memory_space<vmem>>) dst(%dma_wait3A_176 : memref<10112x128xf32, #tpu.memory_space<vmem_shared>>)
          tpu.yield
        }) : () -> ()
        %dma_start3A_140 = arith.constant 7 : i32
        %dma_start3A_141 = arith.constant 0 : i32
        %dma_start3A_142 = tpu.memref_slice %arg8[%dma_start3A_140, %dma_start3A_141] : memref<8x128xi32, #tpu.memory_space<vmem>> -> memref<1x128xi32, #tpu.memory_space<vmem>>
        %dma_start3A_143 = tpu.memref_squeeze %dma_start3A_142 : memref<1x128xi32, #tpu.memory_space<vmem>> -> memref<128xi32, #tpu.memory_space<vmem>>
        %dma_start3A_144 = arith.constant 0 : i32
        %dma_start3A_145 = arith.constant 0 : i32
        %dma_start3A_146 = tpu.memref_slice %arg2[%dma_start3A_144, %dma_start3A_145] : memref<10000x128xf32, #tpu.memory_space<hbm>> -> memref<10000x128xf32, #tpu.memory_space<hbm>>
        tpu.enqueue_indirect_dma source(%dma_start3A_146 : memref<10000x128xf32, #tpu.memory_space<hbm>>) target(%arg11 : memref<128x128xf32, #tpu.memory_space<vmem>>) offsets(%dma_start3A_143 : memref<128xi32, #tpu.memory_space<vmem>>) semaphore(%arg14 : memref<!tpu.dma_semaphore, #tpu.memory_space<semaphore_mem>>)
        %dma_wait3A_147 = arith.constant 6 : i32
        %dma_wait3A_148 = arith.constant 0 : i32
        %dma_wait3A_149 = tpu.memref_slice %arg8[%dma_wait3A_147, %dma_wait3A_148] : memref<8x128xi32, #tpu.memory_space<vmem>> -> memref<1x128xi32, #tpu.memory_space<vmem>>
        %dma_wait3A_150 = tpu.memref_squeeze %dma_wait3A_149 : memref<1x128xi32, #tpu.memory_space<vmem>> -> memref<128xi32, #tpu.memory_space<vmem>>
        %dma_wait3A_151 = arith.constant 0 : i32
        %dma_wait3A_152 = arith.constant 0 : i32
        %dma_wait3A_153 = tpu.memref_slice %arg2[%dma_wait3A_151, %dma_wait3A_152] : memref<10000x128xf32, #tpu.memory_space<hbm>> -> memref<10000x128xf32, #tpu.memory_space<hbm>>
        tpu.wait_indirect_dma semaphore(%arg13 : memref<!tpu.dma_semaphore, #tpu.memory_space<semaphore_mem>>) src(%dma_wait3A_153 : memref<10000x128xf32, #tpu.memory_space<hbm>>) dst(%arg10 : memref<128x128xf32, #tpu.memory_space<vmem>>)
        %run_scoped3A_154 = arith.constant 6 : i32
        "tpu.region"() ({
          %run_scoped3A_164 = tpu.sem_alloc : memref<!tpu.dma_semaphore, #tpu.memory_space<semaphore_mem>>
          %dma_start3A_165 = arith.constant 0 : i32
          %dma_start3A_166 = tpu.memref_slice %arg9[%run_scoped3A_154, %dma_start3A_165] : memref<8x128xi32, #tpu.memory_space<vmem>> -> memref<1x128xi32, #tpu.memory_space<vmem>>
          %dma_start3A_167 = tpu.memref_squeeze %dma_start3A_166 : memref<1x128xi32, #tpu.memory_space<vmem>> -> memref<128xi32, #tpu.memory_space<vmem>>
          %dma_start3A_168 = arith.constant 0 : i32
          %dma_start3A_169 = arith.constant 0 : i32
          %dma_start3A_170 = tpu.memref_slice %arg12[%dma_start3A_168, %dma_start3A_169] : memref<10112x128xf32, #tpu.memory_space<vmem_shared>> -> memref<10112x128xf32, #tpu.memory_space<vmem_shared>>
          tpu.enqueue_indirect_dma source(%arg10 : memref<128x128xf32, #tpu.memory_space<vmem>>) target(%dma_start3A_170 : memref<10112x128xf32, #tpu.memory_space<vmem_shared>>) offsets(%dma_start3A_167 : memref<128xi32, #tpu.memory_space<vmem>>) semaphore(%run_scoped3A_164 : memref<!tpu.dma_semaphore, #tpu.memory_space<semaphore_mem>>) {add = true}
          %dma_wait3A_171 = arith.constant 0 : i32
          %dma_wait3A_172 = tpu.memref_slice %arg9[%run_scoped3A_154, %dma_wait3A_171] : memref<8x128xi32, #tpu.memory_space<vmem>> -> memref<1x128xi32, #tpu.memory_space<vmem>>
          %dma_wait3A_173 = tpu.memref_squeeze %dma_wait3A_172 : memref<1x128xi32, #tpu.memory_space<vmem>> -> memref<128xi32, #tpu.memory_space<vmem>>
          %dma_wait3A_174 = arith.constant 0 : i32
          %dma_wait3A_175 = arith.constant 0 : i32
          %dma_wait3A_176 = tpu.memref_slice %arg12[%dma_wait3A_174, %dma_wait3A_175] : memref<10112x128xf32, #tpu.memory_space<vmem_shared>> -> memref<10112x128xf32, #tpu.memory_space<vmem_shared>>
          tpu.wait_indirect_dma semaphore(%run_scoped3A_164 : memref<!tpu.dma_semaphore, #tpu.memory_space<semaphore_mem>>) src(%arg10 : memref<128x128xf32, #tpu.memory_space<vmem>>) dst(%dma_wait3A_176 : memref<10112x128xf32, #tpu.memory_space<vmem_shared>>)
          tpu.yield
        }) : () -> ()
        %dma_wait3A_155 = arith.constant 7 : i32
        %dma_wait3A_156 = arith.constant 0 : i32
        %dma_wait3A_157 = tpu.memref_slice %arg8[%dma_wait3A_155, %dma_wait3A_156] : memref<8x128xi32, #tpu.memory_space<vmem>> -> memref<1x128xi32, #tpu.memory_space<vmem>>
        %dma_wait3A_158 = tpu.memref_squeeze %dma_wait3A_157 : memref<1x128xi32, #tpu.memory_space<vmem>> -> memref<128xi32, #tpu.memory_space<vmem>>
        %dma_wait3A_159 = arith.constant 0 : i32
        %dma_wait3A_160 = arith.constant 0 : i32
        %dma_wait3A_161 = tpu.memref_slice %arg2[%dma_wait3A_159, %dma_wait3A_160] : memref<10000x128xf32, #tpu.memory_space<hbm>> -> memref<10000x128xf32, #tpu.memory_space<hbm>>
        tpu.wait_indirect_dma semaphore(%arg14 : memref<!tpu.dma_semaphore, #tpu.memory_space<semaphore_mem>>) src(%dma_wait3A_161 : memref<10000x128xf32, #tpu.memory_space<hbm>>) dst(%arg11 : memref<128x128xf32, #tpu.memory_space<vmem>>)
        %run_scoped3A_162 = arith.constant 7 : i32
        "tpu.region"() ({
          %run_scoped3A_164 = tpu.sem_alloc : memref<!tpu.dma_semaphore, #tpu.memory_space<semaphore_mem>>
          %dma_start3A_165 = arith.constant 0 : i32
          %dma_start3A_166 = tpu.memref_slice %arg9[%run_scoped3A_162, %dma_start3A_165] : memref<8x128xi32, #tpu.memory_space<vmem>> -> memref<1x128xi32, #tpu.memory_space<vmem>>
          %dma_start3A_167 = tpu.memref_squeeze %dma_start3A_166 : memref<1x128xi32, #tpu.memory_space<vmem>> -> memref<128xi32, #tpu.memory_space<vmem>>
          %dma_start3A_168 = arith.constant 0 : i32
          %dma_start3A_169 = arith.constant 0 : i32
          %dma_start3A_170 = tpu.memref_slice %arg12[%dma_start3A_168, %dma_start3A_169] : memref<10112x128xf32, #tpu.memory_space<vmem_shared>> -> memref<10112x128xf32, #tpu.memory_space<vmem_shared>>
          tpu.enqueue_indirect_dma source(%arg11 : memref<128x128xf32, #tpu.memory_space<vmem>>) target(%dma_start3A_170 : memref<10112x128xf32, #tpu.memory_space<vmem_shared>>) offsets(%dma_start3A_167 : memref<128xi32, #tpu.memory_space<vmem>>) semaphore(%run_scoped3A_164 : memref<!tpu.dma_semaphore, #tpu.memory_space<semaphore_mem>>) {add = true}
          %dma_wait3A_171 = arith.constant 0 : i32
          %dma_wait3A_172 = tpu.memref_slice %arg9[%run_scoped3A_162, %dma_wait3A_171] : memref<8x128xi32, #tpu.memory_space<vmem>> -> memref<1x128xi32, #tpu.memory_space<vmem>>
          %dma_wait3A_173 = tpu.memref_squeeze %dma_wait3A_172 : memref<1x128xi32, #tpu.memory_space<vmem>> -> memref<128xi32, #tpu.memory_space<vmem>>
          %dma_wait3A_174 = arith.constant 0 : i32
          %dma_wait3A_175 = arith.constant 0 : i32
          %dma_wait3A_176 = tpu.memref_slice %arg12[%dma_wait3A_174, %dma_wait3A_175] : memref<10112x128xf32, #tpu.memory_space<vmem_shared>> -> memref<10112x128xf32, #tpu.memory_space<vmem_shared>>
          tpu.wait_indirect_dma semaphore(%run_scoped3A_164 : memref<!tpu.dma_semaphore, #tpu.memory_space<semaphore_mem>>) src(%arg11 : memref<128x128xf32, #tpu.memory_space<vmem>>) dst(%dma_wait3A_176 : memref<10112x128xf32, #tpu.memory_space<vmem_shared>>)
          tpu.yield
        }) : () -> ()
        %scan3A_163 = arith.constant 0 : i32
        scf.yield %scan3A_163 : i32
      }
      %scan3A_39 = arith.constant 10 : i32
    } else {
    }
    %eq3A_16 = arith.constant 1 : i32
    %eq3A_17 = arith.cmpi eq, %arg0, %eq3A_16 : i32
    %convert_element_type3A_18 = arith.extui %eq3A_17 : i1 to i32
    %cond3A_19 = arith.constant 0 : i32
    %cond3A_20 = arith.cmpi ne, %convert_element_type3A_18, %cond3A_19 : i32
    scf.if %cond3A_20 {
      %scan3A_33 = arith.constant 0 : i32
      %scan3A_34 = arith.constant 0 : i32
      %scan3A_35 = arith.constant 10 : i32
      %scan3A_36 = arith.addi %scan3A_34, %scan3A_35 : i32
      %scan3A_37 = arith.constant 1 : i32
      %scan3A_38 = scf.for %scan3A_40 = %scan3A_34 to %scan3A_36 step %scan3A_37 iter_args(%scan3A_41 = %scan3A_33) -> (i32)  : i32 {
        %mul3A_42 = arith.constant 80 : i32
        %mul3A_43 = arith.muli %arg1, %mul3A_42 : i32
        %mul3A_44 = arith.constant 8 : i32
        %mul3A_45 = arith.muli %scan3A_40, %mul3A_44 : i32
        %add3A = arith.addi %mul3A_43, %mul3A_45 : i32
        "tpu.region"() ({
          %run_scoped3A_164 = tpu.sem_alloc : memref<!tpu.dma_semaphore, #tpu.memory_space<semaphore_mem>>
          %dma_start3A_165 = arith.constant 0 : i32
          %dma_start3A_166 = tpu.memref_slice %arg4[%add3A, %dma_start3A_165] : memref<1280x128xi32, #tpu.memory_space<hbm>> -> memref<8x128xi32, #tpu.memory_space<hbm>>
          %dma_start3A_167 = arith.constant 0 : i32
          %dma_start3A_168 = tpu.memref_slice %arg4[%add3A, %dma_start3A_167] : memref<1280x128xi32, #tpu.memory_space<hbm>> -> memref<8x128xi32, #tpu.memory_space<hbm>>
          tpu.enqueue_dma source(%dma_start3A_168 : memref<8x128xi32, #tpu.memory_space<hbm>>) target(%arg8 : memref<8x128xi32, #tpu.memory_space<vmem>>) target_semaphore(%run_scoped3A_164 : memref<!tpu.dma_semaphore, #tpu.memory_space<semaphore_mem>>)
          %dma_wait3A_169 = arith.constant 0 : i32
          %dma_wait3A_170 = tpu.memref_slice %arg4[%add3A, %dma_wait3A_169] : memref<1280x128xi32, #tpu.memory_space<hbm>> -> memref<8x128xi32, #tpu.memory_space<hbm>>
          %dma_wait3A_171 = arith.constant 0 : i32
          %dma_wait3A_172 = tpu.memref_slice %arg4[%add3A, %dma_wait3A_171] : memref<1280x128xi32, #tpu.memory_space<hbm>> -> memref<8x128xi32, #tpu.memory_space<hbm>>
          tpu.wait_dma2 semaphore(%run_scoped3A_164 : memref<!tpu.dma_semaphore, #tpu.memory_space<semaphore_mem>>) src(%dma_wait3A_172 : memref<8x128xi32, #tpu.memory_space<hbm>>) dst(%arg8 : memref<8x128xi32, #tpu.memory_space<vmem>>)
          tpu.yield
        }) : () -> ()
        "tpu.region"() ({
          %run_scoped3A_164 = tpu.sem_alloc : memref<!tpu.dma_semaphore, #tpu.memory_space<semaphore_mem>>
          %dma_start3A_165 = arith.constant 0 : i32
          %dma_start3A_166 = tpu.memref_slice %arg5[%add3A, %dma_start3A_165] : memref<1280x128xi32, #tpu.memory_space<hbm>> -> memref<8x128xi32, #tpu.memory_space<hbm>>
          %dma_start3A_167 = arith.constant 0 : i32
          %dma_start3A_168 = tpu.memref_slice %arg5[%add3A, %dma_start3A_167] : memref<1280x128xi32, #tpu.memory_space<hbm>> -> memref<8x128xi32, #tpu.memory_space<hbm>>
          tpu.enqueue_dma source(%dma_start3A_168 : memref<8x128xi32, #tpu.memory_space<hbm>>) target(%arg9 : memref<8x128xi32, #tpu.memory_space<vmem>>) target_semaphore(%run_scoped3A_164 : memref<!tpu.dma_semaphore, #tpu.memory_space<semaphore_mem>>)
          %dma_wait3A_169 = arith.constant 0 : i32
          %dma_wait3A_170 = tpu.memref_slice %arg5[%add3A, %dma_wait3A_169] : memref<1280x128xi32, #tpu.memory_space<hbm>> -> memref<8x128xi32, #tpu.memory_space<hbm>>
          %dma_wait3A_171 = arith.constant 0 : i32
          %dma_wait3A_172 = tpu.memref_slice %arg5[%add3A, %dma_wait3A_171] : memref<1280x128xi32, #tpu.memory_space<hbm>> -> memref<8x128xi32, #tpu.memory_space<hbm>>
          tpu.wait_dma2 semaphore(%run_scoped3A_164 : memref<!tpu.dma_semaphore, #tpu.memory_space<semaphore_mem>>) src(%dma_wait3A_172 : memref<8x128xi32, #tpu.memory_space<hbm>>) dst(%arg9 : memref<8x128xi32, #tpu.memory_space<vmem>>)
          tpu.yield
        }) : () -> ()
        %dma_start3A = arith.constant 0 : i32
        %dma_start3A_46 = arith.constant 0 : i32
        %dma_start3A_47 = tpu.memref_slice %arg8[%dma_start3A, %dma_start3A_46] : memref<8x128xi32, #tpu.memory_space<vmem>> -> memref<1x128xi32, #tpu.memory_space<vmem>>
        %dma_start3A_48 = tpu.memref_squeeze %dma_start3A_47 : memref<1x128xi32, #tpu.memory_space<vmem>> -> memref<128xi32, #tpu.memory_space<vmem>>
        %dma_start3A_49 = arith.constant 0 : i32
        %dma_start3A_50 = arith.constant 0 : i32
        %dma_start3A_51 = tpu.memref_slice %arg3[%dma_start3A_49, %dma_start3A_50] : memref<10000x128xf32, #tpu.memory_space<hbm>> -> memref<10000x128xf32, #tpu.memory_space<hbm>>
        tpu.enqueue_indirect_dma source(%dma_start3A_51 : memref<10000x128xf32, #tpu.memory_space<hbm>>) target(%arg10 : memref<128x128xf32, #tpu.memory_space<vmem>>) offsets(%dma_start3A_48 : memref<128xi32, #tpu.memory_space<vmem>>) semaphore(%arg13 : memref<!tpu.dma_semaphore, #tpu.memory_space<semaphore_mem>>)
        %dma_start3A_52 = arith.constant 1 : i32
        %dma_start3A_53 = arith.constant 0 : i32
        %dma_start3A_54 = tpu.memref_slice %arg8[%dma_start3A_52, %dma_start3A_53] : memref<8x128xi32, #tpu.memory_space<vmem>> -> memref<1x128xi32, #tpu.memory_space<vmem>>
        %dma_start3A_55 = tpu.memref_squeeze %dma_start3A_54 : memref<1x128xi32, #tpu.memory_space<vmem>> -> memref<128xi32, #tpu.memory_space<vmem>>
        %dma_start3A_56 = arith.constant 0 : i32
        %dma_start3A_57 = arith.constant 0 : i32
        %dma_start3A_58 = tpu.memref_slice %arg3[%dma_start3A_56, %dma_start3A_57] : memref<10000x128xf32, #tpu.memory_space<hbm>> -> memref<10000x128xf32, #tpu.memory_space<hbm>>
        tpu.enqueue_indirect_dma source(%dma_start3A_58 : memref<10000x128xf32, #tpu.memory_space<hbm>>) target(%arg11 : memref<128x128xf32, #tpu.memory_space<vmem>>) offsets(%dma_start3A_55 : memref<128xi32, #tpu.memory_space<vmem>>) semaphore(%arg14 : memref<!tpu.dma_semaphore, #tpu.memory_space<semaphore_mem>>)
        %dma_wait3A = arith.constant 0 : i32
        %dma_wait3A_59 = arith.constant 0 : i32
        %dma_wait3A_60 = tpu.memref_slice %arg8[%dma_wait3A, %dma_wait3A_59] : memref<8x128xi32, #tpu.memory_space<vmem>> -> memref<1x128xi32, #tpu.memory_space<vmem>>
        %dma_wait3A_61 = tpu.memref_squeeze %dma_wait3A_60 : memref<1x128xi32, #tpu.memory_space<vmem>> -> memref<128xi32, #tpu.memory_space<vmem>>
        %dma_wait3A_62 = arith.constant 0 : i32
        %dma_wait3A_63 = arith.constant 0 : i32
        %dma_wait3A_64 = tpu.memref_slice %arg3[%dma_wait3A_62, %dma_wait3A_63] : memref<10000x128xf32, #tpu.memory_space<hbm>> -> memref<10000x128xf32, #tpu.memory_space<hbm>>
        tpu.wait_indirect_dma semaphore(%arg13 : memref<!tpu.dma_semaphore, #tpu.memory_space<semaphore_mem>>) src(%dma_wait3A_64 : memref<10000x128xf32, #tpu.memory_space<hbm>>) dst(%arg10 : memref<128x128xf32, #tpu.memory_space<vmem>>)
        %run_scoped3A = arith.constant 0 : i32
        "tpu.region"() ({
          %run_scoped3A_164 = tpu.sem_alloc : memref<!tpu.dma_semaphore, #tpu.memory_space<semaphore_mem>>
          %dma_start3A_165 = arith.constant 0 : i32
          %dma_start3A_166 = tpu.memref_slice %arg9[%run_scoped3A, %dma_start3A_165] : memref<8x128xi32, #tpu.memory_space<vmem>> -> memref<1x128xi32, #tpu.memory_space<vmem>>
          %dma_start3A_167 = tpu.memref_squeeze %dma_start3A_166 : memref<1x128xi32, #tpu.memory_space<vmem>> -> memref<128xi32, #tpu.memory_space<vmem>>
          %dma_start3A_168 = arith.constant 0 : i32
          %dma_start3A_169 = arith.constant 0 : i32
          %dma_start3A_170 = tpu.memref_slice %arg12[%dma_start3A_168, %dma_start3A_169] : memref<10112x128xf32, #tpu.memory_space<vmem_shared>> -> memref<10112x128xf32, #tpu.memory_space<vmem_shared>>
          tpu.enqueue_indirect_dma source(%arg10 : memref<128x128xf32, #tpu.memory_space<vmem>>) target(%dma_start3A_170 : memref<10112x128xf32, #tpu.memory_space<vmem_shared>>) offsets(%dma_start3A_167 : memref<128xi32, #tpu.memory_space<vmem>>) semaphore(%run_scoped3A_164 : memref<!tpu.dma_semaphore, #tpu.memory_space<semaphore_mem>>) {add = true}
          %dma_wait3A_171 = arith.constant 0 : i32
          %dma_wait3A_172 = tpu.memref_slice %arg9[%run_scoped3A, %dma_wait3A_171] : memref<8x128xi32, #tpu.memory_space<vmem>> -> memref<1x128xi32, #tpu.memory_space<vmem>>
          %dma_wait3A_173 = tpu.memref_squeeze %dma_wait3A_172 : memref<1x128xi32, #tpu.memory_space<vmem>> -> memref<128xi32, #tpu.memory_space<vmem>>
          %dma_wait3A_174 = arith.constant 0 : i32
          %dma_wait3A_175 = arith.constant 0 : i32
          %dma_wait3A_176 = tpu.memref_slice %arg12[%dma_wait3A_174, %dma_wait3A_175] : memref<10112x128xf32, #tpu.memory_space<vmem_shared>> -> memref<10112x128xf32, #tpu.memory_space<vmem_shared>>
          tpu.wait_indirect_dma semaphore(%run_scoped3A_164 : memref<!tpu.dma_semaphore, #tpu.memory_space<semaphore_mem>>) src(%arg10 : memref<128x128xf32, #tpu.memory_space<vmem>>) dst(%dma_wait3A_176 : memref<10112x128xf32, #tpu.memory_space<vmem_shared>>)
          tpu.yield
        }) : () -> ()
        %dma_start3A_65 = arith.constant 2 : i32
        %dma_start3A_66 = arith.constant 0 : i32
        %dma_start3A_67 = tpu.memref_slice %arg8[%dma_start3A_65, %dma_start3A_66] : memref<8x128xi32, #tpu.memory_space<vmem>> -> memref<1x128xi32, #tpu.memory_space<vmem>>
        %dma_start3A_68 = tpu.memref_squeeze %dma_start3A_67 : memref<1x128xi32, #tpu.memory_space<vmem>> -> memref<128xi32, #tpu.memory_space<vmem>>
        %dma_start3A_69 = arith.constant 0 : i32
        %dma_start3A_70 = arith.constant 0 : i32
        %dma_start3A_71 = tpu.memref_slice %arg3[%dma_start3A_69, %dma_start3A_70] : memref<10000x128xf32, #tpu.memory_space<hbm>> -> memref<10000x128xf32, #tpu.memory_space<hbm>>
        tpu.enqueue_indirect_dma source(%dma_start3A_71 : memref<10000x128xf32, #tpu.memory_space<hbm>>) target(%arg10 : memref<128x128xf32, #tpu.memory_space<vmem>>) offsets(%dma_start3A_68 : memref<128xi32, #tpu.memory_space<vmem>>) semaphore(%arg13 : memref<!tpu.dma_semaphore, #tpu.memory_space<semaphore_mem>>)
        %dma_wait3A_72 = arith.constant 1 : i32
        %dma_wait3A_73 = arith.constant 0 : i32
        %dma_wait3A_74 = tpu.memref_slice %arg8[%dma_wait3A_72, %dma_wait3A_73] : memref<8x128xi32, #tpu.memory_space<vmem>> -> memref<1x128xi32, #tpu.memory_space<vmem>>
        %dma_wait3A_75 = tpu.memref_squeeze %dma_wait3A_74 : memref<1x128xi32, #tpu.memory_space<vmem>> -> memref<128xi32, #tpu.memory_space<vmem>>
        %dma_wait3A_76 = arith.constant 0 : i32
        %dma_wait3A_77 = arith.constant 0 : i32
        %dma_wait3A_78 = tpu.memref_slice %arg3[%dma_wait3A_76, %dma_wait3A_77] : memref<10000x128xf32, #tpu.memory_space<hbm>> -> memref<10000x128xf32, #tpu.memory_space<hbm>>
        tpu.wait_indirect_dma semaphore(%arg14 : memref<!tpu.dma_semaphore, #tpu.memory_space<semaphore_mem>>) src(%dma_wait3A_78 : memref<10000x128xf32, #tpu.memory_space<hbm>>) dst(%arg11 : memref<128x128xf32, #tpu.memory_space<vmem>>)
        %run_scoped3A_79 = arith.constant 1 : i32
        "tpu.region"() ({
          %run_scoped3A_164 = tpu.sem_alloc : memref<!tpu.dma_semaphore, #tpu.memory_space<semaphore_mem>>
          %dma_start3A_165 = arith.constant 0 : i32
          %dma_start3A_166 = tpu.memref_slice %arg9[%run_scoped3A_79, %dma_start3A_165] : memref<8x128xi32, #tpu.memory_space<vmem>> -> memref<1x128xi32, #tpu.memory_space<vmem>>
          %dma_start3A_167 = tpu.memref_squeeze %dma_start3A_166 : memref<1x128xi32, #tpu.memory_space<vmem>> -> memref<128xi32, #tpu.memory_space<vmem>>
          %dma_start3A_168 = arith.constant 0 : i32
          %dma_start3A_169 = arith.constant 0 : i32
          %dma_start3A_170 = tpu.memref_slice %arg12[%dma_start3A_168, %dma_start3A_169] : memref<10112x128xf32, #tpu.memory_space<vmem_shared>> -> memref<10112x128xf32, #tpu.memory_space<vmem_shared>>
          tpu.enqueue_indirect_dma source(%arg11 : memref<128x128xf32, #tpu.memory_space<vmem>>) target(%dma_start3A_170 : memref<10112x128xf32, #tpu.memory_space<vmem_shared>>) offsets(%dma_start3A_167 : memref<128xi32, #tpu.memory_space<vmem>>) semaphore(%run_scoped3A_164 : memref<!tpu.dma_semaphore, #tpu.memory_space<semaphore_mem>>) {add = true}
          %dma_wait3A_171 = arith.constant 0 : i32
          %dma_wait3A_172 = tpu.memref_slice %arg9[%run_scoped3A_79, %dma_wait3A_171] : memref<8x128xi32, #tpu.memory_space<vmem>> -> memref<1x128xi32, #tpu.memory_space<vmem>>
          %dma_wait3A_173 = tpu.memref_squeeze %dma_wait3A_172 : memref<1x128xi32, #tpu.memory_space<vmem>> -> memref<128xi32, #tpu.memory_space<vmem>>
          %dma_wait3A_174 = arith.constant 0 : i32
          %dma_wait3A_175 = arith.constant 0 : i32
          %dma_wait3A_176 = tpu.memref_slice %arg12[%dma_wait3A_174, %dma_wait3A_175] : memref<10112x128xf32, #tpu.memory_space<vmem_shared>> -> memref<10112x128xf32, #tpu.memory_space<vmem_shared>>
          tpu.wait_indirect_dma semaphore(%run_scoped3A_164 : memref<!tpu.dma_semaphore, #tpu.memory_space<semaphore_mem>>) src(%arg11 : memref<128x128xf32, #tpu.memory_space<vmem>>) dst(%dma_wait3A_176 : memref<10112x128xf32, #tpu.memory_space<vmem_shared>>)
          tpu.yield
        }) : () -> ()
        %dma_start3A_80 = arith.constant 3 : i32
        %dma_start3A_81 = arith.constant 0 : i32
        %dma_start3A_82 = tpu.memref_slice %arg8[%dma_start3A_80, %dma_start3A_81] : memref<8x128xi32, #tpu.memory_space<vmem>> -> memref<1x128xi32, #tpu.memory_space<vmem>>
        %dma_start3A_83 = tpu.memref_squeeze %dma_start3A_82 : memref<1x128xi32, #tpu.memory_space<vmem>> -> memref<128xi32, #tpu.memory_space<vmem>>
        %dma_start3A_84 = arith.constant 0 : i32
        %dma_start3A_85 = arith.constant 0 : i32
        %dma_start3A_86 = tpu.memref_slice %arg3[%dma_start3A_84, %dma_start3A_85] : memref<10000x128xf32, #tpu.memory_space<hbm>> -> memref<10000x128xf32, #tpu.memory_space<hbm>>
        tpu.enqueue_indirect_dma source(%dma_start3A_86 : memref<10000x128xf32, #tpu.memory_space<hbm>>) target(%arg11 : memref<128x128xf32, #tpu.memory_space<vmem>>) offsets(%dma_start3A_83 : memref<128xi32, #tpu.memory_space<vmem>>) semaphore(%arg14 : memref<!tpu.dma_semaphore, #tpu.memory_space<semaphore_mem>>)
        %dma_wait3A_87 = arith.constant 2 : i32
        %dma_wait3A_88 = arith.constant 0 : i32
        %dma_wait3A_89 = tpu.memref_slice %arg8[%dma_wait3A_87, %dma_wait3A_88] : memref<8x128xi32, #tpu.memory_space<vmem>> -> memref<1x128xi32, #tpu.memory_space<vmem>>
        %dma_wait3A_90 = tpu.memref_squeeze %dma_wait3A_89 : memref<1x128xi32, #tpu.memory_space<vmem>> -> memref<128xi32, #tpu.memory_space<vmem>>
        %dma_wait3A_91 = arith.constant 0 : i32
        %dma_wait3A_92 = arith.constant 0 : i32
        %dma_wait3A_93 = tpu.memref_slice %arg3[%dma_wait3A_91, %dma_wait3A_92] : memref<10000x128xf32, #tpu.memory_space<hbm>> -> memref<10000x128xf32, #tpu.memory_space<hbm>>
        tpu.wait_indirect_dma semaphore(%arg13 : memref<!tpu.dma_semaphore, #tpu.memory_space<semaphore_mem>>) src(%dma_wait3A_93 : memref<10000x128xf32, #tpu.memory_space<hbm>>) dst(%arg10 : memref<128x128xf32, #tpu.memory_space<vmem>>)
        %run_scoped3A_94 = arith.constant 2 : i32
        "tpu.region"() ({
          %run_scoped3A_164 = tpu.sem_alloc : memref<!tpu.dma_semaphore, #tpu.memory_space<semaphore_mem>>
          %dma_start3A_165 = arith.constant 0 : i32
          %dma_start3A_166 = tpu.memref_slice %arg9[%run_scoped3A_94, %dma_start3A_165] : memref<8x128xi32, #tpu.memory_space<vmem>> -> memref<1x128xi32, #tpu.memory_space<vmem>>
          %dma_start3A_167 = tpu.memref_squeeze %dma_start3A_166 : memref<1x128xi32, #tpu.memory_space<vmem>> -> memref<128xi32, #tpu.memory_space<vmem>>
          %dma_start3A_168 = arith.constant 0 : i32
          %dma_start3A_169 = arith.constant 0 : i32
          %dma_start3A_170 = tpu.memref_slice %arg12[%dma_start3A_168, %dma_start3A_169] : memref<10112x128xf32, #tpu.memory_space<vmem_shared>> -> memref<10112x128xf32, #tpu.memory_space<vmem_shared>>
          tpu.enqueue_indirect_dma source(%arg10 : memref<128x128xf32, #tpu.memory_space<vmem>>) target(%dma_start3A_170 : memref<10112x128xf32, #tpu.memory_space<vmem_shared>>) offsets(%dma_start3A_167 : memref<128xi32, #tpu.memory_space<vmem>>) semaphore(%run_scoped3A_164 : memref<!tpu.dma_semaphore, #tpu.memory_space<semaphore_mem>>) {add = true}
          %dma_wait3A_171 = arith.constant 0 : i32
          %dma_wait3A_172 = tpu.memref_slice %arg9[%run_scoped3A_94, %dma_wait3A_171] : memref<8x128xi32, #tpu.memory_space<vmem>> -> memref<1x128xi32, #tpu.memory_space<vmem>>
          %dma_wait3A_173 = tpu.memref_squeeze %dma_wait3A_172 : memref<1x128xi32, #tpu.memory_space<vmem>> -> memref<128xi32, #tpu.memory_space<vmem>>
          %dma_wait3A_174 = arith.constant 0 : i32
          %dma_wait3A_175 = arith.constant 0 : i32
          %dma_wait3A_176 = tpu.memref_slice %arg12[%dma_wait3A_174, %dma_wait3A_175] : memref<10112x128xf32, #tpu.memory_space<vmem_shared>> -> memref<10112x128xf32, #tpu.memory_space<vmem_shared>>
          tpu.wait_indirect_dma semaphore(%run_scoped3A_164 : memref<!tpu.dma_semaphore, #tpu.memory_space<semaphore_mem>>) src(%arg10 : memref<128x128xf32, #tpu.memory_space<vmem>>) dst(%dma_wait3A_176 : memref<10112x128xf32, #tpu.memory_space<vmem_shared>>)
          tpu.yield
        }) : () -> ()
        %dma_start3A_95 = arith.constant 4 : i32
        %dma_start3A_96 = arith.constant 0 : i32
        %dma_start3A_97 = tpu.memref_slice %arg8[%dma_start3A_95, %dma_start3A_96] : memref<8x128xi32, #tpu.memory_space<vmem>> -> memref<1x128xi32, #tpu.memory_space<vmem>>
        %dma_start3A_98 = tpu.memref_squeeze %dma_start3A_97 : memref<1x128xi32, #tpu.memory_space<vmem>> -> memref<128xi32, #tpu.memory_space<vmem>>
        %dma_start3A_99 = arith.constant 0 : i32
        %dma_start3A_100 = arith.constant 0 : i32
        %dma_start3A_101 = tpu.memref_slice %arg3[%dma_start3A_99, %dma_start3A_100] : memref<10000x128xf32, #tpu.memory_space<hbm>> -> memref<10000x128xf32, #tpu.memory_space<hbm>>
        tpu.enqueue_indirect_dma source(%dma_start3A_101 : memref<10000x128xf32, #tpu.memory_space<hbm>>) target(%arg10 : memref<128x128xf32, #tpu.memory_space<vmem>>) offsets(%dma_start3A_98 : memref<128xi32, #tpu.memory_space<vmem>>) semaphore(%arg13 : memref<!tpu.dma_semaphore, #tpu.memory_space<semaphore_mem>>)
        %dma_wait3A_102 = arith.constant 3 : i32
        %dma_wait3A_103 = arith.constant 0 : i32
        %dma_wait3A_104 = tpu.memref_slice %arg8[%dma_wait3A_102, %dma_wait3A_103] : memref<8x128xi32, #tpu.memory_space<vmem>> -> memref<1x128xi32, #tpu.memory_space<vmem>>
        %dma_wait3A_105 = tpu.memref_squeeze %dma_wait3A_104 : memref<1x128xi32, #tpu.memory_space<vmem>> -> memref<128xi32, #tpu.memory_space<vmem>>
        %dma_wait3A_106 = arith.constant 0 : i32
        %dma_wait3A_107 = arith.constant 0 : i32
        %dma_wait3A_108 = tpu.memref_slice %arg3[%dma_wait3A_106, %dma_wait3A_107] : memref<10000x128xf32, #tpu.memory_space<hbm>> -> memref<10000x128xf32, #tpu.memory_space<hbm>>
        tpu.wait_indirect_dma semaphore(%arg14 : memref<!tpu.dma_semaphore, #tpu.memory_space<semaphore_mem>>) src(%dma_wait3A_108 : memref<10000x128xf32, #tpu.memory_space<hbm>>) dst(%arg11 : memref<128x128xf32, #tpu.memory_space<vmem>>)
        %run_scoped3A_109 = arith.constant 3 : i32
        "tpu.region"() ({
          %run_scoped3A_164 = tpu.sem_alloc : memref<!tpu.dma_semaphore, #tpu.memory_space<semaphore_mem>>
          %dma_start3A_165 = arith.constant 0 : i32
          %dma_start3A_166 = tpu.memref_slice %arg9[%run_scoped3A_109, %dma_start3A_165] : memref<8x128xi32, #tpu.memory_space<vmem>> -> memref<1x128xi32, #tpu.memory_space<vmem>>
          %dma_start3A_167 = tpu.memref_squeeze %dma_start3A_166 : memref<1x128xi32, #tpu.memory_space<vmem>> -> memref<128xi32, #tpu.memory_space<vmem>>
          %dma_start3A_168 = arith.constant 0 : i32
          %dma_start3A_169 = arith.constant 0 : i32
          %dma_start3A_170 = tpu.memref_slice %arg12[%dma_start3A_168, %dma_start3A_169] : memref<10112x128xf32, #tpu.memory_space<vmem_shared>> -> memref<10112x128xf32, #tpu.memory_space<vmem_shared>>
          tpu.enqueue_indirect_dma source(%arg11 : memref<128x128xf32, #tpu.memory_space<vmem>>) target(%dma_start3A_170 : memref<10112x128xf32, #tpu.memory_space<vmem_shared>>) offsets(%dma_start3A_167 : memref<128xi32, #tpu.memory_space<vmem>>) semaphore(%run_scoped3A_164 : memref<!tpu.dma_semaphore, #tpu.memory_space<semaphore_mem>>) {add = true}
          %dma_wait3A_171 = arith.constant 0 : i32
          %dma_wait3A_172 = tpu.memref_slice %arg9[%run_scoped3A_109, %dma_wait3A_171] : memref<8x128xi32, #tpu.memory_space<vmem>> -> memref<1x128xi32, #tpu.memory_space<vmem>>
          %dma_wait3A_173 = tpu.memref_squeeze %dma_wait3A_172 : memref<1x128xi32, #tpu.memory_space<vmem>> -> memref<128xi32, #tpu.memory_space<vmem>>
          %dma_wait3A_174 = arith.constant 0 : i32
          %dma_wait3A_175 = arith.constant 0 : i32
          %dma_wait3A_176 = tpu.memref_slice %arg12[%dma_wait3A_174, %dma_wait3A_175] : memref<10112x128xf32, #tpu.memory_space<vmem_shared>> -> memref<10112x128xf32, #tpu.memory_space<vmem_shared>>
          tpu.wait_indirect_dma semaphore(%run_scoped3A_164 : memref<!tpu.dma_semaphore, #tpu.memory_space<semaphore_mem>>) src(%arg11 : memref<128x128xf32, #tpu.memory_space<vmem>>) dst(%dma_wait3A_176 : memref<10112x128xf32, #tpu.memory_space<vmem_shared>>)
          tpu.yield
        }) : () -> ()
        %dma_start3A_110 = arith.constant 5 : i32
        %dma_start3A_111 = arith.constant 0 : i32
        %dma_start3A_112 = tpu.memref_slice %arg8[%dma_start3A_110, %dma_start3A_111] : memref<8x128xi32, #tpu.memory_space<vmem>> -> memref<1x128xi32, #tpu.memory_space<vmem>>
        %dma_start3A_113 = tpu.memref_squeeze %dma_start3A_112 : memref<1x128xi32, #tpu.memory_space<vmem>> -> memref<128xi32, #tpu.memory_space<vmem>>
        %dma_start3A_114 = arith.constant 0 : i32
        %dma_start3A_115 = arith.constant 0 : i32
        %dma_start3A_116 = tpu.memref_slice %arg3[%dma_start3A_114, %dma_start3A_115] : memref<10000x128xf32, #tpu.memory_space<hbm>> -> memref<10000x128xf32, #tpu.memory_space<hbm>>
        tpu.enqueue_indirect_dma source(%dma_start3A_116 : memref<10000x128xf32, #tpu.memory_space<hbm>>) target(%arg11 : memref<128x128xf32, #tpu.memory_space<vmem>>) offsets(%dma_start3A_113 : memref<128xi32, #tpu.memory_space<vmem>>) semaphore(%arg14 : memref<!tpu.dma_semaphore, #tpu.memory_space<semaphore_mem>>)
        %dma_wait3A_117 = arith.constant 4 : i32
        %dma_wait3A_118 = arith.constant 0 : i32
        %dma_wait3A_119 = tpu.memref_slice %arg8[%dma_wait3A_117, %dma_wait3A_118] : memref<8x128xi32, #tpu.memory_space<vmem>> -> memref<1x128xi32, #tpu.memory_space<vmem>>
        %dma_wait3A_120 = tpu.memref_squeeze %dma_wait3A_119 : memref<1x128xi32, #tpu.memory_space<vmem>> -> memref<128xi32, #tpu.memory_space<vmem>>
        %dma_wait3A_121 = arith.constant 0 : i32
        %dma_wait3A_122 = arith.constant 0 : i32
        %dma_wait3A_123 = tpu.memref_slice %arg3[%dma_wait3A_121, %dma_wait3A_122] : memref<10000x128xf32, #tpu.memory_space<hbm>> -> memref<10000x128xf32, #tpu.memory_space<hbm>>
        tpu.wait_indirect_dma semaphore(%arg13 : memref<!tpu.dma_semaphore, #tpu.memory_space<semaphore_mem>>) src(%dma_wait3A_123 : memref<10000x128xf32, #tpu.memory_space<hbm>>) dst(%arg10 : memref<128x128xf32, #tpu.memory_space<vmem>>)
        %run_scoped3A_124 = arith.constant 4 : i32
        "tpu.region"() ({
          %run_scoped3A_164 = tpu.sem_alloc : memref<!tpu.dma_semaphore, #tpu.memory_space<semaphore_mem>>
          %dma_start3A_165 = arith.constant 0 : i32
          %dma_start3A_166 = tpu.memref_slice %arg9[%run_scoped3A_124, %dma_start3A_165] : memref<8x128xi32, #tpu.memory_space<vmem>> -> memref<1x128xi32, #tpu.memory_space<vmem>>
          %dma_start3A_167 = tpu.memref_squeeze %dma_start3A_166 : memref<1x128xi32, #tpu.memory_space<vmem>> -> memref<128xi32, #tpu.memory_space<vmem>>
          %dma_start3A_168 = arith.constant 0 : i32
          %dma_start3A_169 = arith.constant 0 : i32
          %dma_start3A_170 = tpu.memref_slice %arg12[%dma_start3A_168, %dma_start3A_169] : memref<10112x128xf32, #tpu.memory_space<vmem_shared>> -> memref<10112x128xf32, #tpu.memory_space<vmem_shared>>
          tpu.enqueue_indirect_dma source(%arg10 : memref<128x128xf32, #tpu.memory_space<vmem>>) target(%dma_start3A_170 : memref<10112x128xf32, #tpu.memory_space<vmem_shared>>) offsets(%dma_start3A_167 : memref<128xi32, #tpu.memory_space<vmem>>) semaphore(%run_scoped3A_164 : memref<!tpu.dma_semaphore, #tpu.memory_space<semaphore_mem>>) {add = true}
          %dma_wait3A_171 = arith.constant 0 : i32
          %dma_wait3A_172 = tpu.memref_slice %arg9[%run_scoped3A_124, %dma_wait3A_171] : memref<8x128xi32, #tpu.memory_space<vmem>> -> memref<1x128xi32, #tpu.memory_space<vmem>>
          %dma_wait3A_173 = tpu.memref_squeeze %dma_wait3A_172 : memref<1x128xi32, #tpu.memory_space<vmem>> -> memref<128xi32, #tpu.memory_space<vmem>>
          %dma_wait3A_174 = arith.constant 0 : i32
          %dma_wait3A_175 = arith.constant 0 : i32
          %dma_wait3A_176 = tpu.memref_slice %arg12[%dma_wait3A_174, %dma_wait3A_175] : memref<10112x128xf32, #tpu.memory_space<vmem_shared>> -> memref<10112x128xf32, #tpu.memory_space<vmem_shared>>
          tpu.wait_indirect_dma semaphore(%run_scoped3A_164 : memref<!tpu.dma_semaphore, #tpu.memory_space<semaphore_mem>>) src(%arg10 : memref<128x128xf32, #tpu.memory_space<vmem>>) dst(%dma_wait3A_176 : memref<10112x128xf32, #tpu.memory_space<vmem_shared>>)
          tpu.yield
        }) : () -> ()
        %dma_start3A_125 = arith.constant 6 : i32
        %dma_start3A_126 = arith.constant 0 : i32
        %dma_start3A_127 = tpu.memref_slice %arg8[%dma_start3A_125, %dma_start3A_126] : memref<8x128xi32, #tpu.memory_space<vmem>> -> memref<1x128xi32, #tpu.memory_space<vmem>>
        %dma_start3A_128 = tpu.memref_squeeze %dma_start3A_127 : memref<1x128xi32, #tpu.memory_space<vmem>> -> memref<128xi32, #tpu.memory_space<vmem>>
        %dma_start3A_129 = arith.constant 0 : i32
        %dma_start3A_130 = arith.constant 0 : i32
        %dma_start3A_131 = tpu.memref_slice %arg3[%dma_start3A_129, %dma_start3A_130] : memref<10000x128xf32, #tpu.memory_space<hbm>> -> memref<10000x128xf32, #tpu.memory_space<hbm>>
        tpu.enqueue_indirect_dma source(%dma_start3A_131 : memref<10000x128xf32, #tpu.memory_space<hbm>>) target(%arg10 : memref<128x128xf32, #tpu.memory_space<vmem>>) offsets(%dma_start3A_128 : memref<128xi32, #tpu.memory_space<vmem>>) semaphore(%arg13 : memref<!tpu.dma_semaphore, #tpu.memory_space<semaphore_mem>>)
        %dma_wait3A_132 = arith.constant 5 : i32
        %dma_wait3A_133 = arith.constant 0 : i32
        %dma_wait3A_134 = tpu.memref_slice %arg8[%dma_wait3A_132, %dma_wait3A_133] : memref<8x128xi32, #tpu.memory_space<vmem>> -> memref<1x128xi32, #tpu.memory_space<vmem>>
        %dma_wait3A_135 = tpu.memref_squeeze %dma_wait3A_134 : memref<1x128xi32, #tpu.memory_space<vmem>> -> memref<128xi32, #tpu.memory_space<vmem>>
        %dma_wait3A_136 = arith.constant 0 : i32
        %dma_wait3A_137 = arith.constant 0 : i32
        %dma_wait3A_138 = tpu.memref_slice %arg3[%dma_wait3A_136, %dma_wait3A_137] : memref<10000x128xf32, #tpu.memory_space<hbm>> -> memref<10000x128xf32, #tpu.memory_space<hbm>>
        tpu.wait_indirect_dma semaphore(%arg14 : memref<!tpu.dma_semaphore, #tpu.memory_space<semaphore_mem>>) src(%dma_wait3A_138 : memref<10000x128xf32, #tpu.memory_space<hbm>>) dst(%arg11 : memref<128x128xf32, #tpu.memory_space<vmem>>)
        %run_scoped3A_139 = arith.constant 5 : i32
        "tpu.region"() ({
          %run_scoped3A_164 = tpu.sem_alloc : memref<!tpu.dma_semaphore, #tpu.memory_space<semaphore_mem>>
          %dma_start3A_165 = arith.constant 0 : i32
          %dma_start3A_166 = tpu.memref_slice %arg9[%run_scoped3A_139, %dma_start3A_165] : memref<8x128xi32, #tpu.memory_space<vmem>> -> memref<1x128xi32, #tpu.memory_space<vmem>>
          %dma_start3A_167 = tpu.memref_squeeze %dma_start3A_166 : memref<1x128xi32, #tpu.memory_space<vmem>> -> memref<128xi32, #tpu.memory_space<vmem>>
          %dma_start3A_168 = arith.constant 0 : i32
          %dma_start3A_169 = arith.constant 0 : i32
          %dma_start3A_170 = tpu.memref_slice %arg12[%dma_start3A_168, %dma_start3A_169] : memref<10112x128xf32, #tpu.memory_space<vmem_shared>> -> memref<10112x128xf32, #tpu.memory_space<vmem_shared>>
          tpu.enqueue_indirect_dma source(%arg11 : memref<128x128xf32, #tpu.memory_space<vmem>>) target(%dma_start3A_170 : memref<10112x128xf32, #tpu.memory_space<vmem_shared>>) offsets(%dma_start3A_167 : memref<128xi32, #tpu.memory_space<vmem>>) semaphore(%run_scoped3A_164 : memref<!tpu.dma_semaphore, #tpu.memory_space<semaphore_mem>>) {add = true}
          %dma_wait3A_171 = arith.constant 0 : i32
          %dma_wait3A_172 = tpu.memref_slice %arg9[%run_scoped3A_139, %dma_wait3A_171] : memref<8x128xi32, #tpu.memory_space<vmem>> -> memref<1x128xi32, #tpu.memory_space<vmem>>
          %dma_wait3A_173 = tpu.memref_squeeze %dma_wait3A_172 : memref<1x128xi32, #tpu.memory_space<vmem>> -> memref<128xi32, #tpu.memory_space<vmem>>
          %dma_wait3A_174 = arith.constant 0 : i32
          %dma_wait3A_175 = arith.constant 0 : i32
          %dma_wait3A_176 = tpu.memref_slice %arg12[%dma_wait3A_174, %dma_wait3A_175] : memref<10112x128xf32, #tpu.memory_space<vmem_shared>> -> memref<10112x128xf32, #tpu.memory_space<vmem_shared>>
          tpu.wait_indirect_dma semaphore(%run_scoped3A_164 : memref<!tpu.dma_semaphore, #tpu.memory_space<semaphore_mem>>) src(%arg11 : memref<128x128xf32, #tpu.memory_space<vmem>>) dst(%dma_wait3A_176 : memref<10112x128xf32, #tpu.memory_space<vmem_shared>>)
          tpu.yield
        }) : () -> ()
        %dma_start3A_140 = arith.constant 7 : i32
        %dma_start3A_141 = arith.constant 0 : i32
        %dma_start3A_142 = tpu.memref_slice %arg8[%dma_start3A_140, %dma_start3A_141] : memref<8x128xi32, #tpu.memory_space<vmem>> -> memref<1x128xi32, #tpu.memory_space<vmem>>
        %dma_start3A_143 = tpu.memref_squeeze %dma_start3A_142 : memref<1x128xi32, #tpu.memory_space<vmem>> -> memref<128xi32, #tpu.memory_space<vmem>>
        %dma_start3A_144 = arith.constant 0 : i32
        %dma_start3A_145 = arith.constant 0 : i32
        %dma_start3A_146 = tpu.memref_slice %arg3[%dma_start3A_144, %dma_start3A_145] : memref<10000x128xf32, #tpu.memory_space<hbm>> -> memref<10000x128xf32, #tpu.memory_space<hbm>>
        tpu.enqueue_indirect_dma source(%dma_start3A_146 : memref<10000x128xf32, #tpu.memory_space<hbm>>) target(%arg11 : memref<128x128xf32, #tpu.memory_space<vmem>>) offsets(%dma_start3A_143 : memref<128xi32, #tpu.memory_space<vmem>>) semaphore(%arg14 : memref<!tpu.dma_semaphore, #tpu.memory_space<semaphore_mem>>)
        %dma_wait3A_147 = arith.constant 6 : i32
        %dma_wait3A_148 = arith.constant 0 : i32
        %dma_wait3A_149 = tpu.memref_slice %arg8[%dma_wait3A_147, %dma_wait3A_148] : memref<8x128xi32, #tpu.memory_space<vmem>> -> memref<1x128xi32, #tpu.memory_space<vmem>>
        %dma_wait3A_150 = tpu.memref_squeeze %dma_wait3A_149 : memref<1x128xi32, #tpu.memory_space<vmem>> -> memref<128xi32, #tpu.memory_space<vmem>>
        %dma_wait3A_151 = arith.constant 0 : i32
        %dma_wait3A_152 = arith.constant 0 : i32
        %dma_wait3A_153 = tpu.memref_slice %arg3[%dma_wait3A_151, %dma_wait3A_152] : memref<10000x128xf32, #tpu.memory_space<hbm>> -> memref<10000x128xf32, #tpu.memory_space<hbm>>
        tpu.wait_indirect_dma semaphore(%arg13 : memref<!tpu.dma_semaphore, #tpu.memory_space<semaphore_mem>>) src(%dma_wait3A_153 : memref<10000x128xf32, #tpu.memory_space<hbm>>) dst(%arg10 : memref<128x128xf32, #tpu.memory_space<vmem>>)
        %run_scoped3A_154 = arith.constant 6 : i32
        "tpu.region"() ({
          %run_scoped3A_164 = tpu.sem_alloc : memref<!tpu.dma_semaphore, #tpu.memory_space<semaphore_mem>>
          %dma_start3A_165 = arith.constant 0 : i32
          %dma_start3A_166 = tpu.memref_slice %arg9[%run_scoped3A_154, %dma_start3A_165] : memref<8x128xi32, #tpu.memory_space<vmem>> -> memref<1x128xi32, #tpu.memory_space<vmem>>
          %dma_start3A_167 = tpu.memref_squeeze %dma_start3A_166 : memref<1x128xi32, #tpu.memory_space<vmem>> -> memref<128xi32, #tpu.memory_space<vmem>>
          %dma_start3A_168 = arith.constant 0 : i32
          %dma_start3A_169 = arith.constant 0 : i32
          %dma_start3A_170 = tpu.memref_slice %arg12[%dma_start3A_168, %dma_start3A_169] : memref<10112x128xf32, #tpu.memory_space<vmem_shared>> -> memref<10112x128xf32, #tpu.memory_space<vmem_shared>>
          tpu.enqueue_indirect_dma source(%arg10 : memref<128x128xf32, #tpu.memory_space<vmem>>) target(%dma_start3A_170 : memref<10112x128xf32, #tpu.memory_space<vmem_shared>>) offsets(%dma_start3A_167 : memref<128xi32, #tpu.memory_space<vmem>>) semaphore(%run_scoped3A_164 : memref<!tpu.dma_semaphore, #tpu.memory_space<semaphore_mem>>) {add = true}
          %dma_wait3A_171 = arith.constant 0 : i32
          %dma_wait3A_172 = tpu.memref_slice %arg9[%run_scoped3A_154, %dma_wait3A_171] : memref<8x128xi32, #tpu.memory_space<vmem>> -> memref<1x128xi32, #tpu.memory_space<vmem>>
          %dma_wait3A_173 = tpu.memref_squeeze %dma_wait3A_172 : memref<1x128xi32, #tpu.memory_space<vmem>> -> memref<128xi32, #tpu.memory_space<vmem>>
          %dma_wait3A_174 = arith.constant 0 : i32
          %dma_wait3A_175 = arith.constant 0 : i32
          %dma_wait3A_176 = tpu.memref_slice %arg12[%dma_wait3A_174, %dma_wait3A_175] : memref<10112x128xf32, #tpu.memory_space<vmem_shared>> -> memref<10112x128xf32, #tpu.memory_space<vmem_shared>>
          tpu.wait_indirect_dma semaphore(%run_scoped3A_164 : memref<!tpu.dma_semaphore, #tpu.memory_space<semaphore_mem>>) src(%arg10 : memref<128x128xf32, #tpu.memory_space<vmem>>) dst(%dma_wait3A_176 : memref<10112x128xf32, #tpu.memory_space<vmem_shared>>)
          tpu.yield
        }) : () -> ()
        %dma_wait3A_155 = arith.constant 7 : i32
        %dma_wait3A_156 = arith.constant 0 : i32
        %dma_wait3A_157 = tpu.memref_slice %arg8[%dma_wait3A_155, %dma_wait3A_156] : memref<8x128xi32, #tpu.memory_space<vmem>> -> memref<1x128xi32, #tpu.memory_space<vmem>>
        %dma_wait3A_158 = tpu.memref_squeeze %dma_wait3A_157 : memref<1x128xi32, #tpu.memory_space<vmem>> -> memref<128xi32, #tpu.memory_space<vmem>>
        %dma_wait3A_159 = arith.constant 0 : i32
        %dma_wait3A_160 = arith.constant 0 : i32
        %dma_wait3A_161 = tpu.memref_slice %arg3[%dma_wait3A_159, %dma_wait3A_160] : memref<10000x128xf32, #tpu.memory_space<hbm>> -> memref<10000x128xf32, #tpu.memory_space<hbm>>
        tpu.wait_indirect_dma semaphore(%arg14 : memref<!tpu.dma_semaphore, #tpu.memory_space<semaphore_mem>>) src(%dma_wait3A_161 : memref<10000x128xf32, #tpu.memory_space<hbm>>) dst(%arg11 : memref<128x128xf32, #tpu.memory_space<vmem>>)
        %run_scoped3A_162 = arith.constant 7 : i32
        "tpu.region"() ({
          %run_scoped3A_164 = tpu.sem_alloc : memref<!tpu.dma_semaphore, #tpu.memory_space<semaphore_mem>>
          %dma_start3A_165 = arith.constant 0 : i32
          %dma_start3A_166 = tpu.memref_slice %arg9[%run_scoped3A_162, %dma_start3A_165] : memref<8x128xi32, #tpu.memory_space<vmem>> -> memref<1x128xi32, #tpu.memory_space<vmem>>
          %dma_start3A_167 = tpu.memref_squeeze %dma_start3A_166 : memref<1x128xi32, #tpu.memory_space<vmem>> -> memref<128xi32, #tpu.memory_space<vmem>>
          %dma_start3A_168 = arith.constant 0 : i32
          %dma_start3A_169 = arith.constant 0 : i32
          %dma_start3A_170 = tpu.memref_slice %arg12[%dma_start3A_168, %dma_start3A_169] : memref<10112x128xf32, #tpu.memory_space<vmem_shared>> -> memref<10112x128xf32, #tpu.memory_space<vmem_shared>>
          tpu.enqueue_indirect_dma source(%arg11 : memref<128x128xf32, #tpu.memory_space<vmem>>) target(%dma_start3A_170 : memref<10112x128xf32, #tpu.memory_space<vmem_shared>>) offsets(%dma_start3A_167 : memref<128xi32, #tpu.memory_space<vmem>>) semaphore(%run_scoped3A_164 : memref<!tpu.dma_semaphore, #tpu.memory_space<semaphore_mem>>) {add = true}
          %dma_wait3A_171 = arith.constant 0 : i32
          %dma_wait3A_172 = tpu.memref_slice %arg9[%run_scoped3A_162, %dma_wait3A_171] : memref<8x128xi32, #tpu.memory_space<vmem>> -> memref<1x128xi32, #tpu.memory_space<vmem>>
          %dma_wait3A_173 = tpu.memref_squeeze %dma_wait3A_172 : memref<1x128xi32, #tpu.memory_space<vmem>> -> memref<128xi32, #tpu.memory_space<vmem>>
          %dma_wait3A_174 = arith.constant 0 : i32
          %dma_wait3A_175 = arith.constant 0 : i32
          %dma_wait3A_176 = tpu.memref_slice %arg12[%dma_wait3A_174, %dma_wait3A_175] : memref<10112x128xf32, #tpu.memory_space<vmem_shared>> -> memref<10112x128xf32, #tpu.memory_space<vmem_shared>>
          tpu.wait_indirect_dma semaphore(%run_scoped3A_164 : memref<!tpu.dma_semaphore, #tpu.memory_space<semaphore_mem>>) src(%arg11 : memref<128x128xf32, #tpu.memory_space<vmem>>) dst(%dma_wait3A_176 : memref<10112x128xf32, #tpu.memory_space<vmem_shared>>)
          tpu.yield
        }) : () -> ()
        %scan3A_163 = arith.constant 0 : i32
        scf.yield %scan3A_163 : i32
      }
      %scan3A_39 = arith.constant 10 : i32
    } else {
    }
    %barrier3A_21 = arith.constant 0 : index
    tpu.barrier barrier_id(%barrier3A_21)
    %mul3A = arith.constant 632 : i32
    %mul3A_22 = arith.muli %arg1, %mul3A : i32
    %eq3A_23 = arith.constant 0 : i32
    %eq3A_24 = arith.cmpi eq, %arg0, %eq3A_23 : i32
    %convert_element_type3A_25 = arith.extui %eq3A_24 : i1 to i32
    %cond3A_26 = arith.constant 0 : i32
    %cond3A_27 = arith.cmpi ne, %convert_element_type3A_25, %cond3A_26 : i32
    scf.if %cond3A_27 {
      "tpu.region"() ({
        %run_scoped3A = tpu.sem_alloc : memref<!tpu.dma_semaphore, #tpu.memory_space<semaphore_mem>>
        %dma_start3A = arith.constant 0 : i32
        %dma_start3A_33 = tpu.memref_slice %arg6[%mul3A_22, %dma_start3A] : memref<10112x128xf32, #tpu.memory_space<hbm>> -> memref<632x128xf32, #tpu.memory_space<hbm>>
        %dma_start3A_34 = arith.constant 0 : i32
        %dma_start3A_35 = tpu.memref_slice %arg12[%mul3A_22, %dma_start3A_34] : memref<10112x128xf32, #tpu.memory_space<vmem_shared>> -> memref<632x128xf32, #tpu.memory_space<vmem_shared>>
        tpu.enqueue_dma source(%dma_start3A_35 : memref<632x128xf32, #tpu.memory_space<vmem_shared>>) target(%dma_start3A_33 : memref<632x128xf32, #tpu.memory_space<hbm>>) target_semaphore(%run_scoped3A : memref<!tpu.dma_semaphore, #tpu.memory_space<semaphore_mem>>)
        %dma_wait3A = arith.constant 0 : i32
        %dma_wait3A_36 = tpu.memref_slice %arg6[%mul3A_22, %dma_wait3A] : memref<10112x128xf32, #tpu.memory_space<hbm>> -> memref<632x128xf32, #tpu.memory_space<hbm>>
        %dma_wait3A_37 = arith.constant 0 : i32
        %dma_wait3A_38 = tpu.memref_slice %arg12[%mul3A_22, %dma_wait3A_37] : memref<10112x128xf32, #tpu.memory_space<vmem_shared>> -> memref<632x128xf32, #tpu.memory_space<vmem_shared>>
        tpu.wait_dma2 semaphore(%run_scoped3A : memref<!tpu.dma_semaphore, #tpu.memory_space<semaphore_mem>>) src(%dma_wait3A_38 : memref<632x128xf32, #tpu.memory_space<vmem_shared>>) dst(%dma_wait3A_36 : memref<632x128xf32, #tpu.memory_space<hbm>>)
        tpu.yield
      }) : () -> ()
    } else {
    }
    %eq3A_28 = arith.constant 1 : i32
    %eq3A_29 = arith.cmpi eq, %arg0, %eq3A_28 : i32
    %convert_element_type3A_30 = arith.extui %eq3A_29 : i1 to i32
    %cond3A_31 = arith.constant 0 : i32
    %cond3A_32 = arith.cmpi ne, %convert_element_type3A_30, %cond3A_31 : i32
    scf.if %cond3A_32 {
      "tpu.region"() ({
        %run_scoped3A = tpu.sem_alloc : memref<!tpu.dma_semaphore, #tpu.memory_space<semaphore_mem>>
        %dma_start3A = arith.constant 0 : i32
        %dma_start3A_33 = tpu.memref_slice %arg7[%mul3A_22, %dma_start3A] : memref<10112x128xf32, #tpu.memory_space<hbm>> -> memref<632x128xf32, #tpu.memory_space<hbm>>
        %dma_start3A_34 = arith.constant 0 : i32
        %dma_start3A_35 = tpu.memref_slice %arg12[%mul3A_22, %dma_start3A_34] : memref<10112x128xf32, #tpu.memory_space<vmem_shared>> -> memref<632x128xf32, #tpu.memory_space<vmem_shared>>
        tpu.enqueue_dma source(%dma_start3A_35 : memref<632x128xf32, #tpu.memory_space<vmem_shared>>) target(%dma_start3A_33 : memref<632x128xf32, #tpu.memory_space<hbm>>) target_semaphore(%run_scoped3A : memref<!tpu.dma_semaphore, #tpu.memory_space<semaphore_mem>>)
        %dma_wait3A = arith.constant 0 : i32
        %dma_wait3A_36 = tpu.memref_slice %arg7[%mul3A_22, %dma_wait3A] : memref<10112x128xf32, #tpu.memory_space<hbm>> -> memref<632x128xf32, #tpu.memory_space<hbm>>
        %dma_wait3A_37 = arith.constant 0 : i32
        %dma_wait3A_38 = tpu.memref_slice %arg12[%mul3A_22, %dma_wait3A_37] : memref<10112x128xf32, #tpu.memory_space<vmem_shared>> -> memref<632x128xf32, #tpu.memory_space<vmem_shared>>
        tpu.wait_dma2 semaphore(%run_scoped3A : memref<!tpu.dma_semaphore, #tpu.memory_space<semaphore_mem>>) src(%dma_wait3A_38 : memref<632x128xf32, #tpu.memory_space<vmem_shared>>) dst(%dma_wait3A_36 : memref<632x128xf32, #tpu.memory_space<hbm>>)
        tpu.yield
      }) : () -> ()
    } else {
    }
    return
  }
}

#map = affine_map<(d0, d1) -> (0, 0)>
module attributes {stable_mosaic.version = 14 : i64} {
  func.func @body(%arg0: i32, %arg1: i32, %arg2: memref<1280x128xi32, #tpu.memory_space<hbm>>, %arg3: memref<10112x128xf32, #tpu.memory_space<hbm>>, %arg4: memref<10112x128xf32, #tpu.memory_space<hbm>>, %arg5: memref<8x128xi32, #tpu.memory_space<vmem>>, %arg6: memref<128x128xf32, #tpu.memory_space<vmem>>, %arg7: memref<8x128xf32, #tpu.memory_space<vmem>>, %arg8: memref<10112x128xf32, #tpu.memory_space<vmem_shared>>) attributes {dimension_semantics = [#tpu.dimension_semantics<core_parallel>, #tpu.dimension_semantics<subcore_parallel>], iteration_bounds = array<i64: 2, 16>, scalar_prefetch = 0 : i64, scratch_operands = 4 : i64, tpu.core_type = #tpu.core_type<sc_vector_subcore>, window_params = [{transform_indices = #map}, {transform_indices = #map}, {transform_indices = #map}]} {
    %broadcast_in_dim3A = arith.constant 0.000000e+00 : f32
    %broadcast_in_dim3A_0 = vector.broadcast %broadcast_in_dim3A : f32 to vector<16xf32>
    %broadcast_in_dim3A_1 = arith.constant 1.000000e+00 : f32
    %broadcast_in_dim3A_2 = vector.broadcast %broadcast_in_dim3A_1 : f32 to vector<16xf32>
    %scan3A = arith.constant 0 : i32
    %scan3A_3 = arith.constant 0 : i32
    %scan3A_4 = arith.constant 128 : i32
    %scan3A_5 = arith.addi %scan3A_3, %scan3A_4 : i32
    %scan3A_6 = arith.constant 1 : i32
    %scan3A_7 = scf.for %scan3A_32 = %scan3A_3 to %scan3A_5 step %scan3A_6 iter_args(%scan3A_33 = %scan3A) -> (i32)  : i32 {
      %swap3A = arith.index_cast %scan3A_32 : i32 to index
      %swap3A_34 = arith.constant 0 : index
      %swap3A_35 = tpu.vector_load %arg6[%swap3A, %swap3A_34] {strides = array<i32>} : memref<128x128xf32, #tpu.memory_space<vmem>>, vector<1x16xf32>,
      %swap3A_36 = vector.shape_cast %swap3A_35 : vector<1x16xf32> to vector<16xf32>
      %swap3A_37 = vector.shape_cast %broadcast_in_dim3A_2 : vector<16xf32> to vector<1x16xf32>
      tpu.vector_store %arg6[%swap3A, %swap3A_34], %swap3A_37 {strides = array<i32>} : memref<128x128xf32, #tpu.memory_space<vmem>>, vector<1x16xf32>,
      %swap3A_38 = arith.index_cast %scan3A_32 : i32 to index
      %swap3A_39 = arith.constant 16 : index
      %swap3A_40 = tpu.vector_load %arg6[%swap3A_38, %swap3A_39] {strides = array<i32>} : memref<128x128xf32, #tpu.memory_space<vmem>>, vector<1x16xf32>,
      %swap3A_41 = vector.shape_cast %swap3A_40 : vector<1x16xf32> to vector<16xf32>
      %swap3A_42 = vector.shape_cast %broadcast_in_dim3A_2 : vector<16xf32> to vector<1x16xf32>
      tpu.vector_store %arg6[%swap3A_38, %swap3A_39], %swap3A_42 {strides = array<i32>} : memref<128x128xf32, #tpu.memory_space<vmem>>, vector<1x16xf32>,
      %swap3A_43 = arith.index_cast %scan3A_32 : i32 to index
      %swap3A_44 = arith.constant 32 : index
      %swap3A_45 = tpu.vector_load %arg6[%swap3A_43, %swap3A_44] {strides = array<i32>} : memref<128x128xf32, #tpu.memory_space<vmem>>, vector<1x16xf32>,
      %swap3A_46 = vector.shape_cast %swap3A_45 : vector<1x16xf32> to vector<16xf32>
      %swap3A_47 = vector.shape_cast %broadcast_in_dim3A_2 : vector<16xf32> to vector<1x16xf32>
      tpu.vector_store %arg6[%swap3A_43, %swap3A_44], %swap3A_47 {strides = array<i32>} : memref<128x128xf32, #tpu.memory_space<vmem>>, vector<1x16xf32>,
      %swap3A_48 = arith.index_cast %scan3A_32 : i32 to index
      %swap3A_49 = arith.constant 48 : index
      %swap3A_50 = tpu.vector_load %arg6[%swap3A_48, %swap3A_49] {strides = array<i32>} : memref<128x128xf32, #tpu.memory_space<vmem>>, vector<1x16xf32>,
      %swap3A_51 = vector.shape_cast %swap3A_50 : vector<1x16xf32> to vector<16xf32>
      %swap3A_52 = vector.shape_cast %broadcast_in_dim3A_2 : vector<16xf32> to vector<1x16xf32>
      tpu.vector_store %arg6[%swap3A_48, %swap3A_49], %swap3A_52 {strides = array<i32>} : memref<128x128xf32, #tpu.memory_space<vmem>>, vector<1x16xf32>,
      %swap3A_53 = arith.index_cast %scan3A_32 : i32 to index
      %swap3A_54 = arith.constant 64 : index
      %swap3A_55 = tpu.vector_load %arg6[%swap3A_53, %swap3A_54] {strides = array<i32>} : memref<128x128xf32, #tpu.memory_space<vmem>>, vector<1x16xf32>,
      %swap3A_56 = vector.shape_cast %swap3A_55 : vector<1x16xf32> to vector<16xf32>
      %swap3A_57 = vector.shape_cast %broadcast_in_dim3A_2 : vector<16xf32> to vector<1x16xf32>
      tpu.vector_store %arg6[%swap3A_53, %swap3A_54], %swap3A_57 {strides = array<i32>} : memref<128x128xf32, #tpu.memory_space<vmem>>, vector<1x16xf32>,
      %swap3A_58 = arith.index_cast %scan3A_32 : i32 to index
      %swap3A_59 = arith.constant 80 : index
      %swap3A_60 = tpu.vector_load %arg6[%swap3A_58, %swap3A_59] {strides = array<i32>} : memref<128x128xf32, #tpu.memory_space<vmem>>, vector<1x16xf32>,
      %swap3A_61 = vector.shape_cast %swap3A_60 : vector<1x16xf32> to vector<16xf32>
      %swap3A_62 = vector.shape_cast %broadcast_in_dim3A_2 : vector<16xf32> to vector<1x16xf32>
      tpu.vector_store %arg6[%swap3A_58, %swap3A_59], %swap3A_62 {strides = array<i32>} : memref<128x128xf32, #tpu.memory_space<vmem>>, vector<1x16xf32>,
      %swap3A_63 = arith.index_cast %scan3A_32 : i32 to index
      %swap3A_64 = arith.constant 96 : index
      %swap3A_65 = tpu.vector_load %arg6[%swap3A_63, %swap3A_64] {strides = array<i32>} : memref<128x128xf32, #tpu.memory_space<vmem>>, vector<1x16xf32>,
      %swap3A_66 = vector.shape_cast %swap3A_65 : vector<1x16xf32> to vector<16xf32>
      %swap3A_67 = vector.shape_cast %broadcast_in_dim3A_2 : vector<16xf32> to vector<1x16xf32>
      tpu.vector_store %arg6[%swap3A_63, %swap3A_64], %swap3A_67 {strides = array<i32>} : memref<128x128xf32, #tpu.memory_space<vmem>>, vector<1x16xf32>,
      %swap3A_68 = arith.index_cast %scan3A_32 : i32 to index
      %swap3A_69 = arith.constant 112 : index
      %swap3A_70 = tpu.vector_load %arg6[%swap3A_68, %swap3A_69] {strides = array<i32>} : memref<128x128xf32, #tpu.memory_space<vmem>>, vector<1x16xf32>,
      %swap3A_71 = vector.shape_cast %swap3A_70 : vector<1x16xf32> to vector<16xf32>
      %swap3A_72 = vector.shape_cast %broadcast_in_dim3A_2 : vector<16xf32> to vector<1x16xf32>
      tpu.vector_store %arg6[%swap3A_68, %swap3A_69], %swap3A_72 {strides = array<i32>} : memref<128x128xf32, #tpu.memory_space<vmem>>, vector<1x16xf32>,
      %lt3A = arith.constant 8 : i32
      %lt3A_73 = arith.cmpi slt, %scan3A_32, %lt3A : i32
      %convert_element_type3A_74 = arith.extui %lt3A_73 : i1 to i32
      %cond3A_75 = arith.constant 0 : i32
      %cond3A_76 = arith.cmpi ne, %convert_element_type3A_74, %cond3A_75 : i32
      scf.if %cond3A_76 {
        %swap3A_78 = arith.index_cast %scan3A_32 : i32 to index
        %swap3A_79 = arith.constant 0 : index
        %swap3A_80 = tpu.vector_load %arg7[%swap3A_78, %swap3A_79] {strides = array<i32>} : memref<8x128xf32, #tpu.memory_space<vmem>>, vector<1x16xf32>,
        %swap3A_81 = vector.shape_cast %swap3A_80 : vector<1x16xf32> to vector<16xf32>
        %swap3A_82 = vector.shape_cast %broadcast_in_dim3A_0 : vector<16xf32> to vector<1x16xf32>
        tpu.vector_store %arg7[%swap3A_78, %swap3A_79], %swap3A_82 {strides = array<i32>} : memref<8x128xf32, #tpu.memory_space<vmem>>, vector<1x16xf32>,
        %swap3A_83 = arith.index_cast %scan3A_32 : i32 to index
        %swap3A_84 = arith.constant 16 : index
        %swap3A_85 = tpu.vector_load %arg7[%swap3A_83, %swap3A_84] {strides = array<i32>} : memref<8x128xf32, #tpu.memory_space<vmem>>, vector<1x16xf32>,
        %swap3A_86 = vector.shape_cast %swap3A_85 : vector<1x16xf32> to vector<16xf32>
        %swap3A_87 = vector.shape_cast %broadcast_in_dim3A_0 : vector<16xf32> to vector<1x16xf32>
        tpu.vector_store %arg7[%swap3A_83, %swap3A_84], %swap3A_87 {strides = array<i32>} : memref<8x128xf32, #tpu.memory_space<vmem>>, vector<1x16xf32>,
        %swap3A_88 = arith.index_cast %scan3A_32 : i32 to index
        %swap3A_89 = arith.constant 32 : index
        %swap3A_90 = tpu.vector_load %arg7[%swap3A_88, %swap3A_89] {strides = array<i32>} : memref<8x128xf32, #tpu.memory_space<vmem>>, vector<1x16xf32>,
        %swap3A_91 = vector.shape_cast %swap3A_90 : vector<1x16xf32> to vector<16xf32>
        %swap3A_92 = vector.shape_cast %broadcast_in_dim3A_0 : vector<16xf32> to vector<1x16xf32>
        tpu.vector_store %arg7[%swap3A_88, %swap3A_89], %swap3A_92 {strides = array<i32>} : memref<8x128xf32, #tpu.memory_space<vmem>>, vector<1x16xf32>,
        %swap3A_93 = arith.index_cast %scan3A_32 : i32 to index
        %swap3A_94 = arith.constant 48 : index
        %swap3A_95 = tpu.vector_load %arg7[%swap3A_93, %swap3A_94] {strides = array<i32>} : memref<8x128xf32, #tpu.memory_space<vmem>>, vector<1x16xf32>,
        %swap3A_96 = vector.shape_cast %swap3A_95 : vector<1x16xf32> to vector<16xf32>
        %swap3A_97 = vector.shape_cast %broadcast_in_dim3A_0 : vector<16xf32> to vector<1x16xf32>
        tpu.vector_store %arg7[%swap3A_93, %swap3A_94], %swap3A_97 {strides = array<i32>} : memref<8x128xf32, #tpu.memory_space<vmem>>, vector<1x16xf32>,
        %swap3A_98 = arith.index_cast %scan3A_32 : i32 to index
        %swap3A_99 = arith.constant 64 : index
        %swap3A_100 = tpu.vector_load %arg7[%swap3A_98, %swap3A_99] {strides = array<i32>} : memref<8x128xf32, #tpu.memory_space<vmem>>, vector<1x16xf32>,
        %swap3A_101 = vector.shape_cast %swap3A_100 : vector<1x16xf32> to vector<16xf32>
        %swap3A_102 = vector.shape_cast %broadcast_in_dim3A_0 : vector<16xf32> to vector<1x16xf32>
        tpu.vector_store %arg7[%swap3A_98, %swap3A_99], %swap3A_102 {strides = array<i32>} : memref<8x128xf32, #tpu.memory_space<vmem>>, vector<1x16xf32>,
        %swap3A_103 = arith.index_cast %scan3A_32 : i32 to index
        %swap3A_104 = arith.constant 80 : index
        %swap3A_105 = tpu.vector_load %arg7[%swap3A_103, %swap3A_104] {strides = array<i32>} : memref<8x128xf32, #tpu.memory_space<vmem>>, vector<1x16xf32>,
        %swap3A_106 = vector.shape_cast %swap3A_105 : vector<1x16xf32> to vector<16xf32>
        %swap3A_107 = vector.shape_cast %broadcast_in_dim3A_0 : vector<16xf32> to vector<1x16xf32>
        tpu.vector_store %arg7[%swap3A_103, %swap3A_104], %swap3A_107 {strides = array<i32>} : memref<8x128xf32, #tpu.memory_space<vmem>>, vector<1x16xf32>,
        %swap3A_108 = arith.index_cast %scan3A_32 : i32 to index
        %swap3A_109 = arith.constant 96 : index
        %swap3A_110 = tpu.vector_load %arg7[%swap3A_108, %swap3A_109] {strides = array<i32>} : memref<8x128xf32, #tpu.memory_space<vmem>>, vector<1x16xf32>,
        %swap3A_111 = vector.shape_cast %swap3A_110 : vector<1x16xf32> to vector<16xf32>
        %swap3A_112 = vector.shape_cast %broadcast_in_dim3A_0 : vector<16xf32> to vector<1x16xf32>
        tpu.vector_store %arg7[%swap3A_108, %swap3A_109], %swap3A_112 {strides = array<i32>} : memref<8x128xf32, #tpu.memory_space<vmem>>, vector<1x16xf32>,
        %swap3A_113 = arith.index_cast %scan3A_32 : i32 to index
        %swap3A_114 = arith.constant 112 : index
        %swap3A_115 = tpu.vector_load %arg7[%swap3A_113, %swap3A_114] {strides = array<i32>} : memref<8x128xf32, #tpu.memory_space<vmem>>, vector<1x16xf32>,
        %swap3A_116 = vector.shape_cast %swap3A_115 : vector<1x16xf32> to vector<16xf32>
        %swap3A_117 = vector.shape_cast %broadcast_in_dim3A_0 : vector<16xf32> to vector<1x16xf32>
        tpu.vector_store %arg7[%swap3A_113, %swap3A_114], %swap3A_117 {strides = array<i32>} : memref<8x128xf32, #tpu.memory_space<vmem>>, vector<1x16xf32>,
      } else {
      }
      %scan3A_77 = arith.constant 0 : i32
      scf.yield %scan3A_77 : i32
    }
    %scan3A_8 = arith.constant 128 : i32
    %scan3A_9 = arith.constant 0 : i32
    %scan3A_10 = arith.constant 0 : i32
    %scan3A_11 = arith.constant 79 : i32
    %scan3A_12 = arith.addi %scan3A_10, %scan3A_11 : i32
    %scan3A_13 = arith.constant 1 : i32
    %scan3A_14 = scf.for %scan3A_32 = %scan3A_10 to %scan3A_12 step %scan3A_13 iter_args(%scan3A_33 = %scan3A_9) -> (i32)  : i32 {
      %mul3A_34 = arith.constant 632 : i32
      %mul3A_35 = arith.muli %arg1, %mul3A_34 : i32
      %mul3A_36 = arith.constant 8 : i32
      %mul3A_37 = arith.muli %scan3A_32, %mul3A_36 : i32
      %add3A = arith.addi %mul3A_35, %mul3A_37 : i32
      "tpu.region"() ({
        %run_scoped3A = tpu.sem_alloc : memref<!tpu.dma_semaphore, #tpu.memory_space<semaphore_mem>>
        %dma_start3A = arith.constant 0 : i32
        %dma_start3A_39 = tpu.memref_slice %arg8[%add3A, %dma_start3A] : memref<10112x128xf32, #tpu.memory_space<vmem_shared>> -> memref<8x128xf32, #tpu.memory_space<vmem_shared>>
        %dma_start3A_40 = arith.constant 0 : i32
        %dma_start3A_41 = tpu.memref_slice %arg8[%add3A, %dma_start3A_40] : memref<10112x128xf32, #tpu.memory_space<vmem_shared>> -> memref<8x128xf32, #tpu.memory_space<vmem_shared>>
        tpu.enqueue_dma source(%arg7 : memref<8x128xf32, #tpu.memory_space<vmem>>) target(%dma_start3A_41 : memref<8x128xf32, #tpu.memory_space<vmem_shared>>) target_semaphore(%run_scoped3A : memref<!tpu.dma_semaphore, #tpu.memory_space<semaphore_mem>>)
        %dma_wait3A = arith.constant 0 : i32
        %dma_wait3A_42 = tpu.memref_slice %arg8[%add3A, %dma_wait3A] : memref<10112x128xf32, #tpu.memory_space<vmem_shared>> -> memref<8x128xf32, #tpu.memory_space<vmem_shared>>
        %dma_wait3A_43 = arith.constant 0 : i32
        %dma_wait3A_44 = tpu.memref_slice %arg8[%add3A, %dma_wait3A_43] : memref<10112x128xf32, #tpu.memory_space<vmem_shared>> -> memref<8x128xf32, #tpu.memory_space<vmem_shared>>
        tpu.wait_dma2 semaphore(%run_scoped3A : memref<!tpu.dma_semaphore, #tpu.memory_space<semaphore_mem>>) src(%arg7 : memref<8x128xf32, #tpu.memory_space<vmem>>) dst(%dma_wait3A_44 : memref<8x128xf32, #tpu.memory_space<vmem_shared>>)
        tpu.yield
      }) : () -> ()
      %scan3A_38 = arith.constant 0 : i32
      scf.yield %scan3A_38 : i32
    }
    %scan3A_15 = arith.constant 79 : i32
    %barrier3A = arith.constant 0 : index
    tpu.barrier barrier_id(%barrier3A)
    %scan3A_16 = arith.constant 0 : i32
    %scan3A_17 = arith.constant 0 : i32
    %scan3A_18 = arith.constant 5 : i32
    %scan3A_19 = arith.addi %scan3A_17, %scan3A_18 : i32
    %scan3A_20 = arith.constant 1 : i32
    %scan3A_21 = scf.for %scan3A_32 = %scan3A_17 to %scan3A_19 step %scan3A_20 iter_args(%scan3A_33 = %scan3A_16) -> (i32)  : i32 {
      %mul3A_34 = arith.constant 16 : i32
      %mul3A_35 = arith.muli %arg0, %mul3A_34 : i32
      %add3A = arith.addi %mul3A_35, %arg1 : i32
      %mul3A_36 = arith.constant 40 : i32
      %mul3A_37 = arith.muli %add3A, %mul3A_36 : i32
      %mul3A_38 = arith.constant 8 : i32
      %mul3A_39 = arith.muli %scan3A_32, %mul3A_38 : i32
      %add3A_40 = arith.addi %mul3A_37, %mul3A_39 : i32
      "tpu.region"() ({
        %run_scoped3A = tpu.sem_alloc : memref<!tpu.dma_semaphore, #tpu.memory_space<semaphore_mem>>
        %dma_start3A = arith.constant 0 : i32
        %dma_start3A_49 = tpu.memref_slice %arg2[%add3A_40, %dma_start3A] : memref<1280x128xi32, #tpu.memory_space<hbm>> -> memref<8x128xi32, #tpu.memory_space<hbm>>
        %dma_start3A_50 = arith.constant 0 : i32
        %dma_start3A_51 = tpu.memref_slice %arg2[%add3A_40, %dma_start3A_50] : memref<1280x128xi32, #tpu.memory_space<hbm>> -> memref<8x128xi32, #tpu.memory_space<hbm>>
        tpu.enqueue_dma source(%dma_start3A_51 : memref<8x128xi32, #tpu.memory_space<hbm>>) target(%arg5 : memref<8x128xi32, #tpu.memory_space<vmem>>) target_semaphore(%run_scoped3A : memref<!tpu.dma_semaphore, #tpu.memory_space<semaphore_mem>>)
        %dma_wait3A = arith.constant 0 : i32
        %dma_wait3A_52 = tpu.memref_slice %arg2[%add3A_40, %dma_wait3A] : memref<1280x128xi32, #tpu.memory_space<hbm>> -> memref<8x128xi32, #tpu.memory_space<hbm>>
        %dma_wait3A_53 = arith.constant 0 : i32
        %dma_wait3A_54 = tpu.memref_slice %arg2[%add3A_40, %dma_wait3A_53] : memref<1280x128xi32, #tpu.memory_space<hbm>> -> memref<8x128xi32, #tpu.memory_space<hbm>>
        tpu.wait_dma2 semaphore(%run_scoped3A : memref<!tpu.dma_semaphore, #tpu.memory_space<semaphore_mem>>) src(%dma_wait3A_54 : memref<8x128xi32, #tpu.memory_space<hbm>>) dst(%arg5 : memref<8x128xi32, #tpu.memory_space<vmem>>)
        tpu.yield
      }) : () -> ()
      %scan3A_41 = arith.constant 0 : i32
      %scan3A_42 = arith.constant 0 : i32
      %scan3A_43 = arith.constant 8 : i32
      %scan3A_44 = arith.addi %scan3A_42, %scan3A_43 : i32
      %scan3A_45 = arith.constant 1 : i32
      %scan3A_46 = scf.for %scan3A_49 = %scan3A_42 to %scan3A_44 step %scan3A_45 iter_args(%scan3A_50 = %scan3A_41) -> (i32)  : i32 {
        "tpu.region"() ({
          %run_scoped3A = tpu.sem_alloc : memref<!tpu.dma_semaphore, #tpu.memory_space<semaphore_mem>>
          %dma_start3A = arith.constant 0 : i32
          %dma_start3A_52 = tpu.memref_slice %arg5[%scan3A_49, %dma_start3A] : memref<8x128xi32, #tpu.memory_space<vmem>> -> memref<1x128xi32, #tpu.memory_space<vmem>>
          %dma_start3A_53 = tpu.memref_squeeze %dma_start3A_52 : memref<1x128xi32, #tpu.memory_space<vmem>> -> memref<128xi32, #tpu.memory_space<vmem>>
          %dma_start3A_54 = arith.constant 0 : i32
          %dma_start3A_55 = arith.constant 0 : i32
          %dma_start3A_56 = tpu.memref_slice %arg8[%dma_start3A_54, %dma_start3A_55] : memref<10112x128xf32, #tpu.memory_space<vmem_shared>> -> memref<10112x128xf32, #tpu.memory_space<vmem_shared>>
          tpu.enqueue_indirect_dma source(%arg6 : memref<128x128xf32, #tpu.memory_space<vmem>>) target(%dma_start3A_56 : memref<10112x128xf32, #tpu.memory_space<vmem_shared>>) offsets(%dma_start3A_53 : memref<128xi32, #tpu.memory_space<vmem>>) semaphore(%run_scoped3A : memref<!tpu.dma_semaphore, #tpu.memory_space<semaphore_mem>>) {add = true}
          %dma_wait3A = arith.constant 0 : i32
          %dma_wait3A_57 = tpu.memref_slice %arg5[%scan3A_49, %dma_wait3A] : memref<8x128xi32, #tpu.memory_space<vmem>> -> memref<1x128xi32, #tpu.memory_space<vmem>>
          %dma_wait3A_58 = tpu.memref_squeeze %dma_wait3A_57 : memref<1x128xi32, #tpu.memory_space<vmem>> -> memref<128xi32, #tpu.memory_space<vmem>>
          %dma_wait3A_59 = arith.constant 0 : i32
          %dma_wait3A_60 = arith.constant 0 : i32
          %dma_wait3A_61 = tpu.memref_slice %arg8[%dma_wait3A_59, %dma_wait3A_60] : memref<10112x128xf32, #tpu.memory_space<vmem_shared>> -> memref<10112x128xf32, #tpu.memory_space<vmem_shared>>
          tpu.wait_indirect_dma semaphore(%run_scoped3A : memref<!tpu.dma_semaphore, #tpu.memory_space<semaphore_mem>>) src(%arg6 : memref<128x128xf32, #tpu.memory_space<vmem>>) dst(%dma_wait3A_61 : memref<10112x128xf32, #tpu.memory_space<vmem_shared>>)
          tpu.yield
        }) : () -> ()
        %scan3A_51 = arith.constant 0 : i32
        scf.yield %scan3A_51 : i32
      }
      %scan3A_47 = arith.constant 8 : i32
      %scan3A_48 = arith.constant 0 : i32
      scf.yield %scan3A_48 : i32
    }
    %scan3A_22 = arith.constant 5 : i32
    %barrier3A_23 = arith.constant 0 : index
    tpu.barrier barrier_id(%barrier3A_23)
    %mul3A = arith.constant 632 : i32
    %mul3A_24 = arith.muli %arg1, %mul3A : i32
    %eq3A = arith.constant 0 : i32
    %eq3A_25 = arith.cmpi eq, %arg0, %eq3A : i32
    %convert_element_type3A = arith.extui %eq3A_25 : i1 to i32
    %cond3A = arith.constant 0 : i32
    %cond3A_26 = arith.cmpi ne, %convert_element_type3A, %cond3A : i32
    scf.if %cond3A_26 {
      "tpu.region"() ({
        %run_scoped3A = tpu.sem_alloc : memref<!tpu.dma_semaphore, #tpu.memory_space<semaphore_mem>>
        %dma_start3A = arith.constant 0 : i32
        %dma_start3A_32 = tpu.memref_slice %arg3[%mul3A_24, %dma_start3A] : memref<10112x128xf32, #tpu.memory_space<hbm>> -> memref<632x128xf32, #tpu.memory_space<hbm>>
        %dma_start3A_33 = arith.constant 0 : i32
        %dma_start3A_34 = tpu.memref_slice %arg8[%mul3A_24, %dma_start3A_33] : memref<10112x128xf32, #tpu.memory_space<vmem_shared>> -> memref<632x128xf32, #tpu.memory_space<vmem_shared>>
        tpu.enqueue_dma source(%dma_start3A_34 : memref<632x128xf32, #tpu.memory_space<vmem_shared>>) target(%dma_start3A_32 : memref<632x128xf32, #tpu.memory_space<hbm>>) target_semaphore(%run_scoped3A : memref<!tpu.dma_semaphore, #tpu.memory_space<semaphore_mem>>)
        %dma_wait3A = arith.constant 0 : i32
        %dma_wait3A_35 = tpu.memref_slice %arg3[%mul3A_24, %dma_wait3A] : memref<10112x128xf32, #tpu.memory_space<hbm>> -> memref<632x128xf32, #tpu.memory_space<hbm>>
        %dma_wait3A_36 = arith.constant 0 : i32
        %dma_wait3A_37 = tpu.memref_slice %arg8[%mul3A_24, %dma_wait3A_36] : memref<10112x128xf32, #tpu.memory_space<vmem_shared>> -> memref<632x128xf32, #tpu.memory_space<vmem_shared>>
        tpu.wait_dma2 semaphore(%run_scoped3A : memref<!tpu.dma_semaphore, #tpu.memory_space<semaphore_mem>>) src(%dma_wait3A_37 : memref<632x128xf32, #tpu.memory_space<vmem_shared>>) dst(%dma_wait3A_35 : memref<632x128xf32, #tpu.memory_space<hbm>>)
        tpu.yield
      }) : () -> ()
    } else {
    }
    %eq3A_27 = arith.constant 1 : i32
    %eq3A_28 = arith.cmpi eq, %arg0, %eq3A_27 : i32
    %convert_element_type3A_29 = arith.extui %eq3A_28 : i1 to i32
    %cond3A_30 = arith.constant 0 : i32
    %cond3A_31 = arith.cmpi ne, %convert_element_type3A_29, %cond3A_30 : i32
    scf.if %cond3A_31 {
      "tpu.region"() ({
        %run_scoped3A = tpu.sem_alloc : memref<!tpu.dma_semaphore, #tpu.memory_space<semaphore_mem>>
        %dma_start3A = arith.constant 0 : i32
        %dma_start3A_32 = tpu.memref_slice %arg4[%mul3A_24, %dma_start3A] : memref<10112x128xf32, #tpu.memory_space<hbm>> -> memref<632x128xf32, #tpu.memory_space<hbm>>
        %dma_start3A_33 = arith.constant 0 : i32
        %dma_start3A_34 = tpu.memref_slice %arg8[%mul3A_24, %dma_start3A_33] : memref<10112x128xf32, #tpu.memory_space<vmem_shared>> -> memref<632x128xf32, #tpu.memory_space<vmem_shared>>
        tpu.enqueue_dma source(%dma_start3A_34 : memref<632x128xf32, #tpu.memory_space<vmem_shared>>) target(%dma_start3A_32 : memref<632x128xf32, #tpu.memory_space<hbm>>) target_semaphore(%run_scoped3A : memref<!tpu.dma_semaphore, #tpu.memory_space<semaphore_mem>>)
        %dma_wait3A = arith.constant 0 : i32
        %dma_wait3A_35 = tpu.memref_slice %arg4[%mul3A_24, %dma_wait3A] : memref<10112x128xf32, #tpu.memory_space<hbm>> -> memref<632x128xf32, #tpu.memory_space<hbm>>
        %dma_wait3A_36 = arith.constant 0 : i32
        %dma_wait3A_37 = tpu.memref_slice %arg8[%mul3A_24, %dma_wait3A_36] : memref<10112x128xf32, #tpu.memory_space<vmem_shared>> -> memref<632x128xf32, #tpu.memory_space<vmem_shared>>
        tpu.wait_dma2 semaphore(%run_scoped3A : memref<!tpu.dma_semaphore, #tpu.memory_space<semaphore_mem>>) src(%dma_wait3A_37 : memref<632x128xf32, #tpu.memory_space<vmem_shared>>) dst(%dma_wait3A_35 : memref<632x128xf32, #tpu.memory_space<hbm>>)
        tpu.yield
      }) : () -> ()
    } else {
    }
    return
  }
}

#map = affine_map<(d0, d1) -> (0, 0)>
module attributes {stable_mosaic.version = 14 : i64} {
  func.func @body(%arg0: i32, %arg1: i32, %arg2: memref<10000x128xf32, #tpu.memory_space<hbm>>, %arg3: memref<10000x128xf32, #tpu.memory_space<hbm>>, %arg4: memref<1280x128xi32, #tpu.memory_space<hbm>>, %arg5: memref<1280x128xi32, #tpu.memory_space<hbm>>, %arg6: memref<10112x128xf32, #tpu.memory_space<hbm>>, %arg7: memref<10112x128xf32, #tpu.memory_space<hbm>>, %arg8: memref<8x128xi32, #tpu.memory_space<vmem>>, %arg9: memref<8x128xi32, #tpu.memory_space<vmem>>, %arg10: memref<128x128xf32, #tpu.memory_space<vmem>>, %arg11: memref<128x128xf32, #tpu.memory_space<vmem>>, %arg12: memref<10112x128xf32, #tpu.memory_space<vmem_shared>>, %arg13: memref<!tpu.dma_semaphore, #tpu.memory_space<semaphore_mem>>, %arg14: memref<!tpu.dma_semaphore, #tpu.memory_space<semaphore_mem>>) attributes {dimension_semantics = [#tpu.dimension_semantics<core_parallel>, #tpu.dimension_semantics<subcore_parallel>], iteration_bounds = array<i64: 2, 16>, scalar_prefetch = 0 : i64, scratch_operands = 7 : i64, tpu.core_type = #tpu.core_type<sc_vector_subcore>, window_params = [{transform_indices = #map}, {transform_indices = #map}, {transform_indices = #map}, {transform_indices = #map}, {transform_indices = #map}, {transform_indices = #map}]} {
    %broadcast_in_dim3A = arith.constant 0.000000e+00 : f32
    %broadcast_in_dim3A_0 = vector.broadcast %broadcast_in_dim3A : f32 to vector<16xf32>
    %scan3A = arith.constant 0 : i32
    %scan3A_1 = arith.constant 0 : i32
    %scan3A_2 = arith.constant 128 : i32
    %scan3A_3 = arith.addi %scan3A_1, %scan3A_2 : i32
    %scan3A_4 = arith.constant 1 : i32
    %scan3A_5 = scf.for %scan3A_33 = %scan3A_1 to %scan3A_3 step %scan3A_4 iter_args(%scan3A_34 = %scan3A) -> (i32)  : i32 {
      %swap3A = arith.index_cast %scan3A_33 : i32 to index
      %swap3A_35 = arith.constant 0 : index
      %swap3A_36 = tpu.vector_load %arg10[%swap3A, %swap3A_35] {strides = array<i32>} : memref<128x128xf32, #tpu.memory_space<vmem>>, vector<1x16xf32>,
      %swap3A_37 = vector.shape_cast %swap3A_36 : vector<1x16xf32> to vector<16xf32>
      %swap3A_38 = vector.shape_cast %broadcast_in_dim3A_0 : vector<16xf32> to vector<1x16xf32>
      tpu.vector_store %arg10[%swap3A, %swap3A_35], %swap3A_38 {strides = array<i32>} : memref<128x128xf32, #tpu.memory_space<vmem>>, vector<1x16xf32>,
      %swap3A_39 = arith.index_cast %scan3A_33 : i32 to index
      %swap3A_40 = arith.constant 16 : index
      %swap3A_41 = tpu.vector_load %arg10[%swap3A_39, %swap3A_40] {strides = array<i32>} : memref<128x128xf32, #tpu.memory_space<vmem>>, vector<1x16xf32>,
      %swap3A_42 = vector.shape_cast %swap3A_41 : vector<1x16xf32> to vector<16xf32>
      %swap3A_43 = vector.shape_cast %broadcast_in_dim3A_0 : vector<16xf32> to vector<1x16xf32>
      tpu.vector_store %arg10[%swap3A_39, %swap3A_40], %swap3A_43 {strides = array<i32>} : memref<128x128xf32, #tpu.memory_space<vmem>>, vector<1x16xf32>,
      %swap3A_44 = arith.index_cast %scan3A_33 : i32 to index
      %swap3A_45 = arith.constant 32 : index
      %swap3A_46 = tpu.vector_load %arg10[%swap3A_44, %swap3A_45] {strides = array<i32>} : memref<128x128xf32, #tpu.memory_space<vmem>>, vector<1x16xf32>,
      %swap3A_47 = vector.shape_cast %swap3A_46 : vector<1x16xf32> to vector<16xf32>
      %swap3A_48 = vector.shape_cast %broadcast_in_dim3A_0 : vector<16xf32> to vector<1x16xf32>
      tpu.vector_store %arg10[%swap3A_44, %swap3A_45], %swap3A_48 {strides = array<i32>} : memref<128x128xf32, #tpu.memory_space<vmem>>, vector<1x16xf32>,
      %swap3A_49 = arith.index_cast %scan3A_33 : i32 to index
      %swap3A_50 = arith.constant 48 : index
      %swap3A_51 = tpu.vector_load %arg10[%swap3A_49, %swap3A_50] {strides = array<i32>} : memref<128x128xf32, #tpu.memory_space<vmem>>, vector<1x16xf32>,
      %swap3A_52 = vector.shape_cast %swap3A_51 : vector<1x16xf32> to vector<16xf32>
      %swap3A_53 = vector.shape_cast %broadcast_in_dim3A_0 : vector<16xf32> to vector<1x16xf32>
      tpu.vector_store %arg10[%swap3A_49, %swap3A_50], %swap3A_53 {strides = array<i32>} : memref<128x128xf32, #tpu.memory_space<vmem>>, vector<1x16xf32>,
      %swap3A_54 = arith.index_cast %scan3A_33 : i32 to index
      %swap3A_55 = arith.constant 64 : index
      %swap3A_56 = tpu.vector_load %arg10[%swap3A_54, %swap3A_55] {strides = array<i32>} : memref<128x128xf32, #tpu.memory_space<vmem>>, vector<1x16xf32>,
      %swap3A_57 = vector.shape_cast %swap3A_56 : vector<1x16xf32> to vector<16xf32>
      %swap3A_58 = vector.shape_cast %broadcast_in_dim3A_0 : vector<16xf32> to vector<1x16xf32>
      tpu.vector_store %arg10[%swap3A_54, %swap3A_55], %swap3A_58 {strides = array<i32>} : memref<128x128xf32, #tpu.memory_space<vmem>>, vector<1x16xf32>,
      %swap3A_59 = arith.index_cast %scan3A_33 : i32 to index
      %swap3A_60 = arith.constant 80 : index
      %swap3A_61 = tpu.vector_load %arg10[%swap3A_59, %swap3A_60] {strides = array<i32>} : memref<128x128xf32, #tpu.memory_space<vmem>>, vector<1x16xf32>,
      %swap3A_62 = vector.shape_cast %swap3A_61 : vector<1x16xf32> to vector<16xf32>
      %swap3A_63 = vector.shape_cast %broadcast_in_dim3A_0 : vector<16xf32> to vector<1x16xf32>
      tpu.vector_store %arg10[%swap3A_59, %swap3A_60], %swap3A_63 {strides = array<i32>} : memref<128x128xf32, #tpu.memory_space<vmem>>, vector<1x16xf32>,
      %swap3A_64 = arith.index_cast %scan3A_33 : i32 to index
      %swap3A_65 = arith.constant 96 : index
      %swap3A_66 = tpu.vector_load %arg10[%swap3A_64, %swap3A_65] {strides = array<i32>} : memref<128x128xf32, #tpu.memory_space<vmem>>, vector<1x16xf32>,
      %swap3A_67 = vector.shape_cast %swap3A_66 : vector<1x16xf32> to vector<16xf32>
      %swap3A_68 = vector.shape_cast %broadcast_in_dim3A_0 : vector<16xf32> to vector<1x16xf32>
      tpu.vector_store %arg10[%swap3A_64, %swap3A_65], %swap3A_68 {strides = array<i32>} : memref<128x128xf32, #tpu.memory_space<vmem>>, vector<1x16xf32>,
      %swap3A_69 = arith.index_cast %scan3A_33 : i32 to index
      %swap3A_70 = arith.constant 112 : index
      %swap3A_71 = tpu.vector_load %arg10[%swap3A_69, %swap3A_70] {strides = array<i32>} : memref<128x128xf32, #tpu.memory_space<vmem>>, vector<1x16xf32>,
      %swap3A_72 = vector.shape_cast %swap3A_71 : vector<1x16xf32> to vector<16xf32>
      %swap3A_73 = vector.shape_cast %broadcast_in_dim3A_0 : vector<16xf32> to vector<1x16xf32>
      tpu.vector_store %arg10[%swap3A_69, %swap3A_70], %swap3A_73 {strides = array<i32>} : memref<128x128xf32, #tpu.memory_space<vmem>>, vector<1x16xf32>,
      %scan3A_74 = arith.constant 0 : i32
      scf.yield %scan3A_74 : i32
    }
    %scan3A_6 = arith.constant 128 : i32
    %scan3A_7 = arith.constant 0 : i32
    %scan3A_8 = arith.constant 0 : i32
    %scan3A_9 = arith.constant 79 : i32
    %scan3A_10 = arith.addi %scan3A_8, %scan3A_9 : i32
    %scan3A_11 = arith.constant 1 : i32
    %scan3A_12 = scf.for %scan3A_33 = %scan3A_8 to %scan3A_10 step %scan3A_11 iter_args(%scan3A_34 = %scan3A_7) -> (i32)  : i32 {
      %mul3A_35 = arith.constant 632 : i32
      %mul3A_36 = arith.muli %arg1, %mul3A_35 : i32
      %mul3A_37 = arith.constant 8 : i32
      %mul3A_38 = arith.muli %scan3A_33, %mul3A_37 : i32
      %add3A = arith.addi %mul3A_36, %mul3A_38 : i32
      "tpu.region"() ({
        %run_scoped3A = tpu.sem_alloc : memref<!tpu.dma_semaphore, #tpu.memory_space<semaphore_mem>>
        %dma_start3A = arith.constant 0 : i32
        %dma_start3A_40 = arith.constant 0 : i32
        %dma_start3A_41 = tpu.memref_slice %arg10[%dma_start3A, %dma_start3A_40] : memref<128x128xf32, #tpu.memory_space<vmem>> -> memref<8x128xf32, #tpu.memory_space<vmem>>
        %dma_start3A_42 = arith.constant 0 : i32
        %dma_start3A_43 = tpu.memref_slice %arg12[%add3A, %dma_start3A_42] : memref<10112x128xf32, #tpu.memory_space<vmem_shared>> -> memref<8x128xf32, #tpu.memory_space<vmem_shared>>
        %dma_start3A_44 = arith.constant 0 : i32
        %dma_start3A_45 = tpu.memref_slice %arg12[%add3A, %dma_start3A_44] : memref<10112x128xf32, #tpu.memory_space<vmem_shared>> -> memref<8x128xf32, #tpu.memory_space<vmem_shared>>
        %dma_start3A_46 = arith.constant 0 : i32
        %dma_start3A_47 = arith.constant 0 : i32
        %dma_start3A_48 = tpu.memref_slice %arg10[%dma_start3A_46, %dma_start3A_47] : memref<128x128xf32, #tpu.memory_space<vmem>> -> memref<8x128xf32, #tpu.memory_space<vmem>>
        tpu.enqueue_dma source(%dma_start3A_48 : memref<8x128xf32, #tpu.memory_space<vmem>>) target(%dma_start3A_45 : memref<8x128xf32, #tpu.memory_space<vmem_shared>>) target_semaphore(%run_scoped3A : memref<!tpu.dma_semaphore, #tpu.memory_space<semaphore_mem>>)
        %dma_wait3A = arith.constant 0 : i32
        %dma_wait3A_49 = arith.constant 0 : i32
        %dma_wait3A_50 = tpu.memref_slice %arg10[%dma_wait3A, %dma_wait3A_49] : memref<128x128xf32, #tpu.memory_space<vmem>> -> memref<8x128xf32, #tpu.memory_space<vmem>>
        %dma_wait3A_51 = arith.constant 0 : i32
        %dma_wait3A_52 = tpu.memref_slice %arg12[%add3A, %dma_wait3A_51] : memref<10112x128xf32, #tpu.memory_space<vmem_shared>> -> memref<8x128xf32, #tpu.memory_space<vmem_shared>>
        %dma_wait3A_53 = arith.constant 0 : i32
        %dma_wait3A_54 = tpu.memref_slice %arg12[%add3A, %dma_wait3A_53] : memref<10112x128xf32, #tpu.memory_space<vmem_shared>> -> memref<8x128xf32, #tpu.memory_space<vmem_shared>>
        %dma_wait3A_55 = arith.constant 0 : i32
        %dma_wait3A_56 = arith.constant 0 : i32
        %dma_wait3A_57 = tpu.memref_slice %arg10[%dma_wait3A_55, %dma_wait3A_56] : memref<128x128xf32, #tpu.memory_space<vmem>> -> memref<8x128xf32, #tpu.memory_space<vmem>>
        tpu.wait_dma2 semaphore(%run_scoped3A : memref<!tpu.dma_semaphore, #tpu.memory_space<semaphore_mem>>) src(%dma_wait3A_57 : memref<8x128xf32, #tpu.memory_space<vmem>>) dst(%dma_wait3A_54 : memref<8x128xf32, #tpu.memory_space<vmem_shared>>)
        tpu.yield
      }) : () -> ()
      %scan3A_39 = arith.constant 0 : i32
      scf.yield %scan3A_39 : i32
    }
    %scan3A_13 = arith.constant 79 : i32
    %barrier3A = arith.constant 0 : index
    tpu.barrier barrier_id(%barrier3A)
    %eq3A = arith.constant 0 : i32
    %eq3A_14 = arith.cmpi eq, %arg0, %eq3A : i32
    %convert_element_type3A = arith.extui %eq3A_14 : i1 to i32
    %cond3A = arith.constant 0 : i32
    %cond3A_15 = arith.cmpi ne, %convert_element_type3A, %cond3A : i32
    scf.if %cond3A_15 {
      %scan3A_33 = arith.constant 0 : i32
      %scan3A_34 = arith.constant 0 : i32
      %scan3A_35 = arith.constant 10 : i32
      %scan3A_36 = arith.addi %scan3A_34, %scan3A_35 : i32
      %scan3A_37 = arith.constant 1 : i32
      %scan3A_38 = scf.for %scan3A_40 = %scan3A_34 to %scan3A_36 step %scan3A_37 iter_args(%scan3A_41 = %scan3A_33) -> (i32)  : i32 {
        %mul3A_42 = arith.constant 80 : i32
        %mul3A_43 = arith.muli %arg1, %mul3A_42 : i32
        %mul3A_44 = arith.constant 8 : i32
        %mul3A_45 = arith.muli %scan3A_40, %mul3A_44 : i32
        %add3A = arith.addi %mul3A_43, %mul3A_45 : i32
        "tpu.region"() ({
          %run_scoped3A_164 = tpu.sem_alloc : memref<!tpu.dma_semaphore, #tpu.memory_space<semaphore_mem>>
          %dma_start3A_165 = arith.constant 0 : i32
          %dma_start3A_166 = tpu.memref_slice %arg4[%add3A, %dma_start3A_165] : memref<1280x128xi32, #tpu.memory_space<hbm>> -> memref<8x128xi32, #tpu.memory_space<hbm>>
          %dma_start3A_167 = arith.constant 0 : i32
          %dma_start3A_168 = tpu.memref_slice %arg4[%add3A, %dma_start3A_167] : memref<1280x128xi32, #tpu.memory_space<hbm>> -> memref<8x128xi32, #tpu.memory_space<hbm>>
          tpu.enqueue_dma source(%dma_start3A_168 : memref<8x128xi32, #tpu.memory_space<hbm>>) target(%arg8 : memref<8x128xi32, #tpu.memory_space<vmem>>) target_semaphore(%run_scoped3A_164 : memref<!tpu.dma_semaphore, #tpu.memory_space<semaphore_mem>>)
          %dma_wait3A_169 = arith.constant 0 : i32
          %dma_wait3A_170 = tpu.memref_slice %arg4[%add3A, %dma_wait3A_169] : memref<1280x128xi32, #tpu.memory_space<hbm>> -> memref<8x128xi32, #tpu.memory_space<hbm>>
          %dma_wait3A_171 = arith.constant 0 : i32
          %dma_wait3A_172 = tpu.memref_slice %arg4[%add3A, %dma_wait3A_171] : memref<1280x128xi32, #tpu.memory_space<hbm>> -> memref<8x128xi32, #tpu.memory_space<hbm>>
          tpu.wait_dma2 semaphore(%run_scoped3A_164 : memref<!tpu.dma_semaphore, #tpu.memory_space<semaphore_mem>>) src(%dma_wait3A_172 : memref<8x128xi32, #tpu.memory_space<hbm>>) dst(%arg8 : memref<8x128xi32, #tpu.memory_space<vmem>>)
          tpu.yield
        }) : () -> ()
        "tpu.region"() ({
          %run_scoped3A_164 = tpu.sem_alloc : memref<!tpu.dma_semaphore, #tpu.memory_space<semaphore_mem>>
          %dma_start3A_165 = arith.constant 0 : i32
          %dma_start3A_166 = tpu.memref_slice %arg5[%add3A, %dma_start3A_165] : memref<1280x128xi32, #tpu.memory_space<hbm>> -> memref<8x128xi32, #tpu.memory_space<hbm>>
          %dma_start3A_167 = arith.constant 0 : i32
          %dma_start3A_168 = tpu.memref_slice %arg5[%add3A, %dma_start3A_167] : memref<1280x128xi32, #tpu.memory_space<hbm>> -> memref<8x128xi32, #tpu.memory_space<hbm>>
          tpu.enqueue_dma source(%dma_start3A_168 : memref<8x128xi32, #tpu.memory_space<hbm>>) target(%arg9 : memref<8x128xi32, #tpu.memory_space<vmem>>) target_semaphore(%run_scoped3A_164 : memref<!tpu.dma_semaphore, #tpu.memory_space<semaphore_mem>>)
          %dma_wait3A_169 = arith.constant 0 : i32
          %dma_wait3A_170 = tpu.memref_slice %arg5[%add3A, %dma_wait3A_169] : memref<1280x128xi32, #tpu.memory_space<hbm>> -> memref<8x128xi32, #tpu.memory_space<hbm>>
          %dma_wait3A_171 = arith.constant 0 : i32
          %dma_wait3A_172 = tpu.memref_slice %arg5[%add3A, %dma_wait3A_171] : memref<1280x128xi32, #tpu.memory_space<hbm>> -> memref<8x128xi32, #tpu.memory_space<hbm>>
          tpu.wait_dma2 semaphore(%run_scoped3A_164 : memref<!tpu.dma_semaphore, #tpu.memory_space<semaphore_mem>>) src(%dma_wait3A_172 : memref<8x128xi32, #tpu.memory_space<hbm>>) dst(%arg9 : memref<8x128xi32, #tpu.memory_space<vmem>>)
          tpu.yield
        }) : () -> ()
        %dma_start3A = arith.constant 0 : i32
        %dma_start3A_46 = arith.constant 0 : i32
        %dma_start3A_47 = tpu.memref_slice %arg8[%dma_start3A, %dma_start3A_46] : memref<8x128xi32, #tpu.memory_space<vmem>> -> memref<1x128xi32, #tpu.memory_space<vmem>>
        %dma_start3A_48 = tpu.memref_squeeze %dma_start3A_47 : memref<1x128xi32, #tpu.memory_space<vmem>> -> memref<128xi32, #tpu.memory_space<vmem>>
        %dma_start3A_49 = arith.constant 0 : i32
        %dma_start3A_50 = arith.constant 0 : i32
        %dma_start3A_51 = tpu.memref_slice %arg2[%dma_start3A_49, %dma_start3A_50] : memref<10000x128xf32, #tpu.memory_space<hbm>> -> memref<10000x128xf32, #tpu.memory_space<hbm>>
        tpu.enqueue_indirect_dma source(%dma_start3A_51 : memref<10000x128xf32, #tpu.memory_space<hbm>>) target(%arg10 : memref<128x128xf32, #tpu.memory_space<vmem>>) offsets(%dma_start3A_48 : memref<128xi32, #tpu.memory_space<vmem>>) semaphore(%arg13 : memref<!tpu.dma_semaphore, #tpu.memory_space<semaphore_mem>>)
        %dma_start3A_52 = arith.constant 1 : i32
        %dma_start3A_53 = arith.constant 0 : i32
        %dma_start3A_54 = tpu.memref_slice %arg8[%dma_start3A_52, %dma_start3A_53] : memref<8x128xi32, #tpu.memory_space<vmem>> -> memref<1x128xi32, #tpu.memory_space<vmem>>
        %dma_start3A_55 = tpu.memref_squeeze %dma_start3A_54 : memref<1x128xi32, #tpu.memory_space<vmem>> -> memref<128xi32, #tpu.memory_space<vmem>>
        %dma_start3A_56 = arith.constant 0 : i32
        %dma_start3A_57 = arith.constant 0 : i32
        %dma_start3A_58 = tpu.memref_slice %arg2[%dma_start3A_56, %dma_start3A_57] : memref<10000x128xf32, #tpu.memory_space<hbm>> -> memref<10000x128xf32, #tpu.memory_space<hbm>>
        tpu.enqueue_indirect_dma source(%dma_start3A_58 : memref<10000x128xf32, #tpu.memory_space<hbm>>) target(%arg11 : memref<128x128xf32, #tpu.memory_space<vmem>>) offsets(%dma_start3A_55 : memref<128xi32, #tpu.memory_space<vmem>>) semaphore(%arg14 : memref<!tpu.dma_semaphore, #tpu.memory_space<semaphore_mem>>)
        %dma_wait3A = arith.constant 0 : i32
        %dma_wait3A_59 = arith.constant 0 : i32
        %dma_wait3A_60 = tpu.memref_slice %arg8[%dma_wait3A, %dma_wait3A_59] : memref<8x128xi32, #tpu.memory_space<vmem>> -> memref<1x128xi32, #tpu.memory_space<vmem>>
        %dma_wait3A_61 = tpu.memref_squeeze %dma_wait3A_60 : memref<1x128xi32, #tpu.memory_space<vmem>> -> memref<128xi32, #tpu.memory_space<vmem>>
        %dma_wait3A_62 = arith.constant 0 : i32
        %dma_wait3A_63 = arith.constant 0 : i32
        %dma_wait3A_64 = tpu.memref_slice %arg2[%dma_wait3A_62, %dma_wait3A_63] : memref<10000x128xf32, #tpu.memory_space<hbm>> -> memref<10000x128xf32, #tpu.memory_space<hbm>>
        tpu.wait_indirect_dma semaphore(%arg13 : memref<!tpu.dma_semaphore, #tpu.memory_space<semaphore_mem>>) src(%dma_wait3A_64 : memref<10000x128xf32, #tpu.memory_space<hbm>>) dst(%arg10 : memref<128x128xf32, #tpu.memory_space<vmem>>)
        %run_scoped3A = arith.constant 0 : i32
        "tpu.region"() ({
          %run_scoped3A_164 = tpu.sem_alloc : memref<!tpu.dma_semaphore, #tpu.memory_space<semaphore_mem>>
          %dma_start3A_165 = arith.constant 0 : i32
          %dma_start3A_166 = tpu.memref_slice %arg9[%run_scoped3A, %dma_start3A_165] : memref<8x128xi32, #tpu.memory_space<vmem>> -> memref<1x128xi32, #tpu.memory_space<vmem>>
          %dma_start3A_167 = tpu.memref_squeeze %dma_start3A_166 : memref<1x128xi32, #tpu.memory_space<vmem>> -> memref<128xi32, #tpu.memory_space<vmem>>
          %dma_start3A_168 = arith.constant 0 : i32
          %dma_start3A_169 = arith.constant 0 : i32
          %dma_start3A_170 = tpu.memref_slice %arg12[%dma_start3A_168, %dma_start3A_169] : memref<10112x128xf32, #tpu.memory_space<vmem_shared>> -> memref<10112x128xf32, #tpu.memory_space<vmem_shared>>
          tpu.enqueue_indirect_dma source(%arg10 : memref<128x128xf32, #tpu.memory_space<vmem>>) target(%dma_start3A_170 : memref<10112x128xf32, #tpu.memory_space<vmem_shared>>) offsets(%dma_start3A_167 : memref<128xi32, #tpu.memory_space<vmem>>) semaphore(%run_scoped3A_164 : memref<!tpu.dma_semaphore, #tpu.memory_space<semaphore_mem>>) {add = true}
          %dma_wait3A_171 = arith.constant 0 : i32
          %dma_wait3A_172 = tpu.memref_slice %arg9[%run_scoped3A, %dma_wait3A_171] : memref<8x128xi32, #tpu.memory_space<vmem>> -> memref<1x128xi32, #tpu.memory_space<vmem>>
          %dma_wait3A_173 = tpu.memref_squeeze %dma_wait3A_172 : memref<1x128xi32, #tpu.memory_space<vmem>> -> memref<128xi32, #tpu.memory_space<vmem>>
          %dma_wait3A_174 = arith.constant 0 : i32
          %dma_wait3A_175 = arith.constant 0 : i32
          %dma_wait3A_176 = tpu.memref_slice %arg12[%dma_wait3A_174, %dma_wait3A_175] : memref<10112x128xf32, #tpu.memory_space<vmem_shared>> -> memref<10112x128xf32, #tpu.memory_space<vmem_shared>>
          tpu.wait_indirect_dma semaphore(%run_scoped3A_164 : memref<!tpu.dma_semaphore, #tpu.memory_space<semaphore_mem>>) src(%arg10 : memref<128x128xf32, #tpu.memory_space<vmem>>) dst(%dma_wait3A_176 : memref<10112x128xf32, #tpu.memory_space<vmem_shared>>)
          tpu.yield
        }) : () -> ()
        %dma_start3A_65 = arith.constant 2 : i32
        %dma_start3A_66 = arith.constant 0 : i32
        %dma_start3A_67 = tpu.memref_slice %arg8[%dma_start3A_65, %dma_start3A_66] : memref<8x128xi32, #tpu.memory_space<vmem>> -> memref<1x128xi32, #tpu.memory_space<vmem>>
        %dma_start3A_68 = tpu.memref_squeeze %dma_start3A_67 : memref<1x128xi32, #tpu.memory_space<vmem>> -> memref<128xi32, #tpu.memory_space<vmem>>
        %dma_start3A_69 = arith.constant 0 : i32
        %dma_start3A_70 = arith.constant 0 : i32
        %dma_start3A_71 = tpu.memref_slice %arg2[%dma_start3A_69, %dma_start3A_70] : memref<10000x128xf32, #tpu.memory_space<hbm>> -> memref<10000x128xf32, #tpu.memory_space<hbm>>
        tpu.enqueue_indirect_dma source(%dma_start3A_71 : memref<10000x128xf32, #tpu.memory_space<hbm>>) target(%arg10 : memref<128x128xf32, #tpu.memory_space<vmem>>) offsets(%dma_start3A_68 : memref<128xi32, #tpu.memory_space<vmem>>) semaphore(%arg13 : memref<!tpu.dma_semaphore, #tpu.memory_space<semaphore_mem>>)
        %dma_wait3A_72 = arith.constant 1 : i32
        %dma_wait3A_73 = arith.constant 0 : i32
        %dma_wait3A_74 = tpu.memref_slice %arg8[%dma_wait3A_72, %dma_wait3A_73] : memref<8x128xi32, #tpu.memory_space<vmem>> -> memref<1x128xi32, #tpu.memory_space<vmem>>
        %dma_wait3A_75 = tpu.memref_squeeze %dma_wait3A_74 : memref<1x128xi32, #tpu.memory_space<vmem>> -> memref<128xi32, #tpu.memory_space<vmem>>
        %dma_wait3A_76 = arith.constant 0 : i32
        %dma_wait3A_77 = arith.constant 0 : i32
        %dma_wait3A_78 = tpu.memref_slice %arg2[%dma_wait3A_76, %dma_wait3A_77] : memref<10000x128xf32, #tpu.memory_space<hbm>> -> memref<10000x128xf32, #tpu.memory_space<hbm>>
        tpu.wait_indirect_dma semaphore(%arg14 : memref<!tpu.dma_semaphore, #tpu.memory_space<semaphore_mem>>) src(%dma_wait3A_78 : memref<10000x128xf32, #tpu.memory_space<hbm>>) dst(%arg11 : memref<128x128xf32, #tpu.memory_space<vmem>>)
        %run_scoped3A_79 = arith.constant 1 : i32
        "tpu.region"() ({
          %run_scoped3A_164 = tpu.sem_alloc : memref<!tpu.dma_semaphore, #tpu.memory_space<semaphore_mem>>
          %dma_start3A_165 = arith.constant 0 : i32
          %dma_start3A_166 = tpu.memref_slice %arg9[%run_scoped3A_79, %dma_start3A_165] : memref<8x128xi32, #tpu.memory_space<vmem>> -> memref<1x128xi32, #tpu.memory_space<vmem>>
          %dma_start3A_167 = tpu.memref_squeeze %dma_start3A_166 : memref<1x128xi32, #tpu.memory_space<vmem>> -> memref<128xi32, #tpu.memory_space<vmem>>
          %dma_start3A_168 = arith.constant 0 : i32
          %dma_start3A_169 = arith.constant 0 : i32
          %dma_start3A_170 = tpu.memref_slice %arg12[%dma_start3A_168, %dma_start3A_169] : memref<10112x128xf32, #tpu.memory_space<vmem_shared>> -> memref<10112x128xf32, #tpu.memory_space<vmem_shared>>
          tpu.enqueue_indirect_dma source(%arg11 : memref<128x128xf32, #tpu.memory_space<vmem>>) target(%dma_start3A_170 : memref<10112x128xf32, #tpu.memory_space<vmem_shared>>) offsets(%dma_start3A_167 : memref<128xi32, #tpu.memory_space<vmem>>) semaphore(%run_scoped3A_164 : memref<!tpu.dma_semaphore, #tpu.memory_space<semaphore_mem>>) {add = true}
          %dma_wait3A_171 = arith.constant 0 : i32
          %dma_wait3A_172 = tpu.memref_slice %arg9[%run_scoped3A_79, %dma_wait3A_171] : memref<8x128xi32, #tpu.memory_space<vmem>> -> memref<1x128xi32, #tpu.memory_space<vmem>>
          %dma_wait3A_173 = tpu.memref_squeeze %dma_wait3A_172 : memref<1x128xi32, #tpu.memory_space<vmem>> -> memref<128xi32, #tpu.memory_space<vmem>>
          %dma_wait3A_174 = arith.constant 0 : i32
          %dma_wait3A_175 = arith.constant 0 : i32
          %dma_wait3A_176 = tpu.memref_slice %arg12[%dma_wait3A_174, %dma_wait3A_175] : memref<10112x128xf32, #tpu.memory_space<vmem_shared>> -> memref<10112x128xf32, #tpu.memory_space<vmem_shared>>
          tpu.wait_indirect_dma semaphore(%run_scoped3A_164 : memref<!tpu.dma_semaphore, #tpu.memory_space<semaphore_mem>>) src(%arg11 : memref<128x128xf32, #tpu.memory_space<vmem>>) dst(%dma_wait3A_176 : memref<10112x128xf32, #tpu.memory_space<vmem_shared>>)
          tpu.yield
        }) : () -> ()
        %dma_start3A_80 = arith.constant 3 : i32
        %dma_start3A_81 = arith.constant 0 : i32
        %dma_start3A_82 = tpu.memref_slice %arg8[%dma_start3A_80, %dma_start3A_81] : memref<8x128xi32, #tpu.memory_space<vmem>> -> memref<1x128xi32, #tpu.memory_space<vmem>>
        %dma_start3A_83 = tpu.memref_squeeze %dma_start3A_82 : memref<1x128xi32, #tpu.memory_space<vmem>> -> memref<128xi32, #tpu.memory_space<vmem>>
        %dma_start3A_84 = arith.constant 0 : i32
        %dma_start3A_85 = arith.constant 0 : i32
        %dma_start3A_86 = tpu.memref_slice %arg2[%dma_start3A_84, %dma_start3A_85] : memref<10000x128xf32, #tpu.memory_space<hbm>> -> memref<10000x128xf32, #tpu.memory_space<hbm>>
        tpu.enqueue_indirect_dma source(%dma_start3A_86 : memref<10000x128xf32, #tpu.memory_space<hbm>>) target(%arg11 : memref<128x128xf32, #tpu.memory_space<vmem>>) offsets(%dma_start3A_83 : memref<128xi32, #tpu.memory_space<vmem>>) semaphore(%arg14 : memref<!tpu.dma_semaphore, #tpu.memory_space<semaphore_mem>>)
        %dma_wait3A_87 = arith.constant 2 : i32
        %dma_wait3A_88 = arith.constant 0 : i32
        %dma_wait3A_89 = tpu.memref_slice %arg8[%dma_wait3A_87, %dma_wait3A_88] : memref<8x128xi32, #tpu.memory_space<vmem>> -> memref<1x128xi32, #tpu.memory_space<vmem>>
        %dma_wait3A_90 = tpu.memref_squeeze %dma_wait3A_89 : memref<1x128xi32, #tpu.memory_space<vmem>> -> memref<128xi32, #tpu.memory_space<vmem>>
        %dma_wait3A_91 = arith.constant 0 : i32
        %dma_wait3A_92 = arith.constant 0 : i32
        %dma_wait3A_93 = tpu.memref_slice %arg2[%dma_wait3A_91, %dma_wait3A_92] : memref<10000x128xf32, #tpu.memory_space<hbm>> -> memref<10000x128xf32, #tpu.memory_space<hbm>>
        tpu.wait_indirect_dma semaphore(%arg13 : memref<!tpu.dma_semaphore, #tpu.memory_space<semaphore_mem>>) src(%dma_wait3A_93 : memref<10000x128xf32, #tpu.memory_space<hbm>>) dst(%arg10 : memref<128x128xf32, #tpu.memory_space<vmem>>)
        %run_scoped3A_94 = arith.constant 2 : i32
        "tpu.region"() ({
          %run_scoped3A_164 = tpu.sem_alloc : memref<!tpu.dma_semaphore, #tpu.memory_space<semaphore_mem>>
          %dma_start3A_165 = arith.constant 0 : i32
          %dma_start3A_166 = tpu.memref_slice %arg9[%run_scoped3A_94, %dma_start3A_165] : memref<8x128xi32, #tpu.memory_space<vmem>> -> memref<1x128xi32, #tpu.memory_space<vmem>>
          %dma_start3A_167 = tpu.memref_squeeze %dma_start3A_166 : memref<1x128xi32, #tpu.memory_space<vmem>> -> memref<128xi32, #tpu.memory_space<vmem>>
          %dma_start3A_168 = arith.constant 0 : i32
          %dma_start3A_169 = arith.constant 0 : i32
          %dma_start3A_170 = tpu.memref_slice %arg12[%dma_start3A_168, %dma_start3A_169] : memref<10112x128xf32, #tpu.memory_space<vmem_shared>> -> memref<10112x128xf32, #tpu.memory_space<vmem_shared>>
          tpu.enqueue_indirect_dma source(%arg10 : memref<128x128xf32, #tpu.memory_space<vmem>>) target(%dma_start3A_170 : memref<10112x128xf32, #tpu.memory_space<vmem_shared>>) offsets(%dma_start3A_167 : memref<128xi32, #tpu.memory_space<vmem>>) semaphore(%run_scoped3A_164 : memref<!tpu.dma_semaphore, #tpu.memory_space<semaphore_mem>>) {add = true}
          %dma_wait3A_171 = arith.constant 0 : i32
          %dma_wait3A_172 = tpu.memref_slice %arg9[%run_scoped3A_94, %dma_wait3A_171] : memref<8x128xi32, #tpu.memory_space<vmem>> -> memref<1x128xi32, #tpu.memory_space<vmem>>
          %dma_wait3A_173 = tpu.memref_squeeze %dma_wait3A_172 : memref<1x128xi32, #tpu.memory_space<vmem>> -> memref<128xi32, #tpu.memory_space<vmem>>
          %dma_wait3A_174 = arith.constant 0 : i32
          %dma_wait3A_175 = arith.constant 0 : i32
          %dma_wait3A_176 = tpu.memref_slice %arg12[%dma_wait3A_174, %dma_wait3A_175] : memref<10112x128xf32, #tpu.memory_space<vmem_shared>> -> memref<10112x128xf32, #tpu.memory_space<vmem_shared>>
          tpu.wait_indirect_dma semaphore(%run_scoped3A_164 : memref<!tpu.dma_semaphore, #tpu.memory_space<semaphore_mem>>) src(%arg10 : memref<128x128xf32, #tpu.memory_space<vmem>>) dst(%dma_wait3A_176 : memref<10112x128xf32, #tpu.memory_space<vmem_shared>>)
          tpu.yield
        }) : () -> ()
        %dma_start3A_95 = arith.constant 4 : i32
        %dma_start3A_96 = arith.constant 0 : i32
        %dma_start3A_97 = tpu.memref_slice %arg8[%dma_start3A_95, %dma_start3A_96] : memref<8x128xi32, #tpu.memory_space<vmem>> -> memref<1x128xi32, #tpu.memory_space<vmem>>
        %dma_start3A_98 = tpu.memref_squeeze %dma_start3A_97 : memref<1x128xi32, #tpu.memory_space<vmem>> -> memref<128xi32, #tpu.memory_space<vmem>>
        %dma_start3A_99 = arith.constant 0 : i32
        %dma_start3A_100 = arith.constant 0 : i32
        %dma_start3A_101 = tpu.memref_slice %arg2[%dma_start3A_99, %dma_start3A_100] : memref<10000x128xf32, #tpu.memory_space<hbm>> -> memref<10000x128xf32, #tpu.memory_space<hbm>>
        tpu.enqueue_indirect_dma source(%dma_start3A_101 : memref<10000x128xf32, #tpu.memory_space<hbm>>) target(%arg10 : memref<128x128xf32, #tpu.memory_space<vmem>>) offsets(%dma_start3A_98 : memref<128xi32, #tpu.memory_space<vmem>>) semaphore(%arg13 : memref<!tpu.dma_semaphore, #tpu.memory_space<semaphore_mem>>)
        %dma_wait3A_102 = arith.constant 3 : i32
        %dma_wait3A_103 = arith.constant 0 : i32
        %dma_wait3A_104 = tpu.memref_slice %arg8[%dma_wait3A_102, %dma_wait3A_103] : memref<8x128xi32, #tpu.memory_space<vmem>> -> memref<1x128xi32, #tpu.memory_space<vmem>>
        %dma_wait3A_105 = tpu.memref_squeeze %dma_wait3A_104 : memref<1x128xi32, #tpu.memory_space<vmem>> -> memref<128xi32, #tpu.memory_space<vmem>>
        %dma_wait3A_106 = arith.constant 0 : i32
        %dma_wait3A_107 = arith.constant 0 : i32
        %dma_wait3A_108 = tpu.memref_slice %arg2[%dma_wait3A_106, %dma_wait3A_107] : memref<10000x128xf32, #tpu.memory_space<hbm>> -> memref<10000x128xf32, #tpu.memory_space<hbm>>
        tpu.wait_indirect_dma semaphore(%arg14 : memref<!tpu.dma_semaphore, #tpu.memory_space<semaphore_mem>>) src(%dma_wait3A_108 : memref<10000x128xf32, #tpu.memory_space<hbm>>) dst(%arg11 : memref<128x128xf32, #tpu.memory_space<vmem>>)
        %run_scoped3A_109 = arith.constant 3 : i32
        "tpu.region"() ({
          %run_scoped3A_164 = tpu.sem_alloc : memref<!tpu.dma_semaphore, #tpu.memory_space<semaphore_mem>>
          %dma_start3A_165 = arith.constant 0 : i32
          %dma_start3A_166 = tpu.memref_slice %arg9[%run_scoped3A_109, %dma_start3A_165] : memref<8x128xi32, #tpu.memory_space<vmem>> -> memref<1x128xi32, #tpu.memory_space<vmem>>
          %dma_start3A_167 = tpu.memref_squeeze %dma_start3A_166 : memref<1x128xi32, #tpu.memory_space<vmem>> -> memref<128xi32, #tpu.memory_space<vmem>>
          %dma_start3A_168 = arith.constant 0 : i32
          %dma_start3A_169 = arith.constant 0 : i32
          %dma_start3A_170 = tpu.memref_slice %arg12[%dma_start3A_168, %dma_start3A_169] : memref<10112x128xf32, #tpu.memory_space<vmem_shared>> -> memref<10112x128xf32, #tpu.memory_space<vmem_shared>>
          tpu.enqueue_indirect_dma source(%arg11 : memref<128x128xf32, #tpu.memory_space<vmem>>) target(%dma_start3A_170 : memref<10112x128xf32, #tpu.memory_space<vmem_shared>>) offsets(%dma_start3A_167 : memref<128xi32, #tpu.memory_space<vmem>>) semaphore(%run_scoped3A_164 : memref<!tpu.dma_semaphore, #tpu.memory_space<semaphore_mem>>) {add = true}
          %dma_wait3A_171 = arith.constant 0 : i32
          %dma_wait3A_172 = tpu.memref_slice %arg9[%run_scoped3A_109, %dma_wait3A_171] : memref<8x128xi32, #tpu.memory_space<vmem>> -> memref<1x128xi32, #tpu.memory_space<vmem>>
          %dma_wait3A_173 = tpu.memref_squeeze %dma_wait3A_172 : memref<1x128xi32, #tpu.memory_space<vmem>> -> memref<128xi32, #tpu.memory_space<vmem>>
          %dma_wait3A_174 = arith.constant 0 : i32
          %dma_wait3A_175 = arith.constant 0 : i32
          %dma_wait3A_176 = tpu.memref_slice %arg12[%dma_wait3A_174, %dma_wait3A_175] : memref<10112x128xf32, #tpu.memory_space<vmem_shared>> -> memref<10112x128xf32, #tpu.memory_space<vmem_shared>>
          tpu.wait_indirect_dma semaphore(%run_scoped3A_164 : memref<!tpu.dma_semaphore, #tpu.memory_space<semaphore_mem>>) src(%arg11 : memref<128x128xf32, #tpu.memory_space<vmem>>) dst(%dma_wait3A_176 : memref<10112x128xf32, #tpu.memory_space<vmem_shared>>)
          tpu.yield
        }) : () -> ()
        %dma_start3A_110 = arith.constant 5 : i32
        %dma_start3A_111 = arith.constant 0 : i32
        %dma_start3A_112 = tpu.memref_slice %arg8[%dma_start3A_110, %dma_start3A_111] : memref<8x128xi32, #tpu.memory_space<vmem>> -> memref<1x128xi32, #tpu.memory_space<vmem>>
        %dma_start3A_113 = tpu.memref_squeeze %dma_start3A_112 : memref<1x128xi32, #tpu.memory_space<vmem>> -> memref<128xi32, #tpu.memory_space<vmem>>
        %dma_start3A_114 = arith.constant 0 : i32
        %dma_start3A_115 = arith.constant 0 : i32
        %dma_start3A_116 = tpu.memref_slice %arg2[%dma_start3A_114, %dma_start3A_115] : memref<10000x128xf32, #tpu.memory_space<hbm>> -> memref<10000x128xf32, #tpu.memory_space<hbm>>
        tpu.enqueue_indirect_dma source(%dma_start3A_116 : memref<10000x128xf32, #tpu.memory_space<hbm>>) target(%arg11 : memref<128x128xf32, #tpu.memory_space<vmem>>) offsets(%dma_start3A_113 : memref<128xi32, #tpu.memory_space<vmem>>) semaphore(%arg14 : memref<!tpu.dma_semaphore, #tpu.memory_space<semaphore_mem>>)
        %dma_wait3A_117 = arith.constant 4 : i32
        %dma_wait3A_118 = arith.constant 0 : i32
        %dma_wait3A_119 = tpu.memref_slice %arg8[%dma_wait3A_117, %dma_wait3A_118] : memref<8x128xi32, #tpu.memory_space<vmem>> -> memref<1x128xi32, #tpu.memory_space<vmem>>
        %dma_wait3A_120 = tpu.memref_squeeze %dma_wait3A_119 : memref<1x128xi32, #tpu.memory_space<vmem>> -> memref<128xi32, #tpu.memory_space<vmem>>
        %dma_wait3A_121 = arith.constant 0 : i32
        %dma_wait3A_122 = arith.constant 0 : i32
        %dma_wait3A_123 = tpu.memref_slice %arg2[%dma_wait3A_121, %dma_wait3A_122] : memref<10000x128xf32, #tpu.memory_space<hbm>> -> memref<10000x128xf32, #tpu.memory_space<hbm>>
        tpu.wait_indirect_dma semaphore(%arg13 : memref<!tpu.dma_semaphore, #tpu.memory_space<semaphore_mem>>) src(%dma_wait3A_123 : memref<10000x128xf32, #tpu.memory_space<hbm>>) dst(%arg10 : memref<128x128xf32, #tpu.memory_space<vmem>>)
        %run_scoped3A_124 = arith.constant 4 : i32
        "tpu.region"() ({
          %run_scoped3A_164 = tpu.sem_alloc : memref<!tpu.dma_semaphore, #tpu.memory_space<semaphore_mem>>
          %dma_start3A_165 = arith.constant 0 : i32
          %dma_start3A_166 = tpu.memref_slice %arg9[%run_scoped3A_124, %dma_start3A_165] : memref<8x128xi32, #tpu.memory_space<vmem>> -> memref<1x128xi32, #tpu.memory_space<vmem>>
          %dma_start3A_167 = tpu.memref_squeeze %dma_start3A_166 : memref<1x128xi32, #tpu.memory_space<vmem>> -> memref<128xi32, #tpu.memory_space<vmem>>
          %dma_start3A_168 = arith.constant 0 : i32
          %dma_start3A_169 = arith.constant 0 : i32
          %dma_start3A_170 = tpu.memref_slice %arg12[%dma_start3A_168, %dma_start3A_169] : memref<10112x128xf32, #tpu.memory_space<vmem_shared>> -> memref<10112x128xf32, #tpu.memory_space<vmem_shared>>
          tpu.enqueue_indirect_dma source(%arg10 : memref<128x128xf32, #tpu.memory_space<vmem>>) target(%dma_start3A_170 : memref<10112x128xf32, #tpu.memory_space<vmem_shared>>) offsets(%dma_start3A_167 : memref<128xi32, #tpu.memory_space<vmem>>) semaphore(%run_scoped3A_164 : memref<!tpu.dma_semaphore, #tpu.memory_space<semaphore_mem>>) {add = true}
          %dma_wait3A_171 = arith.constant 0 : i32
          %dma_wait3A_172 = tpu.memref_slice %arg9[%run_scoped3A_124, %dma_wait3A_171] : memref<8x128xi32, #tpu.memory_space<vmem>> -> memref<1x128xi32, #tpu.memory_space<vmem>>
          %dma_wait3A_173 = tpu.memref_squeeze %dma_wait3A_172 : memref<1x128xi32, #tpu.memory_space<vmem>> -> memref<128xi32, #tpu.memory_space<vmem>>
          %dma_wait3A_174 = arith.constant 0 : i32
          %dma_wait3A_175 = arith.constant 0 : i32
          %dma_wait3A_176 = tpu.memref_slice %arg12[%dma_wait3A_174, %dma_wait3A_175] : memref<10112x128xf32, #tpu.memory_space<vmem_shared>> -> memref<10112x128xf32, #tpu.memory_space<vmem_shared>>
          tpu.wait_indirect_dma semaphore(%run_scoped3A_164 : memref<!tpu.dma_semaphore, #tpu.memory_space<semaphore_mem>>) src(%arg10 : memref<128x128xf32, #tpu.memory_space<vmem>>) dst(%dma_wait3A_176 : memref<10112x128xf32, #tpu.memory_space<vmem_shared>>)
          tpu.yield
        }) : () -> ()
        %dma_start3A_125 = arith.constant 6 : i32
        %dma_start3A_126 = arith.constant 0 : i32
        %dma_start3A_127 = tpu.memref_slice %arg8[%dma_start3A_125, %dma_start3A_126] : memref<8x128xi32, #tpu.memory_space<vmem>> -> memref<1x128xi32, #tpu.memory_space<vmem>>
        %dma_start3A_128 = tpu.memref_squeeze %dma_start3A_127 : memref<1x128xi32, #tpu.memory_space<vmem>> -> memref<128xi32, #tpu.memory_space<vmem>>
        %dma_start3A_129 = arith.constant 0 : i32
        %dma_start3A_130 = arith.constant 0 : i32
        %dma_start3A_131 = tpu.memref_slice %arg2[%dma_start3A_129, %dma_start3A_130] : memref<10000x128xf32, #tpu.memory_space<hbm>> -> memref<10000x128xf32, #tpu.memory_space<hbm>>
        tpu.enqueue_indirect_dma source(%dma_start3A_131 : memref<10000x128xf32, #tpu.memory_space<hbm>>) target(%arg10 : memref<128x128xf32, #tpu.memory_space<vmem>>) offsets(%dma_start3A_128 : memref<128xi32, #tpu.memory_space<vmem>>) semaphore(%arg13 : memref<!tpu.dma_semaphore, #tpu.memory_space<semaphore_mem>>)
        %dma_wait3A_132 = arith.constant 5 : i32
        %dma_wait3A_133 = arith.constant 0 : i32
        %dma_wait3A_134 = tpu.memref_slice %arg8[%dma_wait3A_132, %dma_wait3A_133] : memref<8x128xi32, #tpu.memory_space<vmem>> -> memref<1x128xi32, #tpu.memory_space<vmem>>
        %dma_wait3A_135 = tpu.memref_squeeze %dma_wait3A_134 : memref<1x128xi32, #tpu.memory_space<vmem>> -> memref<128xi32, #tpu.memory_space<vmem>>
        %dma_wait3A_136 = arith.constant 0 : i32
        %dma_wait3A_137 = arith.constant 0 : i32
        %dma_wait3A_138 = tpu.memref_slice %arg2[%dma_wait3A_136, %dma_wait3A_137] : memref<10000x128xf32, #tpu.memory_space<hbm>> -> memref<10000x128xf32, #tpu.memory_space<hbm>>
        tpu.wait_indirect_dma semaphore(%arg14 : memref<!tpu.dma_semaphore, #tpu.memory_space<semaphore_mem>>) src(%dma_wait3A_138 : memref<10000x128xf32, #tpu.memory_space<hbm>>) dst(%arg11 : memref<128x128xf32, #tpu.memory_space<vmem>>)
        %run_scoped3A_139 = arith.constant 5 : i32
        "tpu.region"() ({
          %run_scoped3A_164 = tpu.sem_alloc : memref<!tpu.dma_semaphore, #tpu.memory_space<semaphore_mem>>
          %dma_start3A_165 = arith.constant 0 : i32
          %dma_start3A_166 = tpu.memref_slice %arg9[%run_scoped3A_139, %dma_start3A_165] : memref<8x128xi32, #tpu.memory_space<vmem>> -> memref<1x128xi32, #tpu.memory_space<vmem>>
          %dma_start3A_167 = tpu.memref_squeeze %dma_start3A_166 : memref<1x128xi32, #tpu.memory_space<vmem>> -> memref<128xi32, #tpu.memory_space<vmem>>
          %dma_start3A_168 = arith.constant 0 : i32
          %dma_start3A_169 = arith.constant 0 : i32
          %dma_start3A_170 = tpu.memref_slice %arg12[%dma_start3A_168, %dma_start3A_169] : memref<10112x128xf32, #tpu.memory_space<vmem_shared>> -> memref<10112x128xf32, #tpu.memory_space<vmem_shared>>
          tpu.enqueue_indirect_dma source(%arg11 : memref<128x128xf32, #tpu.memory_space<vmem>>) target(%dma_start3A_170 : memref<10112x128xf32, #tpu.memory_space<vmem_shared>>) offsets(%dma_start3A_167 : memref<128xi32, #tpu.memory_space<vmem>>) semaphore(%run_scoped3A_164 : memref<!tpu.dma_semaphore, #tpu.memory_space<semaphore_mem>>) {add = true}
          %dma_wait3A_171 = arith.constant 0 : i32
          %dma_wait3A_172 = tpu.memref_slice %arg9[%run_scoped3A_139, %dma_wait3A_171] : memref<8x128xi32, #tpu.memory_space<vmem>> -> memref<1x128xi32, #tpu.memory_space<vmem>>
          %dma_wait3A_173 = tpu.memref_squeeze %dma_wait3A_172 : memref<1x128xi32, #tpu.memory_space<vmem>> -> memref<128xi32, #tpu.memory_space<vmem>>
          %dma_wait3A_174 = arith.constant 0 : i32
          %dma_wait3A_175 = arith.constant 0 : i32
          %dma_wait3A_176 = tpu.memref_slice %arg12[%dma_wait3A_174, %dma_wait3A_175] : memref<10112x128xf32, #tpu.memory_space<vmem_shared>> -> memref<10112x128xf32, #tpu.memory_space<vmem_shared>>
          tpu.wait_indirect_dma semaphore(%run_scoped3A_164 : memref<!tpu.dma_semaphore, #tpu.memory_space<semaphore_mem>>) src(%arg11 : memref<128x128xf32, #tpu.memory_space<vmem>>) dst(%dma_wait3A_176 : memref<10112x128xf32, #tpu.memory_space<vmem_shared>>)
          tpu.yield
        }) : () -> ()
        %dma_start3A_140 = arith.constant 7 : i32
        %dma_start3A_141 = arith.constant 0 : i32
        %dma_start3A_142 = tpu.memref_slice %arg8[%dma_start3A_140, %dma_start3A_141] : memref<8x128xi32, #tpu.memory_space<vmem>> -> memref<1x128xi32, #tpu.memory_space<vmem>>
        %dma_start3A_143 = tpu.memref_squeeze %dma_start3A_142 : memref<1x128xi32, #tpu.memory_space<vmem>> -> memref<128xi32, #tpu.memory_space<vmem>>
        %dma_start3A_144 = arith.constant 0 : i32
        %dma_start3A_145 = arith.constant 0 : i32
        %dma_start3A_146 = tpu.memref_slice %arg2[%dma_start3A_144, %dma_start3A_145] : memref<10000x128xf32, #tpu.memory_space<hbm>> -> memref<10000x128xf32, #tpu.memory_space<hbm>>
        tpu.enqueue_indirect_dma source(%dma_start3A_146 : memref<10000x128xf32, #tpu.memory_space<hbm>>) target(%arg11 : memref<128x128xf32, #tpu.memory_space<vmem>>) offsets(%dma_start3A_143 : memref<128xi32, #tpu.memory_space<vmem>>) semaphore(%arg14 : memref<!tpu.dma_semaphore, #tpu.memory_space<semaphore_mem>>)
        %dma_wait3A_147 = arith.constant 6 : i32
        %dma_wait3A_148 = arith.constant 0 : i32
        %dma_wait3A_149 = tpu.memref_slice %arg8[%dma_wait3A_147, %dma_wait3A_148] : memref<8x128xi32, #tpu.memory_space<vmem>> -> memref<1x128xi32, #tpu.memory_space<vmem>>
        %dma_wait3A_150 = tpu.memref_squeeze %dma_wait3A_149 : memref<1x128xi32, #tpu.memory_space<vmem>> -> memref<128xi32, #tpu.memory_space<vmem>>
        %dma_wait3A_151 = arith.constant 0 : i32
        %dma_wait3A_152 = arith.constant 0 : i32
        %dma_wait3A_153 = tpu.memref_slice %arg2[%dma_wait3A_151, %dma_wait3A_152] : memref<10000x128xf32, #tpu.memory_space<hbm>> -> memref<10000x128xf32, #tpu.memory_space<hbm>>
        tpu.wait_indirect_dma semaphore(%arg13 : memref<!tpu.dma_semaphore, #tpu.memory_space<semaphore_mem>>) src(%dma_wait3A_153 : memref<10000x128xf32, #tpu.memory_space<hbm>>) dst(%arg10 : memref<128x128xf32, #tpu.memory_space<vmem>>)
        %run_scoped3A_154 = arith.constant 6 : i32
        "tpu.region"() ({
          %run_scoped3A_164 = tpu.sem_alloc : memref<!tpu.dma_semaphore, #tpu.memory_space<semaphore_mem>>
          %dma_start3A_165 = arith.constant 0 : i32
          %dma_start3A_166 = tpu.memref_slice %arg9[%run_scoped3A_154, %dma_start3A_165] : memref<8x128xi32, #tpu.memory_space<vmem>> -> memref<1x128xi32, #tpu.memory_space<vmem>>
          %dma_start3A_167 = tpu.memref_squeeze %dma_start3A_166 : memref<1x128xi32, #tpu.memory_space<vmem>> -> memref<128xi32, #tpu.memory_space<vmem>>
          %dma_start3A_168 = arith.constant 0 : i32
          %dma_start3A_169 = arith.constant 0 : i32
          %dma_start3A_170 = tpu.memref_slice %arg12[%dma_start3A_168, %dma_start3A_169] : memref<10112x128xf32, #tpu.memory_space<vmem_shared>> -> memref<10112x128xf32, #tpu.memory_space<vmem_shared>>
          tpu.enqueue_indirect_dma source(%arg10 : memref<128x128xf32, #tpu.memory_space<vmem>>) target(%dma_start3A_170 : memref<10112x128xf32, #tpu.memory_space<vmem_shared>>) offsets(%dma_start3A_167 : memref<128xi32, #tpu.memory_space<vmem>>) semaphore(%run_scoped3A_164 : memref<!tpu.dma_semaphore, #tpu.memory_space<semaphore_mem>>) {add = true}
          %dma_wait3A_171 = arith.constant 0 : i32
          %dma_wait3A_172 = tpu.memref_slice %arg9[%run_scoped3A_154, %dma_wait3A_171] : memref<8x128xi32, #tpu.memory_space<vmem>> -> memref<1x128xi32, #tpu.memory_space<vmem>>
          %dma_wait3A_173 = tpu.memref_squeeze %dma_wait3A_172 : memref<1x128xi32, #tpu.memory_space<vmem>> -> memref<128xi32, #tpu.memory_space<vmem>>
          %dma_wait3A_174 = arith.constant 0 : i32
          %dma_wait3A_175 = arith.constant 0 : i32
          %dma_wait3A_176 = tpu.memref_slice %arg12[%dma_wait3A_174, %dma_wait3A_175] : memref<10112x128xf32, #tpu.memory_space<vmem_shared>> -> memref<10112x128xf32, #tpu.memory_space<vmem_shared>>
          tpu.wait_indirect_dma semaphore(%run_scoped3A_164 : memref<!tpu.dma_semaphore, #tpu.memory_space<semaphore_mem>>) src(%arg10 : memref<128x128xf32, #tpu.memory_space<vmem>>) dst(%dma_wait3A_176 : memref<10112x128xf32, #tpu.memory_space<vmem_shared>>)
          tpu.yield
        }) : () -> ()
        %dma_wait3A_155 = arith.constant 7 : i32
        %dma_wait3A_156 = arith.constant 0 : i32
        %dma_wait3A_157 = tpu.memref_slice %arg8[%dma_wait3A_155, %dma_wait3A_156] : memref<8x128xi32, #tpu.memory_space<vmem>> -> memref<1x128xi32, #tpu.memory_space<vmem>>
        %dma_wait3A_158 = tpu.memref_squeeze %dma_wait3A_157 : memref<1x128xi32, #tpu.memory_space<vmem>> -> memref<128xi32, #tpu.memory_space<vmem>>
        %dma_wait3A_159 = arith.constant 0 : i32
        %dma_wait3A_160 = arith.constant 0 : i32
        %dma_wait3A_161 = tpu.memref_slice %arg2[%dma_wait3A_159, %dma_wait3A_160] : memref<10000x128xf32, #tpu.memory_space<hbm>> -> memref<10000x128xf32, #tpu.memory_space<hbm>>
        tpu.wait_indirect_dma semaphore(%arg14 : memref<!tpu.dma_semaphore, #tpu.memory_space<semaphore_mem>>) src(%dma_wait3A_161 : memref<10000x128xf32, #tpu.memory_space<hbm>>) dst(%arg11 : memref<128x128xf32, #tpu.memory_space<vmem>>)
        %run_scoped3A_162 = arith.constant 7 : i32
        "tpu.region"() ({
          %run_scoped3A_164 = tpu.sem_alloc : memref<!tpu.dma_semaphore, #tpu.memory_space<semaphore_mem>>
          %dma_start3A_165 = arith.constant 0 : i32
          %dma_start3A_166 = tpu.memref_slice %arg9[%run_scoped3A_162, %dma_start3A_165] : memref<8x128xi32, #tpu.memory_space<vmem>> -> memref<1x128xi32, #tpu.memory_space<vmem>>
          %dma_start3A_167 = tpu.memref_squeeze %dma_start3A_166 : memref<1x128xi32, #tpu.memory_space<vmem>> -> memref<128xi32, #tpu.memory_space<vmem>>
          %dma_start3A_168 = arith.constant 0 : i32
          %dma_start3A_169 = arith.constant 0 : i32
          %dma_start3A_170 = tpu.memref_slice %arg12[%dma_start3A_168, %dma_start3A_169] : memref<10112x128xf32, #tpu.memory_space<vmem_shared>> -> memref<10112x128xf32, #tpu.memory_space<vmem_shared>>
          tpu.enqueue_indirect_dma source(%arg11 : memref<128x128xf32, #tpu.memory_space<vmem>>) target(%dma_start3A_170 : memref<10112x128xf32, #tpu.memory_space<vmem_shared>>) offsets(%dma_start3A_167 : memref<128xi32, #tpu.memory_space<vmem>>) semaphore(%run_scoped3A_164 : memref<!tpu.dma_semaphore, #tpu.memory_space<semaphore_mem>>) {add = true}
          %dma_wait3A_171 = arith.constant 0 : i32
          %dma_wait3A_172 = tpu.memref_slice %arg9[%run_scoped3A_162, %dma_wait3A_171] : memref<8x128xi32, #tpu.memory_space<vmem>> -> memref<1x128xi32, #tpu.memory_space<vmem>>
          %dma_wait3A_173 = tpu.memref_squeeze %dma_wait3A_172 : memref<1x128xi32, #tpu.memory_space<vmem>> -> memref<128xi32, #tpu.memory_space<vmem>>
          %dma_wait3A_174 = arith.constant 0 : i32
          %dma_wait3A_175 = arith.constant 0 : i32
          %dma_wait3A_176 = tpu.memref_slice %arg12[%dma_wait3A_174, %dma_wait3A_175] : memref<10112x128xf32, #tpu.memory_space<vmem_shared>> -> memref<10112x128xf32, #tpu.memory_space<vmem_shared>>
          tpu.wait_indirect_dma semaphore(%run_scoped3A_164 : memref<!tpu.dma_semaphore, #tpu.memory_space<semaphore_mem>>) src(%arg11 : memref<128x128xf32, #tpu.memory_space<vmem>>) dst(%dma_wait3A_176 : memref<10112x128xf32, #tpu.memory_space<vmem_shared>>)
          tpu.yield
        }) : () -> ()
        %scan3A_163 = arith.constant 0 : i32
        scf.yield %scan3A_163 : i32
      }
      %scan3A_39 = arith.constant 10 : i32
    } else {
    }
    %eq3A_16 = arith.constant 1 : i32
    %eq3A_17 = arith.cmpi eq, %arg0, %eq3A_16 : i32
    %convert_element_type3A_18 = arith.extui %eq3A_17 : i1 to i32
    %cond3A_19 = arith.constant 0 : i32
    %cond3A_20 = arith.cmpi ne, %convert_element_type3A_18, %cond3A_19 : i32
    scf.if %cond3A_20 {
      %scan3A_33 = arith.constant 0 : i32
      %scan3A_34 = arith.constant 0 : i32
      %scan3A_35 = arith.constant 10 : i32
      %scan3A_36 = arith.addi %scan3A_34, %scan3A_35 : i32
      %scan3A_37 = arith.constant 1 : i32
      %scan3A_38 = scf.for %scan3A_40 = %scan3A_34 to %scan3A_36 step %scan3A_37 iter_args(%scan3A_41 = %scan3A_33) -> (i32)  : i32 {
        %mul3A_42 = arith.constant 80 : i32
        %mul3A_43 = arith.muli %arg1, %mul3A_42 : i32
        %mul3A_44 = arith.constant 8 : i32
        %mul3A_45 = arith.muli %scan3A_40, %mul3A_44 : i32
        %add3A = arith.addi %mul3A_43, %mul3A_45 : i32
        "tpu.region"() ({
          %run_scoped3A_164 = tpu.sem_alloc : memref<!tpu.dma_semaphore, #tpu.memory_space<semaphore_mem>>
          %dma_start3A_165 = arith.constant 0 : i32
          %dma_start3A_166 = tpu.memref_slice %arg4[%add3A, %dma_start3A_165] : memref<1280x128xi32, #tpu.memory_space<hbm>> -> memref<8x128xi32, #tpu.memory_space<hbm>>
          %dma_start3A_167 = arith.constant 0 : i32
          %dma_start3A_168 = tpu.memref_slice %arg4[%add3A, %dma_start3A_167] : memref<1280x128xi32, #tpu.memory_space<hbm>> -> memref<8x128xi32, #tpu.memory_space<hbm>>
          tpu.enqueue_dma source(%dma_start3A_168 : memref<8x128xi32, #tpu.memory_space<hbm>>) target(%arg8 : memref<8x128xi32, #tpu.memory_space<vmem>>) target_semaphore(%run_scoped3A_164 : memref<!tpu.dma_semaphore, #tpu.memory_space<semaphore_mem>>)
          %dma_wait3A_169 = arith.constant 0 : i32
          %dma_wait3A_170 = tpu.memref_slice %arg4[%add3A, %dma_wait3A_169] : memref<1280x128xi32, #tpu.memory_space<hbm>> -> memref<8x128xi32, #tpu.memory_space<hbm>>
          %dma_wait3A_171 = arith.constant 0 : i32
          %dma_wait3A_172 = tpu.memref_slice %arg4[%add3A, %dma_wait3A_171] : memref<1280x128xi32, #tpu.memory_space<hbm>> -> memref<8x128xi32, #tpu.memory_space<hbm>>
          tpu.wait_dma2 semaphore(%run_scoped3A_164 : memref<!tpu.dma_semaphore, #tpu.memory_space<semaphore_mem>>) src(%dma_wait3A_172 : memref<8x128xi32, #tpu.memory_space<hbm>>) dst(%arg8 : memref<8x128xi32, #tpu.memory_space<vmem>>)
          tpu.yield
        }) : () -> ()
        "tpu.region"() ({
          %run_scoped3A_164 = tpu.sem_alloc : memref<!tpu.dma_semaphore, #tpu.memory_space<semaphore_mem>>
          %dma_start3A_165 = arith.constant 0 : i32
          %dma_start3A_166 = tpu.memref_slice %arg5[%add3A, %dma_start3A_165] : memref<1280x128xi32, #tpu.memory_space<hbm>> -> memref<8x128xi32, #tpu.memory_space<hbm>>
          %dma_start3A_167 = arith.constant 0 : i32
          %dma_start3A_168 = tpu.memref_slice %arg5[%add3A, %dma_start3A_167] : memref<1280x128xi32, #tpu.memory_space<hbm>> -> memref<8x128xi32, #tpu.memory_space<hbm>>
          tpu.enqueue_dma source(%dma_start3A_168 : memref<8x128xi32, #tpu.memory_space<hbm>>) target(%arg9 : memref<8x128xi32, #tpu.memory_space<vmem>>) target_semaphore(%run_scoped3A_164 : memref<!tpu.dma_semaphore, #tpu.memory_space<semaphore_mem>>)
          %dma_wait3A_169 = arith.constant 0 : i32
          %dma_wait3A_170 = tpu.memref_slice %arg5[%add3A, %dma_wait3A_169] : memref<1280x128xi32, #tpu.memory_space<hbm>> -> memref<8x128xi32, #tpu.memory_space<hbm>>
          %dma_wait3A_171 = arith.constant 0 : i32
          %dma_wait3A_172 = tpu.memref_slice %arg5[%add3A, %dma_wait3A_171] : memref<1280x128xi32, #tpu.memory_space<hbm>> -> memref<8x128xi32, #tpu.memory_space<hbm>>
          tpu.wait_dma2 semaphore(%run_scoped3A_164 : memref<!tpu.dma_semaphore, #tpu.memory_space<semaphore_mem>>) src(%dma_wait3A_172 : memref<8x128xi32, #tpu.memory_space<hbm>>) dst(%arg9 : memref<8x128xi32, #tpu.memory_space<vmem>>)
          tpu.yield
        }) : () -> ()
        %dma_start3A = arith.constant 0 : i32
        %dma_start3A_46 = arith.constant 0 : i32
        %dma_start3A_47 = tpu.memref_slice %arg8[%dma_start3A, %dma_start3A_46] : memref<8x128xi32, #tpu.memory_space<vmem>> -> memref<1x128xi32, #tpu.memory_space<vmem>>
        %dma_start3A_48 = tpu.memref_squeeze %dma_start3A_47 : memref<1x128xi32, #tpu.memory_space<vmem>> -> memref<128xi32, #tpu.memory_space<vmem>>
        %dma_start3A_49 = arith.constant 0 : i32
        %dma_start3A_50 = arith.constant 0 : i32
        %dma_start3A_51 = tpu.memref_slice %arg3[%dma_start3A_49, %dma_start3A_50] : memref<10000x128xf32, #tpu.memory_space<hbm>> -> memref<10000x128xf32, #tpu.memory_space<hbm>>
        tpu.enqueue_indirect_dma source(%dma_start3A_51 : memref<10000x128xf32, #tpu.memory_space<hbm>>) target(%arg10 : memref<128x128xf32, #tpu.memory_space<vmem>>) offsets(%dma_start3A_48 : memref<128xi32, #tpu.memory_space<vmem>>) semaphore(%arg13 : memref<!tpu.dma_semaphore, #tpu.memory_space<semaphore_mem>>)
        %dma_start3A_52 = arith.constant 1 : i32
        %dma_start3A_53 = arith.constant 0 : i32
        %dma_start3A_54 = tpu.memref_slice %arg8[%dma_start3A_52, %dma_start3A_53] : memref<8x128xi32, #tpu.memory_space<vmem>> -> memref<1x128xi32, #tpu.memory_space<vmem>>
        %dma_start3A_55 = tpu.memref_squeeze %dma_start3A_54 : memref<1x128xi32, #tpu.memory_space<vmem>> -> memref<128xi32, #tpu.memory_space<vmem>>
        %dma_start3A_56 = arith.constant 0 : i32
        %dma_start3A_57 = arith.constant 0 : i32
        %dma_start3A_58 = tpu.memref_slice %arg3[%dma_start3A_56, %dma_start3A_57] : memref<10000x128xf32, #tpu.memory_space<hbm>> -> memref<10000x128xf32, #tpu.memory_space<hbm>>
        tpu.enqueue_indirect_dma source(%dma_start3A_58 : memref<10000x128xf32, #tpu.memory_space<hbm>>) target(%arg11 : memref<128x128xf32, #tpu.memory_space<vmem>>) offsets(%dma_start3A_55 : memref<128xi32, #tpu.memory_space<vmem>>) semaphore(%arg14 : memref<!tpu.dma_semaphore, #tpu.memory_space<semaphore_mem>>)
        %dma_wait3A = arith.constant 0 : i32
        %dma_wait3A_59 = arith.constant 0 : i32
        %dma_wait3A_60 = tpu.memref_slice %arg8[%dma_wait3A, %dma_wait3A_59] : memref<8x128xi32, #tpu.memory_space<vmem>> -> memref<1x128xi32, #tpu.memory_space<vmem>>
        %dma_wait3A_61 = tpu.memref_squeeze %dma_wait3A_60 : memref<1x128xi32, #tpu.memory_space<vmem>> -> memref<128xi32, #tpu.memory_space<vmem>>
        %dma_wait3A_62 = arith.constant 0 : i32
        %dma_wait3A_63 = arith.constant 0 : i32
        %dma_wait3A_64 = tpu.memref_slice %arg3[%dma_wait3A_62, %dma_wait3A_63] : memref<10000x128xf32, #tpu.memory_space<hbm>> -> memref<10000x128xf32, #tpu.memory_space<hbm>>
        tpu.wait_indirect_dma semaphore(%arg13 : memref<!tpu.dma_semaphore, #tpu.memory_space<semaphore_mem>>) src(%dma_wait3A_64 : memref<10000x128xf32, #tpu.memory_space<hbm>>) dst(%arg10 : memref<128x128xf32, #tpu.memory_space<vmem>>)
        %run_scoped3A = arith.constant 0 : i32
        "tpu.region"() ({
          %run_scoped3A_164 = tpu.sem_alloc : memref<!tpu.dma_semaphore, #tpu.memory_space<semaphore_mem>>
          %dma_start3A_165 = arith.constant 0 : i32
          %dma_start3A_166 = tpu.memref_slice %arg9[%run_scoped3A, %dma_start3A_165] : memref<8x128xi32, #tpu.memory_space<vmem>> -> memref<1x128xi32, #tpu.memory_space<vmem>>
          %dma_start3A_167 = tpu.memref_squeeze %dma_start3A_166 : memref<1x128xi32, #tpu.memory_space<vmem>> -> memref<128xi32, #tpu.memory_space<vmem>>
          %dma_start3A_168 = arith.constant 0 : i32
          %dma_start3A_169 = arith.constant 0 : i32
          %dma_start3A_170 = tpu.memref_slice %arg12[%dma_start3A_168, %dma_start3A_169] : memref<10112x128xf32, #tpu.memory_space<vmem_shared>> -> memref<10112x128xf32, #tpu.memory_space<vmem_shared>>
          tpu.enqueue_indirect_dma source(%arg10 : memref<128x128xf32, #tpu.memory_space<vmem>>) target(%dma_start3A_170 : memref<10112x128xf32, #tpu.memory_space<vmem_shared>>) offsets(%dma_start3A_167 : memref<128xi32, #tpu.memory_space<vmem>>) semaphore(%run_scoped3A_164 : memref<!tpu.dma_semaphore, #tpu.memory_space<semaphore_mem>>) {add = true}
          %dma_wait3A_171 = arith.constant 0 : i32
          %dma_wait3A_172 = tpu.memref_slice %arg9[%run_scoped3A, %dma_wait3A_171] : memref<8x128xi32, #tpu.memory_space<vmem>> -> memref<1x128xi32, #tpu.memory_space<vmem>>
          %dma_wait3A_173 = tpu.memref_squeeze %dma_wait3A_172 : memref<1x128xi32, #tpu.memory_space<vmem>> -> memref<128xi32, #tpu.memory_space<vmem>>
          %dma_wait3A_174 = arith.constant 0 : i32
          %dma_wait3A_175 = arith.constant 0 : i32
          %dma_wait3A_176 = tpu.memref_slice %arg12[%dma_wait3A_174, %dma_wait3A_175] : memref<10112x128xf32, #tpu.memory_space<vmem_shared>> -> memref<10112x128xf32, #tpu.memory_space<vmem_shared>>
          tpu.wait_indirect_dma semaphore(%run_scoped3A_164 : memref<!tpu.dma_semaphore, #tpu.memory_space<semaphore_mem>>) src(%arg10 : memref<128x128xf32, #tpu.memory_space<vmem>>) dst(%dma_wait3A_176 : memref<10112x128xf32, #tpu.memory_space<vmem_shared>>)
          tpu.yield
        }) : () -> ()
        %dma_start3A_65 = arith.constant 2 : i32
        %dma_start3A_66 = arith.constant 0 : i32
        %dma_start3A_67 = tpu.memref_slice %arg8[%dma_start3A_65, %dma_start3A_66] : memref<8x128xi32, #tpu.memory_space<vmem>> -> memref<1x128xi32, #tpu.memory_space<vmem>>
        %dma_start3A_68 = tpu.memref_squeeze %dma_start3A_67 : memref<1x128xi32, #tpu.memory_space<vmem>> -> memref<128xi32, #tpu.memory_space<vmem>>
        %dma_start3A_69 = arith.constant 0 : i32
        %dma_start3A_70 = arith.constant 0 : i32
        %dma_start3A_71 = tpu.memref_slice %arg3[%dma_start3A_69, %dma_start3A_70] : memref<10000x128xf32, #tpu.memory_space<hbm>> -> memref<10000x128xf32, #tpu.memory_space<hbm>>
        tpu.enqueue_indirect_dma source(%dma_start3A_71 : memref<10000x128xf32, #tpu.memory_space<hbm>>) target(%arg10 : memref<128x128xf32, #tpu.memory_space<vmem>>) offsets(%dma_start3A_68 : memref<128xi32, #tpu.memory_space<vmem>>) semaphore(%arg13 : memref<!tpu.dma_semaphore, #tpu.memory_space<semaphore_mem>>)
        %dma_wait3A_72 = arith.constant 1 : i32
        %dma_wait3A_73 = arith.constant 0 : i32
        %dma_wait3A_74 = tpu.memref_slice %arg8[%dma_wait3A_72, %dma_wait3A_73] : memref<8x128xi32, #tpu.memory_space<vmem>> -> memref<1x128xi32, #tpu.memory_space<vmem>>
        %dma_wait3A_75 = tpu.memref_squeeze %dma_wait3A_74 : memref<1x128xi32, #tpu.memory_space<vmem>> -> memref<128xi32, #tpu.memory_space<vmem>>
        %dma_wait3A_76 = arith.constant 0 : i32
        %dma_wait3A_77 = arith.constant 0 : i32
        %dma_wait3A_78 = tpu.memref_slice %arg3[%dma_wait3A_76, %dma_wait3A_77] : memref<10000x128xf32, #tpu.memory_space<hbm>> -> memref<10000x128xf32, #tpu.memory_space<hbm>>
        tpu.wait_indirect_dma semaphore(%arg14 : memref<!tpu.dma_semaphore, #tpu.memory_space<semaphore_mem>>) src(%dma_wait3A_78 : memref<10000x128xf32, #tpu.memory_space<hbm>>) dst(%arg11 : memref<128x128xf32, #tpu.memory_space<vmem>>)
        %run_scoped3A_79 = arith.constant 1 : i32
        "tpu.region"() ({
          %run_scoped3A_164 = tpu.sem_alloc : memref<!tpu.dma_semaphore, #tpu.memory_space<semaphore_mem>>
          %dma_start3A_165 = arith.constant 0 : i32
          %dma_start3A_166 = tpu.memref_slice %arg9[%run_scoped3A_79, %dma_start3A_165] : memref<8x128xi32, #tpu.memory_space<vmem>> -> memref<1x128xi32, #tpu.memory_space<vmem>>
          %dma_start3A_167 = tpu.memref_squeeze %dma_start3A_166 : memref<1x128xi32, #tpu.memory_space<vmem>> -> memref<128xi32, #tpu.memory_space<vmem>>
          %dma_start3A_168 = arith.constant 0 : i32
          %dma_start3A_169 = arith.constant 0 : i32
          %dma_start3A_170 = tpu.memref_slice %arg12[%dma_start3A_168, %dma_start3A_169] : memref<10112x128xf32, #tpu.memory_space<vmem_shared>> -> memref<10112x128xf32, #tpu.memory_space<vmem_shared>>
          tpu.enqueue_indirect_dma source(%arg11 : memref<128x128xf32, #tpu.memory_space<vmem>>) target(%dma_start3A_170 : memref<10112x128xf32, #tpu.memory_space<vmem_shared>>) offsets(%dma_start3A_167 : memref<128xi32, #tpu.memory_space<vmem>>) semaphore(%run_scoped3A_164 : memref<!tpu.dma_semaphore, #tpu.memory_space<semaphore_mem>>) {add = true}
          %dma_wait3A_171 = arith.constant 0 : i32
          %dma_wait3A_172 = tpu.memref_slice %arg9[%run_scoped3A_79, %dma_wait3A_171] : memref<8x128xi32, #tpu.memory_space<vmem>> -> memref<1x128xi32, #tpu.memory_space<vmem>>
          %dma_wait3A_173 = tpu.memref_squeeze %dma_wait3A_172 : memref<1x128xi32, #tpu.memory_space<vmem>> -> memref<128xi32, #tpu.memory_space<vmem>>
          %dma_wait3A_174 = arith.constant 0 : i32
          %dma_wait3A_175 = arith.constant 0 : i32
          %dma_wait3A_176 = tpu.memref_slice %arg12[%dma_wait3A_174, %dma_wait3A_175] : memref<10112x128xf32, #tpu.memory_space<vmem_shared>> -> memref<10112x128xf32, #tpu.memory_space<vmem_shared>>
          tpu.wait_indirect_dma semaphore(%run_scoped3A_164 : memref<!tpu.dma_semaphore, #tpu.memory_space<semaphore_mem>>) src(%arg11 : memref<128x128xf32, #tpu.memory_space<vmem>>) dst(%dma_wait3A_176 : memref<10112x128xf32, #tpu.memory_space<vmem_shared>>)
          tpu.yield
        }) : () -> ()
        %dma_start3A_80 = arith.constant 3 : i32
        %dma_start3A_81 = arith.constant 0 : i32
        %dma_start3A_82 = tpu.memref_slice %arg8[%dma_start3A_80, %dma_start3A_81] : memref<8x128xi32, #tpu.memory_space<vmem>> -> memref<1x128xi32, #tpu.memory_space<vmem>>
        %dma_start3A_83 = tpu.memref_squeeze %dma_start3A_82 : memref<1x128xi32, #tpu.memory_space<vmem>> -> memref<128xi32, #tpu.memory_space<vmem>>
        %dma_start3A_84 = arith.constant 0 : i32
        %dma_start3A_85 = arith.constant 0 : i32
        %dma_start3A_86 = tpu.memref_slice %arg3[%dma_start3A_84, %dma_start3A_85] : memref<10000x128xf32, #tpu.memory_space<hbm>> -> memref<10000x128xf32, #tpu.memory_space<hbm>>
        tpu.enqueue_indirect_dma source(%dma_start3A_86 : memref<10000x128xf32, #tpu.memory_space<hbm>>) target(%arg11 : memref<128x128xf32, #tpu.memory_space<vmem>>) offsets(%dma_start3A_83 : memref<128xi32, #tpu.memory_space<vmem>>) semaphore(%arg14 : memref<!tpu.dma_semaphore, #tpu.memory_space<semaphore_mem>>)
        %dma_wait3A_87 = arith.constant 2 : i32
        %dma_wait3A_88 = arith.constant 0 : i32
        %dma_wait3A_89 = tpu.memref_slice %arg8[%dma_wait3A_87, %dma_wait3A_88] : memref<8x128xi32, #tpu.memory_space<vmem>> -> memref<1x128xi32, #tpu.memory_space<vmem>>
        %dma_wait3A_90 = tpu.memref_squeeze %dma_wait3A_89 : memref<1x128xi32, #tpu.memory_space<vmem>> -> memref<128xi32, #tpu.memory_space<vmem>>
        %dma_wait3A_91 = arith.constant 0 : i32
        %dma_wait3A_92 = arith.constant 0 : i32
        %dma_wait3A_93 = tpu.memref_slice %arg3[%dma_wait3A_91, %dma_wait3A_92] : memref<10000x128xf32, #tpu.memory_space<hbm>> -> memref<10000x128xf32, #tpu.memory_space<hbm>>
        tpu.wait_indirect_dma semaphore(%arg13 : memref<!tpu.dma_semaphore, #tpu.memory_space<semaphore_mem>>) src(%dma_wait3A_93 : memref<10000x128xf32, #tpu.memory_space<hbm>>) dst(%arg10 : memref<128x128xf32, #tpu.memory_space<vmem>>)
        %run_scoped3A_94 = arith.constant 2 : i32
        "tpu.region"() ({
          %run_scoped3A_164 = tpu.sem_alloc : memref<!tpu.dma_semaphore, #tpu.memory_space<semaphore_mem>>
          %dma_start3A_165 = arith.constant 0 : i32
          %dma_start3A_166 = tpu.memref_slice %arg9[%run_scoped3A_94, %dma_start3A_165] : memref<8x128xi32, #tpu.memory_space<vmem>> -> memref<1x128xi32, #tpu.memory_space<vmem>>
          %dma_start3A_167 = tpu.memref_squeeze %dma_start3A_166 : memref<1x128xi32, #tpu.memory_space<vmem>> -> memref<128xi32, #tpu.memory_space<vmem>>
          %dma_start3A_168 = arith.constant 0 : i32
          %dma_start3A_169 = arith.constant 0 : i32
          %dma_start3A_170 = tpu.memref_slice %arg12[%dma_start3A_168, %dma_start3A_169] : memref<10112x128xf32, #tpu.memory_space<vmem_shared>> -> memref<10112x128xf32, #tpu.memory_space<vmem_shared>>
          tpu.enqueue_indirect_dma source(%arg10 : memref<128x128xf32, #tpu.memory_space<vmem>>) target(%dma_start3A_170 : memref<10112x128xf32, #tpu.memory_space<vmem_shared>>) offsets(%dma_start3A_167 : memref<128xi32, #tpu.memory_space<vmem>>) semaphore(%run_scoped3A_164 : memref<!tpu.dma_semaphore, #tpu.memory_space<semaphore_mem>>) {add = true}
          %dma_wait3A_171 = arith.constant 0 : i32
          %dma_wait3A_172 = tpu.memref_slice %arg9[%run_scoped3A_94, %dma_wait3A_171] : memref<8x128xi32, #tpu.memory_space<vmem>> -> memref<1x128xi32, #tpu.memory_space<vmem>>
          %dma_wait3A_173 = tpu.memref_squeeze %dma_wait3A_172 : memref<1x128xi32, #tpu.memory_space<vmem>> -> memref<128xi32, #tpu.memory_space<vmem>>
          %dma_wait3A_174 = arith.constant 0 : i32
          %dma_wait3A_175 = arith.constant 0 : i32
          %dma_wait3A_176 = tpu.memref_slice %arg12[%dma_wait3A_174, %dma_wait3A_175] : memref<10112x128xf32, #tpu.memory_space<vmem_shared>> -> memref<10112x128xf32, #tpu.memory_space<vmem_shared>>
          tpu.wait_indirect_dma semaphore(%run_scoped3A_164 : memref<!tpu.dma_semaphore, #tpu.memory_space<semaphore_mem>>) src(%arg10 : memref<128x128xf32, #tpu.memory_space<vmem>>) dst(%dma_wait3A_176 : memref<10112x128xf32, #tpu.memory_space<vmem_shared>>)
          tpu.yield
        }) : () -> ()
        %dma_start3A_95 = arith.constant 4 : i32
        %dma_start3A_96 = arith.constant 0 : i32
        %dma_start3A_97 = tpu.memref_slice %arg8[%dma_start3A_95, %dma_start3A_96] : memref<8x128xi32, #tpu.memory_space<vmem>> -> memref<1x128xi32, #tpu.memory_space<vmem>>
        %dma_start3A_98 = tpu.memref_squeeze %dma_start3A_97 : memref<1x128xi32, #tpu.memory_space<vmem>> -> memref<128xi32, #tpu.memory_space<vmem>>
        %dma_start3A_99 = arith.constant 0 : i32
        %dma_start3A_100 = arith.constant 0 : i32
        %dma_start3A_101 = tpu.memref_slice %arg3[%dma_start3A_99, %dma_start3A_100] : memref<10000x128xf32, #tpu.memory_space<hbm>> -> memref<10000x128xf32, #tpu.memory_space<hbm>>
        tpu.enqueue_indirect_dma source(%dma_start3A_101 : memref<10000x128xf32, #tpu.memory_space<hbm>>) target(%arg10 : memref<128x128xf32, #tpu.memory_space<vmem>>) offsets(%dma_start3A_98 : memref<128xi32, #tpu.memory_space<vmem>>) semaphore(%arg13 : memref<!tpu.dma_semaphore, #tpu.memory_space<semaphore_mem>>)
        %dma_wait3A_102 = arith.constant 3 : i32
        %dma_wait3A_103 = arith.constant 0 : i32
        %dma_wait3A_104 = tpu.memref_slice %arg8[%dma_wait3A_102, %dma_wait3A_103] : memref<8x128xi32, #tpu.memory_space<vmem>> -> memref<1x128xi32, #tpu.memory_space<vmem>>
        %dma_wait3A_105 = tpu.memref_squeeze %dma_wait3A_104 : memref<1x128xi32, #tpu.memory_space<vmem>> -> memref<128xi32, #tpu.memory_space<vmem>>
        %dma_wait3A_106 = arith.constant 0 : i32
        %dma_wait3A_107 = arith.constant 0 : i32
        %dma_wait3A_108 = tpu.memref_slice %arg3[%dma_wait3A_106, %dma_wait3A_107] : memref<10000x128xf32, #tpu.memory_space<hbm>> -> memref<10000x128xf32, #tpu.memory_space<hbm>>
        tpu.wait_indirect_dma semaphore(%arg14 : memref<!tpu.dma_semaphore, #tpu.memory_space<semaphore_mem>>) src(%dma_wait3A_108 : memref<10000x128xf32, #tpu.memory_space<hbm>>) dst(%arg11 : memref<128x128xf32, #tpu.memory_space<vmem>>)
        %run_scoped3A_109 = arith.constant 3 : i32
        "tpu.region"() ({
          %run_scoped3A_164 = tpu.sem_alloc : memref<!tpu.dma_semaphore, #tpu.memory_space<semaphore_mem>>
          %dma_start3A_165 = arith.constant 0 : i32
          %dma_start3A_166 = tpu.memref_slice %arg9[%run_scoped3A_109, %dma_start3A_165] : memref<8x128xi32, #tpu.memory_space<vmem>> -> memref<1x128xi32, #tpu.memory_space<vmem>>
          %dma_start3A_167 = tpu.memref_squeeze %dma_start3A_166 : memref<1x128xi32, #tpu.memory_space<vmem>> -> memref<128xi32, #tpu.memory_space<vmem>>
          %dma_start3A_168 = arith.constant 0 : i32
          %dma_start3A_169 = arith.constant 0 : i32
          %dma_start3A_170 = tpu.memref_slice %arg12[%dma_start3A_168, %dma_start3A_169] : memref<10112x128xf32, #tpu.memory_space<vmem_shared>> -> memref<10112x128xf32, #tpu.memory_space<vmem_shared>>
          tpu.enqueue_indirect_dma source(%arg11 : memref<128x128xf32, #tpu.memory_space<vmem>>) target(%dma_start3A_170 : memref<10112x128xf32, #tpu.memory_space<vmem_shared>>) offsets(%dma_start3A_167 : memref<128xi32, #tpu.memory_space<vmem>>) semaphore(%run_scoped3A_164 : memref<!tpu.dma_semaphore, #tpu.memory_space<semaphore_mem>>) {add = true}
          %dma_wait3A_171 = arith.constant 0 : i32
          %dma_wait3A_172 = tpu.memref_slice %arg9[%run_scoped3A_109, %dma_wait3A_171] : memref<8x128xi32, #tpu.memory_space<vmem>> -> memref<1x128xi32, #tpu.memory_space<vmem>>
          %dma_wait3A_173 = tpu.memref_squeeze %dma_wait3A_172 : memref<1x128xi32, #tpu.memory_space<vmem>> -> memref<128xi32, #tpu.memory_space<vmem>>
          %dma_wait3A_174 = arith.constant 0 : i32
          %dma_wait3A_175 = arith.constant 0 : i32
          %dma_wait3A_176 = tpu.memref_slice %arg12[%dma_wait3A_174, %dma_wait3A_175] : memref<10112x128xf32, #tpu.memory_space<vmem_shared>> -> memref<10112x128xf32, #tpu.memory_space<vmem_shared>>
          tpu.wait_indirect_dma semaphore(%run_scoped3A_164 : memref<!tpu.dma_semaphore, #tpu.memory_space<semaphore_mem>>) src(%arg11 : memref<128x128xf32, #tpu.memory_space<vmem>>) dst(%dma_wait3A_176 : memref<10112x128xf32, #tpu.memory_space<vmem_shared>>)
          tpu.yield
        }) : () -> ()
        %dma_start3A_110 = arith.constant 5 : i32
        %dma_start3A_111 = arith.constant 0 : i32
        %dma_start3A_112 = tpu.memref_slice %arg8[%dma_start3A_110, %dma_start3A_111] : memref<8x128xi32, #tpu.memory_space<vmem>> -> memref<1x128xi32, #tpu.memory_space<vmem>>
        %dma_start3A_113 = tpu.memref_squeeze %dma_start3A_112 : memref<1x128xi32, #tpu.memory_space<vmem>> -> memref<128xi32, #tpu.memory_space<vmem>>
        %dma_start3A_114 = arith.constant 0 : i32
        %dma_start3A_115 = arith.constant 0 : i32
        %dma_start3A_116 = tpu.memref_slice %arg3[%dma_start3A_114, %dma_start3A_115] : memref<10000x128xf32, #tpu.memory_space<hbm>> -> memref<10000x128xf32, #tpu.memory_space<hbm>>
        tpu.enqueue_indirect_dma source(%dma_start3A_116 : memref<10000x128xf32, #tpu.memory_space<hbm>>) target(%arg11 : memref<128x128xf32, #tpu.memory_space<vmem>>) offsets(%dma_start3A_113 : memref<128xi32, #tpu.memory_space<vmem>>) semaphore(%arg14 : memref<!tpu.dma_semaphore, #tpu.memory_space<semaphore_mem>>)
        %dma_wait3A_117 = arith.constant 4 : i32
        %dma_wait3A_118 = arith.constant 0 : i32
        %dma_wait3A_119 = tpu.memref_slice %arg8[%dma_wait3A_117, %dma_wait3A_118] : memref<8x128xi32, #tpu.memory_space<vmem>> -> memref<1x128xi32, #tpu.memory_space<vmem>>
        %dma_wait3A_120 = tpu.memref_squeeze %dma_wait3A_119 : memref<1x128xi32, #tpu.memory_space<vmem>> -> memref<128xi32, #tpu.memory_space<vmem>>
        %dma_wait3A_121 = arith.constant 0 : i32
        %dma_wait3A_122 = arith.constant 0 : i32
        %dma_wait3A_123 = tpu.memref_slice %arg3[%dma_wait3A_121, %dma_wait3A_122] : memref<10000x128xf32, #tpu.memory_space<hbm>> -> memref<10000x128xf32, #tpu.memory_space<hbm>>
        tpu.wait_indirect_dma semaphore(%arg13 : memref<!tpu.dma_semaphore, #tpu.memory_space<semaphore_mem>>) src(%dma_wait3A_123 : memref<10000x128xf32, #tpu.memory_space<hbm>>) dst(%arg10 : memref<128x128xf32, #tpu.memory_space<vmem>>)
        %run_scoped3A_124 = arith.constant 4 : i32
        "tpu.region"() ({
          %run_scoped3A_164 = tpu.sem_alloc : memref<!tpu.dma_semaphore, #tpu.memory_space<semaphore_mem>>
          %dma_start3A_165 = arith.constant 0 : i32
          %dma_start3A_166 = tpu.memref_slice %arg9[%run_scoped3A_124, %dma_start3A_165] : memref<8x128xi32, #tpu.memory_space<vmem>> -> memref<1x128xi32, #tpu.memory_space<vmem>>
          %dma_start3A_167 = tpu.memref_squeeze %dma_start3A_166 : memref<1x128xi32, #tpu.memory_space<vmem>> -> memref<128xi32, #tpu.memory_space<vmem>>
          %dma_start3A_168 = arith.constant 0 : i32
          %dma_start3A_169 = arith.constant 0 : i32
          %dma_start3A_170 = tpu.memref_slice %arg12[%dma_start3A_168, %dma_start3A_169] : memref<10112x128xf32, #tpu.memory_space<vmem_shared>> -> memref<10112x128xf32, #tpu.memory_space<vmem_shared>>
          tpu.enqueue_indirect_dma source(%arg10 : memref<128x128xf32, #tpu.memory_space<vmem>>) target(%dma_start3A_170 : memref<10112x128xf32, #tpu.memory_space<vmem_shared>>) offsets(%dma_start3A_167 : memref<128xi32, #tpu.memory_space<vmem>>) semaphore(%run_scoped3A_164 : memref<!tpu.dma_semaphore, #tpu.memory_space<semaphore_mem>>) {add = true}
          %dma_wait3A_171 = arith.constant 0 : i32
          %dma_wait3A_172 = tpu.memref_slice %arg9[%run_scoped3A_124, %dma_wait3A_171] : memref<8x128xi32, #tpu.memory_space<vmem>> -> memref<1x128xi32, #tpu.memory_space<vmem>>
          %dma_wait3A_173 = tpu.memref_squeeze %dma_wait3A_172 : memref<1x128xi32, #tpu.memory_space<vmem>> -> memref<128xi32, #tpu.memory_space<vmem>>
          %dma_wait3A_174 = arith.constant 0 : i32
          %dma_wait3A_175 = arith.constant 0 : i32
          %dma_wait3A_176 = tpu.memref_slice %arg12[%dma_wait3A_174, %dma_wait3A_175] : memref<10112x128xf32, #tpu.memory_space<vmem_shared>> -> memref<10112x128xf32, #tpu.memory_space<vmem_shared>>
          tpu.wait_indirect_dma semaphore(%run_scoped3A_164 : memref<!tpu.dma_semaphore, #tpu.memory_space<semaphore_mem>>) src(%arg10 : memref<128x128xf32, #tpu.memory_space<vmem>>) dst(%dma_wait3A_176 : memref<10112x128xf32, #tpu.memory_space<vmem_shared>>)
          tpu.yield
        }) : () -> ()
        %dma_start3A_125 = arith.constant 6 : i32
        %dma_start3A_126 = arith.constant 0 : i32
        %dma_start3A_127 = tpu.memref_slice %arg8[%dma_start3A_125, %dma_start3A_126] : memref<8x128xi32, #tpu.memory_space<vmem>> -> memref<1x128xi32, #tpu.memory_space<vmem>>
        %dma_start3A_128 = tpu.memref_squeeze %dma_start3A_127 : memref<1x128xi32, #tpu.memory_space<vmem>> -> memref<128xi32, #tpu.memory_space<vmem>>
        %dma_start3A_129 = arith.constant 0 : i32
        %dma_start3A_130 = arith.constant 0 : i32
        %dma_start3A_131 = tpu.memref_slice %arg3[%dma_start3A_129, %dma_start3A_130] : memref<10000x128xf32, #tpu.memory_space<hbm>> -> memref<10000x128xf32, #tpu.memory_space<hbm>>
        tpu.enqueue_indirect_dma source(%dma_start3A_131 : memref<10000x128xf32, #tpu.memory_space<hbm>>) target(%arg10 : memref<128x128xf32, #tpu.memory_space<vmem>>) offsets(%dma_start3A_128 : memref<128xi32, #tpu.memory_space<vmem>>) semaphore(%arg13 : memref<!tpu.dma_semaphore, #tpu.memory_space<semaphore_mem>>)
        %dma_wait3A_132 = arith.constant 5 : i32
        %dma_wait3A_133 = arith.constant 0 : i32
        %dma_wait3A_134 = tpu.memref_slice %arg8[%dma_wait3A_132, %dma_wait3A_133] : memref<8x128xi32, #tpu.memory_space<vmem>> -> memref<1x128xi32, #tpu.memory_space<vmem>>
        %dma_wait3A_135 = tpu.memref_squeeze %dma_wait3A_134 : memref<1x128xi32, #tpu.memory_space<vmem>> -> memref<128xi32, #tpu.memory_space<vmem>>
        %dma_wait3A_136 = arith.constant 0 : i32
        %dma_wait3A_137 = arith.constant 0 : i32
        %dma_wait3A_138 = tpu.memref_slice %arg3[%dma_wait3A_136, %dma_wait3A_137] : memref<10000x128xf32, #tpu.memory_space<hbm>> -> memref<10000x128xf32, #tpu.memory_space<hbm>>
        tpu.wait_indirect_dma semaphore(%arg14 : memref<!tpu.dma_semaphore, #tpu.memory_space<semaphore_mem>>) src(%dma_wait3A_138 : memref<10000x128xf32, #tpu.memory_space<hbm>>) dst(%arg11 : memref<128x128xf32, #tpu.memory_space<vmem>>)
        %run_scoped3A_139 = arith.constant 5 : i32
        "tpu.region"() ({
          %run_scoped3A_164 = tpu.sem_alloc : memref<!tpu.dma_semaphore, #tpu.memory_space<semaphore_mem>>
          %dma_start3A_165 = arith.constant 0 : i32
          %dma_start3A_166 = tpu.memref_slice %arg9[%run_scoped3A_139, %dma_start3A_165] : memref<8x128xi32, #tpu.memory_space<vmem>> -> memref<1x128xi32, #tpu.memory_space<vmem>>
          %dma_start3A_167 = tpu.memref_squeeze %dma_start3A_166 : memref<1x128xi32, #tpu.memory_space<vmem>> -> memref<128xi32, #tpu.memory_space<vmem>>
          %dma_start3A_168 = arith.constant 0 : i32
          %dma_start3A_169 = arith.constant 0 : i32
          %dma_start3A_170 = tpu.memref_slice %arg12[%dma_start3A_168, %dma_start3A_169] : memref<10112x128xf32, #tpu.memory_space<vmem_shared>> -> memref<10112x128xf32, #tpu.memory_space<vmem_shared>>
          tpu.enqueue_indirect_dma source(%arg11 : memref<128x128xf32, #tpu.memory_space<vmem>>) target(%dma_start3A_170 : memref<10112x128xf32, #tpu.memory_space<vmem_shared>>) offsets(%dma_start3A_167 : memref<128xi32, #tpu.memory_space<vmem>>) semaphore(%run_scoped3A_164 : memref<!tpu.dma_semaphore, #tpu.memory_space<semaphore_mem>>) {add = true}
          %dma_wait3A_171 = arith.constant 0 : i32
          %dma_wait3A_172 = tpu.memref_slice %arg9[%run_scoped3A_139, %dma_wait3A_171] : memref<8x128xi32, #tpu.memory_space<vmem>> -> memref<1x128xi32, #tpu.memory_space<vmem>>
          %dma_wait3A_173 = tpu.memref_squeeze %dma_wait3A_172 : memref<1x128xi32, #tpu.memory_space<vmem>> -> memref<128xi32, #tpu.memory_space<vmem>>
          %dma_wait3A_174 = arith.constant 0 : i32
          %dma_wait3A_175 = arith.constant 0 : i32
          %dma_wait3A_176 = tpu.memref_slice %arg12[%dma_wait3A_174, %dma_wait3A_175] : memref<10112x128xf32, #tpu.memory_space<vmem_shared>> -> memref<10112x128xf32, #tpu.memory_space<vmem_shared>>
          tpu.wait_indirect_dma semaphore(%run_scoped3A_164 : memref<!tpu.dma_semaphore, #tpu.memory_space<semaphore_mem>>) src(%arg11 : memref<128x128xf32, #tpu.memory_space<vmem>>) dst(%dma_wait3A_176 : memref<10112x128xf32, #tpu.memory_space<vmem_shared>>)
          tpu.yield
        }) : () -> ()
        %dma_start3A_140 = arith.constant 7 : i32
        %dma_start3A_141 = arith.constant 0 : i32
        %dma_start3A_142 = tpu.memref_slice %arg8[%dma_start3A_140, %dma_start3A_141] : memref<8x128xi32, #tpu.memory_space<vmem>> -> memref<1x128xi32, #tpu.memory_space<vmem>>
        %dma_start3A_143 = tpu.memref_squeeze %dma_start3A_142 : memref<1x128xi32, #tpu.memory_space<vmem>> -> memref<128xi32, #tpu.memory_space<vmem>>
        %dma_start3A_144 = arith.constant 0 : i32
        %dma_start3A_145 = arith.constant 0 : i32
        %dma_start3A_146 = tpu.memref_slice %arg3[%dma_start3A_144, %dma_start3A_145] : memref<10000x128xf32, #tpu.memory_space<hbm>> -> memref<10000x128xf32, #tpu.memory_space<hbm>>
        tpu.enqueue_indirect_dma source(%dma_start3A_146 : memref<10000x128xf32, #tpu.memory_space<hbm>>) target(%arg11 : memref<128x128xf32, #tpu.memory_space<vmem>>) offsets(%dma_start3A_143 : memref<128xi32, #tpu.memory_space<vmem>>) semaphore(%arg14 : memref<!tpu.dma_semaphore, #tpu.memory_space<semaphore_mem>>)
        %dma_wait3A_147 = arith.constant 6 : i32
        %dma_wait3A_148 = arith.constant 0 : i32
        %dma_wait3A_149 = tpu.memref_slice %arg8[%dma_wait3A_147, %dma_wait3A_148] : memref<8x128xi32, #tpu.memory_space<vmem>> -> memref<1x128xi32, #tpu.memory_space<vmem>>
        %dma_wait3A_150 = tpu.memref_squeeze %dma_wait3A_149 : memref<1x128xi32, #tpu.memory_space<vmem>> -> memref<128xi32, #tpu.memory_space<vmem>>
        %dma_wait3A_151 = arith.constant 0 : i32
        %dma_wait3A_152 = arith.constant 0 : i32
        %dma_wait3A_153 = tpu.memref_slice %arg3[%dma_wait3A_151, %dma_wait3A_152] : memref<10000x128xf32, #tpu.memory_space<hbm>> -> memref<10000x128xf32, #tpu.memory_space<hbm>>
        tpu.wait_indirect_dma semaphore(%arg13 : memref<!tpu.dma_semaphore, #tpu.memory_space<semaphore_mem>>) src(%dma_wait3A_153 : memref<10000x128xf32, #tpu.memory_space<hbm>>) dst(%arg10 : memref<128x128xf32, #tpu.memory_space<vmem>>)
        %run_scoped3A_154 = arith.constant 6 : i32
        "tpu.region"() ({
          %run_scoped3A_164 = tpu.sem_alloc : memref<!tpu.dma_semaphore, #tpu.memory_space<semaphore_mem>>
          %dma_start3A_165 = arith.constant 0 : i32
          %dma_start3A_166 = tpu.memref_slice %arg9[%run_scoped3A_154, %dma_start3A_165] : memref<8x128xi32, #tpu.memory_space<vmem>> -> memref<1x128xi32, #tpu.memory_space<vmem>>
          %dma_start3A_167 = tpu.memref_squeeze %dma_start3A_166 : memref<1x128xi32, #tpu.memory_space<vmem>> -> memref<128xi32, #tpu.memory_space<vmem>>
          %dma_start3A_168 = arith.constant 0 : i32
          %dma_start3A_169 = arith.constant 0 : i32
          %dma_start3A_170 = tpu.memref_slice %arg12[%dma_start3A_168, %dma_start3A_169] : memref<10112x128xf32, #tpu.memory_space<vmem_shared>> -> memref<10112x128xf32, #tpu.memory_space<vmem_shared>>
          tpu.enqueue_indirect_dma source(%arg10 : memref<128x128xf32, #tpu.memory_space<vmem>>) target(%dma_start3A_170 : memref<10112x128xf32, #tpu.memory_space<vmem_shared>>) offsets(%dma_start3A_167 : memref<128xi32, #tpu.memory_space<vmem>>) semaphore(%run_scoped3A_164 : memref<!tpu.dma_semaphore, #tpu.memory_space<semaphore_mem>>) {add = true}
          %dma_wait3A_171 = arith.constant 0 : i32
          %dma_wait3A_172 = tpu.memref_slice %arg9[%run_scoped3A_154, %dma_wait3A_171] : memref<8x128xi32, #tpu.memory_space<vmem>> -> memref<1x128xi32, #tpu.memory_space<vmem>>
          %dma_wait3A_173 = tpu.memref_squeeze %dma_wait3A_172 : memref<1x128xi32, #tpu.memory_space<vmem>> -> memref<128xi32, #tpu.memory_space<vmem>>
          %dma_wait3A_174 = arith.constant 0 : i32
          %dma_wait3A_175 = arith.constant 0 : i32
          %dma_wait3A_176 = tpu.memref_slice %arg12[%dma_wait3A_174, %dma_wait3A_175] : memref<10112x128xf32, #tpu.memory_space<vmem_shared>> -> memref<10112x128xf32, #tpu.memory_space<vmem_shared>>
          tpu.wait_indirect_dma semaphore(%run_scoped3A_164 : memref<!tpu.dma_semaphore, #tpu.memory_space<semaphore_mem>>) src(%arg10 : memref<128x128xf32, #tpu.memory_space<vmem>>) dst(%dma_wait3A_176 : memref<10112x128xf32, #tpu.memory_space<vmem_shared>>)
          tpu.yield
        }) : () -> ()
        %dma_wait3A_155 = arith.constant 7 : i32
        %dma_wait3A_156 = arith.constant 0 : i32
        %dma_wait3A_157 = tpu.memref_slice %arg8[%dma_wait3A_155, %dma_wait3A_156] : memref<8x128xi32, #tpu.memory_space<vmem>> -> memref<1x128xi32, #tpu.memory_space<vmem>>
        %dma_wait3A_158 = tpu.memref_squeeze %dma_wait3A_157 : memref<1x128xi32, #tpu.memory_space<vmem>> -> memref<128xi32, #tpu.memory_space<vmem>>
        %dma_wait3A_159 = arith.constant 0 : i32
        %dma_wait3A_160 = arith.constant 0 : i32
        %dma_wait3A_161 = tpu.memref_slice %arg3[%dma_wait3A_159, %dma_wait3A_160] : memref<10000x128xf32, #tpu.memory_space<hbm>> -> memref<10000x128xf32, #tpu.memory_space<hbm>>
        tpu.wait_indirect_dma semaphore(%arg14 : memref<!tpu.dma_semaphore, #tpu.memory_space<semaphore_mem>>) src(%dma_wait3A_161 : memref<10000x128xf32, #tpu.memory_space<hbm>>) dst(%arg11 : memref<128x128xf32, #tpu.memory_space<vmem>>)
        %run_scoped3A_162 = arith.constant 7 : i32
        "tpu.region"() ({
          %run_scoped3A_164 = tpu.sem_alloc : memref<!tpu.dma_semaphore, #tpu.memory_space<semaphore_mem>>
          %dma_start3A_165 = arith.constant 0 : i32
          %dma_start3A_166 = tpu.memref_slice %arg9[%run_scoped3A_162, %dma_start3A_165] : memref<8x128xi32, #tpu.memory_space<vmem>> -> memref<1x128xi32, #tpu.memory_space<vmem>>
          %dma_start3A_167 = tpu.memref_squeeze %dma_start3A_166 : memref<1x128xi32, #tpu.memory_space<vmem>> -> memref<128xi32, #tpu.memory_space<vmem>>
          %dma_start3A_168 = arith.constant 0 : i32
          %dma_start3A_169 = arith.constant 0 : i32
          %dma_start3A_170 = tpu.memref_slice %arg12[%dma_start3A_168, %dma_start3A_169] : memref<10112x128xf32, #tpu.memory_space<vmem_shared>> -> memref<10112x128xf32, #tpu.memory_space<vmem_shared>>
          tpu.enqueue_indirect_dma source(%arg11 : memref<128x128xf32, #tpu.memory_space<vmem>>) target(%dma_start3A_170 : memref<10112x128xf32, #tpu.memory_space<vmem_shared>>) offsets(%dma_start3A_167 : memref<128xi32, #tpu.memory_space<vmem>>) semaphore(%run_scoped3A_164 : memref<!tpu.dma_semaphore, #tpu.memory_space<semaphore_mem>>) {add = true}
          %dma_wait3A_171 = arith.constant 0 : i32
          %dma_wait3A_172 = tpu.memref_slice %arg9[%run_scoped3A_162, %dma_wait3A_171] : memref<8x128xi32, #tpu.memory_space<vmem>> -> memref<1x128xi32, #tpu.memory_space<vmem>>
          %dma_wait3A_173 = tpu.memref_squeeze %dma_wait3A_172 : memref<1x128xi32, #tpu.memory_space<vmem>> -> memref<128xi32, #tpu.memory_space<vmem>>
          %dma_wait3A_174 = arith.constant 0 : i32
          %dma_wait3A_175 = arith.constant 0 : i32
          %dma_wait3A_176 = tpu.memref_slice %arg12[%dma_wait3A_174, %dma_wait3A_175] : memref<10112x128xf32, #tpu.memory_space<vmem_shared>> -> memref<10112x128xf32, #tpu.memory_space<vmem_shared>>
          tpu.wait_indirect_dma semaphore(%run_scoped3A_164 : memref<!tpu.dma_semaphore, #tpu.memory_space<semaphore_mem>>) src(%arg11 : memref<128x128xf32, #tpu.memory_space<vmem>>) dst(%dma_wait3A_176 : memref<10112x128xf32, #tpu.memory_space<vmem_shared>>)
          tpu.yield
        }) : () -> ()
        %scan3A_163 = arith.constant 0 : i32
        scf.yield %scan3A_163 : i32
      }
      %scan3A_39 = arith.constant 10 : i32
    } else {
    }
    %barrier3A_21 = arith.constant 0 : index
    tpu.barrier barrier_id(%barrier3A_21)
    %mul3A = arith.constant 632 : i32
    %mul3A_22 = arith.muli %arg1, %mul3A : i32
    %eq3A_23 = arith.constant 0 : i32
    %eq3A_24 = arith.cmpi eq, %arg0, %eq3A_23 : i32
    %convert_element_type3A_25 = arith.extui %eq3A_24 : i1 to i32
    %cond3A_26 = arith.constant 0 : i32
    %cond3A_27 = arith.cmpi ne, %convert_element_type3A_25, %cond3A_26 : i32
    scf.if %cond3A_27 {
      "tpu.region"() ({
        %run_scoped3A = tpu.sem_alloc : memref<!tpu.dma_semaphore, #tpu.memory_space<semaphore_mem>>
        %dma_start3A = arith.constant 0 : i32
        %dma_start3A_33 = tpu.memref_slice %arg6[%mul3A_22, %dma_start3A] : memref<10112x128xf32, #tpu.memory_space<hbm>> -> memref<632x128xf32, #tpu.memory_space<hbm>>
        %dma_start3A_34 = arith.constant 0 : i32
        %dma_start3A_35 = tpu.memref_slice %arg12[%mul3A_22, %dma_start3A_34] : memref<10112x128xf32, #tpu.memory_space<vmem_shared>> -> memref<632x128xf32, #tpu.memory_space<vmem_shared>>
        tpu.enqueue_dma source(%dma_start3A_35 : memref<632x128xf32, #tpu.memory_space<vmem_shared>>) target(%dma_start3A_33 : memref<632x128xf32, #tpu.memory_space<hbm>>) target_semaphore(%run_scoped3A : memref<!tpu.dma_semaphore, #tpu.memory_space<semaphore_mem>>)
        %dma_wait3A = arith.constant 0 : i32
        %dma_wait3A_36 = tpu.memref_slice %arg6[%mul3A_22, %dma_wait3A] : memref<10112x128xf32, #tpu.memory_space<hbm>> -> memref<632x128xf32, #tpu.memory_space<hbm>>
        %dma_wait3A_37 = arith.constant 0 : i32
        %dma_wait3A_38 = tpu.memref_slice %arg12[%mul3A_22, %dma_wait3A_37] : memref<10112x128xf32, #tpu.memory_space<vmem_shared>> -> memref<632x128xf32, #tpu.memory_space<vmem_shared>>
        tpu.wait_dma2 semaphore(%run_scoped3A : memref<!tpu.dma_semaphore, #tpu.memory_space<semaphore_mem>>) src(%dma_wait3A_38 : memref<632x128xf32, #tpu.memory_space<vmem_shared>>) dst(%dma_wait3A_36 : memref<632x128xf32, #tpu.memory_space<hbm>>)
        tpu.yield
      }) : () -> ()
    } else {
    }
    %eq3A_28 = arith.constant 1 : i32
    %eq3A_29 = arith.cmpi eq, %arg0, %eq3A_28 : i32
    %convert_element_type3A_30 = arith.extui %eq3A_29 : i1 to i32
    %cond3A_31 = arith.constant 0 : i32
    %cond3A_32 = arith.cmpi ne, %convert_element_type3A_30, %cond3A_31 : i32
    scf.if %cond3A_32 {
      "tpu.region"() ({
        %run_scoped3A = tpu.sem_alloc : memref<!tpu.dma_semaphore, #tpu.memory_space<semaphore_mem>>
        %dma_start3A = arith.constant 0 : i32
        %dma_start3A_33 = tpu.memref_slice %arg7[%mul3A_22, %dma_start3A] : memref<10112x128xf32, #tpu.memory_space<hbm>> -> memref<632x128xf32, #tpu.memory_space<hbm>>
        %dma_start3A_34 = arith.constant 0 : i32
        %dma_start3A_35 = tpu.memref_slice %arg12[%mul3A_22, %dma_start3A_34] : memref<10112x128xf32, #tpu.memory_space<vmem_shared>> -> memref<632x128xf32, #tpu.memory_space<vmem_shared>>
        tpu.enqueue_dma source(%dma_start3A_35 : memref<632x128xf32, #tpu.memory_space<vmem_shared>>) target(%dma_start3A_33 : memref<632x128xf32, #tpu.memory_space<hbm>>) target_semaphore(%run_scoped3A : memref<!tpu.dma_semaphore, #tpu.memory_space<semaphore_mem>>)
        %dma_wait3A = arith.constant 0 : i32
        %dma_wait3A_36 = tpu.memref_slice %arg7[%mul3A_22, %dma_wait3A] : memref<10112x128xf32, #tpu.memory_space<hbm>> -> memref<632x128xf32, #tpu.memory_space<hbm>>
        %dma_wait3A_37 = arith.constant 0 : i32
        %dma_wait3A_38 = tpu.memref_slice %arg12[%mul3A_22, %dma_wait3A_37] : memref<10112x128xf32, #tpu.memory_space<vmem_shared>> -> memref<632x128xf32, #tpu.memory_space<vmem_shared>>
        tpu.wait_dma2 semaphore(%run_scoped3A : memref<!tpu.dma_semaphore, #tpu.memory_space<semaphore_mem>>) src(%dma_wait3A_38 : memref<632x128xf32, #tpu.memory_space<vmem_shared>>) dst(%dma_wait3A_36 : memref<632x128xf32, #tpu.memory_space<hbm>>)
        tpu.yield
      }) : () -> ()
    } else {
    }
    return
  }
}

module attributes {stable_mosaic.version = 14 : i64} {
  func.func @_affine_body(%arg0: i32, %arg1: memref<1000x256xf32, #tpu.memory_space<vmem>>, %arg2: memref<256x256xf32, #tpu.memory_space<vmem>>, %arg3: memref<1x256xf32, #tpu.memory_space<vmem>>, %arg4: memref<1000x128xf32, #tpu.memory_space<vmem>>, %arg5: memref<1000x128xf32, #tpu.memory_space<vmem>>) attributes {dimension_semantics = [#tpu.dimension_semantics<arbitrary>], iteration_bounds = array<i64: 10>, scalar_prefetch = 0 : i64, scratch_operands = 0 : i64, tpu.core_type = #tpu.core_type<tc>, window_params = [{transform_indices = @transform_0, window_bounds = array<i64: 1000, 256>}, {pipeline_mode = #tpu.pipeline_mode<synchronous>, transform_indices = @transform_1, window_bounds = array<i64: 256, 256>}, {pipeline_mode = #tpu.pipeline_mode<synchronous>, transform_indices = @transform_2, window_bounds = array<i64: 1, 256>}, {transform_indices = @transform_3, window_bounds = array<i64: 1000, 128>}, {transform_indices = @transform_4, window_bounds = array<i64: 1000, 128>}]} {
    %get3A = arith.constant 0 : index
    %get3A_0 = arith.constant 0 : index
    %get3A_1 = vector.load %arg1[%get3A, %get3A_0] : memref<1000x256xf32, #tpu.memory_space<vmem>>, vector<1000x256xf32>
    %get3A_2 = arith.constant 0 : index
    %get3A_3 = arith.constant 0 : index
    %get3A_4 = vector.load %arg2[%get3A_2, %get3A_3] : memref<256x256xf32, #tpu.memory_space<vmem>>, vector<256x256xf32>
    %dot_general3A = arith.constant dense<0.000000e+00> : vector<1000x256xf32>
    %dot_general3A_5 = tpu.matmul %get3A_1, %get3A_4, %dot_general3A {dimension_numbers = #tpu.dot_dimension_numbers<[1], [0], [0], [1], [0, 0, 1, 1], [], []>, transpose_lhs_hint = false} : vector<1000x256xf32>, vector<256x256xf32>, vector<1000x256xf32> -> vector<1000x256xf32>
    %get3A_6 = arith.constant 0 : index
    %get3A_7 = arith.constant 0 : index
    %get3A_8 = vector.load %arg3[%get3A_6, %get3A_7] : memref<1x256xf32, #tpu.memory_space<vmem>>, vector<1x256xf32>
    %add3A = vector.broadcast %get3A_8 : vector<1x256xf32> to vector<1000x256xf32>
    %add3A_9 = arith.addf %dot_general3A_5, %add3A : vector<1000x256xf32>
    %max3A = arith.constant 0.000000e+00 : f32
    %max3A_10 = vector.broadcast %max3A : f32 to vector<1000x256xf32>
    %max3A_11 = arith.maximumf %add3A_9, %max3A_10 : vector<1000x256xf32>
    %slice3A = vector.extract_strided_slice %max3A_11 {offsets = [0, 0], sizes = [1000, 128], strides = [1, 1]} : vector<1000x256xf32> to vector<1000x128xf32>
    %swap3A = arith.constant 0 : index
    %swap3A_12 = arith.constant 0 : index
    %swap3A_13 = vector.load %arg4[%swap3A, %swap3A_12] : memref<1000x128xf32, #tpu.memory_space<vmem>>, vector<1000x128xf32>
    tpu.vector_store %arg4[%swap3A, %swap3A_12], %slice3A {strides = array<i32>} : memref<1000x128xf32, #tpu.memory_space<vmem>>, vector<1000x128xf32>,
    %slice3A_14 = vector.extract_strided_slice %max3A_11 {offsets = [0, 128], sizes = [1000, 128], strides = [1, 1]} : vector<1000x256xf32> to vector<1000x128xf32>
    %swap3A_15 = arith.constant 0 : index
    %swap3A_16 = arith.constant 0 : index
    %swap3A_17 = vector.load %arg5[%swap3A_15, %swap3A_16] : memref<1000x128xf32, #tpu.memory_space<vmem>>, vector<1000x128xf32>
    tpu.vector_store %arg5[%swap3A_15, %swap3A_16], %slice3A_14 {strides = array<i32>} : memref<1000x128xf32, #tpu.memory_space<vmem>>, vector<1000x128xf32>,
    return
  }
  func.func @transform_0(%arg0: i32) -> (i32, i32) {
    %c0_i32 = arith.constant 0 : i32
    %c0_i32_0 = arith.constant 0 : i32
    return %arg0, %c0_i32 : i32, i32
  }
  func.func @transform_1(%arg0: i32) -> (i32, i32) {
    %c0_i32 = arith.constant 0 : i32
    %c0_i32_0 = arith.constant 0 : i32
    %c0_i32_1 = arith.constant 0 : i32
    return %c0_i32, %c0_i32_0 : i32, i32
  }
  func.func @transform_2(%arg0: i32) -> (i32, i32) {
    %c0_i32 = arith.constant 0 : i32
    %c0_i32_0 = arith.constant 0 : i32
    %c0_i32_1 = arith.constant 0 : i32
    return %c0_i32, %c0_i32_0 : i32, i32
  }
  func.func @transform_3(%arg0: i32) -> (i32, i32) {
    %c0_i32 = arith.constant 0 : i32
    %c0_i32_0 = arith.constant 0 : i32
    return %arg0, %c0_i32 : i32, i32
  }
  func.func @transform_4(%arg0: i32) -> (i32, i32) {
    %c0_i32 = arith.constant 0 : i32
    %c0_i32_0 = arith.constant 0 : i32
    return %arg0, %c0_i32 : i32, i32
  }
}

module attributes {stable_mosaic.version = 14 : i64} {
  func.func @_layer_body(%arg0: i32, %arg1: memref<1000x128xf32, #tpu.memory_space<vmem>>, %arg2: memref<1000x128xf32, #tpu.memory_space<vmem>>, %arg3: memref<1000x128xf32, #tpu.memory_space<vmem>>, %arg4: memref<1000x128xf32, #tpu.memory_space<vmem>>, %arg5: memref<1000x128xf32, #tpu.memory_space<vmem>>, %arg6: memref<1000x128xf32, #tpu.memory_space<vmem>>, %arg7: memref<128x256xf32, #tpu.memory_space<vmem>>, %arg8: memref<128x256xf32, #tpu.memory_space<vmem>>, %arg9: memref<128x256xf32, #tpu.memory_space<vmem>>, %arg10: memref<128x256xf32, #tpu.memory_space<vmem>>, %arg11: memref<1x256xf32, #tpu.memory_space<vmem>>, %arg12: memref<1x256xf32, #tpu.memory_space<vmem>>, %arg13: memref<1x256xf32, #tpu.memory_space<vmem>>, %arg14: memref<1000x256xf32, #tpu.memory_space<vmem>>, %arg15: memref<1000x128xf32, #tpu.memory_space<vmem>>, %arg16: memref<1000x128xf32, #tpu.memory_space<vmem>>) attributes {dimension_semantics = [#tpu.dimension_semantics<arbitrary>], iteration_bounds = array<i64: 10>, scalar_prefetch = 0 : i64, scratch_operands = 0 : i64, tpu.core_type = #tpu.core_type<tc>, window_params = [{transform_indices = @transform_0, window_bounds = array<i64: 1000, 128>}, {transform_indices = @transform_1, window_bounds = array<i64: 1000, 128>}, {transform_indices = @transform_2, window_bounds = array<i64: 1000, 128>}, {transform_indices = @transform_3, window_bounds = array<i64: 1000, 128>}, {transform_indices = @transform_4, window_bounds = array<i64: 1000, 128>}, {transform_indices = @transform_5, window_bounds = array<i64: 1000, 128>}, {pipeline_mode = #tpu.pipeline_mode<synchronous>, transform_indices = @transform_6, window_bounds = array<i64: 128, 256>}, {pipeline_mode = #tpu.pipeline_mode<synchronous>, transform_indices = @transform_7, window_bounds = array<i64: 128, 256>}, {pipeline_mode = #tpu.pipeline_mode<synchronous>, transform_indices = @transform_8, window_bounds = array<i64: 128, 256>}, {pipeline_mode = #tpu.pipeline_mode<synchronous>, transform_indices = @transform_9, window_bounds = array<i64: 128, 256>}, {pipeline_mode = #tpu.pipeline_mode<synchronous>, transform_indices = @transform_10, window_bounds = array<i64: 1, 256>}, {pipeline_mode = #tpu.pipeline_mode<synchronous>, transform_indices = @transform_11, window_bounds = array<i64: 1, 256>}, {pipeline_mode = #tpu.pipeline_mode<synchronous>, transform_indices = @transform_12, window_bounds = array<i64: 1, 256>}, {transform_indices = @transform_13, window_bounds = array<i64: 1000, 256>}, {transform_indices = @transform_14, window_bounds = array<i64: 1000, 128>}, {transform_indices = @transform_15, window_bounds = array<i64: 1000, 128>}]} {
    %get3A = arith.constant 0 : index
    %get3A_0 = arith.constant 0 : index
    %get3A_1 = vector.load %arg5[%get3A, %get3A_0] : memref<1000x128xf32, #tpu.memory_space<vmem>>, vector<1000x128xf32>
    %slice3A = vector.extract_strided_slice %get3A_1 {offsets = [0, 0], sizes = [1000, 1], strides = [1, 1]} : vector<1000x128xf32> to vector<1000x1xf32>
    %get3A_2 = arith.constant 0 : index
    %get3A_3 = arith.constant 0 : index
    %get3A_4 = vector.load %arg6[%get3A_2, %get3A_3] : memref<1000x128xf32, #tpu.memory_space<vmem>>, vector<1000x128xf32>
    %slice3A_5 = vector.extract_strided_slice %get3A_4 {offsets = [0, 0], sizes = [1000, 1], strides = [1, 1]} : vector<1000x128xf32> to vector<1000x1xf32>
    %add3A = arith.addf %slice3A, %slice3A_5 : vector<1000x1xf32>
    %max3A = arith.constant 1.000000e+00 : f32
    %max3A_6 = vector.broadcast %max3A : f32 to vector<1000x1xf32>
    %max3A_7 = arith.maximumf %add3A, %max3A_6 : vector<1000x1xf32>
    %div3A = arith.constant 1.000000e+00 : f32
    %div3A_8 = vector.broadcast %div3A : f32 to vector<1000x1xf32>
    %div3A_9 = arith.divf %div3A_8, %max3A_7 : vector<1000x1xf32>
    %get3A_10 = arith.constant 0 : index
    %get3A_11 = arith.constant 0 : index
    %get3A_12 = vector.load %arg1[%get3A_10, %get3A_11] : memref<1000x128xf32, #tpu.memory_space<vmem>>, vector<1000x128xf32>
    %get3A_13 = arith.constant 0 : index
    %get3A_14 = arith.constant 0 : index
    %get3A_15 = vector.load %arg2[%get3A_13, %get3A_14] : memref<1000x128xf32, #tpu.memory_space<vmem>>, vector<1000x128xf32>
    %get3A_16 = arith.constant 0 : index
    %get3A_17 = arith.constant 0 : index
    %get3A_18 = vector.load %arg3[%get3A_16, %get3A_17] : memref<1000x128xf32, #tpu.memory_space<vmem>>, vector<1000x128xf32>
    %get3A_19 = arith.constant 0 : index
    %get3A_20 = arith.constant 0 : index
    %get3A_21 = vector.load %arg4[%get3A_19, %get3A_20] : memref<1000x128xf32, #tpu.memory_space<vmem>>, vector<1000x128xf32>
    %get3A_22 = arith.constant 0 : index
    %get3A_23 = arith.constant 0 : index
    %get3A_24 = vector.load %arg7[%get3A_22, %get3A_23] : memref<128x256xf32, #tpu.memory_space<vmem>>, vector<128x256xf32>
    %get3A_25 = arith.constant 0 : index
    %get3A_26 = arith.constant 0 : index
    %get3A_27 = vector.load %arg8[%get3A_25, %get3A_26] : memref<128x256xf32, #tpu.memory_space<vmem>>, vector<128x256xf32>
    %get3A_28 = arith.constant 0 : index
    %get3A_29 = arith.constant 0 : index
    %get3A_30 = vector.load %arg9[%get3A_28, %get3A_29] : memref<128x256xf32, #tpu.memory_space<vmem>>, vector<128x256xf32>
    %get3A_31 = arith.constant 0 : index
    %get3A_32 = arith.constant 0 : index
    %get3A_33 = vector.load %arg10[%get3A_31, %get3A_32] : memref<128x256xf32, #tpu.memory_space<vmem>>, vector<128x256xf32>
    %get3A_34 = arith.constant 0 : index
    %get3A_35 = arith.constant 0 : index
    %get3A_36 = vector.load %arg11[%get3A_34, %get3A_35] : memref<1x256xf32, #tpu.memory_space<vmem>>, vector<1x256xf32>
    %dot_general3A = arith.constant dense<0.000000e+00> : vector<1000x256xf32>
    %dot_general3A_37 = tpu.matmul %get3A_12, %get3A_24, %dot_general3A {dimension_numbers = #tpu.dot_dimension_numbers<[1], [0], [0], [1], [0, 0, 1, 1], [], []>, transpose_lhs_hint = false} : vector<1000x128xf32>, vector<128x256xf32>, vector<1000x256xf32> -> vector<1000x256xf32>
    %dot_general3A_38 = arith.constant dense<0.000000e+00> : vector<1000x256xf32>
    %dot_general3A_39 = tpu.matmul %get3A_15, %get3A_27, %dot_general3A_38 {dimension_numbers = #tpu.dot_dimension_numbers<[1], [0], [0], [1], [0, 0, 1, 1], [], []>, transpose_lhs_hint = false} : vector<1000x128xf32>, vector<128x256xf32>, vector<1000x256xf32> -> vector<1000x256xf32>
    %add3A_40 = arith.addf %dot_general3A_37, %dot_general3A_39 : vector<1000x256xf32>
    %mul3A = vector.broadcast %div3A_9 : vector<1000x1xf32> to vector<1000x128xf32>
    %mul3A_41 = arith.mulf %get3A_18, %mul3A : vector<1000x128xf32>
    %dot_general3A_42 = arith.constant dense<0.000000e+00> : vector<1000x256xf32>
    %dot_general3A_43 = tpu.matmul %mul3A_41, %get3A_30, %dot_general3A_42 {dimension_numbers = #tpu.dot_dimension_numbers<[1], [0], [0], [1], [0, 0, 1, 1], [], []>, transpose_lhs_hint = false} : vector<1000x128xf32>, vector<128x256xf32>, vector<1000x256xf32> -> vector<1000x256xf32>
    %add3A_44 = arith.addf %add3A_40, %dot_general3A_43 : vector<1000x256xf32>
    %mul3A_45 = vector.broadcast %div3A_9 : vector<1000x1xf32> to vector<1000x128xf32>
    %mul3A_46 = arith.mulf %get3A_21, %mul3A_45 : vector<1000x128xf32>
    %dot_general3A_47 = arith.constant dense<0.000000e+00> : vector<1000x256xf32>
    %dot_general3A_48 = tpu.matmul %mul3A_46, %get3A_33, %dot_general3A_47 {dimension_numbers = #tpu.dot_dimension_numbers<[1], [0], [0], [1], [0, 0, 1, 1], [], []>, transpose_lhs_hint = false} : vector<1000x128xf32>, vector<128x256xf32>, vector<1000x256xf32> -> vector<1000x256xf32>
    %add3A_49 = arith.addf %add3A_44, %dot_general3A_48 : vector<1000x256xf32>
    %add3A_50 = vector.broadcast %get3A_36 : vector<1x256xf32> to vector<1000x256xf32>
    %add3A_51 = arith.addf %add3A_49, %add3A_50 : vector<1000x256xf32>
    %mul3A_52 = arith.mulf %add3A_51, %add3A_51 : vector<1000x256xf32>
    %reduce_sum3A = arith.constant dense<0.000000e+00> : vector<1000xf32>
    %reduce_sum3A_53 = vector.multi_reduction <add>, %mul3A_52, %reduce_sum3A [1] : vector<1000x256xf32> to vector<1000xf32>
    %broadcast_in_dim3A = vector.shape_cast %reduce_sum3A_53 : vector<1000xf32> to vector<1000x1xf32>
    %sqrt3A = math.sqrt %broadcast_in_dim3A : vector<1000x1xf32>
    %max3A_54 = arith.constant 9.99999996E-13 : f32
    %max3A_55 = vector.broadcast %max3A_54 : f32 to vector<1000x1xf32>
    %max3A_56 = arith.maximumf %sqrt3A, %max3A_55 : vector<1000x1xf32>
    %div3A_57 = vector.broadcast %max3A_56 : vector<1000x1xf32> to vector<1000x256xf32>
    %div3A_58 = arith.divf %add3A_51, %div3A_57 : vector<1000x256xf32>
    %swap3A = arith.constant 0 : index
    %swap3A_59 = arith.constant 0 : index
    %swap3A_60 = vector.load %arg14[%swap3A, %swap3A_59] : memref<1000x256xf32, #tpu.memory_space<vmem>>, vector<1000x256xf32>
    tpu.vector_store %arg14[%swap3A, %swap3A_59], %div3A_58 {strides = array<i32>} : memref<1000x256xf32, #tpu.memory_space<vmem>>, vector<1000x256xf32>,
    %get3A_61 = arith.constant 0 : index
    %get3A_62 = arith.constant 0 : index
    %get3A_63 = vector.load %arg12[%get3A_61, %get3A_62] : memref<1x256xf32, #tpu.memory_space<vmem>>, vector<1x256xf32>
    %mul3A_64 = vector.broadcast %get3A_63 : vector<1x256xf32> to vector<1000x256xf32>
    %mul3A_65 = arith.mulf %div3A_58, %mul3A_64 : vector<1000x256xf32>
    %get3A_66 = arith.constant 0 : index
    %get3A_67 = arith.constant 0 : index
    %get3A_68 = vector.load %arg13[%get3A_66, %get3A_67] : memref<1x256xf32, #tpu.memory_space<vmem>>, vector<1x256xf32>
    %add3A_69 = vector.broadcast %get3A_68 : vector<1x256xf32> to vector<1000x256xf32>
    %add3A_70 = arith.addf %mul3A_65, %add3A_69 : vector<1000x256xf32>
    %max3A_71 = arith.constant 0.000000e+00 : f32
    %max3A_72 = vector.broadcast %max3A_71 : f32 to vector<1000x256xf32>
    %max3A_73 = arith.maximumf %add3A_70, %max3A_72 : vector<1000x256xf32>
    %slice3A_74 = vector.extract_strided_slice %max3A_73 {offsets = [0, 0], sizes = [1000, 128], strides = [1, 1]} : vector<1000x256xf32> to vector<1000x128xf32>
    %swap3A_75 = arith.constant 0 : index
    %swap3A_76 = arith.constant 0 : index
    %swap3A_77 = vector.load %arg15[%swap3A_75, %swap3A_76] : memref<1000x128xf32, #tpu.memory_space<vmem>>, vector<1000x128xf32>
    tpu.vector_store %arg15[%swap3A_75, %swap3A_76], %slice3A_74 {strides = array<i32>} : memref<1000x128xf32, #tpu.memory_space<vmem>>, vector<1000x128xf32>,
    %slice3A_78 = vector.extract_strided_slice %max3A_73 {offsets = [0, 128], sizes = [1000, 128], strides = [1, 1]} : vector<1000x256xf32> to vector<1000x128xf32>
    %swap3A_79 = arith.constant 0 : index
    %swap3A_80 = arith.constant 0 : index
    %swap3A_81 = vector.load %arg16[%swap3A_79, %swap3A_80] : memref<1000x128xf32, #tpu.memory_space<vmem>>, vector<1000x128xf32>
    tpu.vector_store %arg16[%swap3A_79, %swap3A_80], %slice3A_78 {strides = array<i32>} : memref<1000x128xf32, #tpu.memory_space<vmem>>, vector<1000x128xf32>,
    return
  }
  func.func @transform_0(%arg0: i32) -> (i32, i32) {
    %c0_i32 = arith.constant 0 : i32
    %c0_i32_0 = arith.constant 0 : i32
    return %arg0, %c0_i32 : i32, i32
  }
  func.func @transform_1(%arg0: i32) -> (i32, i32) {
    %c0_i32 = arith.constant 0 : i32
    %c0_i32_0 = arith.constant 0 : i32
    return %arg0, %c0_i32 : i32, i32
  }
  func.func @transform_2(%arg0: i32) -> (i32, i32) {
    %c0_i32 = arith.constant 0 : i32
    %c0_i32_0 = arith.constant 0 : i32
    return %arg0, %c0_i32 : i32, i32
  }
  func.func @transform_3(%arg0: i32) -> (i32, i32) {
    %c0_i32 = arith.constant 0 : i32
    %c0_i32_0 = arith.constant 0 : i32
    return %arg0, %c0_i32 : i32, i32
  }
  func.func @transform_4(%arg0: i32) -> (i32, i32) {
    %c0_i32 = arith.constant 0 : i32
    %c0_i32_0 = arith.constant 0 : i32
    return %arg0, %c0_i32 : i32, i32
  }
  func.func @transform_5(%arg0: i32) -> (i32, i32) {
    %c0_i32 = arith.constant 0 : i32
    %c0_i32_0 = arith.constant 0 : i32
    return %arg0, %c0_i32 : i32, i32
  }
  func.func @transform_6(%arg0: i32) -> (i32, i32) {
    %c0_i32 = arith.constant 0 : i32
    %c0_i32_0 = arith.constant 0 : i32
    %c0_i32_1 = arith.constant 0 : i32
    return %c0_i32, %c0_i32_0 : i32, i32
  }
  func.func @transform_7(%arg0: i32) -> (i32, i32) {
    %c0_i32 = arith.constant 0 : i32
    %c0_i32_0 = arith.constant 0 : i32
    %c0_i32_1 = arith.constant 0 : i32
    return %c0_i32, %c0_i32_0 : i32, i32
  }
  func.func @transform_8(%arg0: i32) -> (i32, i32) {
    %c0_i32 = arith.constant 0 : i32
    %c0_i32_0 = arith.constant 0 : i32
    %c0_i32_1 = arith.constant 0 : i32
    return %c0_i32, %c0_i32_0 : i32, i32
  }
  func.func @transform_9(%arg0: i32) -> (i32, i32) {
    %c0_i32 = arith.constant 0 : i32
    %c0_i32_0 = arith.constant 0 : i32
    %c0_i32_1 = arith.constant 0 : i32
    return %c0_i32, %c0_i32_0 : i32, i32
  }
  func.func @transform_10(%arg0: i32) -> (i32, i32) {
    %c0_i32 = arith.constant 0 : i32
    %c0_i32_0 = arith.constant 0 : i32
    %c0_i32_1 = arith.constant 0 : i32
    return %c0_i32, %c0_i32_0 : i32, i32
  }
  func.func @transform_11(%arg0: i32) -> (i32, i32) {
    %c0_i32 = arith.constant 0 : i32
    %c0_i32_0 = arith.constant 0 : i32
    %c0_i32_1 = arith.constant 0 : i32
    return %c0_i32, %c0_i32_0 : i32, i32
  }
  func.func @transform_12(%arg0: i32) -> (i32, i32) {
    %c0_i32 = arith.constant 0 : i32
    %c0_i32_0 = arith.constant 0 : i32
    %c0_i32_1 = arith.constant 0 : i32
    return %c0_i32, %c0_i32_0 : i32, i32
  }
  func.func @transform_13(%arg0: i32) -> (i32, i32) {
    %c0_i32 = arith.constant 0 : i32
    %c0_i32_0 = arith.constant 0 : i32
    return %arg0, %c0_i32 : i32, i32
  }
  func.func @transform_14(%arg0: i32) -> (i32, i32) {
    %c0_i32 = arith.constant 0 : i32
    %c0_i32_0 = arith.constant 0 : i32
    return %arg0, %c0_i32 : i32, i32
  }
  func.func @transform_15(%arg0: i32) -> (i32, i32) {
    %c0_i32 = arith.constant 0 : i32
    %c0_i32_0 = arith.constant 0 : i32
    return %arg0, %c0_i32 : i32, i32
  }
}

module attributes {stable_mosaic.version = 14 : i64} {
  func.func @_layer_body(%arg0: i32, %arg1: memref<1000x128xf32, #tpu.memory_space<vmem>>, %arg2: memref<1000x128xf32, #tpu.memory_space<vmem>>, %arg3: memref<1000x128xf32, #tpu.memory_space<vmem>>, %arg4: memref<1000x128xf32, #tpu.memory_space<vmem>>, %arg5: memref<1000x128xf32, #tpu.memory_space<vmem>>, %arg6: memref<1000x128xf32, #tpu.memory_space<vmem>>, %arg7: memref<1000x256xf32, #tpu.memory_space<vmem>>, %arg8: memref<128x256xf32, #tpu.memory_space<vmem>>, %arg9: memref<128x256xf32, #tpu.memory_space<vmem>>, %arg10: memref<128x256xf32, #tpu.memory_space<vmem>>, %arg11: memref<128x256xf32, #tpu.memory_space<vmem>>, %arg12: memref<1x256xf32, #tpu.memory_space<vmem>>, %arg13: memref<1x256xf32, #tpu.memory_space<vmem>>, %arg14: memref<1x256xf32, #tpu.memory_space<vmem>>, %arg15: memref<1000x256xf32, #tpu.memory_space<vmem>>, %arg16: memref<1000x128xf32, #tpu.memory_space<vmem>>, %arg17: memref<1000x128xf32, #tpu.memory_space<vmem>>) attributes {dimension_semantics = [#tpu.dimension_semantics<arbitrary>], iteration_bounds = array<i64: 10>, scalar_prefetch = 0 : i64, scratch_operands = 0 : i64, tpu.core_type = #tpu.core_type<tc>, window_params = [{transform_indices = @transform_0, window_bounds = array<i64: 1000, 128>}, {transform_indices = @transform_1, window_bounds = array<i64: 1000, 128>}, {transform_indices = @transform_2, window_bounds = array<i64: 1000, 128>}, {transform_indices = @transform_3, window_bounds = array<i64: 1000, 128>}, {transform_indices = @transform_4, window_bounds = array<i64: 1000, 128>}, {transform_indices = @transform_5, window_bounds = array<i64: 1000, 128>}, {transform_indices = @transform_6, window_bounds = array<i64: 1000, 256>}, {pipeline_mode = #tpu.pipeline_mode<synchronous>, transform_indices = @transform_7, window_bounds = array<i64: 128, 256>}, {pipeline_mode = #tpu.pipeline_mode<synchronous>, transform_indices = @transform_8, window_bounds = array<i64: 128, 256>}, {pipeline_mode = #tpu.pipeline_mode<synchronous>, transform_indices = @transform_9, window_bounds = array<i64: 128, 256>}, {pipeline_mode = #tpu.pipeline_mode<synchronous>, transform_indices = @transform_10, window_bounds = array<i64: 128, 256>}, {pipeline_mode = #tpu.pipeline_mode<synchronous>, transform_indices = @transform_11, window_bounds = array<i64: 1, 256>}, {pipeline_mode = #tpu.pipeline_mode<synchronous>, transform_indices = @transform_12, window_bounds = array<i64: 1, 256>}, {pipeline_mode = #tpu.pipeline_mode<synchronous>, transform_indices = @transform_13, window_bounds = array<i64: 1, 256>}, {transform_indices = @transform_14, window_bounds = array<i64: 1000, 256>}, {transform_indices = @transform_15, window_bounds = array<i64: 1000, 128>}, {transform_indices = @transform_16, window_bounds = array<i64: 1000, 128>}]} {
    %get3A = arith.constant 0 : index
    %get3A_0 = arith.constant 0 : index
    %get3A_1 = vector.load %arg5[%get3A, %get3A_0] : memref<1000x128xf32, #tpu.memory_space<vmem>>, vector<1000x128xf32>
    %slice3A = vector.extract_strided_slice %get3A_1 {offsets = [0, 0], sizes = [1000, 1], strides = [1, 1]} : vector<1000x128xf32> to vector<1000x1xf32>
    %get3A_2 = arith.constant 0 : index
    %get3A_3 = arith.constant 0 : index
    %get3A_4 = vector.load %arg6[%get3A_2, %get3A_3] : memref<1000x128xf32, #tpu.memory_space<vmem>>, vector<1000x128xf32>
    %slice3A_5 = vector.extract_strided_slice %get3A_4 {offsets = [0, 0], sizes = [1000, 1], strides = [1, 1]} : vector<1000x128xf32> to vector<1000x1xf32>
    %add3A = arith.addf %slice3A, %slice3A_5 : vector<1000x1xf32>
    %max3A = arith.constant 1.000000e+00 : f32
    %max3A_6 = vector.broadcast %max3A : f32 to vector<1000x1xf32>
    %max3A_7 = arith.maximumf %add3A, %max3A_6 : vector<1000x1xf32>
    %div3A = arith.constant 1.000000e+00 : f32
    %div3A_8 = vector.broadcast %div3A : f32 to vector<1000x1xf32>
    %div3A_9 = arith.divf %div3A_8, %max3A_7 : vector<1000x1xf32>
    %get3A_10 = arith.constant 0 : index
    %get3A_11 = arith.constant 0 : index
    %get3A_12 = vector.load %arg1[%get3A_10, %get3A_11] : memref<1000x128xf32, #tpu.memory_space<vmem>>, vector<1000x128xf32>
    %get3A_13 = arith.constant 0 : index
    %get3A_14 = arith.constant 0 : index
    %get3A_15 = vector.load %arg2[%get3A_13, %get3A_14] : memref<1000x128xf32, #tpu.memory_space<vmem>>, vector<1000x128xf32>
    %get3A_16 = arith.constant 0 : index
    %get3A_17 = arith.constant 0 : index
    %get3A_18 = vector.load %arg3[%get3A_16, %get3A_17] : memref<1000x128xf32, #tpu.memory_space<vmem>>, vector<1000x128xf32>
    %get3A_19 = arith.constant 0 : index
    %get3A_20 = arith.constant 0 : index
    %get3A_21 = vector.load %arg4[%get3A_19, %get3A_20] : memref<1000x128xf32, #tpu.memory_space<vmem>>, vector<1000x128xf32>
    %get3A_22 = arith.constant 0 : index
    %get3A_23 = arith.constant 0 : index
    %get3A_24 = vector.load %arg8[%get3A_22, %get3A_23] : memref<128x256xf32, #tpu.memory_space<vmem>>, vector<128x256xf32>
    %get3A_25 = arith.constant 0 : index
    %get3A_26 = arith.constant 0 : index
    %get3A_27 = vector.load %arg9[%get3A_25, %get3A_26] : memref<128x256xf32, #tpu.memory_space<vmem>>, vector<128x256xf32>
    %get3A_28 = arith.constant 0 : index
    %get3A_29 = arith.constant 0 : index
    %get3A_30 = vector.load %arg10[%get3A_28, %get3A_29] : memref<128x256xf32, #tpu.memory_space<vmem>>, vector<128x256xf32>
    %get3A_31 = arith.constant 0 : index
    %get3A_32 = arith.constant 0 : index
    %get3A_33 = vector.load %arg11[%get3A_31, %get3A_32] : memref<128x256xf32, #tpu.memory_space<vmem>>, vector<128x256xf32>
    %get3A_34 = arith.constant 0 : index
    %get3A_35 = arith.constant 0 : index
    %get3A_36 = vector.load %arg12[%get3A_34, %get3A_35] : memref<1x256xf32, #tpu.memory_space<vmem>>, vector<1x256xf32>
    %dot_general3A = arith.constant dense<0.000000e+00> : vector<1000x256xf32>
    %dot_general3A_37 = tpu.matmul %get3A_12, %get3A_24, %dot_general3A {dimension_numbers = #tpu.dot_dimension_numbers<[1], [0], [0], [1], [0, 0, 1, 1], [], []>, transpose_lhs_hint = false} : vector<1000x128xf32>, vector<128x256xf32>, vector<1000x256xf32> -> vector<1000x256xf32>
    %dot_general3A_38 = arith.constant dense<0.000000e+00> : vector<1000x256xf32>
    %dot_general3A_39 = tpu.matmul %get3A_15, %get3A_27, %dot_general3A_38 {dimension_numbers = #tpu.dot_dimension_numbers<[1], [0], [0], [1], [0, 0, 1, 1], [], []>, transpose_lhs_hint = false} : vector<1000x128xf32>, vector<128x256xf32>, vector<1000x256xf32> -> vector<1000x256xf32>
    %add3A_40 = arith.addf %dot_general3A_37, %dot_general3A_39 : vector<1000x256xf32>
    %mul3A = vector.broadcast %div3A_9 : vector<1000x1xf32> to vector<1000x128xf32>
    %mul3A_41 = arith.mulf %get3A_18, %mul3A : vector<1000x128xf32>
    %dot_general3A_42 = arith.constant dense<0.000000e+00> : vector<1000x256xf32>
    %dot_general3A_43 = tpu.matmul %mul3A_41, %get3A_30, %dot_general3A_42 {dimension_numbers = #tpu.dot_dimension_numbers<[1], [0], [0], [1], [0, 0, 1, 1], [], []>, transpose_lhs_hint = false} : vector<1000x128xf32>, vector<128x256xf32>, vector<1000x256xf32> -> vector<1000x256xf32>
    %add3A_44 = arith.addf %add3A_40, %dot_general3A_43 : vector<1000x256xf32>
    %mul3A_45 = vector.broadcast %div3A_9 : vector<1000x1xf32> to vector<1000x128xf32>
    %mul3A_46 = arith.mulf %get3A_21, %mul3A_45 : vector<1000x128xf32>
    %dot_general3A_47 = arith.constant dense<0.000000e+00> : vector<1000x256xf32>
    %dot_general3A_48 = tpu.matmul %mul3A_46, %get3A_33, %dot_general3A_47 {dimension_numbers = #tpu.dot_dimension_numbers<[1], [0], [0], [1], [0, 0, 1, 1], [], []>, transpose_lhs_hint = false} : vector<1000x128xf32>, vector<128x256xf32>, vector<1000x256xf32> -> vector<1000x256xf32>
    %add3A_49 = arith.addf %add3A_44, %dot_general3A_48 : vector<1000x256xf32>
    %add3A_50 = vector.broadcast %get3A_36 : vector<1x256xf32> to vector<1000x256xf32>
    %add3A_51 = arith.addf %add3A_49, %add3A_50 : vector<1000x256xf32>
    %mul3A_52 = arith.mulf %add3A_51, %add3A_51 : vector<1000x256xf32>
    %reduce_sum3A = arith.constant dense<0.000000e+00> : vector<1000xf32>
    %reduce_sum3A_53 = vector.multi_reduction <add>, %mul3A_52, %reduce_sum3A [1] : vector<1000x256xf32> to vector<1000xf32>
    %broadcast_in_dim3A = vector.shape_cast %reduce_sum3A_53 : vector<1000xf32> to vector<1000x1xf32>
    %sqrt3A = math.sqrt %broadcast_in_dim3A : vector<1000x1xf32>
    %max3A_54 = arith.constant 9.99999996E-13 : f32
    %max3A_55 = vector.broadcast %max3A_54 : f32 to vector<1000x1xf32>
    %max3A_56 = arith.maximumf %sqrt3A, %max3A_55 : vector<1000x1xf32>
    %div3A_57 = vector.broadcast %max3A_56 : vector<1000x1xf32> to vector<1000x256xf32>
    %div3A_58 = arith.divf %add3A_51, %div3A_57 : vector<1000x256xf32>
    %get3A_59 = arith.constant 0 : index
    %get3A_60 = arith.constant 0 : index
    %get3A_61 = vector.load %arg7[%get3A_59, %get3A_60] : memref<1000x256xf32, #tpu.memory_space<vmem>>, vector<1000x256xf32>
    %add3A_62 = arith.addf %div3A_58, %get3A_61 : vector<1000x256xf32>
    %swap3A = arith.constant 0 : index
    %swap3A_63 = arith.constant 0 : index
    %swap3A_64 = vector.load %arg15[%swap3A, %swap3A_63] : memref<1000x256xf32, #tpu.memory_space<vmem>>, vector<1000x256xf32>
    tpu.vector_store %arg15[%swap3A, %swap3A_63], %add3A_62 {strides = array<i32>} : memref<1000x256xf32, #tpu.memory_space<vmem>>, vector<1000x256xf32>,
    %get3A_65 = arith.constant 0 : index
    %get3A_66 = arith.constant 0 : index
    %get3A_67 = vector.load %arg13[%get3A_65, %get3A_66] : memref<1x256xf32, #tpu.memory_space<vmem>>, vector<1x256xf32>
    %mul3A_68 = vector.broadcast %get3A_67 : vector<1x256xf32> to vector<1000x256xf32>
    %mul3A_69 = arith.mulf %add3A_62, %mul3A_68 : vector<1000x256xf32>
    %get3A_70 = arith.constant 0 : index
    %get3A_71 = arith.constant 0 : index
    %get3A_72 = vector.load %arg14[%get3A_70, %get3A_71] : memref<1x256xf32, #tpu.memory_space<vmem>>, vector<1x256xf32>
    %add3A_73 = vector.broadcast %get3A_72 : vector<1x256xf32> to vector<1000x256xf32>
    %add3A_74 = arith.addf %mul3A_69, %add3A_73 : vector<1000x256xf32>
    %max3A_75 = arith.constant 0.000000e+00 : f32
    %max3A_76 = vector.broadcast %max3A_75 : f32 to vector<1000x256xf32>
    %max3A_77 = arith.maximumf %add3A_74, %max3A_76 : vector<1000x256xf32>
    %slice3A_78 = vector.extract_strided_slice %max3A_77 {offsets = [0, 0], sizes = [1000, 128], strides = [1, 1]} : vector<1000x256xf32> to vector<1000x128xf32>
    %swap3A_79 = arith.constant 0 : index
    %swap3A_80 = arith.constant 0 : index
    %swap3A_81 = vector.load %arg16[%swap3A_79, %swap3A_80] : memref<1000x128xf32, #tpu.memory_space<vmem>>, vector<1000x128xf32>
    tpu.vector_store %arg16[%swap3A_79, %swap3A_80], %slice3A_78 {strides = array<i32>} : memref<1000x128xf32, #tpu.memory_space<vmem>>, vector<1000x128xf32>,
    %slice3A_82 = vector.extract_strided_slice %max3A_77 {offsets = [0, 128], sizes = [1000, 128], strides = [1, 1]} : vector<1000x256xf32> to vector<1000x128xf32>
    %swap3A_83 = arith.constant 0 : index
    %swap3A_84 = arith.constant 0 : index
    %swap3A_85 = vector.load %arg17[%swap3A_83, %swap3A_84] : memref<1000x128xf32, #tpu.memory_space<vmem>>, vector<1000x128xf32>
    tpu.vector_store %arg17[%swap3A_83, %swap3A_84], %slice3A_82 {strides = array<i32>} : memref<1000x128xf32, #tpu.memory_space<vmem>>, vector<1000x128xf32>,
    return
  }
  func.func @transform_0(%arg0: i32) -> (i32, i32) {
    %c0_i32 = arith.constant 0 : i32
    %c0_i32_0 = arith.constant 0 : i32
    return %arg0, %c0_i32 : i32, i32
  }
  func.func @transform_1(%arg0: i32) -> (i32, i32) {
    %c0_i32 = arith.constant 0 : i32
    %c0_i32_0 = arith.constant 0 : i32
    return %arg0, %c0_i32 : i32, i32
  }
  func.func @transform_2(%arg0: i32) -> (i32, i32) {
    %c0_i32 = arith.constant 0 : i32
    %c0_i32_0 = arith.constant 0 : i32
    return %arg0, %c0_i32 : i32, i32
  }
  func.func @transform_3(%arg0: i32) -> (i32, i32) {
    %c0_i32 = arith.constant 0 : i32
    %c0_i32_0 = arith.constant 0 : i32
    return %arg0, %c0_i32 : i32, i32
  }
  func.func @transform_4(%arg0: i32) -> (i32, i32) {
    %c0_i32 = arith.constant 0 : i32
    %c0_i32_0 = arith.constant 0 : i32
    return %arg0, %c0_i32 : i32, i32
  }
  func.func @transform_5(%arg0: i32) -> (i32, i32) {
    %c0_i32 = arith.constant 0 : i32
    %c0_i32_0 = arith.constant 0 : i32
    return %arg0, %c0_i32 : i32, i32
  }
  func.func @transform_6(%arg0: i32) -> (i32, i32) {
    %c0_i32 = arith.constant 0 : i32
    %c0_i32_0 = arith.constant 0 : i32
    return %arg0, %c0_i32 : i32, i32
  }
  func.func @transform_7(%arg0: i32) -> (i32, i32) {
    %c0_i32 = arith.constant 0 : i32
    %c0_i32_0 = arith.constant 0 : i32
    %c0_i32_1 = arith.constant 0 : i32
    return %c0_i32, %c0_i32_0 : i32, i32
  }
  func.func @transform_8(%arg0: i32) -> (i32, i32) {
    %c0_i32 = arith.constant 0 : i32
    %c0_i32_0 = arith.constant 0 : i32
    %c0_i32_1 = arith.constant 0 : i32
    return %c0_i32, %c0_i32_0 : i32, i32
  }
  func.func @transform_9(%arg0: i32) -> (i32, i32) {
    %c0_i32 = arith.constant 0 : i32
    %c0_i32_0 = arith.constant 0 : i32
    %c0_i32_1 = arith.constant 0 : i32
    return %c0_i32, %c0_i32_0 : i32, i32
  }
  func.func @transform_10(%arg0: i32) -> (i32, i32) {
    %c0_i32 = arith.constant 0 : i32
    %c0_i32_0 = arith.constant 0 : i32
    %c0_i32_1 = arith.constant 0 : i32
    return %c0_i32, %c0_i32_0 : i32, i32
  }
  func.func @transform_11(%arg0: i32) -> (i32, i32) {
    %c0_i32 = arith.constant 0 : i32
    %c0_i32_0 = arith.constant 0 : i32
    %c0_i32_1 = arith.constant 0 : i32
    return %c0_i32, %c0_i32_0 : i32, i32
  }
  func.func @transform_12(%arg0: i32) -> (i32, i32) {
    %c0_i32 = arith.constant 0 : i32
    %c0_i32_0 = arith.constant 0 : i32
    %c0_i32_1 = arith.constant 0 : i32
    return %c0_i32, %c0_i32_0 : i32, i32
  }
  func.func @transform_13(%arg0: i32) -> (i32, i32) {
    %c0_i32 = arith.constant 0 : i32
    %c0_i32_0 = arith.constant 0 : i32
    %c0_i32_1 = arith.constant 0 : i32
    return %c0_i32, %c0_i32_0 : i32, i32
  }
  func.func @transform_14(%arg0: i32) -> (i32, i32) {
    %c0_i32 = arith.constant 0 : i32
    %c0_i32_0 = arith.constant 0 : i32
    return %arg0, %c0_i32 : i32, i32
  }
  func.func @transform_15(%arg0: i32) -> (i32, i32) {
    %c0_i32 = arith.constant 0 : i32
    %c0_i32_0 = arith.constant 0 : i32
    return %arg0, %c0_i32 : i32, i32
  }
  func.func @transform_16(%arg0: i32) -> (i32, i32) {
    %c0_i32 = arith.constant 0 : i32
    %c0_i32_0 = arith.constant 0 : i32
    return %arg0, %c0_i32 : i32, i32
  }
}

module attributes {stable_mosaic.version = 14 : i64} {
  func.func @_final_body(%arg0: i32, %arg1: memref<1000x128xf32, #tpu.memory_space<vmem>>, %arg2: memref<1000x128xf32, #tpu.memory_space<vmem>>, %arg3: memref<1000x128xf32, #tpu.memory_space<vmem>>, %arg4: memref<1000x128xf32, #tpu.memory_space<vmem>>, %arg5: memref<1000x128xf32, #tpu.memory_space<vmem>>, %arg6: memref<1000x128xf32, #tpu.memory_space<vmem>>, %arg7: memref<1000x256xf32, #tpu.memory_space<vmem>>, %arg8: memref<128x256xf32, #tpu.memory_space<vmem>>, %arg9: memref<128x256xf32, #tpu.memory_space<vmem>>, %arg10: memref<128x256xf32, #tpu.memory_space<vmem>>, %arg11: memref<128x256xf32, #tpu.memory_space<vmem>>, %arg12: memref<1x256xf32, #tpu.memory_space<vmem>>, %arg13: memref<1x256xf32, #tpu.memory_space<vmem>>, %arg14: memref<1x256xf32, #tpu.memory_space<vmem>>, %arg15: memref<256x256xf32, #tpu.memory_space<vmem>>, %arg16: memref<1x256xf32, #tpu.memory_space<vmem>>, %arg17: memref<1x256xf32, #tpu.memory_space<vmem>>, %arg18: memref<1x256xf32, #tpu.memory_space<vmem>>, %arg19: memref<256x128xf32, #tpu.memory_space<vmem>>, %arg20: memref<1x128xf32, #tpu.memory_space<vmem>>, %arg21: memref<1000x40xf32, #tpu.memory_space<vmem>>) attributes {dimension_semantics = [#tpu.dimension_semantics<arbitrary>], iteration_bounds = array<i64: 10>, scalar_prefetch = 0 : i64, scratch_operands = 0 : i64, tpu.core_type = #tpu.core_type<tc>, window_params = [{transform_indices = @transform_0, window_bounds = array<i64: 1000, 128>}, {transform_indices = @transform_1, window_bounds = array<i64: 1000, 128>}, {transform_indices = @transform_2, window_bounds = array<i64: 1000, 128>}, {transform_indices = @transform_3, window_bounds = array<i64: 1000, 128>}, {transform_indices = @transform_4, window_bounds = array<i64: 1000, 128>}, {transform_indices = @transform_5, window_bounds = array<i64: 1000, 128>}, {transform_indices = @transform_6, window_bounds = array<i64: 1000, 256>}, {pipeline_mode = #tpu.pipeline_mode<synchronous>, transform_indices = @transform_7, window_bounds = array<i64: 128, 256>}, {pipeline_mode = #tpu.pipeline_mode<synchronous>, transform_indices = @transform_8, window_bounds = array<i64: 128, 256>}, {pipeline_mode = #tpu.pipeline_mode<synchronous>, transform_indices = @transform_9, window_bounds = array<i64: 128, 256>}, {pipeline_mode = #tpu.pipeline_mode<synchronous>, transform_indices = @transform_10, window_bounds = array<i64: 128, 256>}, {pipeline_mode = #tpu.pipeline_mode<synchronous>, transform_indices = @transform_11, window_bounds = array<i64: 1, 256>}, {pipeline_mode = #tpu.pipeline_mode<synchronous>, transform_indices = @transform_12, window_bounds = array<i64: 1, 256>}, {pipeline_mode = #tpu.pipeline_mode<synchronous>, transform_indices = @transform_13, window_bounds = array<i64: 1, 256>}, {pipeline_mode = #tpu.pipeline_mode<synchronous>, transform_indices = @transform_14, window_bounds = array<i64: 256, 256>}, {pipeline_mode = #tpu.pipeline_mode<synchronous>, transform_indices = @transform_15, window_bounds = array<i64: 1, 256>}, {pipeline_mode = #tpu.pipeline_mode<synchronous>, transform_indices = @transform_16, window_bounds = array<i64: 1, 256>}, {pipeline_mode = #tpu.pipeline_mode<synchronous>, transform_indices = @transform_17, window_bounds = array<i64: 1, 256>}, {pipeline_mode = #tpu.pipeline_mode<synchronous>, transform_indices = @transform_18, window_bounds = array<i64: 256, 128>}, {pipeline_mode = #tpu.pipeline_mode<synchronous>, transform_indices = @transform_19, window_bounds = array<i64: 1, 128>}, {transform_indices = @transform_20, window_bounds = array<i64: 1000, 40>}]} {
    %get3A = arith.constant 0 : index
    %get3A_0 = arith.constant 0 : index
    %get3A_1 = vector.load %arg5[%get3A, %get3A_0] : memref<1000x128xf32, #tpu.memory_space<vmem>>, vector<1000x128xf32>
    %slice3A = vector.extract_strided_slice %get3A_1 {offsets = [0, 0], sizes = [1000, 1], strides = [1, 1]} : vector<1000x128xf32> to vector<1000x1xf32>
    %get3A_2 = arith.constant 0 : index
    %get3A_3 = arith.constant 0 : index
    %get3A_4 = vector.load %arg6[%get3A_2, %get3A_3] : memref<1000x128xf32, #tpu.memory_space<vmem>>, vector<1000x128xf32>
    %slice3A_5 = vector.extract_strided_slice %get3A_4 {offsets = [0, 0], sizes = [1000, 1], strides = [1, 1]} : vector<1000x128xf32> to vector<1000x1xf32>
    %add3A = arith.addf %slice3A, %slice3A_5 : vector<1000x1xf32>
    %max3A = arith.constant 1.000000e+00 : f32
    %max3A_6 = vector.broadcast %max3A : f32 to vector<1000x1xf32>
    %max3A_7 = arith.maximumf %add3A, %max3A_6 : vector<1000x1xf32>
    %div3A = arith.constant 1.000000e+00 : f32
    %div3A_8 = vector.broadcast %div3A : f32 to vector<1000x1xf32>
    %div3A_9 = arith.divf %div3A_8, %max3A_7 : vector<1000x1xf32>
    %get3A_10 = arith.constant 0 : index
    %get3A_11 = arith.constant 0 : index
    %get3A_12 = vector.load %arg1[%get3A_10, %get3A_11] : memref<1000x128xf32, #tpu.memory_space<vmem>>, vector<1000x128xf32>
    %get3A_13 = arith.constant 0 : index
    %get3A_14 = arith.constant 0 : index
    %get3A_15 = vector.load %arg2[%get3A_13, %get3A_14] : memref<1000x128xf32, #tpu.memory_space<vmem>>, vector<1000x128xf32>
    %get3A_16 = arith.constant 0 : index
    %get3A_17 = arith.constant 0 : index
    %get3A_18 = vector.load %arg3[%get3A_16, %get3A_17] : memref<1000x128xf32, #tpu.memory_space<vmem>>, vector<1000x128xf32>
    %get3A_19 = arith.constant 0 : index
    %get3A_20 = arith.constant 0 : index
    %get3A_21 = vector.load %arg4[%get3A_19, %get3A_20] : memref<1000x128xf32, #tpu.memory_space<vmem>>, vector<1000x128xf32>
    %get3A_22 = arith.constant 0 : index
    %get3A_23 = arith.constant 0 : index
    %get3A_24 = vector.load %arg8[%get3A_22, %get3A_23] : memref<128x256xf32, #tpu.memory_space<vmem>>, vector<128x256xf32>
    %get3A_25 = arith.constant 0 : index
    %get3A_26 = arith.constant 0 : index
    %get3A_27 = vector.load %arg9[%get3A_25, %get3A_26] : memref<128x256xf32, #tpu.memory_space<vmem>>, vector<128x256xf32>
    %get3A_28 = arith.constant 0 : index
    %get3A_29 = arith.constant 0 : index
    %get3A_30 = vector.load %arg10[%get3A_28, %get3A_29] : memref<128x256xf32, #tpu.memory_space<vmem>>, vector<128x256xf32>
    %get3A_31 = arith.constant 0 : index
    %get3A_32 = arith.constant 0 : index
    %get3A_33 = vector.load %arg11[%get3A_31, %get3A_32] : memref<128x256xf32, #tpu.memory_space<vmem>>, vector<128x256xf32>
    %get3A_34 = arith.constant 0 : index
    %get3A_35 = arith.constant 0 : index
    %get3A_36 = vector.load %arg12[%get3A_34, %get3A_35] : memref<1x256xf32, #tpu.memory_space<vmem>>, vector<1x256xf32>
    %dot_general3A = arith.constant dense<0.000000e+00> : vector<1000x256xf32>
    %dot_general3A_37 = tpu.matmul %get3A_12, %get3A_24, %dot_general3A {dimension_numbers = #tpu.dot_dimension_numbers<[1], [0], [0], [1], [0, 0, 1, 1], [], []>, transpose_lhs_hint = false} : vector<1000x128xf32>, vector<128x256xf32>, vector<1000x256xf32> -> vector<1000x256xf32>
    %dot_general3A_38 = arith.constant dense<0.000000e+00> : vector<1000x256xf32>
    %dot_general3A_39 = tpu.matmul %get3A_15, %get3A_27, %dot_general3A_38 {dimension_numbers = #tpu.dot_dimension_numbers<[1], [0], [0], [1], [0, 0, 1, 1], [], []>, transpose_lhs_hint = false} : vector<1000x128xf32>, vector<128x256xf32>, vector<1000x256xf32> -> vector<1000x256xf32>
    %add3A_40 = arith.addf %dot_general3A_37, %dot_general3A_39 : vector<1000x256xf32>
    %mul3A = vector.broadcast %div3A_9 : vector<1000x1xf32> to vector<1000x128xf32>
    %mul3A_41 = arith.mulf %get3A_18, %mul3A : vector<1000x128xf32>
    %dot_general3A_42 = arith.constant dense<0.000000e+00> : vector<1000x256xf32>
    %dot_general3A_43 = tpu.matmul %mul3A_41, %get3A_30, %dot_general3A_42 {dimension_numbers = #tpu.dot_dimension_numbers<[1], [0], [0], [1], [0, 0, 1, 1], [], []>, transpose_lhs_hint = false} : vector<1000x128xf32>, vector<128x256xf32>, vector<1000x256xf32> -> vector<1000x256xf32>
    %add3A_44 = arith.addf %add3A_40, %dot_general3A_43 : vector<1000x256xf32>
    %mul3A_45 = vector.broadcast %div3A_9 : vector<1000x1xf32> to vector<1000x128xf32>
    %mul3A_46 = arith.mulf %get3A_21, %mul3A_45 : vector<1000x128xf32>
    %dot_general3A_47 = arith.constant dense<0.000000e+00> : vector<1000x256xf32>
    %dot_general3A_48 = tpu.matmul %mul3A_46, %get3A_33, %dot_general3A_47 {dimension_numbers = #tpu.dot_dimension_numbers<[1], [0], [0], [1], [0, 0, 1, 1], [], []>, transpose_lhs_hint = false} : vector<1000x128xf32>, vector<128x256xf32>, vector<1000x256xf32> -> vector<1000x256xf32>
    %add3A_49 = arith.addf %add3A_44, %dot_general3A_48 : vector<1000x256xf32>
    %add3A_50 = vector.broadcast %get3A_36 : vector<1x256xf32> to vector<1000x256xf32>
    %add3A_51 = arith.addf %add3A_49, %add3A_50 : vector<1000x256xf32>
    %mul3A_52 = arith.mulf %add3A_51, %add3A_51 : vector<1000x256xf32>
    %reduce_sum3A = arith.constant dense<0.000000e+00> : vector<1000xf32>
    %reduce_sum3A_53 = vector.multi_reduction <add>, %mul3A_52, %reduce_sum3A [1] : vector<1000x256xf32> to vector<1000xf32>
    %broadcast_in_dim3A = vector.shape_cast %reduce_sum3A_53 : vector<1000xf32> to vector<1000x1xf32>
    %sqrt3A = math.sqrt %broadcast_in_dim3A : vector<1000x1xf32>
    %max3A_54 = arith.constant 9.99999996E-13 : f32
    %max3A_55 = vector.broadcast %max3A_54 : f32 to vector<1000x1xf32>
    %max3A_56 = arith.maximumf %sqrt3A, %max3A_55 : vector<1000x1xf32>
    %div3A_57 = vector.broadcast %max3A_56 : vector<1000x1xf32> to vector<1000x256xf32>
    %div3A_58 = arith.divf %add3A_51, %div3A_57 : vector<1000x256xf32>
    %get3A_59 = arith.constant 0 : index
    %get3A_60 = arith.constant 0 : index
    %get3A_61 = vector.load %arg7[%get3A_59, %get3A_60] : memref<1000x256xf32, #tpu.memory_space<vmem>>, vector<1000x256xf32>
    %add3A_62 = arith.addf %div3A_58, %get3A_61 : vector<1000x256xf32>
    %get3A_63 = arith.constant 0 : index
    %get3A_64 = arith.constant 0 : index
    %get3A_65 = vector.load %arg13[%get3A_63, %get3A_64] : memref<1x256xf32, #tpu.memory_space<vmem>>, vector<1x256xf32>
    %mul3A_66 = vector.broadcast %get3A_65 : vector<1x256xf32> to vector<1000x256xf32>
    %mul3A_67 = arith.mulf %add3A_62, %mul3A_66 : vector<1000x256xf32>
    %get3A_68 = arith.constant 0 : index
    %get3A_69 = arith.constant 0 : index
    %get3A_70 = vector.load %arg14[%get3A_68, %get3A_69] : memref<1x256xf32, #tpu.memory_space<vmem>>, vector<1x256xf32>
    %add3A_71 = vector.broadcast %get3A_70 : vector<1x256xf32> to vector<1000x256xf32>
    %add3A_72 = arith.addf %mul3A_67, %add3A_71 : vector<1000x256xf32>
    %max3A_73 = arith.constant 0.000000e+00 : f32
    %max3A_74 = vector.broadcast %max3A_73 : f32 to vector<1000x256xf32>
    %max3A_75 = arith.maximumf %add3A_72, %max3A_74 : vector<1000x256xf32>
    %add3A_76 = arith.addf %max3A_75, %add3A_62 : vector<1000x256xf32>
    %get3A_77 = arith.constant 0 : index
    %get3A_78 = arith.constant 0 : index
    %get3A_79 = vector.load %arg15[%get3A_77, %get3A_78] : memref<256x256xf32, #tpu.memory_space<vmem>>, vector<256x256xf32>
    %dot_general3A_80 = arith.constant dense<0.000000e+00> : vector<1000x256xf32>
    %dot_general3A_81 = tpu.matmul %add3A_76, %get3A_79, %dot_general3A_80 {dimension_numbers = #tpu.dot_dimension_numbers<[1], [0], [0], [1], [0, 0, 1, 1], [], []>, transpose_lhs_hint = false} : vector<1000x256xf32>, vector<256x256xf32>, vector<1000x256xf32> -> vector<1000x256xf32>
    %get3A_82 = arith.constant 0 : index
    %get3A_83 = arith.constant 0 : index
    %get3A_84 = vector.load %arg16[%get3A_82, %get3A_83] : memref<1x256xf32, #tpu.memory_space<vmem>>, vector<1x256xf32>
    %add3A_85 = vector.broadcast %get3A_84 : vector<1x256xf32> to vector<1000x256xf32>
    %add3A_86 = arith.addf %dot_general3A_81, %add3A_85 : vector<1000x256xf32>
    %max3A_87 = arith.constant 0.000000e+00 : f32
    %max3A_88 = vector.broadcast %max3A_87 : f32 to vector<1000x256xf32>
    %max3A_89 = arith.maximumf %add3A_86, %max3A_88 : vector<1000x256xf32>
    %get3A_90 = arith.constant 0 : index
    %get3A_91 = arith.constant 0 : index
    %get3A_92 = vector.load %arg17[%get3A_90, %get3A_91] : memref<1x256xf32, #tpu.memory_space<vmem>>, vector<1x256xf32>
    %mul3A_93 = vector.broadcast %get3A_92 : vector<1x256xf32> to vector<1000x256xf32>
    %mul3A_94 = arith.mulf %max3A_89, %mul3A_93 : vector<1000x256xf32>
    %get3A_95 = arith.constant 0 : index
    %get3A_96 = arith.constant 0 : index
    %get3A_97 = vector.load %arg18[%get3A_95, %get3A_96] : memref<1x256xf32, #tpu.memory_space<vmem>>, vector<1x256xf32>
    %add3A_98 = vector.broadcast %get3A_97 : vector<1x256xf32> to vector<1000x256xf32>
    %add3A_99 = arith.addf %mul3A_94, %add3A_98 : vector<1000x256xf32>
    %add3A_100 = arith.addf %add3A_99, %add3A_76 : vector<1000x256xf32>
    %get3A_101 = arith.constant 0 : index
    %get3A_102 = arith.constant 0 : index
    %get3A_103 = vector.load %arg19[%get3A_101, %get3A_102] : memref<256x128xf32, #tpu.memory_space<vmem>>, vector<256x128xf32>
    %dot_general3A_104 = arith.constant dense<0.000000e+00> : vector<1000x128xf32>
    %dot_general3A_105 = tpu.matmul %add3A_100, %get3A_103, %dot_general3A_104 {dimension_numbers = #tpu.dot_dimension_numbers<[1], [0], [0], [1], [0, 0, 1, 1], [], []>, transpose_lhs_hint = false} : vector<1000x256xf32>, vector<256x128xf32>, vector<1000x128xf32> -> vector<1000x128xf32>
    %get3A_106 = arith.constant 0 : index
    %get3A_107 = arith.constant 0 : index
    %get3A_108 = vector.load %arg20[%get3A_106, %get3A_107] : memref<1x128xf32, #tpu.memory_space<vmem>>, vector<1x128xf32>
    %add3A_109 = vector.broadcast %get3A_108 : vector<1x128xf32> to vector<1000x128xf32>
    %add3A_110 = arith.addf %dot_general3A_105, %add3A_109 : vector<1000x128xf32>
    %reduce_max3A = arith.constant dense<0xFF800000> : vector<1000xf32>
    %reduce_max3A_111 = vector.multi_reduction <maximumf>, %add3A_110, %reduce_max3A [1] : vector<1000x128xf32> to vector<1000xf32>
    %broadcast_in_dim3A_112 = vector.shape_cast %reduce_max3A_111 : vector<1000xf32> to vector<1000x1xf32>
    %sub3A = vector.broadcast %broadcast_in_dim3A_112 : vector<1000x1xf32> to vector<1000x128xf32>
    %sub3A_113 = arith.subf %add3A_110, %sub3A : vector<1000x128xf32>
    %exp3A = math.exp %sub3A_113 : vector<1000x128xf32>
    %reduce_sum3A_114 = arith.constant dense<0.000000e+00> : vector<1000xf32>
    %reduce_sum3A_115 = vector.multi_reduction <add>, %exp3A, %reduce_sum3A_114 [1] : vector<1000x128xf32> to vector<1000xf32>
    %broadcast_in_dim3A_116 = vector.shape_cast %reduce_sum3A_115 : vector<1000xf32> to vector<1000x1xf32>
    %log3A = math.log %broadcast_in_dim3A_116 : vector<1000x1xf32>
    %add3A_117 = arith.addf %log3A, %broadcast_in_dim3A_112 : vector<1000x1xf32>
    %sub3A_118 = vector.broadcast %add3A_117 : vector<1000x1xf32> to vector<1000x128xf32>
    %sub3A_119 = arith.subf %add3A_110, %sub3A_118 : vector<1000x128xf32>
    %slice3A_120 = vector.extract_strided_slice %sub3A_119 {offsets = [0, 0], sizes = [1000, 40], strides = [1, 1]} : vector<1000x128xf32> to vector<1000x40xf32>
    %swap3A = arith.constant 0 : index
    %swap3A_121 = arith.constant 0 : index
    %swap3A_122 = vector.load %arg21[%swap3A, %swap3A_121] : memref<1000x40xf32, #tpu.memory_space<vmem>>, vector<1000x40xf32>
    tpu.vector_store %arg21[%swap3A, %swap3A_121], %slice3A_120 {strides = array<i32>} : memref<1000x40xf32, #tpu.memory_space<vmem>>, vector<1000x40xf32>,
    return
  }
  func.func @transform_0(%arg0: i32) -> (i32, i32) {
    %c0_i32 = arith.constant 0 : i32
    %c0_i32_0 = arith.constant 0 : i32
    return %arg0, %c0_i32 : i32, i32
  }
  func.func @transform_1(%arg0: i32) -> (i32, i32) {
    %c0_i32 = arith.constant 0 : i32
    %c0_i32_0 = arith.constant 0 : i32
    return %arg0, %c0_i32 : i32, i32
  }
  func.func @transform_2(%arg0: i32) -> (i32, i32) {
    %c0_i32 = arith.constant 0 : i32
    %c0_i32_0 = arith.constant 0 : i32
    return %arg0, %c0_i32 : i32, i32
  }
  func.func @transform_3(%arg0: i32) -> (i32, i32) {
    %c0_i32 = arith.constant 0 : i32
    %c0_i32_0 = arith.constant 0 : i32
    return %arg0, %c0_i32 : i32, i32
  }
  func.func @transform_4(%arg0: i32) -> (i32, i32) {
    %c0_i32 = arith.constant 0 : i32
    %c0_i32_0 = arith.constant 0 : i32
    return %arg0, %c0_i32 : i32, i32
  }
  func.func @transform_5(%arg0: i32) -> (i32, i32) {
    %c0_i32 = arith.constant 0 : i32
    %c0_i32_0 = arith.constant 0 : i32
    return %arg0, %c0_i32 : i32, i32
  }
  func.func @transform_6(%arg0: i32) -> (i32, i32) {
    %c0_i32 = arith.constant 0 : i32
    %c0_i32_0 = arith.constant 0 : i32
    return %arg0, %c0_i32 : i32, i32
  }
  func.func @transform_7(%arg0: i32) -> (i32, i32) {
    %c0_i32 = arith.constant 0 : i32
    %c0_i32_0 = arith.constant 0 : i32
    %c0_i32_1 = arith.constant 0 : i32
    return %c0_i32, %c0_i32_0 : i32, i32
  }
  func.func @transform_8(%arg0: i32) -> (i32, i32) {
    %c0_i32 = arith.constant 0 : i32
    %c0_i32_0 = arith.constant 0 : i32
    %c0_i32_1 = arith.constant 0 : i32
    return %c0_i32, %c0_i32_0 : i32, i32
  }
  func.func @transform_9(%arg0: i32) -> (i32, i32) {
    %c0_i32 = arith.constant 0 : i32
    %c0_i32_0 = arith.constant 0 : i32
    %c0_i32_1 = arith.constant 0 : i32
    return %c0_i32, %c0_i32_0 : i32, i32
  }
  func.func @transform_10(%arg0: i32) -> (i32, i32) {
    %c0_i32 = arith.constant 0 : i32
    %c0_i32_0 = arith.constant 0 : i32
    %c0_i32_1 = arith.constant 0 : i32
    return %c0_i32, %c0_i32_0 : i32, i32
  }
  func.func @transform_11(%arg0: i32) -> (i32, i32) {
    %c0_i32 = arith.constant 0 : i32
    %c0_i32_0 = arith.constant 0 : i32
    %c0_i32_1 = arith.constant 0 : i32
    return %c0_i32, %c0_i32_0 : i32, i32
  }
  func.func @transform_12(%arg0: i32) -> (i32, i32) {
    %c0_i32 = arith.constant 0 : i32
    %c0_i32_0 = arith.constant 0 : i32
    %c0_i32_1 = arith.constant 0 : i32
    return %c0_i32, %c0_i32_0 : i32, i32
  }
  func.func @transform_13(%arg0: i32) -> (i32, i32) {
    %c0_i32 = arith.constant 0 : i32
    %c0_i32_0 = arith.constant 0 : i32
    %c0_i32_1 = arith.constant 0 : i32
    return %c0_i32, %c0_i32_0 : i32, i32
  }
  func.func @transform_14(%arg0: i32) -> (i32, i32) {
    %c0_i32 = arith.constant 0 : i32
    %c0_i32_0 = arith.constant 0 : i32
    %c0_i32_1 = arith.constant 0 : i32
    return %c0_i32, %c0_i32_0 : i32, i32
  }
  func.func @transform_15(%arg0: i32) -> (i32, i32) {
    %c0_i32 = arith.constant 0 : i32
    %c0_i32_0 = arith.constant 0 : i32
    %c0_i32_1 = arith.constant 0 : i32
    return %c0_i32, %c0_i32_0 : i32, i32
  }
  func.func @transform_16(%arg0: i32) -> (i32, i32) {
    %c0_i32 = arith.constant 0 : i32
    %c0_i32_0 = arith.constant 0 : i32
    %c0_i32_1 = arith.constant 0 : i32
    return %c0_i32, %c0_i32_0 : i32, i32
  }
  func.func @transform_17(%arg0: i32) -> (i32, i32) {
    %c0_i32 = arith.constant 0 : i32
    %c0_i32_0 = arith.constant 0 : i32
    %c0_i32_1 = arith.constant 0 : i32
    return %c0_i32, %c0_i32_0 : i32, i32
  }
  func.func @transform_18(%arg0: i32) -> (i32, i32) {
    %c0_i32 = arith.constant 0 : i32
    %c0_i32_0 = arith.constant 0 : i32
    %c0_i32_1 = arith.constant 0 : i32
    return %c0_i32, %c0_i32_0 : i32, i32
  }
  func.func @transform_19(%arg0: i32) -> (i32, i32) {
    %c0_i32 = arith.constant 0 : i32
    %c0_i32_0 = arith.constant 0 : i32
    %c0_i32_1 = arith.constant 0 : i32
    return %c0_i32, %c0_i32_0 : i32, i32
  }
  func.func @transform_20(%arg0: i32) -> (i32, i32) {
    %c0_i32 = arith.constant 0 : i32
    %c0_i32_0 = arith.constant 0 : i32
    return %arg0, %c0_i32 : i32, i32
  }
}

</mosaic_0001>

<sc_bundles>
// kernel: kernel.10.cloned.1.call-start
scs
__scs_entry_jumppad:
0x0: {  	(pc) =	sbr.rel $0x88, $3  }
0x1: {  	(tag) =	ssettag $0x0;
	lr =	simm.s32 $0x1  }
0x2: {  	[smem:$0x3F91] =	sst lr;
	_ =	strace $0xD0000000  }
0x3: {  	_ = 	snop  }
0x4: {  	_ = 	snop  }
0x5: {  	_ = 	snop  }
0x6: {  	_ = 	snop  }
0x7: {  	_ = 	snop  }
__scs_overlays_trampoline_lowered:
0x8: {  	[smem:$0x3FA0] =	sst s0  }
0x9: {  	[smem:$0x3FA1] =	sst s1  }
0xa: {  	[smem:$0x3FA2] =	sst s2  }
0xb: {  	[smem:$0x3FA3] =	sst s3  }
0xc: {  	[smem:$0x3FA4] =	sst s4  }
0xd: {  	[smem:$0x3FA5] =	sst s5  }
0xe: {  	[smem:$0x3FA6] =	sst s6  }
0xf: {  	[smem:$0x3FA7] =	sst s7  }
0x10: {  	[smem:$0x3FA8] =	sst s8  }
0x11: {  	[smem:$0x3FA9] =	sst s9;
	s0 =	simm.s32 @!p0 $0x0  }
0x12: {  	s1 =	sld [smem:$0x3F8F];
	s0 =	simm.s32 @p0 $0x1  }
0x13: {  	[smem:$0x3FAA] =	sst s0;
	s0 =	simm.s32 @!p1 $0x0  }
0x14: {  	s2 =	sld [smem:$0x3F8E];
	s0 =	simm.s32 @p1 $0x1  }
0x15: {  	[smem:$0x3FAB] =	sst s0;
	s0 =	simm.s32 @!p2 $0x0  }
0x16: {  	s3 =	sld [smem:$0x3FDB];
	s0 =	simm.s32 @p2 $0x1  }
0x17: {  	s4 =	simm.s32 $0x1BF5;
	[smem:$0x3FAD] =	sst s0  }
0x18: {  	s0 =	sld [smem:$0x3F90];
	_ =	swait.ge [sflag:s4], $0x0  }
0x19: {  	s7 =	sld [smem:$0x3F91]  }
0x1a: {  	s8 =	sadd.s32 $0xFFFFE003, lr  }
0x1b: {  	s9 =	sadd.s32 $0xFFFFFEF7, lr;
	s5 =	simm.s32 $0xFFFFFFFF;
	p2 =	slt.u32 s8, $0xFFFFF086  }
0x1c: {  	p1 =	slt.u32 s9, $0xF7A;
	s5 =	simm.s32 @!p2 $0x0  }
0x1d: {  	s5 =	simm.s32 @p1 $0x1;
	p0 =	seq.s32 s7, s2  }
0x1e: {  	s7 =	smul.u32 @!p0 $0xF7A, s2;
	p2 =	seq.s32 @!p0 s5, $0x0  }
0x1f: {  	s9 =	smul.u32 $0xF7A, s1;
	s8 =	simm.s32 @!p0 $0x1BF5;
	p2 =	por !p2, p0  }
0x20: {  	[sflag:s8] =	ssyncset.s32 @!p0 $0xFFFFF086;
	s6 =	sadd.s32 @!p0 s3, s7;
	s7 =	simm.s32 @!p0 $0x108  }
0x21: {  	s3 =	sadd.s32 s3, s9;
	s6 =	sadd.s32 @!p0 $0x88, s6;
	s7 =	simm.s32 @p2 $0x1082  }
0x22: {  	[simem:s7], [sflag:s8] =	dma.local @!p0 [hbm:s6], $0xF7A  }
0x23: {  	s9 =	sor.u32 $0xD0000000, s2;
	s6 =	simm.s32 $0x108;
	_ =	swait.ge @!p0 [sflag:s8], $0x0  }
0x24: {  	s3 =	sadd.s32 $0x88, s3;
	s6 =	simm.s32 @!p1 $0x1082;
	[sflag:s4] =	ssyncset.s32 $0xFFFFF086  }
0x25: {  	[simem:s6], [sflag:s4] =	dma.local [hbm:s3], $0xF7A  }
0x26: {  	[smem:$0x3F91] =	sst s1;
	(tag) =	ssettag s2;
	_ =	strace s9  }
0x27: {  	s1 =	sld [smem:$0x3FA1]  }
0x28: {  	s2 =	sld [smem:$0x3FA2]  }
0x29: {  	s4 =	sld [smem:$0x3FA4]  }
0x2a: {  	p0 =	seq.s32 s5, $0x0;
	s5 =	sld [smem:$0x3FA5]  }
0x2b: {  	s6 =	sld [smem:$0x3FA6]  }
0x2c: {  	s7 =	sld [smem:$0x3FA7]  }
0x2d: {  	s3 =	simm.s32 $0x108;
	s8 =	sld [smem:$0x3FA8]  }
0x2e: {  	s3 =	simm.s32 @!p0 $0x1082;
	s9 =	sld [smem:$0x3FA9]  }
0x2f: {  	lr =	sadd.s32 s0, s3;
	s0 =	sld [smem:$0x3FA0]  }
0x30: {  	s3 =	sld [smem:$0x3FA3]  }
0x31: {  	[smem:$0x3FAC] =	sst s10  }
0x32: {  	s10 =	sld [smem:$0x3FAA];
	_ =	sdelay $0x3  }
0x33: {  	p0 =	seq.s32 s10, $0x1;
	s10 =	sld [smem:$0x3FAC];
	_ =	sdelay $0x3  }
0x34: {  	[smem:$0x3FAC] =	sst s10  }
0x35: {  	s10 =	sld [smem:$0x3FAB];
	_ =	sdelay $0x3  }
0x36: {  	p1 =	seq.s32 s10, $0x1;
	s10 =	sld [smem:$0x3FAC];
	_ =	sdelay $0x3  }
0x37: {  	[smem:$0x3FAC] =	sst s10  }
0x38: {  	s10 =	sld [smem:$0x3FAD]  }
0x39: {  	_ = 	snop;
	(pc) =	sbr.ind lr, $3  }
0x3a: {  	_ = 	snop  }
0x3b: {  	_ = 	snop  }
0x3c: {  	p2 =	seq.s32 s10, $0x1;
	s10 =	sld [smem:$0x3FAC]  }
0x3d: {  	_ =	shalt  }
0x3e: {  	_ =	shalt  }
0x3f: {  	_ =	shalt  }
0x40: {  	_ =	shalt  }
0x41: {  	_ =	shalt  }
0x42: {  	_ =	shalt  }
0x43: {  	_ =	shalt  }
0x44: {  	_ =	shalt  }
0x45: {  	_ =	shalt  }
0x46: {  	_ =	shalt  }
0x47: {  	_ =	shalt  }
0x48: {  	_ =	shalt  }
0x49: {  	_ =	shalt  }
0x4a: {  	_ =	shalt  }
0x4b: {  	_ =	shalt  }
0x4c: {  	_ =	shalt  }
0x4d: {  	_ =	shalt  }
0x4e: {  	_ =	shalt  }
0x4f: {  	_ =	shalt  }
0x50: {  	_ =	shalt  }
0x51: {  	_ =	shalt  }
0x52: {  	_ =	shalt  }
0x53: {  	_ =	shalt  }
0x54: {  	_ =	shalt  }
0x55: {  	_ =	shalt  }
0x56: {  	_ =	shalt  }
0x57: {  	_ =	shalt  }
0x58: {  	_ =	shalt  }
0x59: {  	_ =	shalt  }
0x5a: {  	_ =	shalt  }
0x5b: {  	_ =	shalt  }
0x5c: {  	_ =	shalt  }
0x5d: {  	_ =	shalt  }
0x5e: {  	_ =	shalt  }
0x5f: {  	_ =	shalt  }
0x60: {  	_ =	shalt  }
0x61: {  	_ =	shalt  }
0x62: {  	_ =	shalt  }
0x63: {  	_ =	shalt  }
0x64: {  	_ =	shalt  }
0x65: {  	_ =	shalt  }
0x66: {  	_ =	shalt  }
0x67: {  	_ =	shalt  }
0x68: {  	_ =	shalt  }
0x69: {  	_ =	shalt  }
0x6a: {  	_ =	shalt  }
0x6b: {  	_ =	shalt  }
0x6c: {  	_ =	shalt  }
0x6d: {  	_ =	shalt  }
0x6e: {  	_ =	shalt  }
0x6f: {  	_ =	shalt  }
0x70: {  	_ =	shalt  }
0x71: {  	_ =	shalt  }
0x72: {  	_ =	shalt  }
0x73: {  	_ =	shalt  }
0x74: {  	_ =	shalt  }
0x75: {  	_ =	shalt  }
0x76: {  	_ =	shalt  }
0x77: {  	_ =	shalt  }
0x78: {  	_ =	shalt  }
0x79: {  	_ =	shalt  }
0x7a: {  	_ =	shalt  }
0x7b: {  	_ =	shalt  }
0x7c: {  	_ =	shalt  }
0x7d: {  	_ =	shalt  }
0x7e: {  	_ =	shalt  }
0x7f: {  	_ =	shalt  }
0x80: {  	_ =	shalt  }
0x81: {  	_ =	shalt  }
0x82: {  	_ =	shalt  }
0x83: {  	_ =	shalt  }
0x84: {  	_ =	shalt  }
0x85: {  	_ =	shalt  }
0x86: {  	_ =	shalt  }
0x87: {  	_ =	shalt  }
.Lfunc_end0:
.L_simem_size_0:
called_computation_lowered:
.L_overlay_start_0:
0x88: {  	s2 =	sld [smem:$0x3FD9]  }
0x89: {  	s3 =	sld [smem:$0x3FFE];
	_ =	sdelay $0x1  }
0x8a: {  	s1 =	srdreg.scid  }
0x8b: {  	s0 =	sand.u32 $0x1, s1  }
0x8c: {  	s17 =	sshll.u32 s0, $0xA;
	s2 =	sadd.s32 s3, s2  }
0x8d: {  	s2 =	sadd.s32 s2, s17  }
0x8e: {  	[smem:$0x3FB8] =	sst s2  }
0x8f: {  	_ = 	snop  }
0x90: {  	s18 =	sld [smem:$0x3FD0];
	(tm) =	ssettm $0x1  }
0x91: {  	s19 =	sld [smem:$0x3FFB];
	_ =	sdelay $0x3  }
0x92: {  	_ =	strace s19  }
0x93: {  	s2 =	sld [smem:$0x3FFC];
	_ =	sdelay $0x3  }
0x94: {  	_ =	strace s2  }
0x95: {  	s2 =	sld [smem:$0x3FFD];
	_ =	sdelay $0x3  }
0x96: {  	_ =	strace s2  }
0x97: {  	_ =	strace $0x8FFFFFFF  }
0x98: {  	s20 =	sld [smem:$0x3FDB];
	_ =	sdelay $0x1  }
0x99: {  	s4 =	simm.s32 $_scs_section_size  }
0x9a: {  	s5 =	simm.s32 $_size__tile_overlayer_lowered;
	s6 =	simm.s32 $_tile_overlayer_lowered  }
0x9b: {  	s7 =	simm.s32 $0x1BFF;
	s21 =	sshll.u32 s6, $0x1;
	s4 =	sadd.s32 s4, s20  }
0x9c: {  	s22 =	simm.s32 $0x0;
	s5 =	sshll.u32 s5, $0x1;
	s6 =	sadd.s32 s21, s4  }
0x9d: {  	[timem:s22], [sflag:s7] =	dma.local [hbm:s6], s5  }
0x9e: {  	_ =	swait.ge [sflag:s7], s5  }
0x9f: {  	s5 =	ssub.s32 $0x0, s5;
	[sflag:s7] =	ssyncset.done $0x0  }
0xa0: {  	[sflag:s7] =	ssyncadd.s32 s5;
	_ =	sdelay $0x1  }
0xa1: {  	s23 =	simm.s32 $0x1B8B  }
0xa2: {  	_ =	swait.ge [sflag:s23], $0x1  }
0xa3: {  	[sflag:s23] =	ssyncset.done $0x0  }
0xa4: {  	[sflag:s23] =	ssyncadd.s32 $0xFFFFFFFF  }
0xa5: {  	s5 =	sld [smem:$0x0]  }
0xa6: {  	s6 =	sand.u32 $0xFFFFFFFE, s1  }
0xa7: {  	p0 =	sne.s32 s1, s6  }
0xa8: {  	s6 =	sshll.u32 @p0 s6, $0xE  }
0xa9: {  	s6 =	sadd.s32 @p0 $0x11B8D, s6;
	s7 =	sshll.u32 @p0 s5, $0x11  }
0xaa: {  	s6 =	sor.u32 @p0 s7, s6  }
0xab: {  	[sflag:s6] =	ssyncadd.remote.s32 @p0 $0x1;
	_ =	sdelay $0x1  }
0xac: {  	s6 =	simm.s32 @p0 $0x1B8D  }
0xad: {  	_ =	swait.eq @p0 [sflag:s6], $0x1  }
0xae: {  	[sflag:s6] =	ssyncadd.s32 @p0 $0xFFFFFFFF  }
0xaf: {  	s7 =	sshll.u32 @!p0 s1, $0xE  }
0xb0: {  	s7 =	sor.u32 @!p0 $0x4000, s7;
	s6 =	simm.s32 @!p0 $0x1B8D  }
0xb1: {  	s5 =	sshll.u32 @!p0 s5, $0x11;
	s7 =	sadd.s32 @!p0 $0x11B8D, s7;
	_ =	swait.eq @!p0 [sflag:s6], $0x1  }
0xb2: {  	s5 =	sor.u32 @!p0 s5, s7;
	[sflag:s6] =	ssyncadd.s32 @!p0 $0xFFFFFFFF  }
0xb3: {  	s25 =	simm.s32 $0x1B8E;
	s24 =	sld [smem:$0x3FFE];
	[sflag:s5] =	ssyncadd.remote.s32 @!p0 $0x1  }
0xb4: {  	s26 =	simm.s32 $execute0_lowered;
	[smem:$0x3FD2] =	sst s25  }
0xb5: {  	s6 =	sshll.u32 s26, $0x1;
	_ =	strace $0x80000049;
	[dreg:$0x1] =	wrdreg $0xFFFFFFFF  }
0xb6: {  	s28 =	simm.s32 $_size_execute0_lowered;
	s4 =	sadd.s32 s4, s6;
	[dreg:$0x0] =	wrdreg $0x0  }
0xb7: {  	s6 =	sshll.u32 s28, $0x1;
	[dreg:$0x2] =	wrdreg s4  }
0xb8: {  	[dreg:$0x3] =	wrdreg s6  }
0xb9: {  	[dreg:$0x4] =	wrdreg $0xC0  }
0xba: {  	_ =	task [dreg:s22], $0x5FFFF  }
0xbb: {  	[dreg:$0x1] =	wrdreg $0xFFFFFFFF  }
0xbc: {  	[dreg:$0x0] =	wrdreg $0x60  }
0xbd: {  	[dreg:$0x2] =	wrdreg s18  }
0xbe: {  	[dreg:$0x3] =	wrdreg s24  }
0xbf: {  	[dreg:$0x4] =	wrdreg $0x48000  }
0xc0: {  	[dreg:$0x5] =	wrdreg $0x9  }
0xc1: {  	_ =	task.clear_ibuf [dreg:s22], $0x6FFFF;
	_ =	strace $0x90000049  }
0xc2: {  	s29 =	simm.s32 $0x9;
	_ =	strace $0x8000004B  }
0xc3: {  	_ =	swait.ge [sflag:s29], $0x1  }
0xc4: {  	[sflag:s29] =	ssyncadd.s32 $0xFFFFFFFF  }
0xc5: {  	_ =	strace $0x9000004B  }
0xc6: {  	_ =	sfence  }
0xc7: {  	s30 =	sld [smem:$0x0];
	_ =	sdelay $0x2  }
0xc8: {  	s31 =	sshll.u32 s1, $0xD;
	s1 =	sshrl.u32 s1, $0x2  }
0xc9: {  	s4 =	sand.u32 $0x4000, s31;
	s1 =	sadd.s32 s1, s30  }
0xca: {  	s0 =	sor.u32 s4, s0;
	s1 =	sshll.u32 s1, $0x11  }
0xcb: {  	s0 =	sor.u32 s1, s0  }
0xcc: {  	s0 =	sadd.s32 $0x8F2B, s0  }
0xcd: {  	[sflag:s0] =	ssyncadd.remote.s32 $0x1  }
0xce: {  	_ =	sfence.sel $0xFFFF  }
0xcf: {  	[dreg:$0x0] =	wrdreg $0xFFFFFFFF;
	(pc) =	sbr.abs _section_cstart, $3  }
0xd0: {  	[dreg:$0x1] =	wrdreg $0xFFFFFFFF  }
0xd1: {  	_ =	task.clear_ibuf [dreg:s22], $0x2FFFF;
	_ =	strace $0x9FFFFFFF  }
0xd2: {  	(tm) =	ssettm $0x7FFFFFFF  }
0xd3: {  	_ =	shalt  }
tec
execute0_lowered:
.L_overlay_start_1:
0x0: {  	(tag) =	ssettag $0x1  }
0x1: {  	s7 =	rddreg [dreg:$0x0]  }
0x2: {  	s5 =	rddreg [dreg:$0x1]  }
0x3: {  	s0 =	srdreg.scid;
	s1 =	rddreg [dreg:$0x2];
	s3 =	simm.s32 $0x0  }
0x4: {  	s2 =	stileid.u32;
	s10 =	simm.s32 $0xD0600;
	s12 =	simm.s32 $0x100  }
0x5: {  	s13 =	simm.s32 $0x180;
	s14 =	simm.s32 $0x200;
	s15 =	simm.s32 $0x280  }
0x6: {  	s16 =	simm.s32 $0x300;
	s17 =	simm.s32 $0x380;
	s29 =	smul.u32 $0x4F000, s2  }
0x7: {  	s4 =	sand.u32 $0x1, s0;
	s0 =	rddreg [dreg:$0x3];
	s9 =	smul.u32 $0x2780, s2  }
0x8: {  	s18 =	simm.s32 $0x0;
	[smem:$0x7FF] =	sst s3;
	s31 =	smul.u32 $0x280, s2  }
0x9: {  	s6 =	ssub.s32 $0x2, s4;
	_ =	strace $0x8000004A;
	p0 =	seq.s32 s4, $0x1  }
0xa: {  	s11 =	smul.u32 $0x2800, s4;
	s8 =	sshrl.u32 s6, $0x1;
	s10 =	simm.s32 @!p0 $0xA8E00  }
0xb: {  	s6 =	ssub.s32 s6, s8;
	s8 =	sshrl.u32 s29, $0x2;
	s30 =	sadd.s32 s10, s5  }
0xc: {  	s7 =	sadd.s32 s11, s7;
	s10 =	simm.s32 $0x80;
	s11 =	simm.s32 $0x400  }
0xd: {  	s4 =	sadd.s32 s8, s1;
	s5 =	smax.u32 s6, $0x1;
	s6 =	sadd.s32 s30, s9  }
0xe: {  	v0 =	vimm.f32 $1.000000000e+00;
	s7 =	sadd.s32 s31, s7;
	s8 =	simm.s32 $0x4400;
	s9 =	simm.s32 $0x1  }
.LBB2_1:
0xf: {  	s20 =	simm.s32 $0x440  }
0x10: {  	[tilespmem:s20+$0xFFFFFFC0] =	vst v0  }
0x11: {  	[tilespmem:s20+$0xFFFFFFD0] =	vst v0  }
0x12: {  	[tilespmem:s20+$0xFFFFFFE0] =	vst v0  }
0x13: {  	[tilespmem:s20+$0xFFFFFFF0] =	vst v0  }
0x14: {  	[tilespmem:s20+$0x0] =	vst v0  }
0x15: {  	[tilespmem:s20+$0x10] =	vst v0  }
0x16: {  	p0 =	por $0x0, $0x0;
	[tilespmem:s20+$0x20] =	vst v0  }
0x17: {  	s19 =	simm.s32 $0x4440;
	[tilespmem:s20+$0x30] =	vst v0;
	v1 =	vimm.f32 @!p0 $0.0e+00  }
0x18: {  	[tilespmem:s19+$0x30] =	vst @!p0 v1  }
0x19: {  	[tilespmem:s19+$0xFFFFFFC0] =	vst @!p0 v1  }
0x1a: {  	[tilespmem:s19+$0xFFFFFFD0] =	vst @!p0 v1  }
0x1b: {  	[tilespmem:s19+$0xFFFFFFE0] =	vst @!p0 v1  }
0x1c: {  	[tilespmem:s19+$0xFFFFFFF0] =	vst @!p0 v1  }
0x1d: {  	[tilespmem:s19+$0x0] =	vst @!p0 v1  }
0x1e: {  	[tilespmem:s19+$0x10] =	vst @!p0 v1  }
0x1f: {  	s21 =	simm.s32 $0x4C0;
	s20 =	simm.s32 $0x1;
	[tilespmem:s19+$0x20] =	vst @!p0 v1  }
.LBB2_2:
0x20: {  	[tilespmem:s21+$0xFFFFFFC0] =	vst v0  }
0x21: {  	[tilespmem:s21+$0xFFFFFFD0] =	vst v0  }
0x22: {  	[tilespmem:s21+$0xFFFFFFE0] =	vst v0  }
0x23: {  	[tilespmem:s21+$0xFFFFFFF0] =	vst v0  }
0x24: {  	[tilespmem:s21+$0x0] =	vst v0  }
0x25: {  	[tilespmem:s21+$0x10] =	vst v0  }
0x26: {  	p0 =	sgt.u32 s20, $0x7;
	s20 =	sadd.s32 $0x1, s20;
	[tilespmem:s21+$0x20] =	vst v0  }
0x27: {  	s19 =	sadd.s32 $0x80, s19;
	v1 =	vimm.f32 @!p0 $0.0e+00;
	p1 =	sne.s32 s20, $0x80;
	[tilespmem:s21+$0x30] =	vst v0  }
0x28: {  	[tilespmem:s19+$0x30] =	vst @!p0 v1  }
0x29: {  	[tilespmem:s19+$0xFFFFFFC0] =	vst @!p0 v1  }
0x2a: {  	[tilespmem:s19+$0xFFFFFFD0] =	vst @!p0 v1  }
.Ltmp0:
0x2b: {  	[tilespmem:s19+$0xFFFFFFE0] =	vst @!p0 v1;
	(pc) =	sbr.rel @p1 .LBB2_2-.Ltmp0, $4  }
0x2c: {  	[tilespmem:s19+$0xFFFFFFF0] =	vst @!p0 v1  }
0x2d: {  	[tilespmem:s19+$0x0] =	vst @!p0 v1  }
0x2e: {  	[tilespmem:s19+$0x10] =	vst @!p0 v1  }
0x2f: {  	s21 =	sadd.s32 $0x80, s21;
	[tilespmem:s19+$0x20] =	vst @!p0 v1  }
0x30: {  	s19 =	sadd.s32 $0x0, s4  }
0x31: {  	[spmem:s19] =	stream.linear.scatter [tilespmem:s8], [sflag:$0x1], $0x400, $0x38;
	[tilespmem:$0x18400] =	vst v63  }
0x32: {  	s19 =	simm.s32 $0x1000;
	_ =	swait.ge [sflag:s9], $0x400  }
.LBB2_4:
0x33: {  	s20 =	sshra.s32 s19, $0x2;
	[sflag:s9] =	ssyncset.done $0x0;
	p0 =	sne.s32 s19, $0x4E000  }
.Ltmp1:
0x34: {  	s20 =	sadd.s32 s20, s4;
	[sflag:s9] =	ssyncadd.s32 $0xFFFFFC00;
	(pc) =	sbr.rel @p0 .LBB2_4-.Ltmp1, $3  }
0x35: {  	[spmem:s20] =	stream.linear.scatter [tilespmem:s8], [sflag:$0x1], $0x400, $0x38;
	[tilespmem:$0x18400] =	vst v63  }
0x36: {  	s19 =	sadd.s32 $0x1000, s19;
	_ =	sdelay $0x1  }
0x37: {  	_ =	swait.ge [sflag:s9], $0x400  }
0x38: {  	[sflag:s9] =	ssyncset.done $0x0  }
0x39: {  	[sflag:s9] =	ssyncadd.s32 $0xFFFFFC00  }
0x3a: {  	s19 =	sadd.s32 $0x0, s7;
	[bflag:$0x0] =	sbarrier.arrive $0xFFFF  }
0x3b: {  	[tilespmem:s3], [sflag:$0x1] =	stream.linear.gather [hbm4b:s19+s3], $0x400, $0x38;
	[tilespmem:$0x18400] =	vst v63  }
0x3c: {  	_ =	swait.ge [sflag:s9], $0x400  }
0x3d: {  	[sflag:s9] =	ssyncset.done $0x0  }
0x3e: {  	[sflag:s9] =	ssyncadd.s32 $0xFFFFFC00  }
0x3f: {  	[spmem:s1] =	stream.indirect.scatter.add.f32 [tilespmem:s11], [sflag:$0x1], $0x80, s3, s10, $0xb8;
	[tilespmem:$0x18400] =	vst v63  }
0x40: {  	_ =	swait.ge [sflag:s9], $0x4000  }
0x41: {  	[sflag:s9] =	ssyncset.done $0x0  }
0x42: {  	[sflag:s9] =	ssyncadd.s32 $0xFFFFC000  }
0x43: {  	[spmem:s1] =	stream.indirect.scatter.add.f32 [tilespmem:s11], [sflag:$0x1], $0x80, s10, s10, $0xb8;
	[tilespmem:$0x18400] =	vst v63  }
0x44: {  	_ =	swait.ge [sflag:s9], $0x4000  }
0x45: {  	[sflag:s9] =	ssyncset.done $0x0  }
0x46: {  	[sflag:s9] =	ssyncadd.s32 $0xFFFFC000  }
0x47: {  	[spmem:s1] =	stream.indirect.scatter.add.f32 [tilespmem:s11], [sflag:$0x1], $0x80, s12, s10, $0xb8;
	[tilespmem:$0x18400] =	vst v63  }
0x48: {  	_ =	swait.ge [sflag:s9], $0x4000  }
0x49: {  	[sflag:s9] =	ssyncset.done $0x0  }
0x4a: {  	[sflag:s9] =	ssyncadd.s32 $0xFFFFC000  }
0x4b: {  	[spmem:s1] =	stream.indirect.scatter.add.f32 [tilespmem:s11], [sflag:$0x1], $0x80, s13, s10, $0xb8;
	[tilespmem:$0x18400] =	vst v63  }
0x4c: {  	_ =	swait.ge [sflag:s9], $0x4000  }
0x4d: {  	[sflag:s9] =	ssyncset.done $0x0  }
0x4e: {  	[sflag:s9] =	ssyncadd.s32 $0xFFFFC000  }
0x4f: {  	[spmem:s1] =	stream.indirect.scatter.add.f32 [tilespmem:s11], [sflag:$0x1], $0x80, s14, s10, $0xb8;
	[tilespmem:$0x18400] =	vst v63  }
0x50: {  	_ =	swait.ge [sflag:s9], $0x4000  }
0x51: {  	[sflag:s9] =	ssyncset.done $0x0  }
0x52: {  	[sflag:s9] =	ssyncadd.s32 $0xFFFFC000  }
0x53: {  	[spmem:s1] =	stream.indirect.scatter.add.f32 [tilespmem:s11], [sflag:$0x1], $0x80, s15, s10, $0xb8;
	[tilespmem:$0x18400] =	vst v63  }
0x54: {  	_ =	swait.ge [sflag:s9], $0x4000  }
0x55: {  	[sflag:s9] =	ssyncset.done $0x0  }
0x56: {  	[sflag:s9] =	ssyncadd.s32 $0xFFFFC000  }
0x57: {  	[spmem:s1] =	stream.indirect.scatter.add.f32 [tilespmem:s11], [sflag:$0x1], $0x80, s16, s10, $0xb8;
	[tilespmem:$0x18400] =	vst v63  }
0x58: {  	_ =	swait.ge [sflag:s9], $0x4000  }
0x59: {  	[sflag:s9] =	ssyncset.done $0x0  }
0x5a: {  	[sflag:s9] =	ssyncadd.s32 $0xFFFFC000  }
0x5b: {  	[spmem:s1] =	stream.indirect.scatter.add.f32 [tilespmem:s11], [sflag:$0x1], $0x80, s17, s10, $0xb8;
	[tilespmem:$0x18400] =	vst v63  }
0x5c: {  	_ =	swait.ge [sflag:s9], $0x4000  }
0x5d: {  	s21 =	simm.s32 $0x100;
	s19 =	simm.s32 $0x80;
	[sflag:s9] =	ssyncset.done $0x0  }
.LBB2_6:
0x5e: {  	s22 =	sadd.s32 s19, s7  }
0x5f: {  	[sflag:s9] =	ssyncadd.s32 $0xFFFFC000;
	s19 =	smov.u32 s21;
	s20 =	sadd.s32 $0x80, s21  }
0x60: {  	[tilespmem:s3], [sflag:$0x1] =	stream.linear.gather [hbm4b:s22+s3], $0x400, $0x38;
	[tilespmem:$0x18400] =	vst v63  }
0x61: {  	p0 =	sne.s32 s21, $0x200;
	_ =	swait.ge [sflag:s9], $0x400  }
0x62: {  	[sflag:s9] =	ssyncset.done $0x0  }
0x63: {  	[sflag:s9] =	ssyncadd.s32 $0xFFFFFC00  }
0x64: {  	[spmem:s1] =	stream.indirect.scatter.add.f32 [tilespmem:s11], [sflag:$0x1], $0x80, s3, s10, $0xb8;
	[tilespmem:$0x18400] =	vst v63  }
0x65: {  	_ =	swait.ge [sflag:s9], $0x4000  }
0x66: {  	[sflag:s9] =	ssyncset.done $0x0  }
0x67: {  	[sflag:s9] =	ssyncadd.s32 $0xFFFFC000  }
0x68: {  	[spmem:s1] =	stream.indirect.scatter.add.f32 [tilespmem:s11], [sflag:$0x1], $0x80, s10, s10, $0xb8;
	[tilespmem:$0x18400] =	vst v63  }
0x69: {  	_ =	swait.ge [sflag:s9], $0x4000  }
0x6a: {  	[sflag:s9] =	ssyncset.done $0x0  }
0x6b: {  	[sflag:s9] =	ssyncadd.s32 $0xFFFFC000  }
0x6c: {  	[spmem:s1] =	stream.indirect.scatter.add.f32 [tilespmem:s11], [sflag:$0x1], $0x80, s12, s10, $0xb8;
	[tilespmem:$0x18400] =	vst v63  }
0x6d: {  	_ =	swait.ge [sflag:s9], $0x4000  }
0x6e: {  	[sflag:s9] =	ssyncset.done $0x0  }
0x6f: {  	[sflag:s9] =	ssyncadd.s32 $0xFFFFC000  }
0x70: {  	[spmem:s1] =	stream.indirect.scatter.add.f32 [tilespmem:s11], [sflag:$0x1], $0x80, s13, s10, $0xb8;
	[tilespmem:$0x18400] =	vst v63  }
0x71: {  	_ =	swait.ge [sflag:s9], $0x4000  }
0x72: {  	[sflag:s9] =	ssyncset.done $0x0  }
0x73: {  	[sflag:s9] =	ssyncadd.s32 $0xFFFFC000  }
0x74: {  	[spmem:s1] =	stream.indirect.scatter.add.f32 [tilespmem:s11], [sflag:$0x1], $0x80, s14, s10, $0xb8;
	[tilespmem:$0x18400] =	vst v63  }
0x75: {  	_ =	swait.ge [sflag:s9], $0x4000  }
0x76: {  	[sflag:s9] =	ssyncset.done $0x0  }
0x77: {  	[sflag:s9] =	ssyncadd.s32 $0xFFFFC000  }
0x78: {  	[spmem:s1] =	stream.indirect.scatter.add.f32 [tilespmem:s11], [sflag:$0x1], $0x80, s15, s10, $0xb8;
	[tilespmem:$0x18400] =	vst v63  }
0x79: {  	_ =	swait.ge [sflag:s9], $0x4000  }
0x7a: {  	[sflag:s9] =	ssyncset.done $0x0  }
0x7b: {  	[sflag:s9] =	ssyncadd.s32 $0xFFFFC000  }
0x7c: {  	[spmem:s1] =	stream.indirect.scatter.add.f32 [tilespmem:s11], [sflag:$0x1], $0x80, s16, s10, $0xb8;
	[tilespmem:$0x18400] =	vst v63  }
0x7d: {  	_ =	swait.ge [sflag:s9], $0x4000  }
.Ltmp2:
0x7e: {  	[sflag:s9] =	ssyncset.done $0x0;
	(pc) =	sbr.rel @p0 .LBB2_6-.Ltmp2, $4  }
0x7f: {  	[sflag:s9] =	ssyncadd.s32 $0xFFFFC000  }
0x80: {  	[spmem:s1] =	stream.indirect.scatter.add.f32 [tilespmem:s11], [sflag:$0x1], $0x80, s17, s10, $0xb8;
	[tilespmem:$0x18400] =	vst v63  }
0x81: {  	_ =	swait.ge [sflag:s9], $0x4000  }
0x82: {  	s21 =	smov.u32 s20;
	[sflag:s9] =	ssyncset.done $0x0  }
0x83: {  	s19 =	sadd.s32 s19, s7;
	[sflag:s9] =	ssyncadd.s32 $0xFFFFC000  }
0x84: {  	[tilespmem:s3], [sflag:$0x1] =	stream.linear.gather [hbm4b:s19+s3], $0x400, $0x38;
	[tilespmem:$0x18400] =	vst v63  }
0x85: {  	_ =	swait.ge [sflag:s9], $0x400  }
0x86: {  	[sflag:s9] =	ssyncset.done $0x0  }
0x87: {  	[sflag:s9] =	ssyncadd.s32 $0xFFFFFC00  }
0x88: {  	[spmem:s1] =	stream.indirect.scatter.add.f32 [tilespmem:s11], [sflag:$0x1], $0x80, s3, s10, $0xb8;
	[tilespmem:$0x18400] =	vst v63  }
0x89: {  	_ =	swait.ge [sflag:s9], $0x4000  }
0x8a: {  	[sflag:s9] =	ssyncset.done $0x0  }
0x8b: {  	[sflag:s9] =	ssyncadd.s32 $0xFFFFC000  }
0x8c: {  	[spmem:s1] =	stream.indirect.scatter.add.f32 [tilespmem:s11], [sflag:$0x1], $0x80, s10, s10, $0xb8;
	[tilespmem:$0x18400] =	vst v63  }
0x8d: {  	_ =	swait.ge [sflag:s9], $0x4000  }
0x8e: {  	[sflag:s9] =	ssyncset.done $0x0  }
0x8f: {  	[sflag:s9] =	ssyncadd.s32 $0xFFFFC000  }
0x90: {  	[spmem:s1] =	stream.indirect.scatter.add.f32 [tilespmem:s11], [sflag:$0x1], $0x80, s12, s10, $0xb8;
	[tilespmem:$0x18400] =	vst v63  }
0x91: {  	_ =	swait.ge [sflag:s9], $0x4000  }
0x92: {  	[sflag:s9] =	ssyncset.done $0x0  }
0x93: {  	[sflag:s9] =	ssyncadd.s32 $0xFFFFC000  }
0x94: {  	[spmem:s1] =	stream.indirect.scatter.add.f32 [tilespmem:s11], [sflag:$0x1], $0x80, s13, s10, $0xb8;
	[tilespmem:$0x18400] =	vst v63  }
0x95: {  	_ =	swait.ge [sflag:s9], $0x4000  }
0x96: {  	[sflag:s9] =	ssyncset.done $0x0  }
0x97: {  	[sflag:s9] =	ssyncadd.s32 $0xFFFFC000  }
0x98: {  	[spmem:s1] =	stream.indirect.scatter.add.f32 [tilespmem:s11], [sflag:$0x1], $0x80, s14, s10, $0xb8;
	[tilespmem:$0x18400] =	vst v63  }
0x99: {  	_ =	swait.ge [sflag:s9], $0x4000  }
0x9a: {  	[sflag:s9] =	ssyncset.done $0x0  }
0x9b: {  	[sflag:s9] =	ssyncadd.s32 $0xFFFFC000  }
0x9c: {  	[spmem:s1] =	stream.indirect.scatter.add.f32 [tilespmem:s11], [sflag:$0x1], $0x80, s15, s10, $0xb8;
	[tilespmem:$0x18400] =	vst v63  }
0x9d: {  	_ =	swait.ge [sflag:s9], $0x4000  }
0x9e: {  	[sflag:s9] =	ssyncset.done $0x0  }
0x9f: {  	[sflag:s9] =	ssyncadd.s32 $0xFFFFC000  }
0xa0: {  	[spmem:s1] =	stream.indirect.scatter.add.f32 [tilespmem:s11], [sflag:$0x1], $0x80, s16, s10, $0xb8;
	[tilespmem:$0x18400] =	vst v63  }
0xa1: {  	_ =	swait.ge [sflag:s9], $0x4000  }
0xa2: {  	[sflag:s9] =	ssyncset.done $0x0  }
0xa3: {  	[sflag:s9] =	ssyncadd.s32 $0xFFFFC000  }
0xa4: {  	[spmem:s1] =	stream.indirect.scatter.add.f32 [tilespmem:s11], [sflag:$0x1], $0x80, s17, s10, $0xb8;
	[tilespmem:$0x18400] =	vst v63  }
0xa5: {  	_ =	swait.ge [sflag:s9], $0x4000  }
0xa6: {  	s31 =	sshll.u32 s2, $0x6;
	s18 =	sadd.s32 $0x1, s18;
	[sflag:s9] =	ssyncset.done $0x0  }
0xa7: {  	s20 =	sshrl.u32 s4, $0x3;
	p0 =	sne.s32 s18, s5;
	[sflag:s9] =	ssyncadd.s32 $0xFFFFC000  }
.Ltmp3:
0xa8: {  	s19 =	sor.u32 $0x1C01, s31;
	[bflag:$0x0] =	sbarrier.arrive $0xFFFF;
	(pc) =	sbr.rel @p0 .LBB2_1-.Ltmp3, $4  }
0xa9: {  	[hbm:s6], [sflag:s19] =	dma.local [spmem:s20], $0x2780  }
0xaa: {  	_ =	swait.ge [sflag:s9], $0x2780  }
0xab: {  	[sflag:s9] =	ssyncset.done $0x0  }
0xac: {  	[sflag:s9] =	ssyncadd.s32 $0xFFFFD880  }
0xad: {  	_ =	sfence.sel $0x180000  }
0xae: {  	[bflag:$0x0] =	sbarrier.arrive $0xFFFF  }
0xaf: {  	p0 =	sne.s32 s2, $0x0;
	_ =	strace $0x9000004A  }
0xb0: {  	s0 =	sadd.s32 @!p0 $0x100000, s0;
	[bflag:$0x2] =	sbarrier.arrive $0xFFFF  }
0xb1: {  	[sflag:s0] =	ssyncadd.tile.s32 @!p0 $0x1;
	_ =	shalt  }
.Lfunc_end2:
_tile_overlayer_lowered:
.L_overlay_start_2:
0xb2: {  	(tag) =	ssettag $0x2  }
0xb3: {  	s0 =	rddreg [dreg:$0x0];
	s2 =	stileid.u32  }
0xb4: {  	s1 =	rddreg [dreg:$0x1];
	p0 =	sne.s32 s2, $0x0  }
0xb5: {  	s3 =	rddreg [dreg:$0x2];
	[bflag:$0x3] =	sbarrier.arrive $0xFFFF;
	s2 =	simm.s32 @!p0 $0x1C01  }
0xb6: {  	[timem:s3], [sflag:s2] =	dma.local @!p0 [hbm:s0], s1  }
0xb7: {  	s0 =	simm.s32 @!p0 $0x1  }
0xb8: {  	_ =	swait.ge @!p0 [sflag:s0], s1  }
0xb9: {  	s1 =	ssub.s32 @!p0 $0x0, s1;
	[sflag:s0] =	ssyncset.done @!p0 $0x0  }
0xba: {  	[sflag:s0] =	ssyncadd.s32 @!p0 s1  }
0xbb: {  	[bflag:$0x3] =	sbarrier.arrive $0xFFFF  }
0xbc: {  	_ =	shalt  }

// kernel: kernel.13.cloned.1.call-start
scs
__scs_entry_jumppad:
0x0: {  	(pc) =	sbr.rel $0x88, $3  }
0x1: {  	(tag) =	ssettag $0x0;
	lr =	simm.s32 $0x1  }
0x2: {  	[smem:$0x3F91] =	sst lr;
	_ =	strace $0xD0000000  }
0x3: {  	_ = 	snop  }
0x4: {  	_ = 	snop  }
0x5: {  	_ = 	snop  }
0x6: {  	_ = 	snop  }
0x7: {  	_ = 	snop  }
__scs_overlays_trampoline_lowered:
0x8: {  	[smem:$0x3FA0] =	sst s0  }
0x9: {  	[smem:$0x3FA1] =	sst s1  }
0xa: {  	[smem:$0x3FA2] =	sst s2  }
0xb: {  	[smem:$0x3FA3] =	sst s3  }
0xc: {  	[smem:$0x3FA4] =	sst s4  }
0xd: {  	[smem:$0x3FA5] =	sst s5  }
0xe: {  	[smem:$0x3FA6] =	sst s6  }
0xf: {  	[smem:$0x3FA7] =	sst s7  }
0x10: {  	[smem:$0x3FA8] =	sst s8  }
0x11: {  	[smem:$0x3FA9] =	sst s9;
	s0 =	simm.s32 @!p0 $0x0  }
0x12: {  	s1 =	sld [smem:$0x3F8F];
	s0 =	simm.s32 @p0 $0x1  }
0x13: {  	[smem:$0x3FAA] =	sst s0;
	s0 =	simm.s32 @!p1 $0x0  }
0x14: {  	s2 =	sld [smem:$0x3F8E];
	s0 =	simm.s32 @p1 $0x1  }
0x15: {  	[smem:$0x3FAB] =	sst s0;
	s0 =	simm.s32 @!p2 $0x0  }
0x16: {  	s3 =	sld [smem:$0x3FDB];
	s0 =	simm.s32 @p2 $0x1  }
0x17: {  	s4 =	simm.s32 $0x1BF5;
	[smem:$0x3FAD] =	sst s0  }
0x18: {  	s0 =	sld [smem:$0x3F90];
	_ =	swait.ge [sflag:s4], $0x0  }
0x19: {  	s7 =	sld [smem:$0x3F91]  }
0x1a: {  	s8 =	sadd.s32 $0xFFFFE003, lr  }
0x1b: {  	s9 =	sadd.s32 $0xFFFFFEF7, lr;
	s5 =	simm.s32 $0xFFFFFFFF;
	p2 =	slt.u32 s8, $0xFFFFF086  }
0x1c: {  	p1 =	slt.u32 s9, $0xF7A;
	s5 =	simm.s32 @!p2 $0x0  }
0x1d: {  	s5 =	simm.s32 @p1 $0x1;
	p0 =	seq.s32 s7, s2  }
0x1e: {  	s7 =	smul.u32 @!p0 $0xF7A, s2;
	p2 =	seq.s32 @!p0 s5, $0x0  }
0x1f: {  	s9 =	smul.u32 $0xF7A, s1;
	s8 =	simm.s32 @!p0 $0x1BF5;
	p2 =	por !p2, p0  }
0x20: {  	[sflag:s8] =	ssyncset.s32 @!p0 $0xFFFFF086;
	s6 =	sadd.s32 @!p0 s3, s7;
	s7 =	simm.s32 @!p0 $0x108  }
0x21: {  	s3 =	sadd.s32 s3, s9;
	s6 =	sadd.s32 @!p0 $0x88, s6;
	s7 =	simm.s32 @p2 $0x1082  }
0x22: {  	[simem:s7], [sflag:s8] =	dma.local @!p0 [hbm:s6], $0xF7A  }
0x23: {  	s9 =	sor.u32 $0xD0000000, s2;
	s6 =	simm.s32 $0x108;
	_ =	swait.ge @!p0 [sflag:s8], $0x0  }
0x24: {  	s3 =	sadd.s32 $0x88, s3;
	s6 =	simm.s32 @!p1 $0x1082;
	[sflag:s4] =	ssyncset.s32 $0xFFFFF086  }
0x25: {  	[simem:s6], [sflag:s4] =	dma.local [hbm:s3], $0xF7A  }
0x26: {  	[smem:$0x3F91] =	sst s1;
	(tag) =	ssettag s2;
	_ =	strace s9  }
0x27: {  	s1 =	sld [smem:$0x3FA1]  }
0x28: {  	s2 =	sld [smem:$0x3FA2]  }
0x29: {  	s4 =	sld [smem:$0x3FA4]  }
0x2a: {  	p0 =	seq.s32 s5, $0x0;
	s5 =	sld [smem:$0x3FA5]  }
0x2b: {  	s6 =	sld [smem:$0x3FA6]  }
0x2c: {  	s7 =	sld [smem:$0x3FA7]  }
0x2d: {  	s3 =	simm.s32 $0x108;
	s8 =	sld [smem:$0x3FA8]  }
0x2e: {  	s3 =	simm.s32 @!p0 $0x1082;
	s9 =	sld [smem:$0x3FA9]  }
0x2f: {  	lr =	sadd.s32 s0, s3;
	s0 =	sld [smem:$0x3FA0]  }
0x30: {  	s3 =	sld [smem:$0x3FA3]  }
0x31: {  	[smem:$0x3FAC] =	sst s10  }
0x32: {  	s10 =	sld [smem:$0x3FAA];
	_ =	sdelay $0x3  }
0x33: {  	p0 =	seq.s32 s10, $0x1;
	s10 =	sld [smem:$0x3FAC];
	_ =	sdelay $0x3  }
0x34: {  	[smem:$0x3FAC] =	sst s10  }
0x35: {  	s10 =	sld [smem:$0x3FAB];
	_ =	sdelay $0x3  }
0x36: {  	p1 =	seq.s32 s10, $0x1;
	s10 =	sld [smem:$0x3FAC];
	_ =	sdelay $0x3  }
0x37: {  	[smem:$0x3FAC] =	sst s10  }
0x38: {  	s10 =	sld [smem:$0x3FAD]  }
0x39: {  	_ = 	snop;
	(pc) =	sbr.ind lr, $3  }
0x3a: {  	_ = 	snop  }
0x3b: {  	_ = 	snop  }
0x3c: {  	p2 =	seq.s32 s10, $0x1;
	s10 =	sld [smem:$0x3FAC]  }
0x3d: {  	_ =	shalt  }
0x3e: {  	_ =	shalt  }
0x3f: {  	_ =	shalt  }
0x40: {  	_ =	shalt  }
0x41: {  	_ =	shalt  }
0x42: {  	_ =	shalt  }
0x43: {  	_ =	shalt  }
0x44: {  	_ =	shalt  }
0x45: {  	_ =	shalt  }
0x46: {  	_ =	shalt  }
0x47: {  	_ =	shalt  }
0x48: {  	_ =	shalt  }
0x49: {  	_ =	shalt  }
0x4a: {  	_ =	shalt  }
0x4b: {  	_ =	shalt  }
0x4c: {  	_ =	shalt  }
0x4d: {  	_ =	shalt  }
0x4e: {  	_ =	shalt  }
0x4f: {  	_ =	shalt  }
0x50: {  	_ =	shalt  }
0x51: {  	_ =	shalt  }
0x52: {  	_ =	shalt  }
0x53: {  	_ =	shalt  }
0x54: {  	_ =	shalt  }
0x55: {  	_ =	shalt  }
0x56: {  	_ =	shalt  }
0x57: {  	_ =	shalt  }
0x58: {  	_ =	shalt  }
0x59: {  	_ =	shalt  }
0x5a: {  	_ =	shalt  }
0x5b: {  	_ =	shalt  }
0x5c: {  	_ =	shalt  }
0x5d: {  	_ =	shalt  }
0x5e: {  	_ =	shalt  }
0x5f: {  	_ =	shalt  }
0x60: {  	_ =	shalt  }
0x61: {  	_ =	shalt  }
0x62: {  	_ =	shalt  }
0x63: {  	_ =	shalt  }
0x64: {  	_ =	shalt  }
0x65: {  	_ =	shalt  }
0x66: {  	_ =	shalt  }
0x67: {  	_ =	shalt  }
0x68: {  	_ =	shalt  }
0x69: {  	_ =	shalt  }
0x6a: {  	_ =	shalt  }
0x6b: {  	_ =	shalt  }
0x6c: {  	_ =	shalt  }
0x6d: {  	_ =	shalt  }
0x6e: {  	_ =	shalt  }
0x6f: {  	_ =	shalt  }
0x70: {  	_ =	shalt  }
0x71: {  	_ =	shalt  }
0x72: {  	_ =	shalt  }
0x73: {  	_ =	shalt  }
0x74: {  	_ =	shalt  }
0x75: {  	_ =	shalt  }
0x76: {  	_ =	shalt  }
0x77: {  	_ =	shalt  }
0x78: {  	_ =	shalt  }
0x79: {  	_ =	shalt  }
0x7a: {  	_ =	shalt  }
0x7b: {  	_ =	shalt  }
0x7c: {  	_ =	shalt  }
0x7d: {  	_ =	shalt  }
0x7e: {  	_ =	shalt  }
0x7f: {  	_ =	shalt  }
0x80: {  	_ =	shalt  }
0x81: {  	_ =	shalt  }
0x82: {  	_ =	shalt  }
0x83: {  	_ =	shalt  }
0x84: {  	_ =	shalt  }
0x85: {  	_ =	shalt  }
0x86: {  	_ =	shalt  }
0x87: {  	_ =	shalt  }
.Lfunc_end0:
.L_simem_size_0:
called_computation.1_lowered:
.L_overlay_start_0:
0x88: {  	s2 =	sld [smem:$0x3FD9]  }
0x89: {  	s3 =	sld [smem:$0x3FFE];
	_ =	sdelay $0x1  }
0x8a: {  	s1 =	srdreg.scid  }
0x8b: {  	s0 =	sand.u32 $0x1, s1  }
0x8c: {  	s17 =	sshll.u32 s0, $0xA;
	s2 =	sadd.s32 s3, s2  }
0x8d: {  	s2 =	sadd.s32 s2, s17  }
0x8e: {  	[smem:$0x3FB8] =	sst s2  }
0x8f: {  	_ = 	snop  }
0x90: {  	s2 =	sld [smem:$0x3FD0];
	(tm) =	ssettm $0x1  }
0x91: {  	s18 =	sld [smem:$0x3FFB];
	_ =	sdelay $0x3  }
0x92: {  	_ =	strace s18  }
0x93: {  	s3 =	sld [smem:$0x3FFC];
	_ =	sdelay $0x3  }
0x94: {  	_ =	strace s3  }
0x95: {  	s3 =	sld [smem:$0x3FFD];
	_ =	sdelay $0x3  }
0x96: {  	_ =	strace s3  }
0x97: {  	_ =	strace $0x8FFFFFFF  }
0x98: {  	s19 =	sld [smem:$0x3FDB];
	_ =	sdelay $0x1  }
0x99: {  	s4 =	simm.s32 $_scs_section_size  }
0x9a: {  	s5 =	simm.s32 $_size__tile_overlayer_lowered;
	s6 =	simm.s32 $_tile_overlayer_lowered  }
0x9b: {  	s22 =	simm.s32 $0x1BFF;
	s21 =	sshll.u32 s6, $0x1;
	s3 =	sadd.s32 s4, s19  }
0x9c: {  	s7 =	simm.s32 $0x0;
	s20 =	sshll.u32 s5, $0x1;
	s5 =	sadd.s32 s21, s3  }
0x9d: {  	[timem:s7], [sflag:s22] =	dma.local [hbm:s5], s20  }
0x9e: {  	_ =	swait.ge [sflag:s22], s20  }
0x9f: {  	s4 =	ssub.s32 $0x0, s20;
	[sflag:s22] =	ssyncset.done $0x0  }
0xa0: {  	[sflag:s22] =	ssyncadd.s32 s4;
	_ =	sdelay $0x1  }
0xa1: {  	s23 =	simm.s32 $0x1B8B  }
0xa2: {  	_ =	swait.ge [sflag:s23], $0x1  }
0xa3: {  	[sflag:s23] =	ssyncset.done $0x0  }
0xa4: {  	s25 =	simm.s32 $0x1B8E;
	s24 =	sld [smem:$0x3FFE];
	[sflag:s23] =	ssyncadd.s32 $0xFFFFFFFF  }
0xa5: {  	s26 =	simm.s32 $execute0_lowered;
	[smem:$0x3FD2] =	sst s25  }
0xa6: {  	s5 =	sshll.u32 s26, $0x1;
	_ =	strace $0x80000046;
	[dreg:$0x1] =	wrdreg $0xFFFFFFFF  }
0xa7: {  	s28 =	simm.s32 $_size_execute0_lowered;
	s3 =	sadd.s32 s3, s5;
	[dreg:$0x0] =	wrdreg $0x0  }
0xa8: {  	s5 =	sshll.u32 s28, $0x1;
	[dreg:$0x2] =	wrdreg s3  }
0xa9: {  	[dreg:$0x3] =	wrdreg s5  }
0xaa: {  	[dreg:$0x4] =	wrdreg $0xC0  }
0xab: {  	_ =	task [dreg:s7], $0x5FFFF  }
0xac: {  	[dreg:$0x1] =	wrdreg $0xFFFFFFFF  }
0xad: {  	[dreg:$0x0] =	wrdreg $0x60  }
0xae: {  	[dreg:$0x2] =	wrdreg s24  }
0xaf: {  	[dreg:$0x3] =	wrdreg s2  }
0xb0: {  	[dreg:$0x4] =	wrdreg $0x88000  }
0xb1: {  	[dreg:$0x5] =	wrdreg $0xA  }
0xb2: {  	_ =	task.clear_ibuf [dreg:s7], $0x6FFFF;
	_ =	strace $0x90000046  }
0xb3: {  	s29 =	simm.s32 $0xA;
	_ =	strace $0x80000048  }
0xb4: {  	_ =	swait.ge [sflag:s29], $0x1  }
0xb5: {  	[sflag:s29] =	ssyncadd.s32 $0xFFFFFFFF  }
0xb6: {  	_ =	strace $0x90000048  }
0xb7: {  	_ =	sfence  }
0xb8: {  	s30 =	sld [smem:$0x0];
	_ =	sdelay $0x2  }
0xb9: {  	s31 =	sshll.u32 s1, $0xD;
	s1 =	sshrl.u32 s1, $0x2  }
0xba: {  	s3 =	sand.u32 $0x4000, s31;
	s1 =	sadd.s32 s1, s30  }
0xbb: {  	s0 =	sor.u32 s3, s0;
	s1 =	sshll.u32 s1, $0x11  }
0xbc: {  	s0 =	sor.u32 s1, s0  }
0xbd: {  	s0 =	sadd.s32 $0x8F2B, s0  }
0xbe: {  	[sflag:s0] =	ssyncadd.remote.s32 $0x1  }
0xbf: {  	_ =	sfence.sel $0xFFFF  }
0xc0: {  	[dreg:$0x0] =	wrdreg $0xFFFFFFFF;
	(pc) =	sbr.abs _section_cstart, $3  }
0xc1: {  	[dreg:$0x1] =	wrdreg $0xFFFFFFFF  }
0xc2: {  	_ =	task.clear_ibuf [dreg:s7], $0x2FFFF;
	_ =	strace $0x9FFFFFFF  }
0xc3: {  	(tm) =	ssettm $0x7FFFFFFF  }
tec
execute0_lowered:
.L_overlay_start_1:
0x0: {  	(tag) =	ssettag $0x1  }
0x1: {  	s0 =	rddreg [dreg:$0x0]  }
0x2: {  	s2 =	rddreg [dreg:$0x1]  }
0x3: {  	s1 =	rddreg [dreg:$0x2];
	s3 =	simm.s32 $0x0  }
0x4: {  	s12 =	stileid.u32;
	s5 =	srdreg.scid;
	s13 =	simm.s32 $0x800  }
0x5: {  	s14 =	simm.s32 $0x3;
	s15 =	simm.s32 $0x400;
	s16 =	simm.s32 $0x80  }
0x6: {  	s17 =	simm.s32 $0x4800;
	s18 =	simm.s32 $0x1;
	s19 =	simm.s32 $0x100  }
0x7: {  	s20 =	simm.s32 $0x2;
	s21 =	simm.s32 $0x480;
	s22 =	simm.s32 $0x180  }
0x8: {  	s28 =	simm.s32 $0x600;
	s29 =	simm.s32 $0x300;
	s30 =	simm.s32 $0x680  }
0x9: {  	s31 =	simm.s32 $0x380;
	[smem:$0x7FF] =	sst s3;
	s6 =	smul.u32 $0x500, s12  }
0xa: {  	s4 =	sadd.s32 $0xBA00, s0;
	s7 =	sand.u32 $0x1, s5;
	s9 =	smul.u32 $0x4F000, s12  }
0xb: {  	s5 =	sadd.s32 $0x32C00, s0;
	s11 =	sadd.s32 $0x59E00, s0;
	s26 =	smul.u32 $0x2780, s12  }
0xc: {  	_ =	strace $0x80000047;
	s8 =	ssub.s32 $0x2, s7;
	[dreg:$0x4] =	wrdreg s11  }
0xd: {  	p0 =	sne.s32 s7, $0x0;
	s7 =	simm.s32 $0x0;
	s10 =	sadd.s32 s6, s0  }
0xe: {  	s23 =	sshrl.u32 s8, $0x1;
	s0 =	sadd.s32 $0x81600, s0;
	s25 =	sshrl.u32 s9, $0x2  }
.Ltmp0:
0xf: {  	[dreg:$0x6] =	wrdreg s26;
	s11 =	sadd.s32 s6, s2;
	(pc) =	sbr.rel .LBB2_1-.Ltmp0, $4  }
0x10: {  	s26 =	simm.s32 $0x280;
	s6 =	simm.s32 $0x780;
	[dreg:$0x5] =	wrdreg s0  }
0x11: {  	s24 =	ssub.s32 s8, s23;
	s8 =	sadd.s32 s25, s1;
	s12 =	sadd.s32 $0x6A00, s10  }
0x12: {  	s23 =	simm.s32 $0x500;
	s25 =	simm.s32 $0x580;
	s0 =	smax.u32 s24, $0x1  }
0x13: {  	v0 =	vimm.f32 $0.0e+00;
	s24 =	simm.s32 $0x200;
	[dreg:$0x7] =	wrdreg s0;
	s0 =	simm.s32 $0x700  }
.LBB2_11:
0x14: {  	s7 =	sadd.s32 s2, s12;
	[sflag:s14] =	ssyncadd.s32 $0xFFFFC000  }
0x15: {  	[tilespmem:s3], [sflag:$0x3] =	stream.linear.gather [hbm4b:s7+s3], $0x400, $0x38;
	[tilespmem:$0x1C400] =	vst v63  }
0x16: {  	_ =	swait.ge [sflag:s14], $0x400  }
0x17: {  	[sflag:s14] =	ssyncset.done $0x0  }
0x18: {  	s10 =	sadd.s32 s2, s11;
	[sflag:s14] =	ssyncadd.s32 $0xFFFFFC00  }
0x19: {  	[tilespmem:s15], [sflag:$0x3] =	stream.linear.gather [hbm4b:s10+s3], $0x400, $0x38;
	[tilespmem:$0x1C400] =	vst v63  }
0x1a: {  	_ =	swait.ge [sflag:s14], $0x400  }
0x1b: {  	[sflag:s14] =	ssyncset.done $0x0  }
0x1c: {  	[sflag:s14] =	ssyncadd.s32 $0xFFFFFC00  }
0x1d: {  	[tilespmem:s13], [sflag:$0x1] =	stream.indirect.gather [hbm4b:s5+s16], $0x80, s3, s16, $0xb8;
	[tilespmem:$0x1C400] =	vst v63  }
0x1e: {  	_ = 	snop  }
0x1f: {  	[tilespmem:s17], [sflag:$0x2] =	stream.indirect.gather [hbm4b:s5+s16], $0x80, s16, s16, $0xb8;
	[tilespmem:$0x1C400] =	vst v63  }
0x20: {  	_ =	swait.ge [sflag:s18], $0x4000  }
0x21: {  	[sflag:s18] =	ssyncset.done $0x0  }
0x22: {  	[sflag:s18] =	ssyncadd.s32 $0xFFFFC000  }
0x23: {  	[spmem:s1] =	stream.indirect.scatter.add.f32 [tilespmem:s13], [sflag:$0x3], $0x80, s15, s16, $0xb8;
	[tilespmem:$0x1C400] =	vst v63  }
0x24: {  	_ =	swait.ge [sflag:s14], $0x4000  }
0x25: {  	[sflag:s14] =	ssyncset.done $0x0  }
0x26: {  	[sflag:s14] =	ssyncadd.s32 $0xFFFFC000  }
0x27: {  	[tilespmem:s13], [sflag:$0x1] =	stream.indirect.gather [hbm4b:s5+s16], $0x80, s19, s16, $0xb8;
	[tilespmem:$0x1C400] =	vst v63  }
0x28: {  	_ =	swait.ge [sflag:s20], $0x4000  }
0x29: {  	[sflag:s20] =	ssyncset.done $0x0  }
0x2a: {  	[sflag:s20] =	ssyncadd.s32 $0xFFFFC000  }
0x2b: {  	[spmem:s1] =	stream.indirect.scatter.add.f32 [tilespmem:s17], [sflag:$0x3], $0x80, s21, s16, $0xb8;
	[tilespmem:$0x1C400] =	vst v63  }
0x2c: {  	_ =	swait.ge [sflag:s14], $0x4000  }
0x2d: {  	[sflag:s14] =	ssyncset.done $0x0  }
0x2e: {  	[sflag:s14] =	ssyncadd.s32 $0xFFFFC000  }
0x2f: {  	[tilespmem:s17], [sflag:$0x2] =	stream.indirect.gather [hbm4b:s5+s16], $0x80, s22, s16, $0xb8;
	[tilespmem:$0x1C400] =	vst v63  }
0x30: {  	_ =	swait.ge [sflag:s18], $0x4000  }
0x31: {  	[sflag:s18] =	ssyncset.done $0x0  }
0x32: {  	[sflag:s18] =	ssyncadd.s32 $0xFFFFC000  }
0x33: {  	[spmem:s1] =	stream.indirect.scatter.add.f32 [tilespmem:s13], [sflag:$0x3], $0x80, s23, s16, $0xb8;
	[tilespmem:$0x1C400] =	vst v63  }
0x34: {  	_ =	swait.ge [sflag:s14], $0x4000  }
0x35: {  	[sflag:s14] =	ssyncset.done $0x0  }
0x36: {  	[sflag:s14] =	ssyncadd.s32 $0xFFFFC000  }
0x37: {  	[tilespmem:s13], [sflag:$0x1] =	stream.indirect.gather [hbm4b:s5+s16], $0x80, s24, s16, $0xb8;
	[tilespmem:$0x1C400] =	vst v63  }
0x38: {  	_ =	swait.ge [sflag:s20], $0x4000  }
0x39: {  	[sflag:s20] =	ssyncset.done $0x0  }
0x3a: {  	[sflag:s20] =	ssyncadd.s32 $0xFFFFC000  }
0x3b: {  	[spmem:s1] =	stream.indirect.scatter.add.f32 [tilespmem:s17], [sflag:$0x3], $0x80, s25, s16, $0xb8;
	[tilespmem:$0x1C400] =	vst v63  }
0x3c: {  	_ =	swait.ge [sflag:s14], $0x4000  }
0x3d: {  	[sflag:s14] =	ssyncset.done $0x0  }
0x3e: {  	[sflag:s14] =	ssyncadd.s32 $0xFFFFC000  }
0x3f: {  	[tilespmem:s17], [sflag:$0x2] =	stream.indirect.gather [hbm4b:s5+s16], $0x80, s26, s16, $0xb8;
	[tilespmem:$0x1C400] =	vst v63  }
0x40: {  	_ =	swait.ge [sflag:s18], $0x4000  }
0x41: {  	[sflag:s18] =	ssyncset.done $0x0  }
0x42: {  	[sflag:s18] =	ssyncadd.s32 $0xFFFFC000  }
0x43: {  	[spmem:s1] =	stream.indirect.scatter.add.f32 [tilespmem:s13], [sflag:$0x3], $0x80, s28, s16, $0xb8;
	[tilespmem:$0x1C400] =	vst v63  }
0x44: {  	_ =	swait.ge [sflag:s14], $0x4000  }
0x45: {  	[sflag:s14] =	ssyncset.done $0x0  }
0x46: {  	[sflag:s14] =	ssyncadd.s32 $0xFFFFC000  }
0x47: {  	[tilespmem:s13], [sflag:$0x1] =	stream.indirect.gather [hbm4b:s5+s16], $0x80, s29, s16, $0xb8;
	[tilespmem:$0x1C400] =	vst v63  }
0x48: {  	_ =	swait.ge [sflag:s20], $0x4000  }
0x49: {  	[sflag:s20] =	ssyncset.done $0x0  }
0x4a: {  	[sflag:s20] =	ssyncadd.s32 $0xFFFFC000  }
0x4b: {  	[spmem:s1] =	stream.indirect.scatter.add.f32 [tilespmem:s17], [sflag:$0x3], $0x80, s30, s16, $0xb8;
	[tilespmem:$0x1C400] =	vst v63  }
0x4c: {  	_ =	swait.ge [sflag:s14], $0x4000  }
0x4d: {  	[sflag:s14] =	ssyncset.done $0x0  }
0x4e: {  	[sflag:s14] =	ssyncadd.s32 $0xFFFFC000  }
0x4f: {  	[tilespmem:s17], [sflag:$0x2] =	stream.indirect.gather [hbm4b:s5+s16], $0x80, s31, s16, $0xb8;
	[tilespmem:$0x1C400] =	vst v63  }
0x50: {  	_ =	swait.ge [sflag:s18], $0x4000  }
0x51: {  	[sflag:s18] =	ssyncset.done $0x0  }
0x52: {  	[sflag:s18] =	ssyncadd.s32 $0xFFFFC000  }
0x53: {  	[spmem:s1] =	stream.indirect.scatter.add.f32 [tilespmem:s13], [sflag:$0x3], $0x80, s0, s16, $0xb8;
	[tilespmem:$0x1C400] =	vst v63  }
0x54: {  	_ =	swait.ge [sflag:s14], $0x4000  }
0x55: {  	[sflag:s14] =	ssyncset.done $0x0  }
0x56: {  	[sflag:s14] =	ssyncadd.s32 $0xFFFFC000  }
0x57: {  	_ =	swait.ge [sflag:s20], $0x4000  }
0x58: {  	[sflag:s20] =	ssyncset.done $0x0  }
0x59: {  	[sflag:s20] =	ssyncadd.s32 $0xFFFFC000  }
0x5a: {  	[spmem:s1] =	stream.indirect.scatter.add.f32 [tilespmem:s17], [sflag:$0x3], $0x80, s6, s16, $0xb8;
	[tilespmem:$0x1C400] =	vst v63  }
0x5b: {  	_ =	swait.ge [sflag:s14], $0x4000  }
0x5c: {  	[sflag:s14] =	ssyncset.done $0x0;
	s2 =	rddreg [dreg:$0x5]  }
0x5d: {  	s10 =	rddreg [dreg:$0x8];
	[sflag:s14] =	ssyncadd.s32 $0xFFFFC000  }
.LBB2_12:
0x5e: {  	s7 =	rddreg [dreg:$0x6];
	s9 =	stileid.u32  }
0x5f: {  	s2 =	sadd.s32 s2, s7;
	s7 =	sshll.u32 s9, $0x6  }
0x60: {  	[bflag:$0x0] =	sbarrier.arrive $0xFFFF;
	s9 =	sshrl.u32 s8, $0x3;
	s7 =	sor.u32 $0x1C03, s7  }
0x61: {  	[hbm:s2], [sflag:s7] =	dma.local [spmem:s9], $0x2780  }
0x62: {  	_ =	swait.ge [sflag:s14], $0x2780  }
0x63: {  	s7 =	sadd.s32 $0x1, s10;
	s10 =	rddreg [dreg:$0x7]  }
0x64: {  	p1 =	sne.s32 s7, s10  }
.Ltmp1:
0x65: {  	_ = 	snop;
	(pc) =	sbr.rel @!p1 .LBB2_13-.Ltmp1, $3  }
0x66: {  	_ =	sdelay $0x1  }
0x67: {  	[sflag:s14] =	ssyncset.done $0x0  }
0x68: {  	[sflag:s14] =	ssyncadd.s32 $0xFFFFD880  }
.LBB2_1:
0x69: {  	s2 =	simm.s32 $0x0;
	s9 =	simm.s32 $0x200  }
.LBB2_2:
0x6a: {  	p1 =	sne.s32 s9, $0xFE00;
	[tilespmem:s2+$0x870] =	vst v0  }
0x6b: {  	[tilespmem:s2+$0x800] =	vst v0  }
0x6c: {  	[tilespmem:s2+$0x810] =	vst v0  }
.Ltmp2:
0x6d: {  	[tilespmem:s2+$0x820] =	vst v0;
	(pc) =	sbr.rel @p1 .LBB2_2-.Ltmp2, $4  }
0x6e: {  	[tilespmem:s2+$0x830] =	vst v0  }
0x6f: {  	[tilespmem:s2+$0x840] =	vst v0  }
0x70: {  	[tilespmem:s2+$0x850] =	vst v0  }
0x71: {  	[tilespmem:s2+$0x860] =	vst v0;
	s2 =	sshra.s32 s9, $0x2;
	s9 =	sadd.s32 $0x200, s9  }
0x72: {  	[tilespmem:s2+$0x870] =	vst v0  }
0x73: {  	[tilespmem:s2+$0x800] =	vst v0  }
0x74: {  	[tilespmem:s2+$0x810] =	vst v0  }
0x75: {  	[tilespmem:s2+$0x820] =	vst v0  }
0x76: {  	[tilespmem:s2+$0x830] =	vst v0  }
0x77: {  	[tilespmem:s2+$0x840] =	vst v0  }
0x78: {  	[tilespmem:s2+$0x850] =	vst v0  }
0x79: {  	[tilespmem:s2+$0x860] =	vst v0;
	s10 =	sadd.s32 $0x0, s8  }
0x7a: {  	[spmem:s10] =	stream.linear.scatter [tilespmem:s13], [sflag:$0x3], $0x400, $0x38;
	[tilespmem:$0x1C400] =	vst v63  }
0x7b: {  	s2 =	simm.s32 $0x1000;
	_ =	swait.ge [sflag:s14], $0x400  }
.LBB2_4:
0x7c: {  	s9 =	sshra.s32 s2, $0x2;
	[sflag:s14] =	ssyncset.done $0x0;
	p1 =	sne.s32 s2, $0x4E000  }
.Ltmp3:
0x7d: {  	s9 =	sadd.s32 s9, s8;
	[sflag:s14] =	ssyncadd.s32 $0xFFFFFC00;
	(pc) =	sbr.rel @p1 .LBB2_4-.Ltmp3, $3  }
0x7e: {  	[spmem:s9] =	stream.linear.scatter [tilespmem:s13], [sflag:$0x3], $0x400, $0x38;
	[tilespmem:$0x1C400] =	vst v63  }
0x7f: {  	s2 =	sadd.s32 $0x1000, s2;
	_ =	sdelay $0x1  }
0x80: {  	_ =	swait.ge [sflag:s14], $0x400  }
.Ltmp4:
0x81: {  	(pc) =	sbr.rel @p0 .LBB2_9-.Ltmp4, $4  }
0x82: {  	[sflag:s14] =	ssyncset.done $0x0  }
0x83: {  	[dreg:$0x8] =	wrdreg s7;
	[sflag:s14] =	ssyncadd.s32 $0xFFFFFC00  }
0x84: {  	[bflag:$0x0] =	sbarrier.arrive $0xFFFF  }
0x85: {  	s2 =	sadd.s32 $0x0, s12  }
0x86: {  	[tilespmem:s3], [sflag:$0x3] =	stream.linear.gather [hbm4b:s2+s3], $0x400, $0x38;
	[tilespmem:$0x1C400] =	vst v63  }
0x87: {  	_ =	swait.ge [sflag:s14], $0x400  }
0x88: {  	[sflag:s14] =	ssyncset.done $0x0  }
0x89: {  	s10 =	sadd.s32 $0x0, s11;
	[sflag:s14] =	ssyncadd.s32 $0xFFFFFC00  }
0x8a: {  	[tilespmem:s15], [sflag:$0x3] =	stream.linear.gather [hbm4b:s10+s3], $0x400, $0x38;
	[tilespmem:$0x1C400] =	vst v63  }
0x8b: {  	_ =	swait.ge [sflag:s14], $0x400  }
0x8c: {  	[sflag:s14] =	ssyncset.done $0x0  }
0x8d: {  	[sflag:s14] =	ssyncadd.s32 $0xFFFFFC00  }
0x8e: {  	[tilespmem:s13], [sflag:$0x1] =	stream.indirect.gather [hbm4b:s4+s16], $0x80, s3, s16, $0xb8;
	[tilespmem:$0x1C400] =	vst v63  }
0x8f: {  	_ = 	snop  }
0x90: {  	[tilespmem:s17], [sflag:$0x2] =	stream.indirect.gather [hbm4b:s4+s16], $0x80, s16, s16, $0xb8;
	[tilespmem:$0x1C400] =	vst v63  }
0x91: {  	_ =	swait.ge [sflag:s18], $0x4000  }
0x92: {  	[sflag:s18] =	ssyncset.done $0x0  }
0x93: {  	[sflag:s18] =	ssyncadd.s32 $0xFFFFC000  }
0x94: {  	[spmem:s1] =	stream.indirect.scatter.add.f32 [tilespmem:s13], [sflag:$0x3], $0x80, s15, s16, $0xb8;
	[tilespmem:$0x1C400] =	vst v63  }
0x95: {  	_ =	swait.ge [sflag:s14], $0x4000  }
0x96: {  	[sflag:s14] =	ssyncset.done $0x0  }
0x97: {  	[sflag:s14] =	ssyncadd.s32 $0xFFFFC000  }
0x98: {  	[tilespmem:s13], [sflag:$0x1] =	stream.indirect.gather [hbm4b:s4+s16], $0x80, s19, s16, $0xb8;
	[tilespmem:$0x1C400] =	vst v63  }
0x99: {  	_ =	swait.ge [sflag:s20], $0x4000  }
0x9a: {  	[sflag:s20] =	ssyncset.done $0x0  }
0x9b: {  	[sflag:s20] =	ssyncadd.s32 $0xFFFFC000  }
0x9c: {  	[spmem:s1] =	stream.indirect.scatter.add.f32 [tilespmem:s17], [sflag:$0x3], $0x80, s21, s16, $0xb8;
	[tilespmem:$0x1C400] =	vst v63  }
0x9d: {  	_ =	swait.ge [sflag:s14], $0x4000  }
0x9e: {  	[sflag:s14] =	ssyncset.done $0x0  }
0x9f: {  	[sflag:s14] =	ssyncadd.s32 $0xFFFFC000  }
0xa0: {  	[tilespmem:s17], [sflag:$0x2] =	stream.indirect.gather [hbm4b:s4+s16], $0x80, s22, s16, $0xb8;
	[tilespmem:$0x1C400] =	vst v63  }
0xa1: {  	_ =	swait.ge [sflag:s18], $0x4000  }
0xa2: {  	[sflag:s18] =	ssyncset.done $0x0  }
0xa3: {  	[sflag:s18] =	ssyncadd.s32 $0xFFFFC000  }
0xa4: {  	[spmem:s1] =	stream.indirect.scatter.add.f32 [tilespmem:s13], [sflag:$0x3], $0x80, s23, s16, $0xb8;
	[tilespmem:$0x1C400] =	vst v63  }
0xa5: {  	_ =	swait.ge [sflag:s14], $0x4000  }
0xa6: {  	[sflag:s14] =	ssyncset.done $0x0  }
0xa7: {  	[sflag:s14] =	ssyncadd.s32 $0xFFFFC000  }
0xa8: {  	[tilespmem:s13], [sflag:$0x1] =	stream.indirect.gather [hbm4b:s4+s16], $0x80, s24, s16, $0xb8;
	[tilespmem:$0x1C400] =	vst v63  }
0xa9: {  	_ =	swait.ge [sflag:s20], $0x4000  }
0xaa: {  	[sflag:s20] =	ssyncset.done $0x0  }
0xab: {  	[sflag:s20] =	ssyncadd.s32 $0xFFFFC000  }
0xac: {  	[spmem:s1] =	stream.indirect.scatter.add.f32 [tilespmem:s17], [sflag:$0x3], $0x80, s25, s16, $0xb8;
	[tilespmem:$0x1C400] =	vst v63  }
0xad: {  	_ =	swait.ge [sflag:s14], $0x4000  }
0xae: {  	[sflag:s14] =	ssyncset.done $0x0  }
0xaf: {  	[sflag:s14] =	ssyncadd.s32 $0xFFFFC000  }
0xb0: {  	[tilespmem:s17], [sflag:$0x2] =	stream.indirect.gather [hbm4b:s4+s16], $0x80, s26, s16, $0xb8;
	[tilespmem:$0x1C400] =	vst v63  }
0xb1: {  	_ =	swait.ge [sflag:s18], $0x4000  }
0xb2: {  	[sflag:s18] =	ssyncset.done $0x0  }
0xb3: {  	[sflag:s18] =	ssyncadd.s32 $0xFFFFC000  }
0xb4: {  	[spmem:s1] =	stream.indirect.scatter.add.f32 [tilespmem:s13], [sflag:$0x3], $0x80, s28, s16, $0xb8;
	[tilespmem:$0x1C400] =	vst v63  }
0xb5: {  	_ =	swait.ge [sflag:s14], $0x4000  }
0xb6: {  	[sflag:s14] =	ssyncset.done $0x0  }
0xb7: {  	[sflag:s14] =	ssyncadd.s32 $0xFFFFC000  }
0xb8: {  	[tilespmem:s13], [sflag:$0x1] =	stream.indirect.gather [hbm4b:s4+s16], $0x80, s29, s16, $0xb8;
	[tilespmem:$0x1C400] =	vst v63  }
0xb9: {  	_ =	swait.ge [sflag:s20], $0x4000  }
0xba: {  	[sflag:s20] =	ssyncset.done $0x0  }
0xbb: {  	[sflag:s20] =	ssyncadd.s32 $0xFFFFC000  }
0xbc: {  	[spmem:s1] =	stream.indirect.scatter.add.f32 [tilespmem:s17], [sflag:$0x3], $0x80, s30, s16, $0xb8;
	[tilespmem:$0x1C400] =	vst v63  }
0xbd: {  	_ =	swait.ge [sflag:s14], $0x4000  }
0xbe: {  	[sflag:s14] =	ssyncset.done $0x0  }
0xbf: {  	[sflag:s14] =	ssyncadd.s32 $0xFFFFC000  }
0xc0: {  	[tilespmem:s17], [sflag:$0x2] =	stream.indirect.gather [hbm4b:s4+s16], $0x80, s31, s16, $0xb8;
	[tilespmem:$0x1C400] =	vst v63  }
0xc1: {  	_ =	swait.ge [sflag:s18], $0x4000  }
0xc2: {  	[sflag:s18] =	ssyncset.done $0x0  }
0xc3: {  	[sflag:s18] =	ssyncadd.s32 $0xFFFFC000  }
0xc4: {  	[spmem:s1] =	stream.indirect.scatter.add.f32 [tilespmem:s13], [sflag:$0x3], $0x80, s0, s16, $0xb8;
	[tilespmem:$0x1C400] =	vst v63  }
0xc5: {  	_ =	swait.ge [sflag:s14], $0x4000  }
0xc6: {  	[sflag:s14] =	ssyncset.done $0x0  }
0xc7: {  	[sflag:s14] =	ssyncadd.s32 $0xFFFFC000  }
0xc8: {  	_ =	swait.ge [sflag:s20], $0x4000  }
0xc9: {  	[sflag:s20] =	ssyncset.done $0x0  }
0xca: {  	[sflag:s20] =	ssyncadd.s32 $0xFFFFC000  }
0xcb: {  	[spmem:s1] =	stream.indirect.scatter.add.f32 [tilespmem:s17], [sflag:$0x3], $0x80, s6, s16, $0xb8;
	[tilespmem:$0x1C400] =	vst v63  }
0xcc: {  	_ =	swait.ge [sflag:s14], $0x4000  }
0xcd: {  	s2 =	simm.s32 $0x80;
	s9 =	simm.s32 $0x100;
	[sflag:s14] =	ssyncset.done $0x0  }
.LBB2_7:
0xce: {  	s7 =	sadd.s32 s2, s12  }
0xcf: {  	[sflag:s14] =	ssyncadd.s32 $0xFFFFC000;
	s19 =	smov.u32 s9;
	s10 =	sadd.s32 $0x80, s9  }
0xd0: {  	[tilespmem:s3], [sflag:$0x3] =	stream.linear.gather [hbm4b:s7+s3], $0x400, $0x38;
	[tilespmem:$0x1C400] =	vst v63  }
0xd1: {  	p1 =	seq.s32 s9, $0x480;
	_ =	swait.ge [sflag:s14], $0x400  }
0xd2: {  	s7 =	sadd.s32 s2, s11;
	[sflag:s14] =	ssyncset.done $0x0  }
0xd3: {  	s2 =	smov.u32 s19;
	s19 =	simm.s32 $0x100;
	[sflag:s14] =	ssyncadd.s32 $0xFFFFFC00  }
0xd4: {  	[tilespmem:s15], [sflag:$0x3] =	stream.linear.gather [hbm4b:s7+s3], $0x400, $0x38;
	[tilespmem:$0x1C400] =	vst v63  }
0xd5: {  	_ =	swait.ge [sflag:s14], $0x400  }
0xd6: {  	[sflag:s14] =	ssyncset.done $0x0  }
0xd7: {  	[sflag:s14] =	ssyncadd.s32 $0xFFFFFC00  }
0xd8: {  	[tilespmem:s13], [sflag:$0x1] =	stream.indirect.gather [hbm4b:s4+s16], $0x80, s3, s16, $0xb8;
	[tilespmem:$0x1C400] =	vst v63  }
0xd9: {  	_ = 	snop  }
0xda: {  	[tilespmem:s17], [sflag:$0x2] =	stream.indirect.gather [hbm4b:s4+s16], $0x80, s16, s16, $0xb8;
	[tilespmem:$0x1C400] =	vst v63  }
0xdb: {  	_ =	swait.ge [sflag:s18], $0x4000  }
0xdc: {  	[sflag:s18] =	ssyncset.done $0x0  }
0xdd: {  	[sflag:s18] =	ssyncadd.s32 $0xFFFFC000  }
0xde: {  	[spmem:s1] =	stream.indirect.scatter.add.f32 [tilespmem:s13], [sflag:$0x3], $0x80, s15, s16, $0xb8;
	[tilespmem:$0x1C400] =	vst v63  }
0xdf: {  	_ =	swait.ge [sflag:s14], $0x4000  }
0xe0: {  	[sflag:s14] =	ssyncset.done $0x0  }
0xe1: {  	[sflag:s14] =	ssyncadd.s32 $0xFFFFC000  }
0xe2: {  	[tilespmem:s13], [sflag:$0x1] =	stream.indirect.gather [hbm4b:s4+s16], $0x80, s19, s16, $0xb8;
	[tilespmem:$0x1C400] =	vst v63  }
0xe3: {  	_ =	swait.ge [sflag:s20], $0x4000  }
0xe4: {  	[sflag:s20] =	ssyncset.done $0x0  }
0xe5: {  	[sflag:s20] =	ssyncadd.s32 $0xFFFFC000  }
0xe6: {  	[spmem:s1] =	stream.indirect.scatter.add.f32 [tilespmem:s17], [sflag:$0x3], $0x80, s21, s16, $0xb8;
	[tilespmem:$0x1C400] =	vst v63  }
0xe7: {  	_ =	swait.ge [sflag:s14], $0x4000  }
0xe8: {  	[sflag:s14] =	ssyncset.done $0x0  }
0xe9: {  	[sflag:s14] =	ssyncadd.s32 $0xFFFFC000  }
0xea: {  	[tilespmem:s17], [sflag:$0x2] =	stream.indirect.gather [hbm4b:s4+s16], $0x80, s22, s16, $0xb8;
	[tilespmem:$0x1C400] =	vst v63  }
0xeb: {  	_ =	swait.ge [sflag:s18], $0x4000  }
0xec: {  	[sflag:s18] =	ssyncset.done $0x0  }
0xed: {  	[sflag:s18] =	ssyncadd.s32 $0xFFFFC000  }
0xee: {  	[spmem:s1] =	stream.indirect.scatter.add.f32 [tilespmem:s13], [sflag:$0x3], $0x80, s23, s16, $0xb8;
	[tilespmem:$0x1C400] =	vst v63  }
0xef: {  	_ =	swait.ge [sflag:s14], $0x4000  }
0xf0: {  	[sflag:s14] =	ssyncset.done $0x0  }
0xf1: {  	[sflag:s14] =	ssyncadd.s32 $0xFFFFC000  }
0xf2: {  	[tilespmem:s13], [sflag:$0x1] =	stream.indirect.gather [hbm4b:s4+s16], $0x80, s24, s16, $0xb8;
	[tilespmem:$0x1C400] =	vst v63  }
0xf3: {  	_ =	swait.ge [sflag:s20], $0x4000  }
0xf4: {  	[sflag:s20] =	ssyncset.done $0x0  }
0xf5: {  	[sflag:s20] =	ssyncadd.s32 $0xFFFFC000  }
0xf6: {  	[spmem:s1] =	stream.indirect.scatter.add.f32 [tilespmem:s17], [sflag:$0x3], $0x80, s25, s16, $0xb8;
	[tilespmem:$0x1C400] =	vst v63  }
0xf7: {  	_ =	swait.ge [sflag:s14], $0x4000  }
0xf8: {  	[sflag:s14] =	ssyncset.done $0x0  }
0xf9: {  	[sflag:s14] =	ssyncadd.s32 $0xFFFFC000  }
0xfa: {  	[tilespmem:s17], [sflag:$0x2] =	stream.indirect.gather [hbm4b:s4+s16], $0x80, s26, s16, $0xb8;
	[tilespmem:$0x1C400] =	vst v63  }
0xfb: {  	_ =	swait.ge [sflag:s18], $0x4000  }
0xfc: {  	[sflag:s18] =	ssyncset.done $0x0  }
0xfd: {  	[sflag:s18] =	ssyncadd.s32 $0xFFFFC000  }
0xfe: {  	[spmem:s1] =	stream.indirect.scatter.add.f32 [tilespmem:s13], [sflag:$0x3], $0x80, s28, s16, $0xb8;
	[tilespmem:$0x1C400] =	vst v63  }
0xff: {  	_ =	swait.ge [sflag:s14], $0x4000  }
0x100: {  	[sflag:s14] =	ssyncset.done $0x0  }
0x101: {  	[sflag:s14] =	ssyncadd.s32 $0xFFFFC000  }
0x102: {  	[tilespmem:s13], [sflag:$0x1] =	stream.indirect.gather [hbm4b:s4+s16], $0x80, s29, s16, $0xb8;
	[tilespmem:$0x1C400] =	vst v63  }
0x103: {  	_ =	swait.ge [sflag:s20], $0x4000  }
0x104: {  	[sflag:s20] =	ssyncset.done $0x0  }
0x105: {  	[sflag:s20] =	ssyncadd.s32 $0xFFFFC000  }
0x106: {  	[spmem:s1] =	stream.indirect.scatter.add.f32 [tilespmem:s17], [sflag:$0x3], $0x80, s30, s16, $0xb8;
	[tilespmem:$0x1C400] =	vst v63  }
0x107: {  	_ =	swait.ge [sflag:s14], $0x4000  }
0x108: {  	[sflag:s14] =	ssyncset.done $0x0  }
0x109: {  	[sflag:s14] =	ssyncadd.s32 $0xFFFFC000  }
0x10a: {  	[tilespmem:s17], [sflag:$0x2] =	stream.indirect.gather [hbm4b:s4+s16], $0x80, s31, s16, $0xb8;
	[tilespmem:$0x1C400] =	vst v63  }
0x10b: {  	_ =	swait.ge [sflag:s18], $0x4000  }
0x10c: {  	[sflag:s18] =	ssyncset.done $0x0  }
0x10d: {  	[sflag:s18] =	ssyncadd.s32 $0xFFFFC000  }
0x10e: {  	[spmem:s1] =	stream.indirect.scatter.add.f32 [tilespmem:s13], [sflag:$0x3], $0x80, s0, s16, $0xb8;
	[tilespmem:$0x1C400] =	vst v63  }
0x10f: {  	_ =	swait.ge [sflag:s14], $0x4000  }
0x110: {  	[sflag:s14] =	ssyncset.done $0x0  }
0x111: {  	[sflag:s14] =	ssyncadd.s32 $0xFFFFC000  }
0x112: {  	_ =	swait.ge [sflag:s20], $0x4000  }
.Ltmp5:
0x113: {  	[sflag:s20] =	ssyncset.done $0x0;
	(pc) =	sbr.rel @!p1 .LBB2_7-.Ltmp5, $4  }
0x114: {  	[sflag:s20] =	ssyncadd.s32 $0xFFFFC000  }
0x115: {  	[spmem:s1] =	stream.indirect.scatter.add.f32 [tilespmem:s17], [sflag:$0x3], $0x80, s6, s16, $0xb8;
	[tilespmem:$0x1C400] =	vst v63  }
0x116: {  	_ =	swait.ge [sflag:s14], $0x4000  }
0x117: {  	s9 =	smov.u32 s10;
	[sflag:s14] =	ssyncset.done $0x0  }
0x118: {  	s7 =	sadd.s32 s2, s12;
	[sflag:s14] =	ssyncadd.s32 $0xFFFFC000  }
0x119: {  	[tilespmem:s3], [sflag:$0x3] =	stream.linear.gather [hbm4b:s7+s3], $0x400, $0x38;
	[tilespmem:$0x1C400] =	vst v63  }
0x11a: {  	_ =	swait.ge [sflag:s14], $0x400  }
0x11b: {  	[sflag:s14] =	ssyncset.done $0x0  }
0x11c: {  	s10 =	sadd.s32 s2, s11;
	[sflag:s14] =	ssyncadd.s32 $0xFFFFFC00  }
0x11d: {  	[tilespmem:s15], [sflag:$0x3] =	stream.linear.gather [hbm4b:s10+s3], $0x400, $0x38;
	[tilespmem:$0x1C400] =	vst v63  }
0x11e: {  	_ =	swait.ge [sflag:s14], $0x400  }
0x11f: {  	[sflag:s14] =	ssyncset.done $0x0  }
0x120: {  	[sflag:s14] =	ssyncadd.s32 $0xFFFFFC00  }
0x121: {  	[tilespmem:s13], [sflag:$0x1] =	stream.indirect.gather [hbm4b:s4+s16], $0x80, s3, s16, $0xb8;
	[tilespmem:$0x1C400] =	vst v63  }
0x122: {  	_ = 	snop  }
0x123: {  	[tilespmem:s17], [sflag:$0x2] =	stream.indirect.gather [hbm4b:s4+s16], $0x80, s16, s16, $0xb8;
	[tilespmem:$0x1C400] =	vst v63  }
0x124: {  	_ =	swait.ge [sflag:s18], $0x4000  }
0x125: {  	[sflag:s18] =	ssyncset.done $0x0  }
0x126: {  	[sflag:s18] =	ssyncadd.s32 $0xFFFFC000  }
0x127: {  	[spmem:s1] =	stream.indirect.scatter.add.f32 [tilespmem:s13], [sflag:$0x3], $0x80, s15, s16, $0xb8;
	[tilespmem:$0x1C400] =	vst v63  }
0x128: {  	_ =	swait.ge [sflag:s14], $0x4000  }
0x129: {  	[sflag:s14] =	ssyncset.done $0x0  }
0x12a: {  	[sflag:s14] =	ssyncadd.s32 $0xFFFFC000  }
0x12b: {  	[tilespmem:s13], [sflag:$0x1] =	stream.indirect.gather [hbm4b:s4+s16], $0x80, s19, s16, $0xb8;
	[tilespmem:$0x1C400] =	vst v63  }
0x12c: {  	_ =	swait.ge [sflag:s20], $0x4000  }
0x12d: {  	[sflag:s20] =	ssyncset.done $0x0  }
0x12e: {  	[sflag:s20] =	ssyncadd.s32 $0xFFFFC000  }
0x12f: {  	[spmem:s1] =	stream.indirect.scatter.add.f32 [tilespmem:s17], [sflag:$0x3], $0x80, s21, s16, $0xb8;
	[tilespmem:$0x1C400] =	vst v63  }
0x130: {  	_ =	swait.ge [sflag:s14], $0x4000  }
0x131: {  	[sflag:s14] =	ssyncset.done $0x0  }
0x132: {  	[sflag:s14] =	ssyncadd.s32 $0xFFFFC000  }
0x133: {  	[tilespmem:s17], [sflag:$0x2] =	stream.indirect.gather [hbm4b:s4+s16], $0x80, s22, s16, $0xb8;
	[tilespmem:$0x1C400] =	vst v63  }
0x134: {  	_ =	swait.ge [sflag:s18], $0x4000  }
0x135: {  	[sflag:s18] =	ssyncset.done $0x0  }
0x136: {  	[sflag:s18] =	ssyncadd.s32 $0xFFFFC000  }
0x137: {  	[spmem:s1] =	stream.indirect.scatter.add.f32 [tilespmem:s13], [sflag:$0x3], $0x80, s23, s16, $0xb8;
	[tilespmem:$0x1C400] =	vst v63  }
0x138: {  	_ =	swait.ge [sflag:s14], $0x4000  }
0x139: {  	[sflag:s14] =	ssyncset.done $0x0  }
0x13a: {  	[sflag:s14] =	ssyncadd.s32 $0xFFFFC000  }
0x13b: {  	[tilespmem:s13], [sflag:$0x1] =	stream.indirect.gather [hbm4b:s4+s16], $0x80, s24, s16, $0xb8;
	[tilespmem:$0x1C400] =	vst v63  }
0x13c: {  	_ =	swait.ge [sflag:s20], $0x4000  }
0x13d: {  	[sflag:s20] =	ssyncset.done $0x0  }
0x13e: {  	[sflag:s20] =	ssyncadd.s32 $0xFFFFC000  }
0x13f: {  	[spmem:s1] =	stream.indirect.scatter.add.f32 [tilespmem:s17], [sflag:$0x3], $0x80, s25, s16, $0xb8;
	[tilespmem:$0x1C400] =	vst v63  }
0x140: {  	_ =	swait.ge [sflag:s14], $0x4000  }
0x141: {  	[sflag:s14] =	ssyncset.done $0x0  }
0x142: {  	[sflag:s14] =	ssyncadd.s32 $0xFFFFC000  }
0x143: {  	[tilespmem:s17], [sflag:$0x2] =	stream.indirect.gather [hbm4b:s4+s16], $0x80, s26, s16, $0xb8;
	[tilespmem:$0x1C400] =	vst v63  }
0x144: {  	_ =	swait.ge [sflag:s18], $0x4000  }
0x145: {  	[sflag:s18] =	ssyncset.done $0x0  }
0x146: {  	[sflag:s18] =	ssyncadd.s32 $0xFFFFC000  }
0x147: {  	[spmem:s1] =	stream.indirect.scatter.add.f32 [tilespmem:s13], [sflag:$0x3], $0x80, s28, s16, $0xb8;
	[tilespmem:$0x1C400] =	vst v63  }
0x148: {  	_ =	swait.ge [sflag:s14], $0x4000  }
0x149: {  	[sflag:s14] =	ssyncset.done $0x0  }
0x14a: {  	[sflag:s14] =	ssyncadd.s32 $0xFFFFC000  }
0x14b: {  	[tilespmem:s13], [sflag:$0x1] =	stream.indirect.gather [hbm4b:s4+s16], $0x80, s29, s16, $0xb8;
	[tilespmem:$0x1C400] =	vst v63  }
0x14c: {  	_ =	swait.ge [sflag:s20], $0x4000  }
0x14d: {  	[sflag:s20] =	ssyncset.done $0x0  }
0x14e: {  	[sflag:s20] =	ssyncadd.s32 $0xFFFFC000  }
0x14f: {  	[spmem:s1] =	stream.indirect.scatter.add.f32 [tilespmem:s17], [sflag:$0x3], $0x80, s30, s16, $0xb8;
	[tilespmem:$0x1C400] =	vst v63  }
0x150: {  	_ =	swait.ge [sflag:s14], $0x4000  }
0x151: {  	[sflag:s14] =	ssyncset.done $0x0  }
0x152: {  	[sflag:s14] =	ssyncadd.s32 $0xFFFFC000  }
0x153: {  	[tilespmem:s17], [sflag:$0x2] =	stream.indirect.gather [hbm4b:s4+s16], $0x80, s31, s16, $0xb8;
	[tilespmem:$0x1C400] =	vst v63  }
0x154: {  	_ =	swait.ge [sflag:s18], $0x4000  }
0x155: {  	[sflag:s18] =	ssyncset.done $0x0  }
0x156: {  	[sflag:s18] =	ssyncadd.s32 $0xFFFFC000  }
0x157: {  	[spmem:s1] =	stream.indirect.scatter.add.f32 [tilespmem:s13], [sflag:$0x3], $0x80, s0, s16, $0xb8;
	[tilespmem:$0x1C400] =	vst v63  }
0x158: {  	_ =	swait.ge [sflag:s14], $0x4000  }
0x159: {  	[sflag:s14] =	ssyncset.done $0x0  }
0x15a: {  	[sflag:s14] =	ssyncadd.s32 $0xFFFFC000  }
0x15b: {  	_ =	swait.ge [sflag:s20], $0x4000  }
0x15c: {  	[sflag:s20] =	ssyncset.done $0x0  }
.Ltmp6:
0x15d: {  	[sflag:s20] =	ssyncadd.s32 $0xFFFFC000;
	(pc) =	sbr.rel .LBB2_12-.Ltmp6, $4  }
0x15e: {  	[spmem:s1] =	stream.indirect.scatter.add.f32 [tilespmem:s17], [sflag:$0x3], $0x80, s6, s16, $0xb8;
	[tilespmem:$0x1C400] =	vst v63  }
0x15f: {  	_ =	swait.ge [sflag:s14], $0x4000  }
0x160: {  	[sflag:s14] =	ssyncset.done $0x0;
	s2 =	rddreg [dreg:$0x4]  }
0x161: {  	s10 =	rddreg [dreg:$0x8];
	[sflag:s14] =	ssyncadd.s32 $0xFFFFC000  }
.LBB2_9:
0x162: {  	[tilespmem:s3], [sflag:$0x3] =	stream.linear.gather [hbm4b:s2+s3], $0x400, $0x38;
	[tilespmem:$0x1C400] =	vst v63  }
0x163: {  	_ =	swait.ge [sflag:s14], $0x400  }
0x164: {  	[sflag:s14] =	ssyncset.done $0x0  }
0x165: {  	s10 =	sadd.s32 $0x0, s11;
	[sflag:s14] =	ssyncadd.s32 $0xFFFFFC00  }
0x166: {  	[tilespmem:s15], [sflag:$0x3] =	stream.linear.gather [hbm4b:s10+s3], $0x400, $0x38;
	[tilespmem:$0x1C400] =	vst v63  }
0x167: {  	_ =	swait.ge [sflag:s14], $0x400  }
0x168: {  	[sflag:s14] =	ssyncset.done $0x0  }
0x169: {  	[sflag:s14] =	ssyncadd.s32 $0xFFFFFC00  }
0x16a: {  	[tilespmem:s13], [sflag:$0x1] =	stream.indirect.gather [hbm4b:s5+s16], $0x80, s3, s16, $0xb8;
	[tilespmem:$0x1C400] =	vst v63  }
0x16b: {  	_ = 	snop  }
0x16c: {  	[tilespmem:s17], [sflag:$0x2] =	stream.indirect.gather [hbm4b:s5+s16], $0x80, s16, s16, $0xb8;
	[tilespmem:$0x1C400] =	vst v63  }
0x16d: {  	_ =	swait.ge [sflag:s18], $0x4000  }
0x16e: {  	[sflag:s18] =	ssyncset.done $0x0  }
0x16f: {  	[sflag:s18] =	ssyncadd.s32 $0xFFFFC000  }
0x170: {  	[spmem:s1] =	stream.indirect.scatter.add.f32 [tilespmem:s13], [sflag:$0x3], $0x80, s15, s16, $0xb8;
	[tilespmem:$0x1C400] =	vst v63  }
0x171: {  	_ =	swait.ge [sflag:s14], $0x4000  }
0x172: {  	[sflag:s14] =	ssyncset.done $0x0  }
0x173: {  	[sflag:s14] =	ssyncadd.s32 $0xFFFFC000  }
0x174: {  	[tilespmem:s13], [sflag:$0x1] =	stream.indirect.gather [hbm4b:s5+s16], $0x80, s19, s16, $0xb8;
	[tilespmem:$0x1C400] =	vst v63  }
0x175: {  	_ =	swait.ge [sflag:s20], $0x4000  }
0x176: {  	[sflag:s20] =	ssyncset.done $0x0  }
0x177: {  	[sflag:s20] =	ssyncadd.s32 $0xFFFFC000  }
0x178: {  	[spmem:s1] =	stream.indirect.scatter.add.f32 [tilespmem:s17], [sflag:$0x3], $0x80, s21, s16, $0xb8;
	[tilespmem:$0x1C400] =	vst v63  }
0x179: {  	_ =	swait.ge [sflag:s14], $0x4000  }
0x17a: {  	[sflag:s14] =	ssyncset.done $0x0  }
0x17b: {  	[sflag:s14] =	ssyncadd.s32 $0xFFFFC000  }
0x17c: {  	[tilespmem:s17], [sflag:$0x2] =	stream.indirect.gather [hbm4b:s5+s16], $0x80, s22, s16, $0xb8;
	[tilespmem:$0x1C400] =	vst v63  }
0x17d: {  	_ =	swait.ge [sflag:s18], $0x4000  }
0x17e: {  	[sflag:s18] =	ssyncset.done $0x0  }
0x17f: {  	[sflag:s18] =	ssyncadd.s32 $0xFFFFC000  }
0x180: {  	[spmem:s1] =	stream.indirect.scatter.add.f32 [tilespmem:s13], [sflag:$0x3], $0x80, s23, s16, $0xb8;
	[tilespmem:$0x1C400] =	vst v63  }
0x181: {  	_ =	swait.ge [sflag:s14], $0x4000  }
0x182: {  	[sflag:s14] =	ssyncset.done $0x0  }
0x183: {  	[sflag:s14] =	ssyncadd.s32 $0xFFFFC000  }
0x184: {  	[tilespmem:s13], [sflag:$0x1] =	stream.indirect.gather [hbm4b:s5+s16], $0x80, s24, s16, $0xb8;
	[tilespmem:$0x1C400] =	vst v63  }
0x185: {  	_ =	swait.ge [sflag:s20], $0x4000  }
0x186: {  	[sflag:s20] =	ssyncset.done $0x0  }
0x187: {  	[sflag:s20] =	ssyncadd.s32 $0xFFFFC000  }
0x188: {  	[spmem:s1] =	stream.indirect.scatter.add.f32 [tilespmem:s17], [sflag:$0x3], $0x80, s25, s16, $0xb8;
	[tilespmem:$0x1C400] =	vst v63  }
0x189: {  	_ =	swait.ge [sflag:s14], $0x4000  }
0x18a: {  	[sflag:s14] =	ssyncset.done $0x0  }
0x18b: {  	[sflag:s14] =	ssyncadd.s32 $0xFFFFC000  }
0x18c: {  	[tilespmem:s17], [sflag:$0x2] =	stream.indirect.gather [hbm4b:s5+s16], $0x80, s26, s16, $0xb8;
	[tilespmem:$0x1C400] =	vst v63  }
0x18d: {  	_ =	swait.ge [sflag:s18], $0x4000  }
0x18e: {  	[sflag:s18] =	ssyncset.done $0x0  }
0x18f: {  	[sflag:s18] =	ssyncadd.s32 $0xFFFFC000  }
0x190: {  	[spmem:s1] =	stream.indirect.scatter.add.f32 [tilespmem:s13], [sflag:$0x3], $0x80, s28, s16, $0xb8;
	[tilespmem:$0x1C400] =	vst v63  }
0x191: {  	_ =	swait.ge [sflag:s14], $0x4000  }
0x192: {  	[sflag:s14] =	ssyncset.done $0x0  }
0x193: {  	[sflag:s14] =	ssyncadd.s32 $0xFFFFC000  }
0x194: {  	[tilespmem:s13], [sflag:$0x1] =	stream.indirect.gather [hbm4b:s5+s16], $0x80, s29, s16, $0xb8;
	[tilespmem:$0x1C400] =	vst v63  }
0x195: {  	_ =	swait.ge [sflag:s20], $0x4000  }
0x196: {  	[sflag:s20] =	ssyncset.done $0x0  }
0x197: {  	[sflag:s20] =	ssyncadd.s32 $0xFFFFC000  }
0x198: {  	[spmem:s1] =	stream.indirect.scatter.add.f32 [tilespmem:s17], [sflag:$0x3], $0x80, s30, s16, $0xb8;
	[tilespmem:$0x1C400] =	vst v63  }
0x199: {  	_ =	swait.ge [sflag:s14], $0x4000  }
0x19a: {  	[sflag:s14] =	ssyncset.done $0x0  }
0x19b: {  	[sflag:s14] =	ssyncadd.s32 $0xFFFFC000  }
0x19c: {  	[tilespmem:s17], [sflag:$0x2] =	stream.indirect.gather [hbm4b:s5+s16], $0x80, s31, s16, $0xb8;
	[tilespmem:$0x1C400] =	vst v63  }
0x19d: {  	_ =	swait.ge [sflag:s18], $0x4000  }
0x19e: {  	[sflag:s18] =	ssyncset.done $0x0  }
0x19f: {  	[sflag:s18] =	ssyncadd.s32 $0xFFFFC000  }
0x1a0: {  	[spmem:s1] =	stream.indirect.scatter.add.f32 [tilespmem:s13], [sflag:$0x3], $0x80, s0, s16, $0xb8;
	[tilespmem:$0x1C400] =	vst v63  }
0x1a1: {  	_ =	swait.ge [sflag:s14], $0x4000  }
0x1a2: {  	[sflag:s14] =	ssyncset.done $0x0  }
0x1a3: {  	[sflag:s14] =	ssyncadd.s32 $0xFFFFC000  }
0x1a4: {  	_ =	swait.ge [sflag:s20], $0x4000  }
0x1a5: {  	[sflag:s20] =	ssyncset.done $0x0  }
0x1a6: {  	[sflag:s20] =	ssyncadd.s32 $0xFFFFC000  }
0x1a7: {  	[spmem:s1] =	stream.indirect.scatter.add.f32 [tilespmem:s17], [sflag:$0x3], $0x80, s6, s16, $0xb8;
	[tilespmem:$0x1C400] =	vst v63  }
0x1a8: {  	_ =	swait.ge [sflag:s14], $0x4000  }
0x1a9: {  	s2 =	simm.s32 $0x80;
	s10 =	simm.s32 $0x100;
	[sflag:s14] =	ssyncset.done $0x0  }
.LBB2_10:
0x1aa: {  	s7 =	sadd.s32 s2, s12  }
0x1ab: {  	[sflag:s14] =	ssyncadd.s32 $0xFFFFC000;
	s19 =	smov.u32 s10;
	s9 =	sadd.s32 $0x80, s10  }
0x1ac: {  	[tilespmem:s3], [sflag:$0x3] =	stream.linear.gather [hbm4b:s7+s3], $0x400, $0x38;
	[tilespmem:$0x1C400] =	vst v63  }
0x1ad: {  	p1 =	sne.s32 s10, $0x480;
	_ =	swait.ge [sflag:s14], $0x400  }
0x1ae: {  	s7 =	sadd.s32 s2, s11;
	[sflag:s14] =	ssyncset.done $0x0  }
0x1af: {  	s2 =	smov.u32 s19;
	s19 =	simm.s32 $0x100;
	[sflag:s14] =	ssyncadd.s32 $0xFFFFFC00  }
0x1b0: {  	[tilespmem:s15], [sflag:$0x3] =	stream.linear.gather [hbm4b:s7+s3], $0x400, $0x38;
	[tilespmem:$0x1C400] =	vst v63  }
0x1b1: {  	_ =	swait.ge [sflag:s14], $0x400  }
0x1b2: {  	[sflag:s14] =	ssyncset.done $0x0  }
0x1b3: {  	[sflag:s14] =	ssyncadd.s32 $0xFFFFFC00  }
0x1b4: {  	[tilespmem:s13], [sflag:$0x1] =	stream.indirect.gather [hbm4b:s5+s16], $0x80, s3, s16, $0xb8;
	[tilespmem:$0x1C400] =	vst v63  }
0x1b5: {  	_ = 	snop  }
0x1b6: {  	[tilespmem:s17], [sflag:$0x2] =	stream.indirect.gather [hbm4b:s5+s16], $0x80, s16, s16, $0xb8;
	[tilespmem:$0x1C400] =	vst v63  }
0x1b7: {  	_ =	swait.ge [sflag:s18], $0x4000  }
0x1b8: {  	[sflag:s18] =	ssyncset.done $0x0  }
0x1b9: {  	[sflag:s18] =	ssyncadd.s32 $0xFFFFC000  }
0x1ba: {  	[spmem:s1] =	stream.indirect.scatter.add.f32 [tilespmem:s13], [sflag:$0x3], $0x80, s15, s16, $0xb8;
	[tilespmem:$0x1C400] =	vst v63  }
0x1bb: {  	_ =	swait.ge [sflag:s14], $0x4000  }
0x1bc: {  	[sflag:s14] =	ssyncset.done $0x0  }
0x1bd: {  	[sflag:s14] =	ssyncadd.s32 $0xFFFFC000  }
0x1be: {  	[tilespmem:s13], [sflag:$0x1] =	stream.indirect.gather [hbm4b:s5+s16], $0x80, s19, s16, $0xb8;
	[tilespmem:$0x1C400] =	vst v63  }
0x1bf: {  	_ =	swait.ge [sflag:s20], $0x4000  }
0x1c0: {  	[sflag:s20] =	ssyncset.done $0x0  }
0x1c1: {  	[sflag:s20] =	ssyncadd.s32 $0xFFFFC000  }
0x1c2: {  	[spmem:s1] =	stream.indirect.scatter.add.f32 [tilespmem:s17], [sflag:$0x3], $0x80, s21, s16, $0xb8;
	[tilespmem:$0x1C400] =	vst v63  }
0x1c3: {  	_ =	swait.ge [sflag:s14], $0x4000  }
0x1c4: {  	[sflag:s14] =	ssyncset.done $0x0  }
0x1c5: {  	[sflag:s14] =	ssyncadd.s32 $0xFFFFC000  }
0x1c6: {  	[tilespmem:s17], [sflag:$0x2] =	stream.indirect.gather [hbm4b:s5+s16], $0x80, s22, s16, $0xb8;
	[tilespmem:$0x1C400] =	vst v63  }
0x1c7: {  	_ =	swait.ge [sflag:s18], $0x4000  }
0x1c8: {  	[sflag:s18] =	ssyncset.done $0x0  }
0x1c9: {  	[sflag:s18] =	ssyncadd.s32 $0xFFFFC000  }
0x1ca: {  	[spmem:s1] =	stream.indirect.scatter.add.f32 [tilespmem:s13], [sflag:$0x3], $0x80, s23, s16, $0xb8;
	[tilespmem:$0x1C400] =	vst v63  }
0x1cb: {  	_ =	swait.ge [sflag:s14], $0x4000  }
0x1cc: {  	[sflag:s14] =	ssyncset.done $0x0  }
0x1cd: {  	[sflag:s14] =	ssyncadd.s32 $0xFFFFC000  }
0x1ce: {  	[tilespmem:s13], [sflag:$0x1] =	stream.indirect.gather [hbm4b:s5+s16], $0x80, s24, s16, $0xb8;
	[tilespmem:$0x1C400] =	vst v63  }
0x1cf: {  	_ =	swait.ge [sflag:s20], $0x4000  }
0x1d0: {  	[sflag:s20] =	ssyncset.done $0x0  }
0x1d1: {  	[sflag:s20] =	ssyncadd.s32 $0xFFFFC000  }
0x1d2: {  	[spmem:s1] =	stream.indirect.scatter.add.f32 [tilespmem:s17], [sflag:$0x3], $0x80, s25, s16, $0xb8;
	[tilespmem:$0x1C400] =	vst v63  }
0x1d3: {  	_ =	swait.ge [sflag:s14], $0x4000  }
0x1d4: {  	[sflag:s14] =	ssyncset.done $0x0  }
0x1d5: {  	[sflag:s14] =	ssyncadd.s32 $0xFFFFC000  }
0x1d6: {  	[tilespmem:s17], [sflag:$0x2] =	stream.indirect.gather [hbm4b:s5+s16], $0x80, s26, s16, $0xb8;
	[tilespmem:$0x1C400] =	vst v63  }
0x1d7: {  	_ =	swait.ge [sflag:s18], $0x4000  }
0x1d8: {  	[sflag:s18] =	ssyncset.done $0x0  }
0x1d9: {  	[sflag:s18] =	ssyncadd.s32 $0xFFFFC000  }
0x1da: {  	[spmem:s1] =	stream.indirect.scatter.add.f32 [tilespmem:s13], [sflag:$0x3], $0x80, s28, s16, $0xb8;
	[tilespmem:$0x1C400] =	vst v63  }
0x1db: {  	_ =	swait.ge [sflag:s14], $0x4000  }
0x1dc: {  	[sflag:s14] =	ssyncset.done $0x0  }
0x1dd: {  	[sflag:s14] =	ssyncadd.s32 $0xFFFFC000  }
0x1de: {  	[tilespmem:s13], [sflag:$0x1] =	stream.indirect.gather [hbm4b:s5+s16], $0x80, s29, s16, $0xb8;
	[tilespmem:$0x1C400] =	vst v63  }
0x1df: {  	_ =	swait.ge [sflag:s20], $0x4000  }
0x1e0: {  	[sflag:s20] =	ssyncset.done $0x0  }
0x1e1: {  	[sflag:s20] =	ssyncadd.s32 $0xFFFFC000  }
0x1e2: {  	[spmem:s1] =	stream.indirect.scatter.add.f32 [tilespmem:s17], [sflag:$0x3], $0x80, s30, s16, $0xb8;
	[tilespmem:$0x1C400] =	vst v63  }
0x1e3: {  	_ =	swait.ge [sflag:s14], $0x4000  }
0x1e4: {  	[sflag:s14] =	ssyncset.done $0x0  }
0x1e5: {  	[sflag:s14] =	ssyncadd.s32 $0xFFFFC000  }
0x1e6: {  	[tilespmem:s17], [sflag:$0x2] =	stream.indirect.gather [hbm4b:s5+s16], $0x80, s31, s16, $0xb8;
	[tilespmem:$0x1C400] =	vst v63  }
0x1e7: {  	_ =	swait.ge [sflag:s18], $0x4000  }
0x1e8: {  	[sflag:s18] =	ssyncset.done $0x0  }
0x1e9: {  	[sflag:s18] =	ssyncadd.s32 $0xFFFFC000  }
0x1ea: {  	[spmem:s1] =	stream.indirect.scatter.add.f32 [tilespmem:s13], [sflag:$0x3], $0x80, s0, s16, $0xb8;
	[tilespmem:$0x1C400] =	vst v63  }
0x1eb: {  	_ =	swait.ge [sflag:s14], $0x4000  }
0x1ec: {  	[sflag:s14] =	ssyncset.done $0x0  }
0x1ed: {  	[sflag:s14] =	ssyncadd.s32 $0xFFFFC000  }
0x1ee: {  	_ =	swait.ge [sflag:s20], $0x4000  }
.Ltmp7:
0x1ef: {  	[sflag:s20] =	ssyncset.done $0x0;
	(pc) =	sbr.rel @p1 .LBB2_10-.Ltmp7, $4  }
0x1f0: {  	[sflag:s20] =	ssyncadd.s32 $0xFFFFC000  }
0x1f1: {  	[spmem:s1] =	stream.indirect.scatter.add.f32 [tilespmem:s17], [sflag:$0x3], $0x80, s6, s16, $0xb8;
	[tilespmem:$0x1C400] =	vst v63  }
0x1f2: {  	_ =	swait.ge [sflag:s14], $0x4000  }
0x1f3: {  	s10 =	smov.u32 s9;
	[sflag:s14] =	ssyncset.done $0x0  }
.Ltmp8:
0x1f4: {  	_ = 	snop;
	(pc) =	sbr.rel .LBB2_11-.Ltmp8, $1  }
0x1f5: {  	_ =	sdelay $0x3  }
.LBB2_13:
0x1f6: {  	_ =	sfence.sel $0x180000  }
0x1f7: {  	[bflag:$0x0] =	sbarrier.arrive $0xFFFF  }
0x1f8: {  	_ =	strace $0x90000047  }
0x1f9: {  	s0 =	stileid.u32;
	[bflag:$0x2] =	sbarrier.arrive $0xFFFF  }
0x1fa: {  	p0 =	sne.s32 s0, $0x0;
	s0 =	rddreg [dreg:$0x3]  }
0x1fb: {  	s0 =	sadd.s32 @!p0 $0x100000, s0  }
0x1fc: {  	[sflag:s0] =	ssyncadd.tile.s32 @!p0 $0x1;
	_ =	shalt  }
.Lfunc_end2:
_tile_overlayer_lowered:
.L_overlay_start_2:
0x1fd: {  	(tag) =	ssettag $0x2  }
0x1fe: {  	s0 =	rddreg [dreg:$0x0];
	s2 =	stileid.u32  }
0x1ff: {  	s1 =	rddreg [dreg:$0x1];
	p0 =	sne.s32 s2, $0x0  }
0x200: {  	s3 =	rddreg [dreg:$0x2];
	[bflag:$0x3] =	sbarrier.arrive $0xFFFF;
	s2 =	simm.s32 @!p0 $0x1C03  }
0x201: {  	[timem:s3], [sflag:s2] =	dma.local @!p0 [hbm:s0], s1  }
0x202: {  	s0 =	simm.s32 @!p0 $0x3  }
0x203: {  	_ =	swait.ge @!p0 [sflag:s0], s1  }
0x204: {  	s1 =	ssub.s32 @!p0 $0x0, s1;
	[sflag:s0] =	ssyncset.done @!p0 $0x0  }
0x205: {  	[sflag:s0] =	ssyncadd.s32 @!p0 s1  }
0x206: {  	[bflag:$0x3] =	sbarrier.arrive $0xFFFF  }
0x207: {  	_ =	shalt  }

// kernel: kernel.16.cloned.1.call-start
scs
__scs_entry_jumppad:
0x0: {  	(pc) =	sbr.rel $0x88, $3  }
0x1: {  	(tag) =	ssettag $0x0;
	lr =	simm.s32 $0x1  }
0x2: {  	[smem:$0x3F91] =	sst lr;
	_ =	strace $0xD0000000  }
0x3: {  	_ = 	snop  }
0x4: {  	_ = 	snop  }
0x5: {  	_ = 	snop  }
0x6: {  	_ = 	snop  }
0x7: {  	_ = 	snop  }
__scs_overlays_trampoline_lowered:
0x8: {  	[smem:$0x3FA0] =	sst s0  }
0x9: {  	[smem:$0x3FA1] =	sst s1  }
0xa: {  	[smem:$0x3FA2] =	sst s2  }
0xb: {  	[smem:$0x3FA3] =	sst s3  }
0xc: {  	[smem:$0x3FA4] =	sst s4  }
0xd: {  	[smem:$0x3FA5] =	sst s5  }
0xe: {  	[smem:$0x3FA6] =	sst s6  }
0xf: {  	[smem:$0x3FA7] =	sst s7  }
0x10: {  	[smem:$0x3FA8] =	sst s8  }
0x11: {  	[smem:$0x3FA9] =	sst s9;
	s0 =	simm.s32 @!p0 $0x0  }
0x12: {  	s1 =	sld [smem:$0x3F8F];
	s0 =	simm.s32 @p0 $0x1  }
0x13: {  	[smem:$0x3FAA] =	sst s0;
	s0 =	simm.s32 @!p1 $0x0  }
0x14: {  	s2 =	sld [smem:$0x3F8E];
	s0 =	simm.s32 @p1 $0x1  }
0x15: {  	[smem:$0x3FAB] =	sst s0;
	s0 =	simm.s32 @!p2 $0x0  }
0x16: {  	s3 =	sld [smem:$0x3FDB];
	s0 =	simm.s32 @p2 $0x1  }
0x17: {  	s4 =	simm.s32 $0x1BF5;
	[smem:$0x3FAD] =	sst s0  }
0x18: {  	s0 =	sld [smem:$0x3F90];
	_ =	swait.ge [sflag:s4], $0x0  }
0x19: {  	s7 =	sld [smem:$0x3F91]  }
0x1a: {  	s8 =	sadd.s32 $0xFFFFE003, lr  }
0x1b: {  	s9 =	sadd.s32 $0xFFFFFEF7, lr;
	s5 =	simm.s32 $0xFFFFFFFF;
	p2 =	slt.u32 s8, $0xFFFFF086  }
0x1c: {  	p1 =	slt.u32 s9, $0xF7A;
	s5 =	simm.s32 @!p2 $0x0  }
0x1d: {  	s5 =	simm.s32 @p1 $0x1;
	p0 =	seq.s32 s7, s2  }
0x1e: {  	s7 =	smul.u32 @!p0 $0xF7A, s2;
	p2 =	seq.s32 @!p0 s5, $0x0  }
0x1f: {  	s9 =	smul.u32 $0xF7A, s1;
	s8 =	simm.s32 @!p0 $0x1BF5;
	p2 =	por !p2, p0  }
0x20: {  	[sflag:s8] =	ssyncset.s32 @!p0 $0xFFFFF086;
	s6 =	sadd.s32 @!p0 s3, s7;
	s7 =	simm.s32 @!p0 $0x108  }
0x21: {  	s3 =	sadd.s32 s3, s9;
	s6 =	sadd.s32 @!p0 $0x88, s6;
	s7 =	simm.s32 @p2 $0x1082  }
0x22: {  	[simem:s7], [sflag:s8] =	dma.local @!p0 [hbm:s6], $0xF7A  }
0x23: {  	s9 =	sor.u32 $0xD0000000, s2;
	s6 =	simm.s32 $0x108;
	_ =	swait.ge @!p0 [sflag:s8], $0x0  }
0x24: {  	s3 =	sadd.s32 $0x88, s3;
	s6 =	simm.s32 @!p1 $0x1082;
	[sflag:s4] =	ssyncset.s32 $0xFFFFF086  }
0x25: {  	[simem:s6], [sflag:s4] =	dma.local [hbm:s3], $0xF7A  }
0x26: {  	[smem:$0x3F91] =	sst s1;
	(tag) =	ssettag s2;
	_ =	strace s9  }
0x27: {  	s1 =	sld [smem:$0x3FA1]  }
0x28: {  	s2 =	sld [smem:$0x3FA2]  }
0x29: {  	s4 =	sld [smem:$0x3FA4]  }
0x2a: {  	p0 =	seq.s32 s5, $0x0;
	s5 =	sld [smem:$0x3FA5]  }
0x2b: {  	s6 =	sld [smem:$0x3FA6]  }
0x2c: {  	s7 =	sld [smem:$0x3FA7]  }
0x2d: {  	s3 =	simm.s32 $0x108;
	s8 =	sld [smem:$0x3FA8]  }
0x2e: {  	s3 =	simm.s32 @!p0 $0x1082;
	s9 =	sld [smem:$0x3FA9]  }
0x2f: {  	lr =	sadd.s32 s0, s3;
	s0 =	sld [smem:$0x3FA0]  }
0x30: {  	s3 =	sld [smem:$0x3FA3]  }
0x31: {  	[smem:$0x3FAC] =	sst s10  }
0x32: {  	s10 =	sld [smem:$0x3FAA];
	_ =	sdelay $0x3  }
0x33: {  	p0 =	seq.s32 s10, $0x1;
	s10 =	sld [smem:$0x3FAC];
	_ =	sdelay $0x3  }
0x34: {  	[smem:$0x3FAC] =	sst s10  }
0x35: {  	s10 =	sld [smem:$0x3FAB];
	_ =	sdelay $0x3  }
0x36: {  	p1 =	seq.s32 s10, $0x1;
	s10 =	sld [smem:$0x3FAC];
	_ =	sdelay $0x3  }
0x37: {  	[smem:$0x3FAC] =	sst s10  }
0x38: {  	s10 =	sld [smem:$0x3FAD]  }
0x39: {  	_ = 	snop;
	(pc) =	sbr.ind lr, $3  }
0x3a: {  	_ = 	snop  }
0x3b: {  	_ = 	snop  }
0x3c: {  	p2 =	seq.s32 s10, $0x1;
	s10 =	sld [smem:$0x3FAC]  }
0x3d: {  	_ =	shalt  }
0x3e: {  	_ =	shalt  }
0x3f: {  	_ =	shalt  }
0x40: {  	_ =	shalt  }
0x41: {  	_ =	shalt  }
0x42: {  	_ =	shalt  }
0x43: {  	_ =	shalt  }
0x44: {  	_ =	shalt  }
0x45: {  	_ =	shalt  }
0x46: {  	_ =	shalt  }
0x47: {  	_ =	shalt  }
0x48: {  	_ =	shalt  }
0x49: {  	_ =	shalt  }
0x4a: {  	_ =	shalt  }
0x4b: {  	_ =	shalt  }
0x4c: {  	_ =	shalt  }
0x4d: {  	_ =	shalt  }
0x4e: {  	_ =	shalt  }
0x4f: {  	_ =	shalt  }
0x50: {  	_ =	shalt  }
0x51: {  	_ =	shalt  }
0x52: {  	_ =	shalt  }
0x53: {  	_ =	shalt  }
0x54: {  	_ =	shalt  }
0x55: {  	_ =	shalt  }
0x56: {  	_ =	shalt  }
0x57: {  	_ =	shalt  }
0x58: {  	_ =	shalt  }
0x59: {  	_ =	shalt  }
0x5a: {  	_ =	shalt  }
0x5b: {  	_ =	shalt  }
0x5c: {  	_ =	shalt  }
0x5d: {  	_ =	shalt  }
0x5e: {  	_ =	shalt  }
0x5f: {  	_ =	shalt  }
0x60: {  	_ =	shalt  }
0x61: {  	_ =	shalt  }
0x62: {  	_ =	shalt  }
0x63: {  	_ =	shalt  }
0x64: {  	_ =	shalt  }
0x65: {  	_ =	shalt  }
0x66: {  	_ =	shalt  }
0x67: {  	_ =	shalt  }
0x68: {  	_ =	shalt  }
0x69: {  	_ =	shalt  }
0x6a: {  	_ =	shalt  }
0x6b: {  	_ =	shalt  }
0x6c: {  	_ =	shalt  }
0x6d: {  	_ =	shalt  }
0x6e: {  	_ =	shalt  }
0x6f: {  	_ =	shalt  }
0x70: {  	_ =	shalt  }
0x71: {  	_ =	shalt  }
0x72: {  	_ =	shalt  }
0x73: {  	_ =	shalt  }
0x74: {  	_ =	shalt  }
0x75: {  	_ =	shalt  }
0x76: {  	_ =	shalt  }
0x77: {  	_ =	shalt  }
0x78: {  	_ =	shalt  }
0x79: {  	_ =	shalt  }
0x7a: {  	_ =	shalt  }
0x7b: {  	_ =	shalt  }
0x7c: {  	_ =	shalt  }
0x7d: {  	_ =	shalt  }
0x7e: {  	_ =	shalt  }
0x7f: {  	_ =	shalt  }
0x80: {  	_ =	shalt  }
0x81: {  	_ =	shalt  }
0x82: {  	_ =	shalt  }
0x83: {  	_ =	shalt  }
0x84: {  	_ =	shalt  }
0x85: {  	_ =	shalt  }
0x86: {  	_ =	shalt  }
0x87: {  	_ =	shalt  }
.Lfunc_end0:
.L_simem_size_0:
called_computation.2_lowered:
.L_overlay_start_0:
0x88: {  	s2 =	sld [smem:$0x3FD9]  }
0x89: {  	s3 =	sld [smem:$0x3FFE];
	_ =	sdelay $0x1  }
0x8a: {  	s1 =	srdreg.scid  }
0x8b: {  	s0 =	sand.u32 $0x1, s1  }
0x8c: {  	s17 =	sshll.u32 s0, $0xA;
	s2 =	sadd.s32 s3, s2  }
0x8d: {  	s2 =	sadd.s32 s2, s17  }
0x8e: {  	[smem:$0x3FB8] =	sst s2  }
0x8f: {  	_ = 	snop  }
0x90: {  	s2 =	sld [smem:$0x3FD0];
	(tm) =	ssettm $0x1  }
0x91: {  	s18 =	sld [smem:$0x3FFB];
	_ =	sdelay $0x3  }
0x92: {  	_ =	strace s18  }
0x93: {  	s3 =	sld [smem:$0x3FFC];
	_ =	sdelay $0x3  }
0x94: {  	_ =	strace s3  }
0x95: {  	s3 =	sld [smem:$0x3FFD];
	_ =	sdelay $0x3  }
0x96: {  	_ =	strace s3  }
0x97: {  	_ =	strace $0x8FFFFFFF  }
0x98: {  	s19 =	sld [smem:$0x3FDB];
	_ =	sdelay $0x1  }
0x99: {  	s4 =	simm.s32 $_scs_section_size  }
0x9a: {  	s5 =	simm.s32 $_size__tile_overlayer_lowered;
	s6 =	simm.s32 $_tile_overlayer_lowered  }
0x9b: {  	s22 =	simm.s32 $0x1BFF;
	s21 =	sshll.u32 s6, $0x1;
	s3 =	sadd.s32 s4, s19  }
0x9c: {  	s7 =	simm.s32 $0x0;
	s20 =	sshll.u32 s5, $0x1;
	s5 =	sadd.s32 s21, s3  }
0x9d: {  	[timem:s7], [sflag:s22] =	dma.local [hbm:s5], s20  }
0x9e: {  	_ =	swait.ge [sflag:s22], s20  }
0x9f: {  	s4 =	ssub.s32 $0x0, s20;
	[sflag:s22] =	ssyncset.done $0x0  }
0xa0: {  	[sflag:s22] =	ssyncadd.s32 s4;
	_ =	sdelay $0x1  }
0xa1: {  	s23 =	simm.s32 $0x1B8B  }
0xa2: {  	_ =	swait.ge [sflag:s23], $0x1  }
0xa3: {  	[sflag:s23] =	ssyncset.done $0x0  }
0xa4: {  	s25 =	simm.s32 $0x1B8E;
	s24 =	sld [smem:$0x3FFE];
	[sflag:s23] =	ssyncadd.s32 $0xFFFFFFFF  }
0xa5: {  	s26 =	simm.s32 $execute0_lowered;
	[smem:$0x3FD2] =	sst s25  }
0xa6: {  	s5 =	sshll.u32 s26, $0x1;
	_ =	strace $0x8000004C;
	[dreg:$0x1] =	wrdreg $0xFFFFFFFF  }
0xa7: {  	s28 =	simm.s32 $_size_execute0_lowered;
	s3 =	sadd.s32 s3, s5;
	[dreg:$0x0] =	wrdreg $0x0  }
0xa8: {  	s5 =	sshll.u32 s28, $0x1;
	[dreg:$0x2] =	wrdreg s3  }
0xa9: {  	[dreg:$0x3] =	wrdreg s5  }
0xaa: {  	[dreg:$0x4] =	wrdreg $0xC0  }
0xab: {  	_ =	task [dreg:s7], $0x5FFFF  }
0xac: {  	[dreg:$0x1] =	wrdreg $0xFFFFFFFF  }
0xad: {  	[dreg:$0x0] =	wrdreg $0x60  }
0xae: {  	[dreg:$0x2] =	wrdreg s24  }
0xaf: {  	[dreg:$0x3] =	wrdreg s2  }
0xb0: {  	[dreg:$0x4] =	wrdreg $0x88000  }
0xb1: {  	[dreg:$0x5] =	wrdreg $0x9  }
0xb2: {  	_ =	task.clear_ibuf [dreg:s7], $0x6FFFF;
	_ =	strace $0x9000004C  }
0xb3: {  	s29 =	simm.s32 $0x9;
	_ =	strace $0x8000004E  }
0xb4: {  	_ =	swait.ge [sflag:s29], $0x1  }
0xb5: {  	[sflag:s29] =	ssyncadd.s32 $0xFFFFFFFF  }
0xb6: {  	_ =	strace $0x9000004E  }
0xb7: {  	_ =	sfence  }
0xb8: {  	s30 =	sld [smem:$0x0];
	_ =	sdelay $0x2  }
0xb9: {  	s31 =	sshll.u32 s1, $0xD;
	s1 =	sshrl.u32 s1, $0x2  }
0xba: {  	s3 =	sand.u32 $0x4000, s31;
	s1 =	sadd.s32 s1, s30  }
0xbb: {  	s0 =	sor.u32 s3, s0;
	s1 =	sshll.u32 s1, $0x11  }
0xbc: {  	s0 =	sor.u32 s1, s0  }
0xbd: {  	s0 =	sadd.s32 $0x8F2B, s0  }
0xbe: {  	[sflag:s0] =	ssyncadd.remote.s32 $0x1  }
0xbf: {  	_ =	sfence.sel $0xFFFF  }
0xc0: {  	[dreg:$0x0] =	wrdreg $0xFFFFFFFF;
	(pc) =	sbr.abs _section_cstart, $3  }
0xc1: {  	[dreg:$0x1] =	wrdreg $0xFFFFFFFF  }
0xc2: {  	_ =	task.clear_ibuf [dreg:s7], $0x2FFFF;
	_ =	strace $0x9FFFFFFF  }
0xc3: {  	(tm) =	ssettm $0x7FFFFFFF  }
tec
execute0_lowered:
.L_overlay_start_1:
0x0: {  	(tag) =	ssettag $0x1  }
0x1: {  	s0 =	rddreg [dreg:$0x0]  }
0x2: {  	s2 =	rddreg [dreg:$0x1]  }
0x3: {  	s1 =	rddreg [dreg:$0x2];
	s3 =	simm.s32 $0x0  }
0x4: {  	s12 =	stileid.u32;
	s5 =	srdreg.scid;
	s13 =	simm.s32 $0x800  }
0x5: {  	s14 =	simm.s32 $0x3;
	s15 =	simm.s32 $0x400;
	s16 =	simm.s32 $0x80  }
0x6: {  	s17 =	simm.s32 $0x4800;
	s18 =	simm.s32 $0x1;
	s19 =	simm.s32 $0x100  }
0x7: {  	s20 =	simm.s32 $0x2;
	s21 =	simm.s32 $0x480;
	s22 =	simm.s32 $0x180  }
0x8: {  	s28 =	simm.s32 $0x600;
	s29 =	simm.s32 $0x300;
	s30 =	simm.s32 $0x680  }
0x9: {  	s31 =	simm.s32 $0x380;
	[smem:$0x7FF] =	sst s3;
	s6 =	smul.u32 $0x500, s12  }
0xa: {  	s4 =	sadd.s32 $0x59C00, s0;
	s7 =	sand.u32 $0x1, s5;
	s9 =	smul.u32 $0x4F000, s12  }
0xb: {  	s5 =	sadd.s32 $0x80E00, s0;
	s11 =	sadd.s32 $0xF7E00, s0;
	s26 =	smul.u32 $0x2780, s12  }
0xc: {  	_ =	strace $0x8000004D;
	s8 =	ssub.s32 $0x2, s7;
	[dreg:$0x4] =	wrdreg s11  }
0xd: {  	p0 =	sne.s32 s7, $0x0;
	s7 =	simm.s32 $0x0;
	s10 =	sadd.s32 s6, s0  }
0xe: {  	s23 =	sshrl.u32 s8, $0x1;
	s0 =	sadd.s32 $0x11F600, s0;
	s25 =	sshrl.u32 s9, $0x2  }
.Ltmp0:
0xf: {  	[dreg:$0x6] =	wrdreg s26;
	s11 =	sadd.s32 s6, s2;
	(pc) =	sbr.rel .LBB2_1-.Ltmp0, $4  }
0x10: {  	s26 =	simm.s32 $0x280;
	s6 =	simm.s32 $0x780;
	[dreg:$0x5] =	wrdreg s0  }
0x11: {  	s24 =	ssub.s32 s8, s23;
	s8 =	sadd.s32 s25, s1;
	s12 =	sadd.s32 $0x6A00, s10  }
0x12: {  	s23 =	simm.s32 $0x500;
	s25 =	simm.s32 $0x580;
	s0 =	smax.u32 s24, $0x1  }
0x13: {  	v0 =	vimm.f32 $0.0e+00;
	s24 =	simm.s32 $0x200;
	[dreg:$0x7] =	wrdreg s0;
	s0 =	simm.s32 $0x700  }
.LBB2_11:
0x14: {  	s7 =	sadd.s32 s2, s12;
	[sflag:s14] =	ssyncadd.s32 $0xFFFFC000  }
0x15: {  	[tilespmem:s3], [sflag:$0x3] =	stream.linear.gather [hbm4b:s7+s3], $0x400, $0x38;
	[tilespmem:$0x1C400] =	vst v63  }
0x16: {  	_ =	swait.ge [sflag:s14], $0x400  }
0x17: {  	[sflag:s14] =	ssyncset.done $0x0  }
0x18: {  	s10 =	sadd.s32 s2, s11;
	[sflag:s14] =	ssyncadd.s32 $0xFFFFFC00  }
0x19: {  	[tilespmem:s15], [sflag:$0x3] =	stream.linear.gather [hbm4b:s10+s3], $0x400, $0x38;
	[tilespmem:$0x1C400] =	vst v63  }
0x1a: {  	_ =	swait.ge [sflag:s14], $0x400  }
0x1b: {  	[sflag:s14] =	ssyncset.done $0x0  }
0x1c: {  	[sflag:s14] =	ssyncadd.s32 $0xFFFFFC00  }
0x1d: {  	[tilespmem:s13], [sflag:$0x1] =	stream.indirect.gather [hbm4b:s5+s16], $0x80, s3, s16, $0xb8;
	[tilespmem:$0x1C400] =	vst v63  }
0x1e: {  	_ = 	snop  }
0x1f: {  	[tilespmem:s17], [sflag:$0x2] =	stream.indirect.gather [hbm4b:s5+s16], $0x80, s16, s16, $0xb8;
	[tilespmem:$0x1C400] =	vst v63  }
0x20: {  	_ =	swait.ge [sflag:s18], $0x4000  }
0x21: {  	[sflag:s18] =	ssyncset.done $0x0  }
0x22: {  	[sflag:s18] =	ssyncadd.s32 $0xFFFFC000  }
0x23: {  	[spmem:s1] =	stream.indirect.scatter.add.f32 [tilespmem:s13], [sflag:$0x3], $0x80, s15, s16, $0xb8;
	[tilespmem:$0x1C400] =	vst v63  }
0x24: {  	_ =	swait.ge [sflag:s14], $0x4000  }
0x25: {  	[sflag:s14] =	ssyncset.done $0x0  }
0x26: {  	[sflag:s14] =	ssyncadd.s32 $0xFFFFC000  }
0x27: {  	[tilespmem:s13], [sflag:$0x1] =	stream.indirect.gather [hbm4b:s5+s16], $0x80, s19, s16, $0xb8;
	[tilespmem:$0x1C400] =	vst v63  }
0x28: {  	_ =	swait.ge [sflag:s20], $0x4000  }
0x29: {  	[sflag:s20] =	ssyncset.done $0x0  }
0x2a: {  	[sflag:s20] =	ssyncadd.s32 $0xFFFFC000  }
0x2b: {  	[spmem:s1] =	stream.indirect.scatter.add.f32 [tilespmem:s17], [sflag:$0x3], $0x80, s21, s16, $0xb8;
	[tilespmem:$0x1C400] =	vst v63  }
0x2c: {  	_ =	swait.ge [sflag:s14], $0x4000  }
0x2d: {  	[sflag:s14] =	ssyncset.done $0x0  }
0x2e: {  	[sflag:s14] =	ssyncadd.s32 $0xFFFFC000  }
0x2f: {  	[tilespmem:s17], [sflag:$0x2] =	stream.indirect.gather [hbm4b:s5+s16], $0x80, s22, s16, $0xb8;
	[tilespmem:$0x1C400] =	vst v63  }
0x30: {  	_ =	swait.ge [sflag:s18], $0x4000  }
0x31: {  	[sflag:s18] =	ssyncset.done $0x0  }
0x32: {  	[sflag:s18] =	ssyncadd.s32 $0xFFFFC000  }
0x33: {  	[spmem:s1] =	stream.indirect.scatter.add.f32 [tilespmem:s13], [sflag:$0x3], $0x80, s23, s16, $0xb8;
	[tilespmem:$0x1C400] =	vst v63  }
0x34: {  	_ =	swait.ge [sflag:s14], $0x4000  }
0x35: {  	[sflag:s14] =	ssyncset.done $0x0  }
0x36: {  	[sflag:s14] =	ssyncadd.s32 $0xFFFFC000  }
0x37: {  	[tilespmem:s13], [sflag:$0x1] =	stream.indirect.gather [hbm4b:s5+s16], $0x80, s24, s16, $0xb8;
	[tilespmem:$0x1C400] =	vst v63  }
0x38: {  	_ =	swait.ge [sflag:s20], $0x4000  }
0x39: {  	[sflag:s20] =	ssyncset.done $0x0  }
0x3a: {  	[sflag:s20] =	ssyncadd.s32 $0xFFFFC000  }
0x3b: {  	[spmem:s1] =	stream.indirect.scatter.add.f32 [tilespmem:s17], [sflag:$0x3], $0x80, s25, s16, $0xb8;
	[tilespmem:$0x1C400] =	vst v63  }
0x3c: {  	_ =	swait.ge [sflag:s14], $0x4000  }
0x3d: {  	[sflag:s14] =	ssyncset.done $0x0  }
0x3e: {  	[sflag:s14] =	ssyncadd.s32 $0xFFFFC000  }
0x3f: {  	[tilespmem:s17], [sflag:$0x2] =	stream.indirect.gather [hbm4b:s5+s16], $0x80, s26, s16, $0xb8;
	[tilespmem:$0x1C400] =	vst v63  }
0x40: {  	_ =	swait.ge [sflag:s18], $0x4000  }
0x41: {  	[sflag:s18] =	ssyncset.done $0x0  }
0x42: {  	[sflag:s18] =	ssyncadd.s32 $0xFFFFC000  }
0x43: {  	[spmem:s1] =	stream.indirect.scatter.add.f32 [tilespmem:s13], [sflag:$0x3], $0x80, s28, s16, $0xb8;
	[tilespmem:$0x1C400] =	vst v63  }
0x44: {  	_ =	swait.ge [sflag:s14], $0x4000  }
0x45: {  	[sflag:s14] =	ssyncset.done $0x0  }
0x46: {  	[sflag:s14] =	ssyncadd.s32 $0xFFFFC000  }
0x47: {  	[tilespmem:s13], [sflag:$0x1] =	stream.indirect.gather [hbm4b:s5+s16], $0x80, s29, s16, $0xb8;
	[tilespmem:$0x1C400] =	vst v63  }
0x48: {  	_ =	swait.ge [sflag:s20], $0x4000  }
0x49: {  	[sflag:s20] =	ssyncset.done $0x0  }
0x4a: {  	[sflag:s20] =	ssyncadd.s32 $0xFFFFC000  }
0x4b: {  	[spmem:s1] =	stream.indirect.scatter.add.f32 [tilespmem:s17], [sflag:$0x3], $0x80, s30, s16, $0xb8;
	[tilespmem:$0x1C400] =	vst v63  }
0x4c: {  	_ =	swait.ge [sflag:s14], $0x4000  }
0x4d: {  	[sflag:s14] =	ssyncset.done $0x0  }
0x4e: {  	[sflag:s14] =	ssyncadd.s32 $0xFFFFC000  }
0x4f: {  	[tilespmem:s17], [sflag:$0x2] =	stream.indirect.gather [hbm4b:s5+s16], $0x80, s31, s16, $0xb8;
	[tilespmem:$0x1C400] =	vst v63  }
0x50: {  	_ =	swait.ge [sflag:s18], $0x4000  }
0x51: {  	[sflag:s18] =	ssyncset.done $0x0  }
0x52: {  	[sflag:s18] =	ssyncadd.s32 $0xFFFFC000  }
0x53: {  	[spmem:s1] =	stream.indirect.scatter.add.f32 [tilespmem:s13], [sflag:$0x3], $0x80, s0, s16, $0xb8;
	[tilespmem:$0x1C400] =	vst v63  }
0x54: {  	_ =	swait.ge [sflag:s14], $0x4000  }
0x55: {  	[sflag:s14] =	ssyncset.done $0x0  }
0x56: {  	[sflag:s14] =	ssyncadd.s32 $0xFFFFC000  }
0x57: {  	_ =	swait.ge [sflag:s20], $0x4000  }
0x58: {  	[sflag:s20] =	ssyncset.done $0x0  }
0x59: {  	[sflag:s20] =	ssyncadd.s32 $0xFFFFC000  }
0x5a: {  	[spmem:s1] =	stream.indirect.scatter.add.f32 [tilespmem:s17], [sflag:$0x3], $0x80, s6, s16, $0xb8;
	[tilespmem:$0x1C400] =	vst v63  }
0x5b: {  	_ =	swait.ge [sflag:s14], $0x4000  }
0x5c: {  	[sflag:s14] =	ssyncset.done $0x0;
	s2 =	rddreg [dreg:$0x5]  }
0x5d: {  	s10 =	rddreg [dreg:$0x8];
	[sflag:s14] =	ssyncadd.s32 $0xFFFFC000  }
.LBB2_12:
0x5e: {  	s7 =	rddreg [dreg:$0x6];
	s9 =	stileid.u32  }
0x5f: {  	s2 =	sadd.s32 s2, s7;
	s7 =	sshll.u32 s9, $0x6  }
0x60: {  	[bflag:$0x0] =	sbarrier.arrive $0xFFFF;
	s9 =	sshrl.u32 s8, $0x3;
	s7 =	sor.u32 $0x1C03, s7  }
0x61: {  	[hbm:s2], [sflag:s7] =	dma.local [spmem:s9], $0x2780  }
0x62: {  	_ =	swait.ge [sflag:s14], $0x2780  }
0x63: {  	s7 =	sadd.s32 $0x1, s10;
	s10 =	rddreg [dreg:$0x7]  }
0x64: {  	p1 =	sne.s32 s7, s10  }
.Ltmp1:
0x65: {  	_ = 	snop;
	(pc) =	sbr.rel @!p1 .LBB2_13-.Ltmp1, $3  }
0x66: {  	_ =	sdelay $0x1  }
0x67: {  	[sflag:s14] =	ssyncset.done $0x0  }
0x68: {  	[sflag:s14] =	ssyncadd.s32 $0xFFFFD880  }
.LBB2_1:
0x69: {  	s2 =	simm.s32 $0x0;
	s9 =	simm.s32 $0x200  }
.LBB2_2:
0x6a: {  	p1 =	sne.s32 s9, $0xFE00;
	[tilespmem:s2+$0x870] =	vst v0  }
0x6b: {  	[tilespmem:s2+$0x800] =	vst v0  }
0x6c: {  	[tilespmem:s2+$0x810] =	vst v0  }
.Ltmp2:
0x6d: {  	[tilespmem:s2+$0x820] =	vst v0;
	(pc) =	sbr.rel @p1 .LBB2_2-.Ltmp2, $4  }
0x6e: {  	[tilespmem:s2+$0x830] =	vst v0  }
0x6f: {  	[tilespmem:s2+$0x840] =	vst v0  }
0x70: {  	[tilespmem:s2+$0x850] =	vst v0  }
0x71: {  	[tilespmem:s2+$0x860] =	vst v0;
	s2 =	sshra.s32 s9, $0x2;
	s9 =	sadd.s32 $0x200, s9  }
0x72: {  	[tilespmem:s2+$0x870] =	vst v0  }
0x73: {  	[tilespmem:s2+$0x800] =	vst v0  }
0x74: {  	[tilespmem:s2+$0x810] =	vst v0  }
0x75: {  	[tilespmem:s2+$0x820] =	vst v0  }
0x76: {  	[tilespmem:s2+$0x830] =	vst v0  }
0x77: {  	[tilespmem:s2+$0x840] =	vst v0  }
0x78: {  	[tilespmem:s2+$0x850] =	vst v0  }
0x79: {  	[tilespmem:s2+$0x860] =	vst v0;
	s10 =	sadd.s32 $0x0, s8  }
0x7a: {  	[spmem:s10] =	stream.linear.scatter [tilespmem:s13], [sflag:$0x3], $0x400, $0x38;
	[tilespmem:$0x1C400] =	vst v63  }
0x7b: {  	s2 =	simm.s32 $0x1000;
	_ =	swait.ge [sflag:s14], $0x400  }
.LBB2_4:
0x7c: {  	s9 =	sshra.s32 s2, $0x2;
	[sflag:s14] =	ssyncset.done $0x0;
	p1 =	sne.s32 s2, $0x4E000  }
.Ltmp3:
0x7d: {  	s9 =	sadd.s32 s9, s8;
	[sflag:s14] =	ssyncadd.s32 $0xFFFFFC00;
	(pc) =	sbr.rel @p1 .LBB2_4-.Ltmp3, $3  }
0x7e: {  	[spmem:s9] =	stream.linear.scatter [tilespmem:s13], [sflag:$0x3], $0x400, $0x38;
	[tilespmem:$0x1C400] =	vst v63  }
0x7f: {  	s2 =	sadd.s32 $0x1000, s2;
	_ =	sdelay $0x1  }
0x80: {  	_ =	swait.ge [sflag:s14], $0x400  }
.Ltmp4:
0x81: {  	(pc) =	sbr.rel @p0 .LBB2_9-.Ltmp4, $4  }
0x82: {  	[sflag:s14] =	ssyncset.done $0x0  }
0x83: {  	[dreg:$0x8] =	wrdreg s7;
	[sflag:s14] =	ssyncadd.s32 $0xFFFFFC00  }
0x84: {  	[bflag:$0x0] =	sbarrier.arrive $0xFFFF  }
0x85: {  	s2 =	sadd.s32 $0x0, s12  }
0x86: {  	[tilespmem:s3], [sflag:$0x3] =	stream.linear.gather [hbm4b:s2+s3], $0x400, $0x38;
	[tilespmem:$0x1C400] =	vst v63  }
0x87: {  	_ =	swait.ge [sflag:s14], $0x400  }
0x88: {  	[sflag:s14] =	ssyncset.done $0x0  }
0x89: {  	s10 =	sadd.s32 $0x0, s11;
	[sflag:s14] =	ssyncadd.s32 $0xFFFFFC00  }
0x8a: {  	[tilespmem:s15], [sflag:$0x3] =	stream.linear.gather [hbm4b:s10+s3], $0x400, $0x38;
	[tilespmem:$0x1C400] =	vst v63  }
0x8b: {  	_ =	swait.ge [sflag:s14], $0x400  }
0x8c: {  	[sflag:s14] =	ssyncset.done $0x0  }
0x8d: {  	[sflag:s14] =	ssyncadd.s32 $0xFFFFFC00  }
0x8e: {  	[tilespmem:s13], [sflag:$0x1] =	stream.indirect.gather [hbm4b:s4+s16], $0x80, s3, s16, $0xb8;
	[tilespmem:$0x1C400] =	vst v63  }
0x8f: {  	_ = 	snop  }
0x90: {  	[tilespmem:s17], [sflag:$0x2] =	stream.indirect.gather [hbm4b:s4+s16], $0x80, s16, s16, $0xb8;
	[tilespmem:$0x1C400] =	vst v63  }
0x91: {  	_ =	swait.ge [sflag:s18], $0x4000  }
0x92: {  	[sflag:s18] =	ssyncset.done $0x0  }
0x93: {  	[sflag:s18] =	ssyncadd.s32 $0xFFFFC000  }
0x94: {  	[spmem:s1] =	stream.indirect.scatter.add.f32 [tilespmem:s13], [sflag:$0x3], $0x80, s15, s16, $0xb8;
	[tilespmem:$0x1C400] =	vst v63  }
0x95: {  	_ =	swait.ge [sflag:s14], $0x4000  }
0x96: {  	[sflag:s14] =	ssyncset.done $0x0  }
0x97: {  	[sflag:s14] =	ssyncadd.s32 $0xFFFFC000  }
0x98: {  	[tilespmem:s13], [sflag:$0x1] =	stream.indirect.gather [hbm4b:s4+s16], $0x80, s19, s16, $0xb8;
	[tilespmem:$0x1C400] =	vst v63  }
0x99: {  	_ =	swait.ge [sflag:s20], $0x4000  }
0x9a: {  	[sflag:s20] =	ssyncset.done $0x0  }
0x9b: {  	[sflag:s20] =	ssyncadd.s32 $0xFFFFC000  }
0x9c: {  	[spmem:s1] =	stream.indirect.scatter.add.f32 [tilespmem:s17], [sflag:$0x3], $0x80, s21, s16, $0xb8;
	[tilespmem:$0x1C400] =	vst v63  }
0x9d: {  	_ =	swait.ge [sflag:s14], $0x4000  }
0x9e: {  	[sflag:s14] =	ssyncset.done $0x0  }
0x9f: {  	[sflag:s14] =	ssyncadd.s32 $0xFFFFC000  }
0xa0: {  	[tilespmem:s17], [sflag:$0x2] =	stream.indirect.gather [hbm4b:s4+s16], $0x80, s22, s16, $0xb8;
	[tilespmem:$0x1C400] =	vst v63  }
0xa1: {  	_ =	swait.ge [sflag:s18], $0x4000  }
0xa2: {  	[sflag:s18] =	ssyncset.done $0x0  }
0xa3: {  	[sflag:s18] =	ssyncadd.s32 $0xFFFFC000  }
0xa4: {  	[spmem:s1] =	stream.indirect.scatter.add.f32 [tilespmem:s13], [sflag:$0x3], $0x80, s23, s16, $0xb8;
	[tilespmem:$0x1C400] =	vst v63  }
0xa5: {  	_ =	swait.ge [sflag:s14], $0x4000  }
0xa6: {  	[sflag:s14] =	ssyncset.done $0x0  }
0xa7: {  	[sflag:s14] =	ssyncadd.s32 $0xFFFFC000  }
0xa8: {  	[tilespmem:s13], [sflag:$0x1] =	stream.indirect.gather [hbm4b:s4+s16], $0x80, s24, s16, $0xb8;
	[tilespmem:$0x1C400] =	vst v63  }
0xa9: {  	_ =	swait.ge [sflag:s20], $0x4000  }
0xaa: {  	[sflag:s20] =	ssyncset.done $0x0  }
0xab: {  	[sflag:s20] =	ssyncadd.s32 $0xFFFFC000  }
0xac: {  	[spmem:s1] =	stream.indirect.scatter.add.f32 [tilespmem:s17], [sflag:$0x3], $0x80, s25, s16, $0xb8;
	[tilespmem:$0x1C400] =	vst v63  }
0xad: {  	_ =	swait.ge [sflag:s14], $0x4000  }
0xae: {  	[sflag:s14] =	ssyncset.done $0x0  }
0xaf: {  	[sflag:s14] =	ssyncadd.s32 $0xFFFFC000  }
0xb0: {  	[tilespmem:s17], [sflag:$0x2] =	stream.indirect.gather [hbm4b:s4+s16], $0x80, s26, s16, $0xb8;
	[tilespmem:$0x1C400] =	vst v63  }
0xb1: {  	_ =	swait.ge [sflag:s18], $0x4000  }
0xb2: {  	[sflag:s18] =	ssyncset.done $0x0  }
0xb3: {  	[sflag:s18] =	ssyncadd.s32 $0xFFFFC000  }
0xb4: {  	[spmem:s1] =	stream.indirect.scatter.add.f32 [tilespmem:s13], [sflag:$0x3], $0x80, s28, s16, $0xb8;
	[tilespmem:$0x1C400] =	vst v63  }
0xb5: {  	_ =	swait.ge [sflag:s14], $0x4000  }
0xb6: {  	[sflag:s14] =	ssyncset.done $0x0  }
0xb7: {  	[sflag:s14] =	ssyncadd.s32 $0xFFFFC000  }
0xb8: {  	[tilespmem:s13], [sflag:$0x1] =	stream.indirect.gather [hbm4b:s4+s16], $0x80, s29, s16, $0xb8;
	[tilespmem:$0x1C400] =	vst v63  }
0xb9: {  	_ =	swait.ge [sflag:s20], $0x4000  }
0xba: {  	[sflag:s20] =	ssyncset.done $0x0  }
0xbb: {  	[sflag:s20] =	ssyncadd.s32 $0xFFFFC000  }
0xbc: {  	[spmem:s1] =	stream.indirect.scatter.add.f32 [tilespmem:s17], [sflag:$0x3], $0x80, s30, s16, $0xb8;
	[tilespmem:$0x1C400] =	vst v63  }
0xbd: {  	_ =	swait.ge [sflag:s14], $0x4000  }
0xbe: {  	[sflag:s14] =	ssyncset.done $0x0  }
0xbf: {  	[sflag:s14] =	ssyncadd.s32 $0xFFFFC000  }
0xc0: {  	[tilespmem:s17], [sflag:$0x2] =	stream.indirect.gather [hbm4b:s4+s16], $0x80, s31, s16, $0xb8;
	[tilespmem:$0x1C400] =	vst v63  }
0xc1: {  	_ =	swait.ge [sflag:s18], $0x4000  }
0xc2: {  	[sflag:s18] =	ssyncset.done $0x0  }
0xc3: {  	[sflag:s18] =	ssyncadd.s32 $0xFFFFC000  }
0xc4: {  	[spmem:s1] =	stream.indirect.scatter.add.f32 [tilespmem:s13], [sflag:$0x3], $0x80, s0, s16, $0xb8;
	[tilespmem:$0x1C400] =	vst v63  }
0xc5: {  	_ =	swait.ge [sflag:s14], $0x4000  }
0xc6: {  	[sflag:s14] =	ssyncset.done $0x0  }
0xc7: {  	[sflag:s14] =	ssyncadd.s32 $0xFFFFC000  }
0xc8: {  	_ =	swait.ge [sflag:s20], $0x4000  }
0xc9: {  	[sflag:s20] =	ssyncset.done $0x0  }
0xca: {  	[sflag:s20] =	ssyncadd.s32 $0xFFFFC000  }
0xcb: {  	[spmem:s1] =	stream.indirect.scatter.add.f32 [tilespmem:s17], [sflag:$0x3], $0x80, s6, s16, $0xb8;
	[tilespmem:$0x1C400] =	vst v63  }
0xcc: {  	_ =	swait.ge [sflag:s14], $0x4000  }
0xcd: {  	s2 =	simm.s32 $0x80;
	s9 =	simm.s32 $0x100;
	[sflag:s14] =	ssyncset.done $0x0  }
.LBB2_7:
0xce: {  	s7 =	sadd.s32 s2, s12  }
0xcf: {  	[sflag:s14] =	ssyncadd.s32 $0xFFFFC000;
	s19 =	smov.u32 s9;
	s10 =	sadd.s32 $0x80, s9  }
0xd0: {  	[tilespmem:s3], [sflag:$0x3] =	stream.linear.gather [hbm4b:s7+s3], $0x400, $0x38;
	[tilespmem:$0x1C400] =	vst v63  }
0xd1: {  	p1 =	seq.s32 s9, $0x480;
	_ =	swait.ge [sflag:s14], $0x400  }
0xd2: {  	s7 =	sadd.s32 s2, s11;
	[sflag:s14] =	ssyncset.done $0x0  }
0xd3: {  	s2 =	smov.u32 s19;
	s19 =	simm.s32 $0x100;
	[sflag:s14] =	ssyncadd.s32 $0xFFFFFC00  }
0xd4: {  	[tilespmem:s15], [sflag:$0x3] =	stream.linear.gather [hbm4b:s7+s3], $0x400, $0x38;
	[tilespmem:$0x1C400] =	vst v63  }
0xd5: {  	_ =	swait.ge [sflag:s14], $0x400  }
0xd6: {  	[sflag:s14] =	ssyncset.done $0x0  }
0xd7: {  	[sflag:s14] =	ssyncadd.s32 $0xFFFFFC00  }
0xd8: {  	[tilespmem:s13], [sflag:$0x1] =	stream.indirect.gather [hbm4b:s4+s16], $0x80, s3, s16, $0xb8;
	[tilespmem:$0x1C400] =	vst v63  }
0xd9: {  	_ = 	snop  }
0xda: {  	[tilespmem:s17], [sflag:$0x2] =	stream.indirect.gather [hbm4b:s4+s16], $0x80, s16, s16, $0xb8;
	[tilespmem:$0x1C400] =	vst v63  }
0xdb: {  	_ =	swait.ge [sflag:s18], $0x4000  }
0xdc: {  	[sflag:s18] =	ssyncset.done $0x0  }
0xdd: {  	[sflag:s18] =	ssyncadd.s32 $0xFFFFC000  }
0xde: {  	[spmem:s1] =	stream.indirect.scatter.add.f32 [tilespmem:s13], [sflag:$0x3], $0x80, s15, s16, $0xb8;
	[tilespmem:$0x1C400] =	vst v63  }
0xdf: {  	_ =	swait.ge [sflag:s14], $0x4000  }
0xe0: {  	[sflag:s14] =	ssyncset.done $0x0  }
0xe1: {  	[sflag:s14] =	ssyncadd.s32 $0xFFFFC000  }
0xe2: {  	[tilespmem:s13], [sflag:$0x1] =	stream.indirect.gather [hbm4b:s4+s16], $0x80, s19, s16, $0xb8;
	[tilespmem:$0x1C400] =	vst v63  }
0xe3: {  	_ =	swait.ge [sflag:s20], $0x4000  }
0xe4: {  	[sflag:s20] =	ssyncset.done $0x0  }
0xe5: {  	[sflag:s20] =	ssyncadd.s32 $0xFFFFC000  }
0xe6: {  	[spmem:s1] =	stream.indirect.scatter.add.f32 [tilespmem:s17], [sflag:$0x3], $0x80, s21, s16, $0xb8;
	[tilespmem:$0x1C400] =	vst v63  }
0xe7: {  	_ =	swait.ge [sflag:s14], $0x4000  }
0xe8: {  	[sflag:s14] =	ssyncset.done $0x0  }
0xe9: {  	[sflag:s14] =	ssyncadd.s32 $0xFFFFC000  }
0xea: {  	[tilespmem:s17], [sflag:$0x2] =	stream.indirect.gather [hbm4b:s4+s16], $0x80, s22, s16, $0xb8;
	[tilespmem:$0x1C400] =	vst v63  }
0xeb: {  	_ =	swait.ge [sflag:s18], $0x4000  }
0xec: {  	[sflag:s18] =	ssyncset.done $0x0  }
0xed: {  	[sflag:s18] =	ssyncadd.s32 $0xFFFFC000  }
0xee: {  	[spmem:s1] =	stream.indirect.scatter.add.f32 [tilespmem:s13], [sflag:$0x3], $0x80, s23, s16, $0xb8;
	[tilespmem:$0x1C400] =	vst v63  }
0xef: {  	_ =	swait.ge [sflag:s14], $0x4000  }
0xf0: {  	[sflag:s14] =	ssyncset.done $0x0  }
0xf1: {  	[sflag:s14] =	ssyncadd.s32 $0xFFFFC000  }
0xf2: {  	[tilespmem:s13], [sflag:$0x1] =	stream.indirect.gather [hbm4b:s4+s16], $0x80, s24, s16, $0xb8;
	[tilespmem:$0x1C400] =	vst v63  }
0xf3: {  	_ =	swait.ge [sflag:s20], $0x4000  }
0xf4: {  	[sflag:s20] =	ssyncset.done $0x0  }
0xf5: {  	[sflag:s20] =	ssyncadd.s32 $0xFFFFC000  }
0xf6: {  	[spmem:s1] =	stream.indirect.scatter.add.f32 [tilespmem:s17], [sflag:$0x3], $0x80, s25, s16, $0xb8;
	[tilespmem:$0x1C400] =	vst v63  }
0xf7: {  	_ =	swait.ge [sflag:s14], $0x4000  }
0xf8: {  	[sflag:s14] =	ssyncset.done $0x0  }
0xf9: {  	[sflag:s14] =	ssyncadd.s32 $0xFFFFC000  }
0xfa: {  	[tilespmem:s17], [sflag:$0x2] =	stream.indirect.gather [hbm4b:s4+s16], $0x80, s26, s16, $0xb8;
	[tilespmem:$0x1C400] =	vst v63  }
0xfb: {  	_ =	swait.ge [sflag:s18], $0x4000  }
0xfc: {  	[sflag:s18] =	ssyncset.done $0x0  }
0xfd: {  	[sflag:s18] =	ssyncadd.s32 $0xFFFFC000  }
0xfe: {  	[spmem:s1] =	stream.indirect.scatter.add.f32 [tilespmem:s13], [sflag:$0x3], $0x80, s28, s16, $0xb8;
	[tilespmem:$0x1C400] =	vst v63  }
0xff: {  	_ =	swait.ge [sflag:s14], $0x4000  }
0x100: {  	[sflag:s14] =	ssyncset.done $0x0  }
0x101: {  	[sflag:s14] =	ssyncadd.s32 $0xFFFFC000  }
0x102: {  	[tilespmem:s13], [sflag:$0x1] =	stream.indirect.gather [hbm4b:s4+s16], $0x80, s29, s16, $0xb8;
	[tilespmem:$0x1C400] =	vst v63  }
0x103: {  	_ =	swait.ge [sflag:s20], $0x4000  }
0x104: {  	[sflag:s20] =	ssyncset.done $0x0  }
0x105: {  	[sflag:s20] =	ssyncadd.s32 $0xFFFFC000  }
0x106: {  	[spmem:s1] =	stream.indirect.scatter.add.f32 [tilespmem:s17], [sflag:$0x3], $0x80, s30, s16, $0xb8;
	[tilespmem:$0x1C400] =	vst v63  }
0x107: {  	_ =	swait.ge [sflag:s14], $0x4000  }
0x108: {  	[sflag:s14] =	ssyncset.done $0x0  }
0x109: {  	[sflag:s14] =	ssyncadd.s32 $0xFFFFC000  }
0x10a: {  	[tilespmem:s17], [sflag:$0x2] =	stream.indirect.gather [hbm4b:s4+s16], $0x80, s31, s16, $0xb8;
	[tilespmem:$0x1C400] =	vst v63  }
0x10b: {  	_ =	swait.ge [sflag:s18], $0x4000  }
0x10c: {  	[sflag:s18] =	ssyncset.done $0x0  }
0x10d: {  	[sflag:s18] =	ssyncadd.s32 $0xFFFFC000  }
0x10e: {  	[spmem:s1] =	stream.indirect.scatter.add.f32 [tilespmem:s13], [sflag:$0x3], $0x80, s0, s16, $0xb8;
	[tilespmem:$0x1C400] =	vst v63  }
0x10f: {  	_ =	swait.ge [sflag:s14], $0x4000  }
0x110: {  	[sflag:s14] =	ssyncset.done $0x0  }
0x111: {  	[sflag:s14] =	ssyncadd.s32 $0xFFFFC000  }
0x112: {  	_ =	swait.ge [sflag:s20], $0x4000  }
.Ltmp5:
0x113: {  	[sflag:s20] =	ssyncset.done $0x0;
	(pc) =	sbr.rel @!p1 .LBB2_7-.Ltmp5, $4  }
0x114: {  	[sflag:s20] =	ssyncadd.s32 $0xFFFFC000  }
0x115: {  	[spmem:s1] =	stream.indirect.scatter.add.f32 [tilespmem:s17], [sflag:$0x3], $0x80, s6, s16, $0xb8;
	[tilespmem:$0x1C400] =	vst v63  }
0x116: {  	_ =	swait.ge [sflag:s14], $0x4000  }
0x117: {  	s9 =	smov.u32 s10;
	[sflag:s14] =	ssyncset.done $0x0  }
0x118: {  	s7 =	sadd.s32 s2, s12;
	[sflag:s14] =	ssyncadd.s32 $0xFFFFC000  }
0x119: {  	[tilespmem:s3], [sflag:$0x3] =	stream.linear.gather [hbm4b:s7+s3], $0x400, $0x38;
	[tilespmem:$0x1C400] =	vst v63  }
0x11a: {  	_ =	swait.ge [sflag:s14], $0x400  }
0x11b: {  	[sflag:s14] =	ssyncset.done $0x0  }
0x11c: {  	s10 =	sadd.s32 s2, s11;
	[sflag:s14] =	ssyncadd.s32 $0xFFFFFC00  }
0x11d: {  	[tilespmem:s15], [sflag:$0x3] =	stream.linear.gather [hbm4b:s10+s3], $0x400, $0x38;
	[tilespmem:$0x1C400] =	vst v63  }
0x11e: {  	_ =	swait.ge [sflag:s14], $0x400  }
0x11f: {  	[sflag:s14] =	ssyncset.done $0x0  }
0x120: {  	[sflag:s14] =	ssyncadd.s32 $0xFFFFFC00  }
0x121: {  	[tilespmem:s13], [sflag:$0x1] =	stream.indirect.gather [hbm4b:s4+s16], $0x80, s3, s16, $0xb8;
	[tilespmem:$0x1C400] =	vst v63  }
0x122: {  	_ = 	snop  }
0x123: {  	[tilespmem:s17], [sflag:$0x2] =	stream.indirect.gather [hbm4b:s4+s16], $0x80, s16, s16, $0xb8;
	[tilespmem:$0x1C400] =	vst v63  }
0x124: {  	_ =	swait.ge [sflag:s18], $0x4000  }
0x125: {  	[sflag:s18] =	ssyncset.done $0x0  }
0x126: {  	[sflag:s18] =	ssyncadd.s32 $0xFFFFC000  }
0x127: {  	[spmem:s1] =	stream.indirect.scatter.add.f32 [tilespmem:s13], [sflag:$0x3], $0x80, s15, s16, $0xb8;
	[tilespmem:$0x1C400] =	vst v63  }
0x128: {  	_ =	swait.ge [sflag:s14], $0x4000  }
0x129: {  	[sflag:s14] =	ssyncset.done $0x0  }
0x12a: {  	[sflag:s14] =	ssyncadd.s32 $0xFFFFC000  }
0x12b: {  	[tilespmem:s13], [sflag:$0x1] =	stream.indirect.gather [hbm4b:s4+s16], $0x80, s19, s16, $0xb8;
	[tilespmem:$0x1C400] =	vst v63  }
0x12c: {  	_ =	swait.ge [sflag:s20], $0x4000  }
0x12d: {  	[sflag:s20] =	ssyncset.done $0x0  }
0x12e: {  	[sflag:s20] =	ssyncadd.s32 $0xFFFFC000  }
0x12f: {  	[spmem:s1] =	stream.indirect.scatter.add.f32 [tilespmem:s17], [sflag:$0x3], $0x80, s21, s16, $0xb8;
	[tilespmem:$0x1C400] =	vst v63  }
0x130: {  	_ =	swait.ge [sflag:s14], $0x4000  }
0x131: {  	[sflag:s14] =	ssyncset.done $0x0  }
0x132: {  	[sflag:s14] =	ssyncadd.s32 $0xFFFFC000  }
0x133: {  	[tilespmem:s17], [sflag:$0x2] =	stream.indirect.gather [hbm4b:s4+s16], $0x80, s22, s16, $0xb8;
	[tilespmem:$0x1C400] =	vst v63  }
0x134: {  	_ =	swait.ge [sflag:s18], $0x4000  }
0x135: {  	[sflag:s18] =	ssyncset.done $0x0  }
0x136: {  	[sflag:s18] =	ssyncadd.s32 $0xFFFFC000  }
0x137: {  	[spmem:s1] =	stream.indirect.scatter.add.f32 [tilespmem:s13], [sflag:$0x3], $0x80, s23, s16, $0xb8;
	[tilespmem:$0x1C400] =	vst v63  }
0x138: {  	_ =	swait.ge [sflag:s14], $0x4000  }
0x139: {  	[sflag:s14] =	ssyncset.done $0x0  }
0x13a: {  	[sflag:s14] =	ssyncadd.s32 $0xFFFFC000  }
0x13b: {  	[tilespmem:s13], [sflag:$0x1] =	stream.indirect.gather [hbm4b:s4+s16], $0x80, s24, s16, $0xb8;
	[tilespmem:$0x1C400] =	vst v63  }
0x13c: {  	_ =	swait.ge [sflag:s20], $0x4000  }
0x13d: {  	[sflag:s20] =	ssyncset.done $0x0  }
0x13e: {  	[sflag:s20] =	ssyncadd.s32 $0xFFFFC000  }
0x13f: {  	[spmem:s1] =	stream.indirect.scatter.add.f32 [tilespmem:s17], [sflag:$0x3], $0x80, s25, s16, $0xb8;
	[tilespmem:$0x1C400] =	vst v63  }
0x140: {  	_ =	swait.ge [sflag:s14], $0x4000  }
0x141: {  	[sflag:s14] =	ssyncset.done $0x0  }
0x142: {  	[sflag:s14] =	ssyncadd.s32 $0xFFFFC000  }
0x143: {  	[tilespmem:s17], [sflag:$0x2] =	stream.indirect.gather [hbm4b:s4+s16], $0x80, s26, s16, $0xb8;
	[tilespmem:$0x1C400] =	vst v63  }
0x144: {  	_ =	swait.ge [sflag:s18], $0x4000  }
0x145: {  	[sflag:s18] =	ssyncset.done $0x0  }
0x146: {  	[sflag:s18] =	ssyncadd.s32 $0xFFFFC000  }
0x147: {  	[spmem:s1] =	stream.indirect.scatter.add.f32 [tilespmem:s13], [sflag:$0x3], $0x80, s28, s16, $0xb8;
	[tilespmem:$0x1C400] =	vst v63  }
0x148: {  	_ =	swait.ge [sflag:s14], $0x4000  }
0x149: {  	[sflag:s14] =	ssyncset.done $0x0  }
0x14a: {  	[sflag:s14] =	ssyncadd.s32 $0xFFFFC000  }
0x14b: {  	[tilespmem:s13], [sflag:$0x1] =	stream.indirect.gather [hbm4b:s4+s16], $0x80, s29, s16, $0xb8;
	[tilespmem:$0x1C400] =	vst v63  }
0x14c: {  	_ =	swait.ge [sflag:s20], $0x4000  }
0x14d: {  	[sflag:s20] =	ssyncset.done $0x0  }
0x14e: {  	[sflag:s20] =	ssyncadd.s32 $0xFFFFC000  }
0x14f: {  	[spmem:s1] =	stream.indirect.scatter.add.f32 [tilespmem:s17], [sflag:$0x3], $0x80, s30, s16, $0xb8;
	[tilespmem:$0x1C400] =	vst v63  }
0x150: {  	_ =	swait.ge [sflag:s14], $0x4000  }
0x151: {  	[sflag:s14] =	ssyncset.done $0x0  }
0x152: {  	[sflag:s14] =	ssyncadd.s32 $0xFFFFC000  }
0x153: {  	[tilespmem:s17], [sflag:$0x2] =	stream.indirect.gather [hbm4b:s4+s16], $0x80, s31, s16, $0xb8;
	[tilespmem:$0x1C400] =	vst v63  }
0x154: {  	_ =	swait.ge [sflag:s18], $0x4000  }
0x155: {  	[sflag:s18] =	ssyncset.done $0x0  }
0x156: {  	[sflag:s18] =	ssyncadd.s32 $0xFFFFC000  }
0x157: {  	[spmem:s1] =	stream.indirect.scatter.add.f32 [tilespmem:s13], [sflag:$0x3], $0x80, s0, s16, $0xb8;
	[tilespmem:$0x1C400] =	vst v63  }
0x158: {  	_ =	swait.ge [sflag:s14], $0x4000  }
0x159: {  	[sflag:s14] =	ssyncset.done $0x0  }
0x15a: {  	[sflag:s14] =	ssyncadd.s32 $0xFFFFC000  }
0x15b: {  	_ =	swait.ge [sflag:s20], $0x4000  }
0x15c: {  	[sflag:s20] =	ssyncset.done $0x0  }
.Ltmp6:
0x15d: {  	[sflag:s20] =	ssyncadd.s32 $0xFFFFC000;
	(pc) =	sbr.rel .LBB2_12-.Ltmp6, $4  }
0x15e: {  	[spmem:s1] =	stream.indirect.scatter.add.f32 [tilespmem:s17], [sflag:$0x3], $0x80, s6, s16, $0xb8;
	[tilespmem:$0x1C400] =	vst v63  }
0x15f: {  	_ =	swait.ge [sflag:s14], $0x4000  }
0x160: {  	[sflag:s14] =	ssyncset.done $0x0;
	s2 =	rddreg [dreg:$0x4]  }
0x161: {  	s10 =	rddreg [dreg:$0x8];
	[sflag:s14] =	ssyncadd.s32 $0xFFFFC000  }
.LBB2_9:
0x162: {  	[tilespmem:s3], [sflag:$0x3] =	stream.linear.gather [hbm4b:s2+s3], $0x400, $0x38;
	[tilespmem:$0x1C400] =	vst v63  }
0x163: {  	_ =	swait.ge [sflag:s14], $0x400  }
0x164: {  	[sflag:s14] =	ssyncset.done $0x0  }
0x165: {  	s10 =	sadd.s32 $0x0, s11;
	[sflag:s14] =	ssyncadd.s32 $0xFFFFFC00  }
0x166: {  	[tilespmem:s15], [sflag:$0x3] =	stream.linear.gather [hbm4b:s10+s3], $0x400, $0x38;
	[tilespmem:$0x1C400] =	vst v63  }
0x167: {  	_ =	swait.ge [sflag:s14], $0x400  }
0x168: {  	[sflag:s14] =	ssyncset.done $0x0  }
0x169: {  	[sflag:s14] =	ssyncadd.s32 $0xFFFFFC00  }
0x16a: {  	[tilespmem:s13], [sflag:$0x1] =	stream.indirect.gather [hbm4b:s5+s16], $0x80, s3, s16, $0xb8;
	[tilespmem:$0x1C400] =	vst v63  }
0x16b: {  	_ = 	snop  }
0x16c: {  	[tilespmem:s17], [sflag:$0x2] =	stream.indirect.gather [hbm4b:s5+s16], $0x80, s16, s16, $0xb8;
	[tilespmem:$0x1C400] =	vst v63  }
0x16d: {  	_ =	swait.ge [sflag:s18], $0x4000  }
0x16e: {  	[sflag:s18] =	ssyncset.done $0x0  }
0x16f: {  	[sflag:s18] =	ssyncadd.s32 $0xFFFFC000  }
0x170: {  	[spmem:s1] =	stream.indirect.scatter.add.f32 [tilespmem:s13], [sflag:$0x3], $0x80, s15, s16, $0xb8;
	[tilespmem:$0x1C400] =	vst v63  }
0x171: {  	_ =	swait.ge [sflag:s14], $0x4000  }
0x172: {  	[sflag:s14] =	ssyncset.done $0x0  }
0x173: {  	[sflag:s14] =	ssyncadd.s32 $0xFFFFC000  }
0x174: {  	[tilespmem:s13], [sflag:$0x1] =	stream.indirect.gather [hbm4b:s5+s16], $0x80, s19, s16, $0xb8;
	[tilespmem:$0x1C400] =	vst v63  }
0x175: {  	_ =	swait.ge [sflag:s20], $0x4000  }
0x176: {  	[sflag:s20] =	ssyncset.done $0x0  }
0x177: {  	[sflag:s20] =	ssyncadd.s32 $0xFFFFC000  }
0x178: {  	[spmem:s1] =	stream.indirect.scatter.add.f32 [tilespmem:s17], [sflag:$0x3], $0x80, s21, s16, $0xb8;
	[tilespmem:$0x1C400] =	vst v63  }
0x179: {  	_ =	swait.ge [sflag:s14], $0x4000  }
0x17a: {  	[sflag:s14] =	ssyncset.done $0x0  }
0x17b: {  	[sflag:s14] =	ssyncadd.s32 $0xFFFFC000  }
0x17c: {  	[tilespmem:s17], [sflag:$0x2] =	stream.indirect.gather [hbm4b:s5+s16], $0x80, s22, s16, $0xb8;
	[tilespmem:$0x1C400] =	vst v63  }
0x17d: {  	_ =	swait.ge [sflag:s18], $0x4000  }
0x17e: {  	[sflag:s18] =	ssyncset.done $0x0  }
0x17f: {  	[sflag:s18] =	ssyncadd.s32 $0xFFFFC000  }
0x180: {  	[spmem:s1] =	stream.indirect.scatter.add.f32 [tilespmem:s13], [sflag:$0x3], $0x80, s23, s16, $0xb8;
	[tilespmem:$0x1C400] =	vst v63  }
0x181: {  	_ =	swait.ge [sflag:s14], $0x4000  }
0x182: {  	[sflag:s14] =	ssyncset.done $0x0  }
0x183: {  	[sflag:s14] =	ssyncadd.s32 $0xFFFFC000  }
0x184: {  	[tilespmem:s13], [sflag:$0x1] =	stream.indirect.gather [hbm4b:s5+s16], $0x80, s24, s16, $0xb8;
	[tilespmem:$0x1C400] =	vst v63  }
0x185: {  	_ =	swait.ge [sflag:s20], $0x4000  }
0x186: {  	[sflag:s20] =	ssyncset.done $0x0  }
0x187: {  	[sflag:s20] =	ssyncadd.s32 $0xFFFFC000  }
0x188: {  	[spmem:s1] =	stream.indirect.scatter.add.f32 [tilespmem:s17], [sflag:$0x3], $0x80, s25, s16, $0xb8;
	[tilespmem:$0x1C400] =	vst v63  }
0x189: {  	_ =	swait.ge [sflag:s14], $0x4000  }
0x18a: {  	[sflag:s14] =	ssyncset.done $0x0  }
0x18b: {  	[sflag:s14] =	ssyncadd.s32 $0xFFFFC000  }
0x18c: {  	[tilespmem:s17], [sflag:$0x2] =	stream.indirect.gather [hbm4b:s5+s16], $0x80, s26, s16, $0xb8;
	[tilespmem:$0x1C400] =	vst v63  }
0x18d: {  	_ =	swait.ge [sflag:s18], $0x4000  }
0x18e: {  	[sflag:s18] =	ssyncset.done $0x0  }
0x18f: {  	[sflag:s18] =	ssyncadd.s32 $0xFFFFC000  }
0x190: {  	[spmem:s1] =	stream.indirect.scatter.add.f32 [tilespmem:s13], [sflag:$0x3], $0x80, s28, s16, $0xb8;
	[tilespmem:$0x1C400] =	vst v63  }
0x191: {  	_ =	swait.ge [sflag:s14], $0x4000  }
0x192: {  	[sflag:s14] =	ssyncset.done $0x0  }
0x193: {  	[sflag:s14] =	ssyncadd.s32 $0xFFFFC000  }
0x194: {  	[tilespmem:s13], [sflag:$0x1] =	stream.indirect.gather [hbm4b:s5+s16], $0x80, s29, s16, $0xb8;
	[tilespmem:$0x1C400] =	vst v63  }
0x195: {  	_ =	swait.ge [sflag:s20], $0x4000  }
0x196: {  	[sflag:s20] =	ssyncset.done $0x0  }
0x197: {  	[sflag:s20] =	ssyncadd.s32 $0xFFFFC000  }
0x198: {  	[spmem:s1] =	stream.indirect.scatter.add.f32 [tilespmem:s17], [sflag:$0x3], $0x80, s30, s16, $0xb8;
	[tilespmem:$0x1C400] =	vst v63  }
0x199: {  	_ =	swait.ge [sflag:s14], $0x4000  }
0x19a: {  	[sflag:s14] =	ssyncset.done $0x0  }
0x19b: {  	[sflag:s14] =	ssyncadd.s32 $0xFFFFC000  }
0x19c: {  	[tilespmem:s17], [sflag:$0x2] =	stream.indirect.gather [hbm4b:s5+s16], $0x80, s31, s16, $0xb8;
	[tilespmem:$0x1C400] =	vst v63  }
0x19d: {  	_ =	swait.ge [sflag:s18], $0x4000  }
0x19e: {  	[sflag:s18] =	ssyncset.done $0x0  }
0x19f: {  	[sflag:s18] =	ssyncadd.s32 $0xFFFFC000  }
0x1a0: {  	[spmem:s1] =	stream.indirect.scatter.add.f32 [tilespmem:s13], [sflag:$0x3], $0x80, s0, s16, $0xb8;
	[tilespmem:$0x1C400] =	vst v63  }
0x1a1: {  	_ =	swait.ge [sflag:s14], $0x4000  }
0x1a2: {  	[sflag:s14] =	ssyncset.done $0x0  }
0x1a3: {  	[sflag:s14] =	ssyncadd.s32 $0xFFFFC000  }
0x1a4: {  	_ =	swait.ge [sflag:s20], $0x4000  }
0x1a5: {  	[sflag:s20] =	ssyncset.done $0x0  }
0x1a6: {  	[sflag:s20] =	ssyncadd.s32 $0xFFFFC000  }
0x1a7: {  	[spmem:s1] =	stream.indirect.scatter.add.f32 [tilespmem:s17], [sflag:$0x3], $0x80, s6, s16, $0xb8;
	[tilespmem:$0x1C400] =	vst v63  }
0x1a8: {  	_ =	swait.ge [sflag:s14], $0x4000  }
0x1a9: {  	s2 =	simm.s32 $0x80;
	s10 =	simm.s32 $0x100;
	[sflag:s14] =	ssyncset.done $0x0  }
.LBB2_10:
0x1aa: {  	s7 =	sadd.s32 s2, s12  }
0x1ab: {  	[sflag:s14] =	ssyncadd.s32 $0xFFFFC000;
	s19 =	smov.u32 s10;
	s9 =	sadd.s32 $0x80, s10  }
0x1ac: {  	[tilespmem:s3], [sflag:$0x3] =	stream.linear.gather [hbm4b:s7+s3], $0x400, $0x38;
	[tilespmem:$0x1C400] =	vst v63  }
0x1ad: {  	p1 =	sne.s32 s10, $0x480;
	_ =	swait.ge [sflag:s14], $0x400  }
0x1ae: {  	s7 =	sadd.s32 s2, s11;
	[sflag:s14] =	ssyncset.done $0x0  }
0x1af: {  	s2 =	smov.u32 s19;
	s19 =	simm.s32 $0x100;
	[sflag:s14] =	ssyncadd.s32 $0xFFFFFC00  }
0x1b0: {  	[tilespmem:s15], [sflag:$0x3] =	stream.linear.gather [hbm4b:s7+s3], $0x400, $0x38;
	[tilespmem:$0x1C400] =	vst v63  }
0x1b1: {  	_ =	swait.ge [sflag:s14], $0x400  }
0x1b2: {  	[sflag:s14] =	ssyncset.done $0x0  }
0x1b3: {  	[sflag:s14] =	ssyncadd.s32 $0xFFFFFC00  }
0x1b4: {  	[tilespmem:s13], [sflag:$0x1] =	stream.indirect.gather [hbm4b:s5+s16], $0x80, s3, s16, $0xb8;
	[tilespmem:$0x1C400] =	vst v63  }
0x1b5: {  	_ = 	snop  }
0x1b6: {  	[tilespmem:s17], [sflag:$0x2] =	stream.indirect.gather [hbm4b:s5+s16], $0x80, s16, s16, $0xb8;
	[tilespmem:$0x1C400] =	vst v63  }
0x1b7: {  	_ =	swait.ge [sflag:s18], $0x4000  }
0x1b8: {  	[sflag:s18] =	ssyncset.done $0x0  }
0x1b9: {  	[sflag:s18] =	ssyncadd.s32 $0xFFFFC000  }
0x1ba: {  	[spmem:s1] =	stream.indirect.scatter.add.f32 [tilespmem:s13], [sflag:$0x3], $0x80, s15, s16, $0xb8;
	[tilespmem:$0x1C400] =	vst v63  }
0x1bb: {  	_ =	swait.ge [sflag:s14], $0x4000  }
0x1bc: {  	[sflag:s14] =	ssyncset.done $0x0  }
0x1bd: {  	[sflag:s14] =	ssyncadd.s32 $0xFFFFC000  }
0x1be: {  	[tilespmem:s13], [sflag:$0x1] =	stream.indirect.gather [hbm4b:s5+s16], $0x80, s19, s16, $0xb8;
	[tilespmem:$0x1C400] =	vst v63  }
0x1bf: {  	_ =	swait.ge [sflag:s20], $0x4000  }
0x1c0: {  	[sflag:s20] =	ssyncset.done $0x0  }
0x1c1: {  	[sflag:s20] =	ssyncadd.s32 $0xFFFFC000  }
0x1c2: {  	[spmem:s1] =	stream.indirect.scatter.add.f32 [tilespmem:s17], [sflag:$0x3], $0x80, s21, s16, $0xb8;
	[tilespmem:$0x1C400] =	vst v63  }
0x1c3: {  	_ =	swait.ge [sflag:s14], $0x4000  }
0x1c4: {  	[sflag:s14] =	ssyncset.done $0x0  }
0x1c5: {  	[sflag:s14] =	ssyncadd.s32 $0xFFFFC000  }
0x1c6: {  	[tilespmem:s17], [sflag:$0x2] =	stream.indirect.gather [hbm4b:s5+s16], $0x80, s22, s16, $0xb8;
	[tilespmem:$0x1C400] =	vst v63  }
0x1c7: {  	_ =	swait.ge [sflag:s18], $0x4000  }
0x1c8: {  	[sflag:s18] =	ssyncset.done $0x0  }
0x1c9: {  	[sflag:s18] =	ssyncadd.s32 $0xFFFFC000  }
0x1ca: {  	[spmem:s1] =	stream.indirect.scatter.add.f32 [tilespmem:s13], [sflag:$0x3], $0x80, s23, s16, $0xb8;
	[tilespmem:$0x1C400] =	vst v63  }
0x1cb: {  	_ =	swait.ge [sflag:s14], $0x4000  }
0x1cc: {  	[sflag:s14] =	ssyncset.done $0x0  }
0x1cd: {  	[sflag:s14] =	ssyncadd.s32 $0xFFFFC000  }
0x1ce: {  	[tilespmem:s13], [sflag:$0x1] =	stream.indirect.gather [hbm4b:s5+s16], $0x80, s24, s16, $0xb8;
	[tilespmem:$0x1C400] =	vst v63  }
0x1cf: {  	_ =	swait.ge [sflag:s20], $0x4000  }
0x1d0: {  	[sflag:s20] =	ssyncset.done $0x0  }
0x1d1: {  	[sflag:s20] =	ssyncadd.s32 $0xFFFFC000  }
0x1d2: {  	[spmem:s1] =	stream.indirect.scatter.add.f32 [tilespmem:s17], [sflag:$0x3], $0x80, s25, s16, $0xb8;
	[tilespmem:$0x1C400] =	vst v63  }
0x1d3: {  	_ =	swait.ge [sflag:s14], $0x4000  }
0x1d4: {  	[sflag:s14] =	ssyncset.done $0x0  }
0x1d5: {  	[sflag:s14] =	ssyncadd.s32 $0xFFFFC000  }
0x1d6: {  	[tilespmem:s17], [sflag:$0x2] =	stream.indirect.gather [hbm4b:s5+s16], $0x80, s26, s16, $0xb8;
	[tilespmem:$0x1C400] =	vst v63  }
0x1d7: {  	_ =	swait.ge [sflag:s18], $0x4000  }
0x1d8: {  	[sflag:s18] =	ssyncset.done $0x0  }
0x1d9: {  	[sflag:s18] =	ssyncadd.s32 $0xFFFFC000  }
0x1da: {  	[spmem:s1] =	stream.indirect.scatter.add.f32 [tilespmem:s13], [sflag:$0x3], $0x80, s28, s16, $0xb8;
	[tilespmem:$0x1C400] =	vst v63  }
0x1db: {  	_ =	swait.ge [sflag:s14], $0x4000  }
0x1dc: {  	[sflag:s14] =	ssyncset.done $0x0  }
0x1dd: {  	[sflag:s14] =	ssyncadd.s32 $0xFFFFC000  }
0x1de: {  	[tilespmem:s13], [sflag:$0x1] =	stream.indirect.gather [hbm4b:s5+s16], $0x80, s29, s16, $0xb8;
	[tilespmem:$0x1C400] =	vst v63  }
0x1df: {  	_ =	swait.ge [sflag:s20], $0x4000  }
0x1e0: {  	[sflag:s20] =	ssyncset.done $0x0  }
0x1e1: {  	[sflag:s20] =	ssyncadd.s32 $0xFFFFC000  }
0x1e2: {  	[spmem:s1] =	stream.indirect.scatter.add.f32 [tilespmem:s17], [sflag:$0x3], $0x80, s30, s16, $0xb8;
	[tilespmem:$0x1C400] =	vst v63  }
0x1e3: {  	_ =	swait.ge [sflag:s14], $0x4000  }
0x1e4: {  	[sflag:s14] =	ssyncset.done $0x0  }
0x1e5: {  	[sflag:s14] =	ssyncadd.s32 $0xFFFFC000  }
0x1e6: {  	[tilespmem:s17], [sflag:$0x2] =	stream.indirect.gather [hbm4b:s5+s16], $0x80, s31, s16, $0xb8;
	[tilespmem:$0x1C400] =	vst v63  }
0x1e7: {  	_ =	swait.ge [sflag:s18], $0x4000  }
0x1e8: {  	[sflag:s18] =	ssyncset.done $0x0  }
0x1e9: {  	[sflag:s18] =	ssyncadd.s32 $0xFFFFC000  }
0x1ea: {  	[spmem:s1] =	stream.indirect.scatter.add.f32 [tilespmem:s13], [sflag:$0x3], $0x80, s0, s16, $0xb8;
	[tilespmem:$0x1C400] =	vst v63  }
0x1eb: {  	_ =	swait.ge [sflag:s14], $0x4000  }
0x1ec: {  	[sflag:s14] =	ssyncset.done $0x0  }
0x1ed: {  	[sflag:s14] =	ssyncadd.s32 $0xFFFFC000  }
0x1ee: {  	_ =	swait.ge [sflag:s20], $0x4000  }
.Ltmp7:
0x1ef: {  	[sflag:s20] =	ssyncset.done $0x0;
	(pc) =	sbr.rel @p1 .LBB2_10-.Ltmp7, $4  }
0x1f0: {  	[sflag:s20] =	ssyncadd.s32 $0xFFFFC000  }
0x1f1: {  	[spmem:s1] =	stream.indirect.scatter.add.f32 [tilespmem:s17], [sflag:$0x3], $0x80, s6, s16, $0xb8;
	[tilespmem:$0x1C400] =	vst v63  }
0x1f2: {  	_ =	swait.ge [sflag:s14], $0x4000  }
0x1f3: {  	s10 =	smov.u32 s9;
	[sflag:s14] =	ssyncset.done $0x0  }
.Ltmp8:
0x1f4: {  	_ = 	snop;
	(pc) =	sbr.rel .LBB2_11-.Ltmp8, $1  }
0x1f5: {  	_ =	sdelay $0x3  }
.LBB2_13:
0x1f6: {  	_ =	sfence.sel $0x180000  }
0x1f7: {  	[bflag:$0x0] =	sbarrier.arrive $0xFFFF  }
0x1f8: {  	_ =	strace $0x9000004D  }
0x1f9: {  	s0 =	stileid.u32;
	[bflag:$0x2] =	sbarrier.arrive $0xFFFF  }
0x1fa: {  	p0 =	sne.s32 s0, $0x0;
	s0 =	rddreg [dreg:$0x3]  }
0x1fb: {  	s0 =	sadd.s32 @!p0 $0x100000, s0  }
0x1fc: {  	[sflag:s0] =	ssyncadd.tile.s32 @!p0 $0x1;
	_ =	shalt  }
.Lfunc_end2:
_tile_overlayer_lowered:
.L_overlay_start_2:
0x1fd: {  	(tag) =	ssettag $0x2  }
0x1fe: {  	s0 =	rddreg [dreg:$0x0];
	s2 =	stileid.u32  }
0x1ff: {  	s1 =	rddreg [dreg:$0x1];
	p0 =	sne.s32 s2, $0x0  }
0x200: {  	s3 =	rddreg [dreg:$0x2];
	[bflag:$0x3] =	sbarrier.arrive $0xFFFF;
	s2 =	simm.s32 @!p0 $0x1C03  }
0x201: {  	[timem:s3], [sflag:s2] =	dma.local @!p0 [hbm:s0], s1  }
0x202: {  	s0 =	simm.s32 @!p0 $0x3  }
0x203: {  	_ =	swait.ge @!p0 [sflag:s0], s1  }
0x204: {  	s1 =	ssub.s32 @!p0 $0x0, s1;
	[sflag:s0] =	ssyncset.done @!p0 $0x0  }
0x205: {  	[sflag:s0] =	ssyncadd.s32 @!p0 s1  }
0x206: {  	[bflag:$0x3] =	sbarrier.arrive $0xFFFF  }
0x207: {  	_ =	shalt  }

// kernel: kernel.19.cloned.1.call-start
scs
__scs_entry_jumppad:
0x0: {  	(pc) =	sbr.rel $0x88, $3  }
0x1: {  	(tag) =	ssettag $0x0;
	lr =	simm.s32 $0x1  }
0x2: {  	[smem:$0x3F91] =	sst lr;
	_ =	strace $0xD0000000  }
0x3: {  	_ = 	snop  }
0x4: {  	_ = 	snop  }
0x5: {  	_ = 	snop  }
0x6: {  	_ = 	snop  }
0x7: {  	_ = 	snop  }
__scs_overlays_trampoline_lowered:
0x8: {  	[smem:$0x3FA0] =	sst s0  }
0x9: {  	[smem:$0x3FA1] =	sst s1  }
0xa: {  	[smem:$0x3FA2] =	sst s2  }
0xb: {  	[smem:$0x3FA3] =	sst s3  }
0xc: {  	[smem:$0x3FA4] =	sst s4  }
0xd: {  	[smem:$0x3FA5] =	sst s5  }
0xe: {  	[smem:$0x3FA6] =	sst s6  }
0xf: {  	[smem:$0x3FA7] =	sst s7  }
0x10: {  	[smem:$0x3FA8] =	sst s8  }
0x11: {  	[smem:$0x3FA9] =	sst s9;
	s0 =	simm.s32 @!p0 $0x0  }
0x12: {  	s1 =	sld [smem:$0x3F8F];
	s0 =	simm.s32 @p0 $0x1  }
0x13: {  	[smem:$0x3FAA] =	sst s0;
	s0 =	simm.s32 @!p1 $0x0  }
0x14: {  	s2 =	sld [smem:$0x3F8E];
	s0 =	simm.s32 @p1 $0x1  }
0x15: {  	[smem:$0x3FAB] =	sst s0;
	s0 =	simm.s32 @!p2 $0x0  }
0x16: {  	s3 =	sld [smem:$0x3FDB];
	s0 =	simm.s32 @p2 $0x1  }
0x17: {  	s4 =	simm.s32 $0x1BF5;
	[smem:$0x3FAD] =	sst s0  }
0x18: {  	s0 =	sld [smem:$0x3F90];
	_ =	swait.ge [sflag:s4], $0x0  }
0x19: {  	s7 =	sld [smem:$0x3F91]  }
0x1a: {  	s8 =	sadd.s32 $0xFFFFE003, lr  }
0x1b: {  	s9 =	sadd.s32 $0xFFFFFEF7, lr;
	s5 =	simm.s32 $0xFFFFFFFF;
	p2 =	slt.u32 s8, $0xFFFFF086  }
0x1c: {  	p1 =	slt.u32 s9, $0xF7A;
	s5 =	simm.s32 @!p2 $0x0  }
0x1d: {  	s5 =	simm.s32 @p1 $0x1;
	p0 =	seq.s32 s7, s2  }
0x1e: {  	s7 =	smul.u32 @!p0 $0xF7A, s2;
	p2 =	seq.s32 @!p0 s5, $0x0  }
0x1f: {  	s9 =	smul.u32 $0xF7A, s1;
	s8 =	simm.s32 @!p0 $0x1BF5;
	p2 =	por !p2, p0  }
0x20: {  	[sflag:s8] =	ssyncset.s32 @!p0 $0xFFFFF086;
	s6 =	sadd.s32 @!p0 s3, s7;
	s7 =	simm.s32 @!p0 $0x108  }
0x21: {  	s3 =	sadd.s32 s3, s9;
	s6 =	sadd.s32 @!p0 $0x88, s6;
	s7 =	simm.s32 @p2 $0x1082  }
0x22: {  	[simem:s7], [sflag:s8] =	dma.local @!p0 [hbm:s6], $0xF7A  }
0x23: {  	s9 =	sor.u32 $0xD0000000, s2;
	s6 =	simm.s32 $0x108;
	_ =	swait.ge @!p0 [sflag:s8], $0x0  }
0x24: {  	s3 =	sadd.s32 $0x88, s3;
	s6 =	simm.s32 @!p1 $0x1082;
	[sflag:s4] =	ssyncset.s32 $0xFFFFF086  }
0x25: {  	[simem:s6], [sflag:s4] =	dma.local [hbm:s3], $0xF7A  }
0x26: {  	[smem:$0x3F91] =	sst s1;
	(tag) =	ssettag s2;
	_ =	strace s9  }
0x27: {  	s1 =	sld [smem:$0x3FA1]  }
0x28: {  	s2 =	sld [smem:$0x3FA2]  }
0x29: {  	s4 =	sld [smem:$0x3FA4]  }
0x2a: {  	p0 =	seq.s32 s5, $0x0;
	s5 =	sld [smem:$0x3FA5]  }
0x2b: {  	s6 =	sld [smem:$0x3FA6]  }
0x2c: {  	s7 =	sld [smem:$0x3FA7]  }
0x2d: {  	s3 =	simm.s32 $0x108;
	s8 =	sld [smem:$0x3FA8]  }
0x2e: {  	s3 =	simm.s32 @!p0 $0x1082;
	s9 =	sld [smem:$0x3FA9]  }
0x2f: {  	lr =	sadd.s32 s0, s3;
	s0 =	sld [smem:$0x3FA0]  }
0x30: {  	s3 =	sld [smem:$0x3FA3]  }
0x31: {  	[smem:$0x3FAC] =	sst s10  }
0x32: {  	s10 =	sld [smem:$0x3FAA];
	_ =	sdelay $0x3  }
0x33: {  	p0 =	seq.s32 s10, $0x1;
	s10 =	sld [smem:$0x3FAC];
	_ =	sdelay $0x3  }
0x34: {  	[smem:$0x3FAC] =	sst s10  }
0x35: {  	s10 =	sld [smem:$0x3FAB];
	_ =	sdelay $0x3  }
0x36: {  	p1 =	seq.s32 s10, $0x1;
	s10 =	sld [smem:$0x3FAC];
	_ =	sdelay $0x3  }
0x37: {  	[smem:$0x3FAC] =	sst s10  }
0x38: {  	s10 =	sld [smem:$0x3FAD]  }
0x39: {  	_ = 	snop;
	(pc) =	sbr.ind lr, $3  }
0x3a: {  	_ = 	snop  }
0x3b: {  	_ = 	snop  }
0x3c: {  	p2 =	seq.s32 s10, $0x1;
	s10 =	sld [smem:$0x3FAC]  }
0x3d: {  	_ =	shalt  }
0x3e: {  	_ =	shalt  }
0x3f: {  	_ =	shalt  }
0x40: {  	_ =	shalt  }
0x41: {  	_ =	shalt  }
0x42: {  	_ =	shalt  }
0x43: {  	_ =	shalt  }
0x44: {  	_ =	shalt  }
0x45: {  	_ =	shalt  }
0x46: {  	_ =	shalt  }
0x47: {  	_ =	shalt  }
0x48: {  	_ =	shalt  }
0x49: {  	_ =	shalt  }
0x4a: {  	_ =	shalt  }
0x4b: {  	_ =	shalt  }
0x4c: {  	_ =	shalt  }
0x4d: {  	_ =	shalt  }
0x4e: {  	_ =	shalt  }
0x4f: {  	_ =	shalt  }
0x50: {  	_ =	shalt  }
0x51: {  	_ =	shalt  }
0x52: {  	_ =	shalt  }
0x53: {  	_ =	shalt  }
0x54: {  	_ =	shalt  }
0x55: {  	_ =	shalt  }
0x56: {  	_ =	shalt  }
0x57: {  	_ =	shalt  }
0x58: {  	_ =	shalt  }
0x59: {  	_ =	shalt  }
0x5a: {  	_ =	shalt  }
0x5b: {  	_ =	shalt  }
0x5c: {  	_ =	shalt  }
0x5d: {  	_ =	shalt  }
0x5e: {  	_ =	shalt  }
0x5f: {  	_ =	shalt  }
0x60: {  	_ =	shalt  }
0x61: {  	_ =	shalt  }
0x62: {  	_ =	shalt  }
0x63: {  	_ =	shalt  }
0x64: {  	_ =	shalt  }
0x65: {  	_ =	shalt  }
0x66: {  	_ =	shalt  }
0x67: {  	_ =	shalt  }
0x68: {  	_ =	shalt  }
0x69: {  	_ =	shalt  }
0x6a: {  	_ =	shalt  }
0x6b: {  	_ =	shalt  }
0x6c: {  	_ =	shalt  }
0x6d: {  	_ =	shalt  }
0x6e: {  	_ =	shalt  }
0x6f: {  	_ =	shalt  }
0x70: {  	_ =	shalt  }
0x71: {  	_ =	shalt  }
0x72: {  	_ =	shalt  }
0x73: {  	_ =	shalt  }
0x74: {  	_ =	shalt  }
0x75: {  	_ =	shalt  }
0x76: {  	_ =	shalt  }
0x77: {  	_ =	shalt  }
0x78: {  	_ =	shalt  }
0x79: {  	_ =	shalt  }
0x7a: {  	_ =	shalt  }
0x7b: {  	_ =	shalt  }
0x7c: {  	_ =	shalt  }
0x7d: {  	_ =	shalt  }
0x7e: {  	_ =	shalt  }
0x7f: {  	_ =	shalt  }
0x80: {  	_ =	shalt  }
0x81: {  	_ =	shalt  }
0x82: {  	_ =	shalt  }
0x83: {  	_ =	shalt  }
0x84: {  	_ =	shalt  }
0x85: {  	_ =	shalt  }
0x86: {  	_ =	shalt  }
0x87: {  	_ =	shalt  }
.Lfunc_end0:
.L_simem_size_0:
called_computation.3_lowered:
.L_overlay_start_0:
0x88: {  	s2 =	sld [smem:$0x3FD9]  }
0x89: {  	s3 =	sld [smem:$0x3FFE];
	_ =	sdelay $0x1  }
0x8a: {  	s1 =	srdreg.scid  }
0x8b: {  	s0 =	sand.u32 $0x1, s1  }
0x8c: {  	s17 =	sshll.u32 s0, $0xA;
	s2 =	sadd.s32 s3, s2  }
0x8d: {  	s2 =	sadd.s32 s2, s17  }
0x8e: {  	[smem:$0x3FB8] =	sst s2  }
0x8f: {  	_ = 	snop  }
0x90: {  	s2 =	sld [smem:$0x3FD0];
	(tm) =	ssettm $0x1  }
0x91: {  	s18 =	sld [smem:$0x3FFB];
	_ =	sdelay $0x3  }
0x92: {  	_ =	strace s18  }
0x93: {  	s3 =	sld [smem:$0x3FFC];
	_ =	sdelay $0x3  }
0x94: {  	_ =	strace s3  }
0x95: {  	s3 =	sld [smem:$0x3FFD];
	_ =	sdelay $0x3  }
0x96: {  	_ =	strace s3  }
0x97: {  	_ =	strace $0x8FFFFFFF  }
0x98: {  	s19 =	sld [smem:$0x3FDB];
	_ =	sdelay $0x1  }
0x99: {  	s4 =	simm.s32 $_scs_section_size  }
0x9a: {  	s5 =	simm.s32 $_size__tile_overlayer_lowered;
	s6 =	simm.s32 $_tile_overlayer_lowered  }
0x9b: {  	s22 =	simm.s32 $0x1BFF;
	s21 =	sshll.u32 s6, $0x1;
	s3 =	sadd.s32 s4, s19  }
0x9c: {  	s7 =	simm.s32 $0x0;
	s20 =	sshll.u32 s5, $0x1;
	s5 =	sadd.s32 s21, s3  }
0x9d: {  	[timem:s7], [sflag:s22] =	dma.local [hbm:s5], s20  }
0x9e: {  	_ =	swait.ge [sflag:s22], s20  }
0x9f: {  	s4 =	ssub.s32 $0x0, s20;
	[sflag:s22] =	ssyncset.done $0x0  }
0xa0: {  	[sflag:s22] =	ssyncadd.s32 s4;
	_ =	sdelay $0x1  }
0xa1: {  	s23 =	simm.s32 $0x1B8B  }
0xa2: {  	_ =	swait.ge [sflag:s23], $0x1  }
0xa3: {  	[sflag:s23] =	ssyncset.done $0x0  }
0xa4: {  	s25 =	simm.s32 $0x1B8E;
	s24 =	sld [smem:$0x3FFE];
	[sflag:s23] =	ssyncadd.s32 $0xFFFFFFFF  }
0xa5: {  	s26 =	simm.s32 $execute0_lowered;
	[smem:$0x3FD2] =	sst s25  }
0xa6: {  	s5 =	sshll.u32 s26, $0x1;
	_ =	strace $0x8000004F;
	[dreg:$0x1] =	wrdreg $0xFFFFFFFF  }
0xa7: {  	s28 =	simm.s32 $_size_execute0_lowered;
	s3 =	sadd.s32 s3, s5;
	[dreg:$0x0] =	wrdreg $0x0  }
0xa8: {  	s5 =	sshll.u32 s28, $0x1;
	[dreg:$0x2] =	wrdreg s3  }
0xa9: {  	[dreg:$0x3] =	wrdreg s5  }
0xaa: {  	[dreg:$0x4] =	wrdreg $0xC0  }
0xab: {  	_ =	task [dreg:s7], $0x5FFFF  }
0xac: {  	[dreg:$0x1] =	wrdreg $0xFFFFFFFF  }
0xad: {  	[dreg:$0x0] =	wrdreg $0x60  }
0xae: {  	[dreg:$0x2] =	wrdreg s24  }
0xaf: {  	[dreg:$0x3] =	wrdreg s2  }
0xb0: {  	[dreg:$0x4] =	wrdreg $0x88000  }
0xb1: {  	[dreg:$0x5] =	wrdreg $0x9  }
0xb2: {  	_ =	task.clear_ibuf [dreg:s7], $0x6FFFF;
	_ =	strace $0x9000004F  }
0xb3: {  	s29 =	simm.s32 $0x9;
	_ =	strace $0x80000051  }
0xb4: {  	_ =	swait.ge [sflag:s29], $0x1  }
0xb5: {  	[sflag:s29] =	ssyncadd.s32 $0xFFFFFFFF  }
0xb6: {  	_ =	strace $0x90000051  }
0xb7: {  	_ =	sfence  }
0xb8: {  	s30 =	sld [smem:$0x0];
	_ =	sdelay $0x2  }
0xb9: {  	s31 =	sshll.u32 s1, $0xD;
	s1 =	sshrl.u32 s1, $0x2  }
0xba: {  	s3 =	sand.u32 $0x4000, s31;
	s1 =	sadd.s32 s1, s30  }
0xbb: {  	s0 =	sor.u32 s3, s0;
	s1 =	sshll.u32 s1, $0x11  }
0xbc: {  	s0 =	sor.u32 s1, s0  }
0xbd: {  	s0 =	sadd.s32 $0x8F2B, s0  }
0xbe: {  	[sflag:s0] =	ssyncadd.remote.s32 $0x1  }
0xbf: {  	_ =	sfence.sel $0xFFFF  }
0xc0: {  	[dreg:$0x0] =	wrdreg $0xFFFFFFFF;
	(pc) =	sbr.abs _section_cstart, $3  }
0xc1: {  	[dreg:$0x1] =	wrdreg $0xFFFFFFFF  }
0xc2: {  	_ =	task.clear_ibuf [dreg:s7], $0x2FFFF;
	_ =	strace $0x9FFFFFFF  }
0xc3: {  	(tm) =	ssettm $0x7FFFFFFF  }
tec
execute0_lowered:
.L_overlay_start_1:
0x0: {  	(tag) =	ssettag $0x1  }
0x1: {  	s0 =	rddreg [dreg:$0x0]  }
0x2: {  	s2 =	rddreg [dreg:$0x1]  }
0x3: {  	s1 =	rddreg [dreg:$0x2];
	s3 =	simm.s32 $0x0  }
0x4: {  	s12 =	stileid.u32;
	s5 =	srdreg.scid;
	s13 =	simm.s32 $0x800  }
0x5: {  	s14 =	simm.s32 $0x3;
	s15 =	simm.s32 $0x400;
	s16 =	simm.s32 $0x80  }
0x6: {  	s17 =	simm.s32 $0x4800;
	s18 =	simm.s32 $0x1;
	s19 =	simm.s32 $0x100  }
0x7: {  	s20 =	simm.s32 $0x2;
	s21 =	simm.s32 $0x480;
	s22 =	simm.s32 $0x180  }
0x8: {  	s28 =	simm.s32 $0x600;
	s29 =	simm.s32 $0x300;
	s30 =	simm.s32 $0x680  }
0x9: {  	s31 =	simm.s32 $0x380;
	[smem:$0x7FF] =	sst s3;
	s6 =	smul.u32 $0x500, s12  }
0xa: {  	s4 =	sadd.s32 $0xBA00, s0;
	s7 =	sand.u32 $0x1, s5;
	s9 =	smul.u32 $0x4F000, s12  }
0xb: {  	s5 =	sadd.s32 $0xF7E00, s0;
	s11 =	sadd.s32 $0x11F000, s0;
	s26 =	smul.u32 $0x2780, s12  }
0xc: {  	_ =	strace $0x80000050;
	s8 =	ssub.s32 $0x2, s7;
	[dreg:$0x4] =	wrdreg s11  }
0xd: {  	p0 =	sne.s32 s7, $0x0;
	s7 =	simm.s32 $0x0;
	s10 =	sadd.s32 s6, s0  }
0xe: {  	s23 =	sshrl.u32 s8, $0x1;
	s0 =	sadd.s32 $0x146800, s0;
	s25 =	sshrl.u32 s9, $0x2  }
.Ltmp0:
0xf: {  	[dreg:$0x6] =	wrdreg s26;
	s11 =	sadd.s32 s6, s2;
	(pc) =	sbr.rel .LBB2_1-.Ltmp0, $4  }
0x10: {  	s26 =	simm.s32 $0x280;
	s6 =	simm.s32 $0x780;
	[dreg:$0x5] =	wrdreg s0  }
0x11: {  	s24 =	ssub.s32 s8, s23;
	s8 =	sadd.s32 s25, s1;
	s12 =	sadd.s32 $0x6A00, s10  }
0x12: {  	s23 =	simm.s32 $0x500;
	s25 =	simm.s32 $0x580;
	s0 =	smax.u32 s24, $0x1  }
0x13: {  	v0 =	vimm.f32 $0.0e+00;
	s24 =	simm.s32 $0x200;
	[dreg:$0x7] =	wrdreg s0;
	s0 =	simm.s32 $0x700  }
.LBB2_11:
0x14: {  	s7 =	sadd.s32 s2, s12;
	[sflag:s14] =	ssyncadd.s32 $0xFFFFC000  }
0x15: {  	[tilespmem:s3], [sflag:$0x3] =	stream.linear.gather [hbm4b:s7+s3], $0x400, $0x38;
	[tilespmem:$0x1C400] =	vst v63  }
0x16: {  	_ =	swait.ge [sflag:s14], $0x400  }
0x17: {  	[sflag:s14] =	ssyncset.done $0x0  }
0x18: {  	s10 =	sadd.s32 s2, s11;
	[sflag:s14] =	ssyncadd.s32 $0xFFFFFC00  }
0x19: {  	[tilespmem:s15], [sflag:$0x3] =	stream.linear.gather [hbm4b:s10+s3], $0x400, $0x38;
	[tilespmem:$0x1C400] =	vst v63  }
0x1a: {  	_ =	swait.ge [sflag:s14], $0x400  }
0x1b: {  	[sflag:s14] =	ssyncset.done $0x0  }
0x1c: {  	[sflag:s14] =	ssyncadd.s32 $0xFFFFFC00  }
0x1d: {  	[tilespmem:s13], [sflag:$0x1] =	stream.indirect.gather [hbm4b:s5+s16], $0x80, s3, s16, $0xb8;
	[tilespmem:$0x1C400] =	vst v63  }
0x1e: {  	_ = 	snop  }
0x1f: {  	[tilespmem:s17], [sflag:$0x2] =	stream.indirect.gather [hbm4b:s5+s16], $0x80, s16, s16, $0xb8;
	[tilespmem:$0x1C400] =	vst v63  }
0x20: {  	_ =	swait.ge [sflag:s18], $0x4000  }
0x21: {  	[sflag:s18] =	ssyncset.done $0x0  }
0x22: {  	[sflag:s18] =	ssyncadd.s32 $0xFFFFC000  }
0x23: {  	[spmem:s1] =	stream.indirect.scatter.add.f32 [tilespmem:s13], [sflag:$0x3], $0x80, s15, s16, $0xb8;
	[tilespmem:$0x1C400] =	vst v63  }
0x24: {  	_ =	swait.ge [sflag:s14], $0x4000  }
0x25: {  	[sflag:s14] =	ssyncset.done $0x0  }
0x26: {  	[sflag:s14] =	ssyncadd.s32 $0xFFFFC000  }
0x27: {  	[tilespmem:s13], [sflag:$0x1] =	stream.indirect.gather [hbm4b:s5+s16], $0x80, s19, s16, $0xb8;
	[tilespmem:$0x1C400] =	vst v63  }
0x28: {  	_ =	swait.ge [sflag:s20], $0x4000  }
0x29: {  	[sflag:s20] =	ssyncset.done $0x0  }
0x2a: {  	[sflag:s20] =	ssyncadd.s32 $0xFFFFC000  }
0x2b: {  	[spmem:s1] =	stream.indirect.scatter.add.f32 [tilespmem:s17], [sflag:$0x3], $0x80, s21, s16, $0xb8;
	[tilespmem:$0x1C400] =	vst v63  }
0x2c: {  	_ =	swait.ge [sflag:s14], $0x4000  }
0x2d: {  	[sflag:s14] =	ssyncset.done $0x0  }
0x2e: {  	[sflag:s14] =	ssyncadd.s32 $0xFFFFC000  }
0x2f: {  	[tilespmem:s17], [sflag:$0x2] =	stream.indirect.gather [hbm4b:s5+s16], $0x80, s22, s16, $0xb8;
	[tilespmem:$0x1C400] =	vst v63  }
0x30: {  	_ =	swait.ge [sflag:s18], $0x4000  }
0x31: {  	[sflag:s18] =	ssyncset.done $0x0  }
0x32: {  	[sflag:s18] =	ssyncadd.s32 $0xFFFFC000  }
0x33: {  	[spmem:s1] =	stream.indirect.scatter.add.f32 [tilespmem:s13], [sflag:$0x3], $0x80, s23, s16, $0xb8;
	[tilespmem:$0x1C400] =	vst v63  }
0x34: {  	_ =	swait.ge [sflag:s14], $0x4000  }
0x35: {  	[sflag:s14] =	ssyncset.done $0x0  }
0x36: {  	[sflag:s14] =	ssyncadd.s32 $0xFFFFC000  }
0x37: {  	[tilespmem:s13], [sflag:$0x1] =	stream.indirect.gather [hbm4b:s5+s16], $0x80, s24, s16, $0xb8;
	[tilespmem:$0x1C400] =	vst v63  }
0x38: {  	_ =	swait.ge [sflag:s20], $0x4000  }
0x39: {  	[sflag:s20] =	ssyncset.done $0x0  }
0x3a: {  	[sflag:s20] =	ssyncadd.s32 $0xFFFFC000  }
0x3b: {  	[spmem:s1] =	stream.indirect.scatter.add.f32 [tilespmem:s17], [sflag:$0x3], $0x80, s25, s16, $0xb8;
	[tilespmem:$0x1C400] =	vst v63  }
0x3c: {  	_ =	swait.ge [sflag:s14], $0x4000  }
0x3d: {  	[sflag:s14] =	ssyncset.done $0x0  }
0x3e: {  	[sflag:s14] =	ssyncadd.s32 $0xFFFFC000  }
0x3f: {  	[tilespmem:s17], [sflag:$0x2] =	stream.indirect.gather [hbm4b:s5+s16], $0x80, s26, s16, $0xb8;
	[tilespmem:$0x1C400] =	vst v63  }
0x40: {  	_ =	swait.ge [sflag:s18], $0x4000  }
0x41: {  	[sflag:s18] =	ssyncset.done $0x0  }
0x42: {  	[sflag:s18] =	ssyncadd.s32 $0xFFFFC000  }
0x43: {  	[spmem:s1] =	stream.indirect.scatter.add.f32 [tilespmem:s13], [sflag:$0x3], $0x80, s28, s16, $0xb8;
	[tilespmem:$0x1C400] =	vst v63  }
0x44: {  	_ =	swait.ge [sflag:s14], $0x4000  }
0x45: {  	[sflag:s14] =	ssyncset.done $0x0  }
0x46: {  	[sflag:s14] =	ssyncadd.s32 $0xFFFFC000  }
0x47: {  	[tilespmem:s13], [sflag:$0x1] =	stream.indirect.gather [hbm4b:s5+s16], $0x80, s29, s16, $0xb8;
	[tilespmem:$0x1C400] =	vst v63  }
0x48: {  	_ =	swait.ge [sflag:s20], $0x4000  }
0x49: {  	[sflag:s20] =	ssyncset.done $0x0  }
0x4a: {  	[sflag:s20] =	ssyncadd.s32 $0xFFFFC000  }
0x4b: {  	[spmem:s1] =	stream.indirect.scatter.add.f32 [tilespmem:s17], [sflag:$0x3], $0x80, s30, s16, $0xb8;
	[tilespmem:$0x1C400] =	vst v63  }
0x4c: {  	_ =	swait.ge [sflag:s14], $0x4000  }
0x4d: {  	[sflag:s14] =	ssyncset.done $0x0  }
0x4e: {  	[sflag:s14] =	ssyncadd.s32 $0xFFFFC000  }
0x4f: {  	[tilespmem:s17], [sflag:$0x2] =	stream.indirect.gather [hbm4b:s5+s16], $0x80, s31, s16, $0xb8;
	[tilespmem:$0x1C400] =	vst v63  }
0x50: {  	_ =	swait.ge [sflag:s18], $0x4000  }
0x51: {  	[sflag:s18] =	ssyncset.done $0x0  }
0x52: {  	[sflag:s18] =	ssyncadd.s32 $0xFFFFC000  }
0x53: {  	[spmem:s1] =	stream.indirect.scatter.add.f32 [tilespmem:s13], [sflag:$0x3], $0x80, s0, s16, $0xb8;
	[tilespmem:$0x1C400] =	vst v63  }
0x54: {  	_ =	swait.ge [sflag:s14], $0x4000  }
0x55: {  	[sflag:s14] =	ssyncset.done $0x0  }
0x56: {  	[sflag:s14] =	ssyncadd.s32 $0xFFFFC000  }
0x57: {  	_ =	swait.ge [sflag:s20], $0x4000  }
0x58: {  	[sflag:s20] =	ssyncset.done $0x0  }
0x59: {  	[sflag:s20] =	ssyncadd.s32 $0xFFFFC000  }
0x5a: {  	[spmem:s1] =	stream.indirect.scatter.add.f32 [tilespmem:s17], [sflag:$0x3], $0x80, s6, s16, $0xb8;
	[tilespmem:$0x1C400] =	vst v63  }
0x5b: {  	_ =	swait.ge [sflag:s14], $0x4000  }
0x5c: {  	[sflag:s14] =	ssyncset.done $0x0;
	s2 =	rddreg [dreg:$0x5]  }
0x5d: {  	s10 =	rddreg [dreg:$0x8];
	[sflag:s14] =	ssyncadd.s32 $0xFFFFC000  }
.LBB2_12:
0x5e: {  	s7 =	rddreg [dreg:$0x6];
	s9 =	stileid.u32  }
0x5f: {  	s2 =	sadd.s32 s2, s7;
	s7 =	sshll.u32 s9, $0x6  }
0x60: {  	[bflag:$0x0] =	sbarrier.arrive $0xFFFF;
	s9 =	sshrl.u32 s8, $0x3;
	s7 =	sor.u32 $0x1C03, s7  }
0x61: {  	[hbm:s2], [sflag:s7] =	dma.local [spmem:s9], $0x2780  }
0x62: {  	_ =	swait.ge [sflag:s14], $0x2780  }
0x63: {  	s7 =	sadd.s32 $0x1, s10;
	s10 =	rddreg [dreg:$0x7]  }
0x64: {  	p1 =	sne.s32 s7, s10  }
.Ltmp1:
0x65: {  	_ = 	snop;
	(pc) =	sbr.rel @!p1 .LBB2_13-.Ltmp1, $3  }
0x66: {  	_ =	sdelay $0x1  }
0x67: {  	[sflag:s14] =	ssyncset.done $0x0  }
0x68: {  	[sflag:s14] =	ssyncadd.s32 $0xFFFFD880  }
.LBB2_1:
0x69: {  	s2 =	simm.s32 $0x0;
	s9 =	simm.s32 $0x200  }
.LBB2_2:
0x6a: {  	p1 =	sne.s32 s9, $0xFE00;
	[tilespmem:s2+$0x870] =	vst v0  }
0x6b: {  	[tilespmem:s2+$0x800] =	vst v0  }
0x6c: {  	[tilespmem:s2+$0x810] =	vst v0  }
.Ltmp2:
0x6d: {  	[tilespmem:s2+$0x820] =	vst v0;
	(pc) =	sbr.rel @p1 .LBB2_2-.Ltmp2, $4  }
0x6e: {  	[tilespmem:s2+$0x830] =	vst v0  }
0x6f: {  	[tilespmem:s2+$0x840] =	vst v0  }
0x70: {  	[tilespmem:s2+$0x850] =	vst v0  }
0x71: {  	[tilespmem:s2+$0x860] =	vst v0;
	s2 =	sshra.s32 s9, $0x2;
	s9 =	sadd.s32 $0x200, s9  }
0x72: {  	[tilespmem:s2+$0x870] =	vst v0  }
0x73: {  	[tilespmem:s2+$0x800] =	vst v0  }
0x74: {  	[tilespmem:s2+$0x810] =	vst v0  }
0x75: {  	[tilespmem:s2+$0x820] =	vst v0  }
0x76: {  	[tilespmem:s2+$0x830] =	vst v0  }
0x77: {  	[tilespmem:s2+$0x840] =	vst v0  }
0x78: {  	[tilespmem:s2+$0x850] =	vst v0  }
0x79: {  	[tilespmem:s2+$0x860] =	vst v0;
	s10 =	sadd.s32 $0x0, s8  }
0x7a: {  	[spmem:s10] =	stream.linear.scatter [tilespmem:s13], [sflag:$0x3], $0x400, $0x38;
	[tilespmem:$0x1C400] =	vst v63  }
0x7b: {  	s2 =	simm.s32 $0x1000;
	_ =	swait.ge [sflag:s14], $0x400  }
.LBB2_4:
0x7c: {  	s9 =	sshra.s32 s2, $0x2;
	[sflag:s14] =	ssyncset.done $0x0;
	p1 =	sne.s32 s2, $0x4E000  }
.Ltmp3:
0x7d: {  	s9 =	sadd.s32 s9, s8;
	[sflag:s14] =	ssyncadd.s32 $0xFFFFFC00;
	(pc) =	sbr.rel @p1 .LBB2_4-.Ltmp3, $3  }
0x7e: {  	[spmem:s9] =	stream.linear.scatter [tilespmem:s13], [sflag:$0x3], $0x400, $0x38;
	[tilespmem:$0x1C400] =	vst v63  }
0x7f: {  	s2 =	sadd.s32 $0x1000, s2;
	_ =	sdelay $0x1  }
0x80: {  	_ =	swait.ge [sflag:s14], $0x400  }
.Ltmp4:
0x81: {  	(pc) =	sbr.rel @p0 .LBB2_9-.Ltmp4, $4  }
0x82: {  	[sflag:s14] =	ssyncset.done $0x0  }
0x83: {  	[dreg:$0x8] =	wrdreg s7;
	[sflag:s14] =	ssyncadd.s32 $0xFFFFFC00  }
0x84: {  	[bflag:$0x0] =	sbarrier.arrive $0xFFFF  }
0x85: {  	s2 =	sadd.s32 $0x0, s12  }
0x86: {  	[tilespmem:s3], [sflag:$0x3] =	stream.linear.gather [hbm4b:s2+s3], $0x400, $0x38;
	[tilespmem:$0x1C400] =	vst v63  }
0x87: {  	_ =	swait.ge [sflag:s14], $0x400  }
0x88: {  	[sflag:s14] =	ssyncset.done $0x0  }
0x89: {  	s10 =	sadd.s32 $0x0, s11;
	[sflag:s14] =	ssyncadd.s32 $0xFFFFFC00  }
0x8a: {  	[tilespmem:s15], [sflag:$0x3] =	stream.linear.gather [hbm4b:s10+s3], $0x400, $0x38;
	[tilespmem:$0x1C400] =	vst v63  }
0x8b: {  	_ =	swait.ge [sflag:s14], $0x400  }
0x8c: {  	[sflag:s14] =	ssyncset.done $0x0  }
0x8d: {  	[sflag:s14] =	ssyncadd.s32 $0xFFFFFC00  }
0x8e: {  	[tilespmem:s13], [sflag:$0x1] =	stream.indirect.gather [hbm4b:s4+s16], $0x80, s3, s16, $0xb8;
	[tilespmem:$0x1C400] =	vst v63  }
0x8f: {  	_ = 	snop  }
0x90: {  	[tilespmem:s17], [sflag:$0x2] =	stream.indirect.gather [hbm4b:s4+s16], $0x80, s16, s16, $0xb8;
	[tilespmem:$0x1C400] =	vst v63  }
0x91: {  	_ =	swait.ge [sflag:s18], $0x4000  }
0x92: {  	[sflag:s18] =	ssyncset.done $0x0  }
0x93: {  	[sflag:s18] =	ssyncadd.s32 $0xFFFFC000  }
0x94: {  	[spmem:s1] =	stream.indirect.scatter.add.f32 [tilespmem:s13], [sflag:$0x3], $0x80, s15, s16, $0xb8;
	[tilespmem:$0x1C400] =	vst v63  }
0x95: {  	_ =	swait.ge [sflag:s14], $0x4000  }
0x96: {  	[sflag:s14] =	ssyncset.done $0x0  }
0x97: {  	[sflag:s14] =	ssyncadd.s32 $0xFFFFC000  }
0x98: {  	[tilespmem:s13], [sflag:$0x1] =	stream.indirect.gather [hbm4b:s4+s16], $0x80, s19, s16, $0xb8;
	[tilespmem:$0x1C400] =	vst v63  }
0x99: {  	_ =	swait.ge [sflag:s20], $0x4000  }
0x9a: {  	[sflag:s20] =	ssyncset.done $0x0  }
0x9b: {  	[sflag:s20] =	ssyncadd.s32 $0xFFFFC000  }
0x9c: {  	[spmem:s1] =	stream.indirect.scatter.add.f32 [tilespmem:s17], [sflag:$0x3], $0x80, s21, s16, $0xb8;
	[tilespmem:$0x1C400] =	vst v63  }
0x9d: {  	_ =	swait.ge [sflag:s14], $0x4000  }
0x9e: {  	[sflag:s14] =	ssyncset.done $0x0  }
0x9f: {  	[sflag:s14] =	ssyncadd.s32 $0xFFFFC000  }
0xa0: {  	[tilespmem:s17], [sflag:$0x2] =	stream.indirect.gather [hbm4b:s4+s16], $0x80, s22, s16, $0xb8;
	[tilespmem:$0x1C400] =	vst v63  }
0xa1: {  	_ =	swait.ge [sflag:s18], $0x4000  }
0xa2: {  	[sflag:s18] =	ssyncset.done $0x0  }
0xa3: {  	[sflag:s18] =	ssyncadd.s32 $0xFFFFC000  }
0xa4: {  	[spmem:s1] =	stream.indirect.scatter.add.f32 [tilespmem:s13], [sflag:$0x3], $0x80, s23, s16, $0xb8;
	[tilespmem:$0x1C400] =	vst v63  }
0xa5: {  	_ =	swait.ge [sflag:s14], $0x4000  }
0xa6: {  	[sflag:s14] =	ssyncset.done $0x0  }
0xa7: {  	[sflag:s14] =	ssyncadd.s32 $0xFFFFC000  }
0xa8: {  	[tilespmem:s13], [sflag:$0x1] =	stream.indirect.gather [hbm4b:s4+s16], $0x80, s24, s16, $0xb8;
	[tilespmem:$0x1C400] =	vst v63  }
0xa9: {  	_ =	swait.ge [sflag:s20], $0x4000  }
0xaa: {  	[sflag:s20] =	ssyncset.done $0x0  }
0xab: {  	[sflag:s20] =	ssyncadd.s32 $0xFFFFC000  }
0xac: {  	[spmem:s1] =	stream.indirect.scatter.add.f32 [tilespmem:s17], [sflag:$0x3], $0x80, s25, s16, $0xb8;
	[tilespmem:$0x1C400] =	vst v63  }
0xad: {  	_ =	swait.ge [sflag:s14], $0x4000  }
0xae: {  	[sflag:s14] =	ssyncset.done $0x0  }
0xaf: {  	[sflag:s14] =	ssyncadd.s32 $0xFFFFC000  }
0xb0: {  	[tilespmem:s17], [sflag:$0x2] =	stream.indirect.gather [hbm4b:s4+s16], $0x80, s26, s16, $0xb8;
	[tilespmem:$0x1C400] =	vst v63  }
0xb1: {  	_ =	swait.ge [sflag:s18], $0x4000  }
0xb2: {  	[sflag:s18] =	ssyncset.done $0x0  }
0xb3: {  	[sflag:s18] =	ssyncadd.s32 $0xFFFFC000  }
0xb4: {  	[spmem:s1] =	stream.indirect.scatter.add.f32 [tilespmem:s13], [sflag:$0x3], $0x80, s28, s16, $0xb8;
	[tilespmem:$0x1C400] =	vst v63  }
0xb5: {  	_ =	swait.ge [sflag:s14], $0x4000  }
0xb6: {  	[sflag:s14] =	ssyncset.done $0x0  }
0xb7: {  	[sflag:s14] =	ssyncadd.s32 $0xFFFFC000  }
0xb8: {  	[tilespmem:s13], [sflag:$0x1] =	stream.indirect.gather [hbm4b:s4+s16], $0x80, s29, s16, $0xb8;
	[tilespmem:$0x1C400] =	vst v63  }
0xb9: {  	_ =	swait.ge [sflag:s20], $0x4000  }
0xba: {  	[sflag:s20] =	ssyncset.done $0x0  }
0xbb: {  	[sflag:s20] =	ssyncadd.s32 $0xFFFFC000  }
0xbc: {  	[spmem:s1] =	stream.indirect.scatter.add.f32 [tilespmem:s17], [sflag:$0x3], $0x80, s30, s16, $0xb8;
	[tilespmem:$0x1C400] =	vst v63  }
0xbd: {  	_ =	swait.ge [sflag:s14], $0x4000  }
0xbe: {  	[sflag:s14] =	ssyncset.done $0x0  }
0xbf: {  	[sflag:s14] =	ssyncadd.s32 $0xFFFFC000  }
0xc0: {  	[tilespmem:s17], [sflag:$0x2] =	stream.indirect.gather [hbm4b:s4+s16], $0x80, s31, s16, $0xb8;
	[tilespmem:$0x1C400] =	vst v63  }
0xc1: {  	_ =	swait.ge [sflag:s18], $0x4000  }
0xc2: {  	[sflag:s18] =	ssyncset.done $0x0  }
0xc3: {  	[sflag:s18] =	ssyncadd.s32 $0xFFFFC000  }
0xc4: {  	[spmem:s1] =	stream.indirect.scatter.add.f32 [tilespmem:s13], [sflag:$0x3], $0x80, s0, s16, $0xb8;
	[tilespmem:$0x1C400] =	vst v63  }
0xc5: {  	_ =	swait.ge [sflag:s14], $0x4000  }
0xc6: {  	[sflag:s14] =	ssyncset.done $0x0  }
0xc7: {  	[sflag:s14] =	ssyncadd.s32 $0xFFFFC000  }
0xc8: {  	_ =	swait.ge [sflag:s20], $0x4000  }
0xc9: {  	[sflag:s20] =	ssyncset.done $0x0  }
0xca: {  	[sflag:s20] =	ssyncadd.s32 $0xFFFFC000  }
0xcb: {  	[spmem:s1] =	stream.indirect.scatter.add.f32 [tilespmem:s17], [sflag:$0x3], $0x80, s6, s16, $0xb8;
	[tilespmem:$0x1C400] =	vst v63  }
0xcc: {  	_ =	swait.ge [sflag:s14], $0x4000  }
0xcd: {  	s2 =	simm.s32 $0x80;
	s9 =	simm.s32 $0x100;
	[sflag:s14] =	ssyncset.done $0x0  }
.LBB2_7:
0xce: {  	s7 =	sadd.s32 s2, s12  }
0xcf: {  	[sflag:s14] =	ssyncadd.s32 $0xFFFFC000;
	s19 =	smov.u32 s9;
	s10 =	sadd.s32 $0x80, s9  }
0xd0: {  	[tilespmem:s3], [sflag:$0x3] =	stream.linear.gather [hbm4b:s7+s3], $0x400, $0x38;
	[tilespmem:$0x1C400] =	vst v63  }
0xd1: {  	p1 =	seq.s32 s9, $0x480;
	_ =	swait.ge [sflag:s14], $0x400  }
0xd2: {  	s7 =	sadd.s32 s2, s11;
	[sflag:s14] =	ssyncset.done $0x0  }
0xd3: {  	s2 =	smov.u32 s19;
	s19 =	simm.s32 $0x100;
	[sflag:s14] =	ssyncadd.s32 $0xFFFFFC00  }
0xd4: {  	[tilespmem:s15], [sflag:$0x3] =	stream.linear.gather [hbm4b:s7+s3], $0x400, $0x38;
	[tilespmem:$0x1C400] =	vst v63  }
0xd5: {  	_ =	swait.ge [sflag:s14], $0x400  }
0xd6: {  	[sflag:s14] =	ssyncset.done $0x0  }
0xd7: {  	[sflag:s14] =	ssyncadd.s32 $0xFFFFFC00  }
0xd8: {  	[tilespmem:s13], [sflag:$0x1] =	stream.indirect.gather [hbm4b:s4+s16], $0x80, s3, s16, $0xb8;
	[tilespmem:$0x1C400] =	vst v63  }
0xd9: {  	_ = 	snop  }
0xda: {  	[tilespmem:s17], [sflag:$0x2] =	stream.indirect.gather [hbm4b:s4+s16], $0x80, s16, s16, $0xb8;
	[tilespmem:$0x1C400] =	vst v63  }
0xdb: {  	_ =	swait.ge [sflag:s18], $0x4000  }
0xdc: {  	[sflag:s18] =	ssyncset.done $0x0  }
0xdd: {  	[sflag:s18] =	ssyncadd.s32 $0xFFFFC000  }
0xde: {  	[spmem:s1] =	stream.indirect.scatter.add.f32 [tilespmem:s13], [sflag:$0x3], $0x80, s15, s16, $0xb8;
	[tilespmem:$0x1C400] =	vst v63  }
0xdf: {  	_ =	swait.ge [sflag:s14], $0x4000  }
0xe0: {  	[sflag:s14] =	ssyncset.done $0x0  }
0xe1: {  	[sflag:s14] =	ssyncadd.s32 $0xFFFFC000  }
0xe2: {  	[tilespmem:s13], [sflag:$0x1] =	stream.indirect.gather [hbm4b:s4+s16], $0x80, s19, s16, $0xb8;
	[tilespmem:$0x1C400] =	vst v63  }
0xe3: {  	_ =	swait.ge [sflag:s20], $0x4000  }
0xe4: {  	[sflag:s20] =	ssyncset.done $0x0  }
0xe5: {  	[sflag:s20] =	ssyncadd.s32 $0xFFFFC000  }
0xe6: {  	[spmem:s1] =	stream.indirect.scatter.add.f32 [tilespmem:s17], [sflag:$0x3], $0x80, s21, s16, $0xb8;
	[tilespmem:$0x1C400] =	vst v63  }
0xe7: {  	_ =	swait.ge [sflag:s14], $0x4000  }
0xe8: {  	[sflag:s14] =	ssyncset.done $0x0  }
0xe9: {  	[sflag:s14] =	ssyncadd.s32 $0xFFFFC000  }
0xea: {  	[tilespmem:s17], [sflag:$0x2] =	stream.indirect.gather [hbm4b:s4+s16], $0x80, s22, s16, $0xb8;
	[tilespmem:$0x1C400] =	vst v63  }
0xeb: {  	_ =	swait.ge [sflag:s18], $0x4000  }
0xec: {  	[sflag:s18] =	ssyncset.done $0x0  }
0xed: {  	[sflag:s18] =	ssyncadd.s32 $0xFFFFC000  }
0xee: {  	[spmem:s1] =	stream.indirect.scatter.add.f32 [tilespmem:s13], [sflag:$0x3], $0x80, s23, s16, $0xb8;
	[tilespmem:$0x1C400] =	vst v63  }
0xef: {  	_ =	swait.ge [sflag:s14], $0x4000  }
0xf0: {  	[sflag:s14] =	ssyncset.done $0x0  }
0xf1: {  	[sflag:s14] =	ssyncadd.s32 $0xFFFFC000  }
0xf2: {  	[tilespmem:s13], [sflag:$0x1] =	stream.indirect.gather [hbm4b:s4+s16], $0x80, s24, s16, $0xb8;
	[tilespmem:$0x1C400] =	vst v63  }
0xf3: {  	_ =	swait.ge [sflag:s20], $0x4000  }
0xf4: {  	[sflag:s20] =	ssyncset.done $0x0  }
0xf5: {  	[sflag:s20] =	ssyncadd.s32 $0xFFFFC000  }
0xf6: {  	[spmem:s1] =	stream.indirect.scatter.add.f32 [tilespmem:s17], [sflag:$0x3], $0x80, s25, s16, $0xb8;
	[tilespmem:$0x1C400] =	vst v63  }
0xf7: {  	_ =	swait.ge [sflag:s14], $0x4000  }
0xf8: {  	[sflag:s14] =	ssyncset.done $0x0  }
0xf9: {  	[sflag:s14] =	ssyncadd.s32 $0xFFFFC000  }
0xfa: {  	[tilespmem:s17], [sflag:$0x2] =	stream.indirect.gather [hbm4b:s4+s16], $0x80, s26, s16, $0xb8;
	[tilespmem:$0x1C400] =	vst v63  }
0xfb: {  	_ =	swait.ge [sflag:s18], $0x4000  }
0xfc: {  	[sflag:s18] =	ssyncset.done $0x0  }
0xfd: {  	[sflag:s18] =	ssyncadd.s32 $0xFFFFC000  }
0xfe: {  	[spmem:s1] =	stream.indirect.scatter.add.f32 [tilespmem:s13], [sflag:$0x3], $0x80, s28, s16, $0xb8;
	[tilespmem:$0x1C400] =	vst v63  }
0xff: {  	_ =	swait.ge [sflag:s14], $0x4000  }
0x100: {  	[sflag:s14] =	ssyncset.done $0x0  }
0x101: {  	[sflag:s14] =	ssyncadd.s32 $0xFFFFC000  }
0x102: {  	[tilespmem:s13], [sflag:$0x1] =	stream.indirect.gather [hbm4b:s4+s16], $0x80, s29, s16, $0xb8;
	[tilespmem:$0x1C400] =	vst v63  }
0x103: {  	_ =	swait.ge [sflag:s20], $0x4000  }
0x104: {  	[sflag:s20] =	ssyncset.done $0x0  }
0x105: {  	[sflag:s20] =	ssyncadd.s32 $0xFFFFC000  }
0x106: {  	[spmem:s1] =	stream.indirect.scatter.add.f32 [tilespmem:s17], [sflag:$0x3], $0x80, s30, s16, $0xb8;
	[tilespmem:$0x1C400] =	vst v63  }
0x107: {  	_ =	swait.ge [sflag:s14], $0x4000  }
0x108: {  	[sflag:s14] =	ssyncset.done $0x0  }
0x109: {  	[sflag:s14] =	ssyncadd.s32 $0xFFFFC000  }
0x10a: {  	[tilespmem:s17], [sflag:$0x2] =	stream.indirect.gather [hbm4b:s4+s16], $0x80, s31, s16, $0xb8;
	[tilespmem:$0x1C400] =	vst v63  }
0x10b: {  	_ =	swait.ge [sflag:s18], $0x4000  }
0x10c: {  	[sflag:s18] =	ssyncset.done $0x0  }
0x10d: {  	[sflag:s18] =	ssyncadd.s32 $0xFFFFC000  }
0x10e: {  	[spmem:s1] =	stream.indirect.scatter.add.f32 [tilespmem:s13], [sflag:$0x3], $0x80, s0, s16, $0xb8;
	[tilespmem:$0x1C400] =	vst v63  }
0x10f: {  	_ =	swait.ge [sflag:s14], $0x4000  }
0x110: {  	[sflag:s14] =	ssyncset.done $0x0  }
0x111: {  	[sflag:s14] =	ssyncadd.s32 $0xFFFFC000  }
0x112: {  	_ =	swait.ge [sflag:s20], $0x4000  }
.Ltmp5:
0x113: {  	[sflag:s20] =	ssyncset.done $0x0;
	(pc) =	sbr.rel @!p1 .LBB2_7-.Ltmp5, $4  }
0x114: {  	[sflag:s20] =	ssyncadd.s32 $0xFFFFC000  }
0x115: {  	[spmem:s1] =	stream.indirect.scatter.add.f32 [tilespmem:s17], [sflag:$0x3], $0x80, s6, s16, $0xb8;
	[tilespmem:$0x1C400] =	vst v63  }
0x116: {  	_ =	swait.ge [sflag:s14], $0x4000  }
0x117: {  	s9 =	smov.u32 s10;
	[sflag:s14] =	ssyncset.done $0x0  }
0x118: {  	s7 =	sadd.s32 s2, s12;
	[sflag:s14] =	ssyncadd.s32 $0xFFFFC000  }
0x119: {  	[tilespmem:s3], [sflag:$0x3] =	stream.linear.gather [hbm4b:s7+s3], $0x400, $0x38;
	[tilespmem:$0x1C400] =	vst v63  }
0x11a: {  	_ =	swait.ge [sflag:s14], $0x400  }
0x11b: {  	[sflag:s14] =	ssyncset.done $0x0  }
0x11c: {  	s10 =	sadd.s32 s2, s11;
	[sflag:s14] =	ssyncadd.s32 $0xFFFFFC00  }
0x11d: {  	[tilespmem:s15], [sflag:$0x3] =	stream.linear.gather [hbm4b:s10+s3], $0x400, $0x38;
	[tilespmem:$0x1C400] =	vst v63  }
0x11e: {  	_ =	swait.ge [sflag:s14], $0x400  }
0x11f: {  	[sflag:s14] =	ssyncset.done $0x0  }
0x120: {  	[sflag:s14] =	ssyncadd.s32 $0xFFFFFC00  }
0x121: {  	[tilespmem:s13], [sflag:$0x1] =	stream.indirect.gather [hbm4b:s4+s16], $0x80, s3, s16, $0xb8;
	[tilespmem:$0x1C400] =	vst v63  }
0x122: {  	_ = 	snop  }
0x123: {  	[tilespmem:s17], [sflag:$0x2] =	stream.indirect.gather [hbm4b:s4+s16], $0x80, s16, s16, $0xb8;
	[tilespmem:$0x1C400] =	vst v63  }
0x124: {  	_ =	swait.ge [sflag:s18], $0x4000  }
0x125: {  	[sflag:s18] =	ssyncset.done $0x0  }
0x126: {  	[sflag:s18] =	ssyncadd.s32 $0xFFFFC000  }
0x127: {  	[spmem:s1] =	stream.indirect.scatter.add.f32 [tilespmem:s13], [sflag:$0x3], $0x80, s15, s16, $0xb8;
	[tilespmem:$0x1C400] =	vst v63  }
0x128: {  	_ =	swait.ge [sflag:s14], $0x4000  }
0x129: {  	[sflag:s14] =	ssyncset.done $0x0  }
0x12a: {  	[sflag:s14] =	ssyncadd.s32 $0xFFFFC000  }
0x12b: {  	[tilespmem:s13], [sflag:$0x1] =	stream.indirect.gather [hbm4b:s4+s16], $0x80, s19, s16, $0xb8;
	[tilespmem:$0x1C400] =	vst v63  }
0x12c: {  	_ =	swait.ge [sflag:s20], $0x4000  }
0x12d: {  	[sflag:s20] =	ssyncset.done $0x0  }
0x12e: {  	[sflag:s20] =	ssyncadd.s32 $0xFFFFC000  }
0x12f: {  	[spmem:s1] =	stream.indirect.scatter.add.f32 [tilespmem:s17], [sflag:$0x3], $0x80, s21, s16, $0xb8;
	[tilespmem:$0x1C400] =	vst v63  }
0x130: {  	_ =	swait.ge [sflag:s14], $0x4000  }
0x131: {  	[sflag:s14] =	ssyncset.done $0x0  }
0x132: {  	[sflag:s14] =	ssyncadd.s32 $0xFFFFC000  }
0x133: {  	[tilespmem:s17], [sflag:$0x2] =	stream.indirect.gather [hbm4b:s4+s16], $0x80, s22, s16, $0xb8;
	[tilespmem:$0x1C400] =	vst v63  }
0x134: {  	_ =	swait.ge [sflag:s18], $0x4000  }
0x135: {  	[sflag:s18] =	ssyncset.done $0x0  }
0x136: {  	[sflag:s18] =	ssyncadd.s32 $0xFFFFC000  }
0x137: {  	[spmem:s1] =	stream.indirect.scatter.add.f32 [tilespmem:s13], [sflag:$0x3], $0x80, s23, s16, $0xb8;
	[tilespmem:$0x1C400] =	vst v63  }
0x138: {  	_ =	swait.ge [sflag:s14], $0x4000  }
0x139: {  	[sflag:s14] =	ssyncset.done $0x0  }
0x13a: {  	[sflag:s14] =	ssyncadd.s32 $0xFFFFC000  }
0x13b: {  	[tilespmem:s13], [sflag:$0x1] =	stream.indirect.gather [hbm4b:s4+s16], $0x80, s24, s16, $0xb8;
	[tilespmem:$0x1C400] =	vst v63  }
0x13c: {  	_ =	swait.ge [sflag:s20], $0x4000  }
0x13d: {  	[sflag:s20] =	ssyncset.done $0x0  }
0x13e: {  	[sflag:s20] =	ssyncadd.s32 $0xFFFFC000  }
0x13f: {  	[spmem:s1] =	stream.indirect.scatter.add.f32 [tilespmem:s17], [sflag:$0x3], $0x80, s25, s16, $0xb8;
	[tilespmem:$0x1C400] =	vst v63  }
0x140: {  	_ =	swait.ge [sflag:s14], $0x4000  }
0x141: {  	[sflag:s14] =	ssyncset.done $0x0  }
0x142: {  	[sflag:s14] =	ssyncadd.s32 $0xFFFFC000  }
0x143: {  	[tilespmem:s17], [sflag:$0x2] =	stream.indirect.gather [hbm4b:s4+s16], $0x80, s26, s16, $0xb8;
	[tilespmem:$0x1C400] =	vst v63  }
0x144: {  	_ =	swait.ge [sflag:s18], $0x4000  }
0x145: {  	[sflag:s18] =	ssyncset.done $0x0  }
0x146: {  	[sflag:s18] =	ssyncadd.s32 $0xFFFFC000  }
0x147: {  	[spmem:s1] =	stream.indirect.scatter.add.f32 [tilespmem:s13], [sflag:$0x3], $0x80, s28, s16, $0xb8;
	[tilespmem:$0x1C400] =	vst v63  }
0x148: {  	_ =	swait.ge [sflag:s14], $0x4000  }
0x149: {  	[sflag:s14] =	ssyncset.done $0x0  }
0x14a: {  	[sflag:s14] =	ssyncadd.s32 $0xFFFFC000  }
0x14b: {  	[tilespmem:s13], [sflag:$0x1] =	stream.indirect.gather [hbm4b:s4+s16], $0x80, s29, s16, $0xb8;
	[tilespmem:$0x1C400] =	vst v63  }
0x14c: {  	_ =	swait.ge [sflag:s20], $0x4000  }
0x14d: {  	[sflag:s20] =	ssyncset.done $0x0  }
0x14e: {  	[sflag:s20] =	ssyncadd.s32 $0xFFFFC000  }
0x14f: {  	[spmem:s1] =	stream.indirect.scatter.add.f32 [tilespmem:s17], [sflag:$0x3], $0x80, s30, s16, $0xb8;
	[tilespmem:$0x1C400] =	vst v63  }
0x150: {  	_ =	swait.ge [sflag:s14], $0x4000  }
0x151: {  	[sflag:s14] =	ssyncset.done $0x0  }
0x152: {  	[sflag:s14] =	ssyncadd.s32 $0xFFFFC000  }
0x153: {  	[tilespmem:s17], [sflag:$0x2] =	stream.indirect.gather [hbm4b:s4+s16], $0x80, s31, s16, $0xb8;
	[tilespmem:$0x1C400] =	vst v63  }
0x154: {  	_ =	swait.ge [sflag:s18], $0x4000  }
0x155: {  	[sflag:s18] =	ssyncset.done $0x0  }
0x156: {  	[sflag:s18] =	ssyncadd.s32 $0xFFFFC000  }
0x157: {  	[spmem:s1] =	stream.indirect.scatter.add.f32 [tilespmem:s13], [sflag:$0x3], $0x80, s0, s16, $0xb8;
	[tilespmem:$0x1C400] =	vst v63  }
0x158: {  	_ =	swait.ge [sflag:s14], $0x4000  }
0x159: {  	[sflag:s14] =	ssyncset.done $0x0  }
0x15a: {  	[sflag:s14] =	ssyncadd.s32 $0xFFFFC000  }
0x15b: {  	_ =	swait.ge [sflag:s20], $0x4000  }
0x15c: {  	[sflag:s20] =	ssyncset.done $0x0  }
.Ltmp6:
0x15d: {  	[sflag:s20] =	ssyncadd.s32 $0xFFFFC000;
	(pc) =	sbr.rel .LBB2_12-.Ltmp6, $4  }
0x15e: {  	[spmem:s1] =	stream.indirect.scatter.add.f32 [tilespmem:s17], [sflag:$0x3], $0x80, s6, s16, $0xb8;
	[tilespmem:$0x1C400] =	vst v63  }
0x15f: {  	_ =	swait.ge [sflag:s14], $0x4000  }
0x160: {  	[sflag:s14] =	ssyncset.done $0x0;
	s2 =	rddreg [dreg:$0x4]  }
0x161: {  	s10 =	rddreg [dreg:$0x8];
	[sflag:s14] =	ssyncadd.s32 $0xFFFFC000  }
.LBB2_9:
0x162: {  	[tilespmem:s3], [sflag:$0x3] =	stream.linear.gather [hbm4b:s2+s3], $0x400, $0x38;
	[tilespmem:$0x1C400] =	vst v63  }
0x163: {  	_ =	swait.ge [sflag:s14], $0x400  }
0x164: {  	[sflag:s14] =	ssyncset.done $0x0  }
0x165: {  	s10 =	sadd.s32 $0x0, s11;
	[sflag:s14] =	ssyncadd.s32 $0xFFFFFC00  }
0x166: {  	[tilespmem:s15], [sflag:$0x3] =	stream.linear.gather [hbm4b:s10+s3], $0x400, $0x38;
	[tilespmem:$0x1C400] =	vst v63  }
0x167: {  	_ =	swait.ge [sflag:s14], $0x400  }
0x168: {  	[sflag:s14] =	ssyncset.done $0x0  }
0x169: {  	[sflag:s14] =	ssyncadd.s32 $0xFFFFFC00  }
0x16a: {  	[tilespmem:s13], [sflag:$0x1] =	stream.indirect.gather [hbm4b:s5+s16], $0x80, s3, s16, $0xb8;
	[tilespmem:$0x1C400] =	vst v63  }
0x16b: {  	_ = 	snop  }
0x16c: {  	[tilespmem:s17], [sflag:$0x2] =	stream.indirect.gather [hbm4b:s5+s16], $0x80, s16, s16, $0xb8;
	[tilespmem:$0x1C400] =	vst v63  }
0x16d: {  	_ =	swait.ge [sflag:s18], $0x4000  }
0x16e: {  	[sflag:s18] =	ssyncset.done $0x0  }
0x16f: {  	[sflag:s18] =	ssyncadd.s32 $0xFFFFC000  }
0x170: {  	[spmem:s1] =	stream.indirect.scatter.add.f32 [tilespmem:s13], [sflag:$0x3], $0x80, s15, s16, $0xb8;
	[tilespmem:$0x1C400] =	vst v63  }
0x171: {  	_ =	swait.ge [sflag:s14], $0x4000  }
0x172: {  	[sflag:s14] =	ssyncset.done $0x0  }
0x173: {  	[sflag:s14] =	ssyncadd.s32 $0xFFFFC000  }
0x174: {  	[tilespmem:s13], [sflag:$0x1] =	stream.indirect.gather [hbm4b:s5+s16], $0x80, s19, s16, $0xb8;
	[tilespmem:$0x1C400] =	vst v63  }
0x175: {  	_ =	swait.ge [sflag:s20], $0x4000  }
0x176: {  	[sflag:s20] =	ssyncset.done $0x0  }
0x177: {  	[sflag:s20] =	ssyncadd.s32 $0xFFFFC000  }
0x178: {  	[spmem:s1] =	stream.indirect.scatter.add.f32 [tilespmem:s17], [sflag:$0x3], $0x80, s21, s16, $0xb8;
	[tilespmem:$0x1C400] =	vst v63  }
0x179: {  	_ =	swait.ge [sflag:s14], $0x4000  }
0x17a: {  	[sflag:s14] =	ssyncset.done $0x0  }
0x17b: {  	[sflag:s14] =	ssyncadd.s32 $0xFFFFC000  }
0x17c: {  	[tilespmem:s17], [sflag:$0x2] =	stream.indirect.gather [hbm4b:s5+s16], $0x80, s22, s16, $0xb8;
	[tilespmem:$0x1C400] =	vst v63  }
0x17d: {  	_ =	swait.ge [sflag:s18], $0x4000  }
0x17e: {  	[sflag:s18] =	ssyncset.done $0x0  }
0x17f: {  	[sflag:s18] =	ssyncadd.s32 $0xFFFFC000  }
0x180: {  	[spmem:s1] =	stream.indirect.scatter.add.f32 [tilespmem:s13], [sflag:$0x3], $0x80, s23, s16, $0xb8;
	[tilespmem:$0x1C400] =	vst v63  }
0x181: {  	_ =	swait.ge [sflag:s14], $0x4000  }
0x182: {  	[sflag:s14] =	ssyncset.done $0x0  }
0x183: {  	[sflag:s14] =	ssyncadd.s32 $0xFFFFC000  }
0x184: {  	[tilespmem:s13], [sflag:$0x1] =	stream.indirect.gather [hbm4b:s5+s16], $0x80, s24, s16, $0xb8;
	[tilespmem:$0x1C400] =	vst v63  }
0x185: {  	_ =	swait.ge [sflag:s20], $0x4000  }
0x186: {  	[sflag:s20] =	ssyncset.done $0x0  }
0x187: {  	[sflag:s20] =	ssyncadd.s32 $0xFFFFC000  }
0x188: {  	[spmem:s1] =	stream.indirect.scatter.add.f32 [tilespmem:s17], [sflag:$0x3], $0x80, s25, s16, $0xb8;
	[tilespmem:$0x1C400] =	vst v63  }
0x189: {  	_ =	swait.ge [sflag:s14], $0x4000  }
0x18a: {  	[sflag:s14] =	ssyncset.done $0x0  }
0x18b: {  	[sflag:s14] =	ssyncadd.s32 $0xFFFFC000  }
0x18c: {  	[tilespmem:s17], [sflag:$0x2] =	stream.indirect.gather [hbm4b:s5+s16], $0x80, s26, s16, $0xb8;
	[tilespmem:$0x1C400] =	vst v63  }
0x18d: {  	_ =	swait.ge [sflag:s18], $0x4000  }
0x18e: {  	[sflag:s18] =	ssyncset.done $0x0  }
0x18f: {  	[sflag:s18] =	ssyncadd.s32 $0xFFFFC000  }
0x190: {  	[spmem:s1] =	stream.indirect.scatter.add.f32 [tilespmem:s13], [sflag:$0x3], $0x80, s28, s16, $0xb8;
	[tilespmem:$0x1C400] =	vst v63  }
0x191: {  	_ =	swait.ge [sflag:s14], $0x4000  }
0x192: {  	[sflag:s14] =	ssyncset.done $0x0  }
0x193: {  	[sflag:s14] =	ssyncadd.s32 $0xFFFFC000  }
0x194: {  	[tilespmem:s13], [sflag:$0x1] =	stream.indirect.gather [hbm4b:s5+s16], $0x80, s29, s16, $0xb8;
	[tilespmem:$0x1C400] =	vst v63  }
0x195: {  	_ =	swait.ge [sflag:s20], $0x4000  }
0x196: {  	[sflag:s20] =	ssyncset.done $0x0  }
0x197: {  	[sflag:s20] =	ssyncadd.s32 $0xFFFFC000  }
0x198: {  	[spmem:s1] =	stream.indirect.scatter.add.f32 [tilespmem:s17], [sflag:$0x3], $0x80, s30, s16, $0xb8;
	[tilespmem:$0x1C400] =	vst v63  }
0x199: {  	_ =	swait.ge [sflag:s14], $0x4000  }
0x19a: {  	[sflag:s14] =	ssyncset.done $0x0  }
0x19b: {  	[sflag:s14] =	ssyncadd.s32 $0xFFFFC000  }
0x19c: {  	[tilespmem:s17], [sflag:$0x2] =	stream.indirect.gather [hbm4b:s5+s16], $0x80, s31, s16, $0xb8;
	[tilespmem:$0x1C400] =	vst v63  }
0x19d: {  	_ =	swait.ge [sflag:s18], $0x4000  }
0x19e: {  	[sflag:s18] =	ssyncset.done $0x0  }
0x19f: {  	[sflag:s18] =	ssyncadd.s32 $0xFFFFC000  }
0x1a0: {  	[spmem:s1] =	stream.indirect.scatter.add.f32 [tilespmem:s13], [sflag:$0x3], $0x80, s0, s16, $0xb8;
	[tilespmem:$0x1C400] =	vst v63  }
0x1a1: {  	_ =	swait.ge [sflag:s14], $0x4000  }
0x1a2: {  	[sflag:s14] =	ssyncset.done $0x0  }
0x1a3: {  	[sflag:s14] =	ssyncadd.s32 $0xFFFFC000  }
0x1a4: {  	_ =	swait.ge [sflag:s20], $0x4000  }
0x1a5: {  	[sflag:s20] =	ssyncset.done $0x0  }
0x1a6: {  	[sflag:s20] =	ssyncadd.s32 $0xFFFFC000  }
0x1a7: {  	[spmem:s1] =	stream.indirect.scatter.add.f32 [tilespmem:s17], [sflag:$0x3], $0x80, s6, s16, $0xb8;
	[tilespmem:$0x1C400] =	vst v63  }
0x1a8: {  	_ =	swait.ge [sflag:s14], $0x4000  }
0x1a9: {  	s2 =	simm.s32 $0x80;
	s10 =	simm.s32 $0x100;
	[sflag:s14] =	ssyncset.done $0x0  }
.LBB2_10:
0x1aa: {  	s7 =	sadd.s32 s2, s12  }
0x1ab: {  	[sflag:s14] =	ssyncadd.s32 $0xFFFFC000;
	s19 =	smov.u32 s10;
	s9 =	sadd.s32 $0x80, s10  }
0x1ac: {  	[tilespmem:s3], [sflag:$0x3] =	stream.linear.gather [hbm4b:s7+s3], $0x400, $0x38;
	[tilespmem:$0x1C400] =	vst v63  }
0x1ad: {  	p1 =	sne.s32 s10, $0x480;
	_ =	swait.ge [sflag:s14], $0x400  }
0x1ae: {  	s7 =	sadd.s32 s2, s11;
	[sflag:s14] =	ssyncset.done $0x0  }
0x1af: {  	s2 =	smov.u32 s19;
	s19 =	simm.s32 $0x100;
	[sflag:s14] =	ssyncadd.s32 $0xFFFFFC00  }
0x1b0: {  	[tilespmem:s15], [sflag:$0x3] =	stream.linear.gather [hbm4b:s7+s3], $0x400, $0x38;
	[tilespmem:$0x1C400] =	vst v63  }
0x1b1: {  	_ =	swait.ge [sflag:s14], $0x400  }
0x1b2: {  	[sflag:s14] =	ssyncset.done $0x0  }
0x1b3: {  	[sflag:s14] =	ssyncadd.s32 $0xFFFFFC00  }
0x1b4: {  	[tilespmem:s13], [sflag:$0x1] =	stream.indirect.gather [hbm4b:s5+s16], $0x80, s3, s16, $0xb8;
	[tilespmem:$0x1C400] =	vst v63  }
0x1b5: {  	_ = 	snop  }
0x1b6: {  	[tilespmem:s17], [sflag:$0x2] =	stream.indirect.gather [hbm4b:s5+s16], $0x80, s16, s16, $0xb8;
	[tilespmem:$0x1C400] =	vst v63  }
0x1b7: {  	_ =	swait.ge [sflag:s18], $0x4000  }
0x1b8: {  	[sflag:s18] =	ssyncset.done $0x0  }
0x1b9: {  	[sflag:s18] =	ssyncadd.s32 $0xFFFFC000  }
0x1ba: {  	[spmem:s1] =	stream.indirect.scatter.add.f32 [tilespmem:s13], [sflag:$0x3], $0x80, s15, s16, $0xb8;
	[tilespmem:$0x1C400] =	vst v63  }
0x1bb: {  	_ =	swait.ge [sflag:s14], $0x4000  }
0x1bc: {  	[sflag:s14] =	ssyncset.done $0x0  }
0x1bd: {  	[sflag:s14] =	ssyncadd.s32 $0xFFFFC000  }
0x1be: {  	[tilespmem:s13], [sflag:$0x1] =	stream.indirect.gather [hbm4b:s5+s16], $0x80, s19, s16, $0xb8;
	[tilespmem:$0x1C400] =	vst v63  }
0x1bf: {  	_ =	swait.ge [sflag:s20], $0x4000  }
0x1c0: {  	[sflag:s20] =	ssyncset.done $0x0  }
0x1c1: {  	[sflag:s20] =	ssyncadd.s32 $0xFFFFC000  }
0x1c2: {  	[spmem:s1] =	stream.indirect.scatter.add.f32 [tilespmem:s17], [sflag:$0x3], $0x80, s21, s16, $0xb8;
	[tilespmem:$0x1C400] =	vst v63  }
0x1c3: {  	_ =	swait.ge [sflag:s14], $0x4000  }
0x1c4: {  	[sflag:s14] =	ssyncset.done $0x0  }
0x1c5: {  	[sflag:s14] =	ssyncadd.s32 $0xFFFFC000  }
0x1c6: {  	[tilespmem:s17], [sflag:$0x2] =	stream.indirect.gather [hbm4b:s5+s16], $0x80, s22, s16, $0xb8;
	[tilespmem:$0x1C400] =	vst v63  }
0x1c7: {  	_ =	swait.ge [sflag:s18], $0x4000  }
0x1c8: {  	[sflag:s18] =	ssyncset.done $0x0  }
0x1c9: {  	[sflag:s18] =	ssyncadd.s32 $0xFFFFC000  }
0x1ca: {  	[spmem:s1] =	stream.indirect.scatter.add.f32 [tilespmem:s13], [sflag:$0x3], $0x80, s23, s16, $0xb8;
	[tilespmem:$0x1C400] =	vst v63  }
0x1cb: {  	_ =	swait.ge [sflag:s14], $0x4000  }
0x1cc: {  	[sflag:s14] =	ssyncset.done $0x0  }
0x1cd: {  	[sflag:s14] =	ssyncadd.s32 $0xFFFFC000  }
0x1ce: {  	[tilespmem:s13], [sflag:$0x1] =	stream.indirect.gather [hbm4b:s5+s16], $0x80, s24, s16, $0xb8;
	[tilespmem:$0x1C400] =	vst v63  }
0x1cf: {  	_ =	swait.ge [sflag:s20], $0x4000  }
0x1d0: {  	[sflag:s20] =	ssyncset.done $0x0  }
0x1d1: {  	[sflag:s20] =	ssyncadd.s32 $0xFFFFC000  }
0x1d2: {  	[spmem:s1] =	stream.indirect.scatter.add.f32 [tilespmem:s17], [sflag:$0x3], $0x80, s25, s16, $0xb8;
	[tilespmem:$0x1C400] =	vst v63  }
0x1d3: {  	_ =	swait.ge [sflag:s14], $0x4000  }
0x1d4: {  	[sflag:s14] =	ssyncset.done $0x0  }
0x1d5: {  	[sflag:s14] =	ssyncadd.s32 $0xFFFFC000  }
0x1d6: {  	[tilespmem:s17], [sflag:$0x2] =	stream.indirect.gather [hbm4b:s5+s16], $0x80, s26, s16, $0xb8;
	[tilespmem:$0x1C400] =	vst v63  }
0x1d7: {  	_ =	swait.ge [sflag:s18], $0x4000  }
0x1d8: {  	[sflag:s18] =	ssyncset.done $0x0  }
0x1d9: {  	[sflag:s18] =	ssyncadd.s32 $0xFFFFC000  }
0x1da: {  	[spmem:s1] =	stream.indirect.scatter.add.f32 [tilespmem:s13], [sflag:$0x3], $0x80, s28, s16, $0xb8;
	[tilespmem:$0x1C400] =	vst v63  }
0x1db: {  	_ =	swait.ge [sflag:s14], $0x4000  }
0x1dc: {  	[sflag:s14] =	ssyncset.done $0x0  }
0x1dd: {  	[sflag:s14] =	ssyncadd.s32 $0xFFFFC000  }
0x1de: {  	[tilespmem:s13], [sflag:$0x1] =	stream.indirect.gather [hbm4b:s5+s16], $0x80, s29, s16, $0xb8;
	[tilespmem:$0x1C400] =	vst v63  }
0x1df: {  	_ =	swait.ge [sflag:s20], $0x4000  }
0x1e0: {  	[sflag:s20] =	ssyncset.done $0x0  }
0x1e1: {  	[sflag:s20] =	ssyncadd.s32 $0xFFFFC000  }
0x1e2: {  	[spmem:s1] =	stream.indirect.scatter.add.f32 [tilespmem:s17], [sflag:$0x3], $0x80, s30, s16, $0xb8;
	[tilespmem:$0x1C400] =	vst v63  }
0x1e3: {  	_ =	swait.ge [sflag:s14], $0x4000  }
0x1e4: {  	[sflag:s14] =	ssyncset.done $0x0  }
0x1e5: {  	[sflag:s14] =	ssyncadd.s32 $0xFFFFC000  }
0x1e6: {  	[tilespmem:s17], [sflag:$0x2] =	stream.indirect.gather [hbm4b:s5+s16], $0x80, s31, s16, $0xb8;
	[tilespmem:$0x1C400] =	vst v63  }
0x1e7: {  	_ =	swait.ge [sflag:s18], $0x4000  }
0x1e8: {  	[sflag:s18] =	ssyncset.done $0x0  }
0x1e9: {  	[sflag:s18] =	ssyncadd.s32 $0xFFFFC000  }
0x1ea: {  	[spmem:s1] =	stream.indirect.scatter.add.f32 [tilespmem:s13], [sflag:$0x3], $0x80, s0, s16, $0xb8;
	[tilespmem:$0x1C400] =	vst v63  }
0x1eb: {  	_ =	swait.ge [sflag:s14], $0x4000  }
0x1ec: {  	[sflag:s14] =	ssyncset.done $0x0  }
0x1ed: {  	[sflag:s14] =	ssyncadd.s32 $0xFFFFC000  }
0x1ee: {  	_ =	swait.ge [sflag:s20], $0x4000  }
.Ltmp7:
0x1ef: {  	[sflag:s20] =	ssyncset.done $0x0;
	(pc) =	sbr.rel @p1 .LBB2_10-.Ltmp7, $4  }
0x1f0: {  	[sflag:s20] =	ssyncadd.s32 $0xFFFFC000  }
0x1f1: {  	[spmem:s1] =	stream.indirect.scatter.add.f32 [tilespmem:s17], [sflag:$0x3], $0x80, s6, s16, $0xb8;
	[tilespmem:$0x1C400] =	vst v63  }
0x1f2: {  	_ =	swait.ge [sflag:s14], $0x4000  }
0x1f3: {  	s10 =	smov.u32 s9;
	[sflag:s14] =	ssyncset.done $0x0  }
.Ltmp8:
0x1f4: {  	_ = 	snop;
	(pc) =	sbr.rel .LBB2_11-.Ltmp8, $1  }
0x1f5: {  	_ =	sdelay $0x3  }
.LBB2_13:
0x1f6: {  	_ =	sfence.sel $0x180000  }
0x1f7: {  	[bflag:$0x0] =	sbarrier.arrive $0xFFFF  }
0x1f8: {  	_ =	strace $0x90000050  }
0x1f9: {  	s0 =	stileid.u32;
	[bflag:$0x2] =	sbarrier.arrive $0xFFFF  }
0x1fa: {  	p0 =	sne.s32 s0, $0x0;
	s0 =	rddreg [dreg:$0x3]  }
0x1fb: {  	s0 =	sadd.s32 @!p0 $0x100000, s0  }
0x1fc: {  	[sflag:s0] =	ssyncadd.tile.s32 @!p0 $0x1;
	_ =	shalt  }
.Lfunc_end2:
_tile_overlayer_lowered:
.L_overlay_start_2:
0x1fd: {  	(tag) =	ssettag $0x2  }
0x1fe: {  	s0 =	rddreg [dreg:$0x0];
	s2 =	stileid.u32  }
0x1ff: {  	s1 =	rddreg [dreg:$0x1];
	p0 =	sne.s32 s2, $0x0  }
0x200: {  	s3 =	rddreg [dreg:$0x2];
	[bflag:$0x3] =	sbarrier.arrive $0xFFFF;
	s2 =	simm.s32 @!p0 $0x1C03  }
0x201: {  	[timem:s3], [sflag:s2] =	dma.local @!p0 [hbm:s0], s1  }
0x202: {  	s0 =	simm.s32 @!p0 $0x3  }
0x203: {  	_ =	swait.ge @!p0 [sflag:s0], s1  }
0x204: {  	s1 =	ssub.s32 @!p0 $0x0, s1;
	[sflag:s0] =	ssyncset.done @!p0 $0x0  }
0x205: {  	[sflag:s0] =	ssyncadd.s32 @!p0 s1  }
0x206: {  	[bflag:$0x3] =	sbarrier.arrive $0xFFFF  }
0x207: {  	_ =	shalt  }

</sc_bundles>
